<compile_context>
chip_gen: v7x
topology: tpu7x:2x2x1
jax: 0.10.2.dev20260603
libtpu: 0.0.44.dev20260713+nightly
codegen_flags: <defaults>
</compile_context>

<pallas_src>
import functools

import jax
import jax.numpy as jnp
import numpy as np
from jax import lax
from jax.experimental import pallas as pl
from jax.experimental.pallas import tpu as pltpu
from jax.experimental.pallas import tpu_sc as plsc

B, S, D = 4, 2048, 768
NH, HD, DFF = 12, 64, 3072
K = S // 2
NEG = -1e9

NC, NS, L = 2, 16, 16
NW = NC * NS


def _route_body(xb_ref, wg_ref, gidx_ref, uidx_ref, aux_ref,
                rank_scr, gcol_scr):
    b = pl.program_id(0)
    xb = xb_ref[0]
    wg = wg_ref[...]
    s_row = lax.dot_general(wg, xb, (((1,), (1,)), ((), ())),
                            preferred_element_type=jnp.float32)
    s_col = lax.transpose(s_row, (1, 0))

    CH = 256
    ones_c = jnp.ones((S, 1), jnp.bfloat16)
    ci0 = lax.broadcasted_iota(jnp.int32, (S, 2), 0)
    csel = lax.broadcasted_iota(jnp.int32, (S, 2), 1)
    cols2 = jnp.where(csel == 0, ci0 // 8, ci0 % 8).astype(jnp.bfloat16)
    dif = (lax.broadcasted_iota(jnp.int32, (CH, S), 1)
           - lax.broadcasted_iota(jnp.int32, (CH, S), 0))
    for c in range(S // CH):
        sc = s_col[c * CH:(c + 1) * CH, :]
        cmb = ((s_row > sc) | ((s_row == sc) & (dif < c * CH))
               ).astype(jnp.bfloat16)
        rank_scr[c * CH:(c + 1) * CH, :] = jnp.dot(
            cmb, ones_c, preferred_element_type=jnp.float32)

    rank_row = lax.transpose(rank_scr[...], (1, 0))

    for c in range(S // CH):
        rv = (lax.broadcasted_iota(jnp.int32, (CH, 1), 0)
              .astype(jnp.float32) + c * CH)
        onehot = (rank_row == rv).astype(jnp.bfloat16)
        hl = jnp.dot(onehot, cols2, preferred_element_type=jnp.float32)
        gcol_scr[c * CH:(c + 1) * CH, :] = (hl[:, 0:1] * 8.0 + hl[:, 1:2])
    inv_row = (lax.transpose(gcol_scr[...], (1, 0))
               + float(S) * b.astype(jnp.float32))
    gidx_ref[0] = inv_row[:, :K].astype(jnp.int32)
    uidx_ref[0] = inv_row[:, K:].astype(jnp.int32)

    mb = jnp.mean(jax.nn.sigmoid(s_row), axis=1, keepdims=True)

    @pl.when(b == 0)
    def _():
        aux_ref[...] = jnp.zeros((1, 1), jnp.float32)

    aux_ref[...] += (mb - 0.5) ** 2 * (1.0 / B)


def _route(x, w_gate):
    return pl.pallas_call(
        _route_body,
        grid=(B,),
        in_specs=[
            pl.BlockSpec((1, S, D), lambda b: (b, 0, 0)),
            pl.BlockSpec((1, D), lambda b: (0, 0)),
        ],
        out_specs=[
            pl.BlockSpec((1, 1, K), lambda b: (b, 0, 0)),
            pl.BlockSpec((1, 1, K), lambda b: (b, 0, 0)),
            pl.BlockSpec((1, 1), lambda b: (0, 0)),
        ],
        out_shape=[
            jax.ShapeDtypeStruct((B, 1, K), jnp.int32),
            jax.ShapeDtypeStruct((B, 1, K), jnp.int32),
            jax.ShapeDtypeStruct((1, 1), jnp.float32),
        ],
        scratch_shapes=[
            pltpu.VMEM((S, 1), jnp.float32),
            pltpu.VMEM((S, 1), jnp.float32),
        ],
    )(x, w_gate)


_ROWS_G = (B * K) // NW


@functools.cache
def _sc_mesh():
    return plsc.VectorSubcoreMesh(core_axis_name="c", subcore_axis_name="s",
                                  num_cores=NC, num_subcores=NS)


@functools.cache
def _gather_kernel():
    @functools.partial(
        pl.kernel,
        out_type=jax.ShapeDtypeStruct((B * K, D), jnp.float32),
        mesh=_sc_mesh(),
        compiler_params=pltpu.CompilerParams(needs_layout_passes=False),
        scratch_types=[
            pltpu.VMEM((_ROWS_G,), jnp.int32),
            pltpu.VMEM((_ROWS_G, D), jnp.float32),
            pltpu.SemaphoreType.DMA,
        ],
    )
    def gather(xf_hbm, gidx_hbm, sel_hbm, idx_v, rows_v, sem):
        wid = lax.axis_index("s") * NC + lax.axis_index("c")
        base = wid * _ROWS_G
        pltpu.sync_copy(gidx_hbm.at[pl.ds(base, _ROWS_G)], idx_v)
        pltpu.async_copy(xf_hbm.at[idx_v], rows_v, sem).wait()
        pltpu.sync_copy(rows_v, sel_hbm.at[pl.ds(base, _ROWS_G)])

    return gather


def _gather(xf, gidx):
    return _gather_kernel()(xf, gidx)


_CQ = 256


def _attn_body(sel_ref, th_ref, wq_ref, wk_ref, wv_ref, wo_ref,
               out_ref, o_scr):
    h = sel_ref[0]
    th = th_ref[...]
    cos = jnp.cos(th)
    sin = jnp.sin(th)
    hn = (h * lax.rsqrt(jnp.mean(h * h, axis=-1, keepdims=True) + 1e-6)
          ).astype(jnp.bfloat16)
    q = jnp.dot(hn, wq_ref[...].astype(jnp.bfloat16),
                preferred_element_type=jnp.float32)
    k = jnp.dot(hn, wk_ref[...].astype(jnp.bfloat16),
                preferred_element_type=jnp.float32)
    v = jnp.dot(hn, wv_ref[...].astype(jnp.bfloat16),
                preferred_element_type=jnp.float32).astype(jnp.bfloat16)
    ones1 = jnp.ones((K, 1), jnp.bfloat16)
    dmask = (lax.broadcasted_iota(jnp.int32, (_CQ, _CQ), 0)
             >= lax.broadcasted_iota(jnp.int32, (_CQ, _CQ), 1)
             ).astype(jnp.float32)
    for hd in range(NH):
        o = hd * HD
        q1, q2 = q[:, o:o + 32], q[:, o + 32:o + 64]
        k1, k2 = k[:, o:o + 32], k[:, o + 32:o + 64]
        rq = (jnp.concatenate(
            [q1 * cos - q2 * sin, q2 * cos + q1 * sin], 1)
            * 0.125).astype(jnp.bfloat16)
        rk = jnp.concatenate([k1 * cos - k2 * sin, k2 * cos + k1 * sin],
                             1).astype(jnp.bfloat16)
        vp = jnp.concatenate([v[:, o:o + HD], ones1], axis=1)
        for ci in range(K // _CQ):
            kl = (ci + 1) * _CQ
            km = kl - _CQ
            lo = lax.dot_general(rq[ci * _CQ:kl], rk[:kl],
                                 (((1,), (1,)), ((), ())),
                                 preferred_element_type=jnp.float32)
            pd = (jnp.exp(lo[:, km:kl]) * dmask).astype(jnp.bfloat16)
            ov = jnp.dot(pd, vp[km:kl], preferred_element_type=jnp.float32)
            if ci > 0:
                pm = jnp.exp(lo[:, :km]).astype(jnp.bfloat16)
                ov = ov + jnp.dot(pm, vp[:km],
                                  preferred_element_type=jnp.float32)
            o_scr[ci * _CQ:kl, o:o + HD] = (
                ov[:, :HD] * (1.0 / ov[:, HD:HD + 1])).astype(jnp.bfloat16)
    out_ref[0] = h + jnp.dot(o_scr[...], wo_ref[...].astype(jnp.bfloat16),
                             preferred_element_type=jnp.float32)


def _attn(selb, theta, wq, wk, wv, wo):
    return pl.pallas_call(
        _attn_body,
        grid=(B,),
        in_specs=[
            pl.BlockSpec((1, K, D), lambda b: (b, 0, 0)),
            pl.BlockSpec((K, HD // 2), lambda b: (0, 0)),
            pl.BlockSpec((D, D), lambda b: (0, 0)),
            pl.BlockSpec((D, D), lambda b: (0, 0)),
            pl.BlockSpec((D, D), lambda b: (0, 0)),
            pl.BlockSpec((D, D), lambda b: (0, 0)),
        ],
        out_specs=pl.BlockSpec((1, K, D), lambda b: (b, 0, 0)),
        out_shape=jax.ShapeDtypeStruct((B, K, D), jnp.float32),
        scratch_shapes=[pltpu.VMEM((K, D), jnp.bfloat16)],
    )(selb, theta, wq, wk, wv, wo)


_RCH = 256


def _mlp_body(h_ref, w1_ref, w2_ref, out_ref):
    h = h_ref[0]
    hn = (h * lax.rsqrt(jnp.mean(h * h, axis=-1, keepdims=True) + 1e-6)
          ).astype(jnp.bfloat16)
    a = jax.nn.gelu(jnp.dot(hn, w1_ref[...].astype(jnp.bfloat16),
                            preferred_element_type=jnp.float32))
    out_ref[0] = h + jnp.dot(a.astype(jnp.bfloat16),
                             w2_ref[...].astype(jnp.bfloat16),
                             preferred_element_type=jnp.float32)


def _mlp(h, w1, w2):
    return pl.pallas_call(
        _mlp_body,
        grid=(B, K // _RCH),
        in_specs=[
            pl.BlockSpec((1, _RCH, D), lambda b, r: (b, r, 0)),
            pl.BlockSpec((D, DFF), lambda b, r: (0, 0)),
            pl.BlockSpec((DFF, D), lambda b, r: (0, 0)),
        ],
        out_specs=pl.BlockSpec((1, _RCH, D), lambda b, r: (b, r, 0)),
        out_shape=jax.ShapeDtypeStruct((B, K, D), jnp.float32),
    )(h, w1, w2)


@functools.cache
def _combine_kernel():
    @functools.partial(
        pl.kernel,
        out_type=jax.ShapeDtypeStruct((B * S, D), jnp.float32),
        mesh=_sc_mesh(),
        compiler_params=pltpu.CompilerParams(needs_layout_passes=False),
        scratch_types=[
            pltpu.VMEM((_ROWS_G,), jnp.int32),
            pltpu.VMEM((_ROWS_G, D), jnp.float32),
            pltpu.SemaphoreType.DMA,
        ],
    )
    def combine(xf_hbm, bf_hbm, gidx_hbm, uidx_hbm, out_hbm,
                idx_v, buf, sem):
        wid = lax.axis_index("s") * NC + lax.axis_index("c")
        base = wid * _ROWS_G
        pltpu.sync_copy(uidx_hbm.at[pl.ds(base, _ROWS_G)], idx_v)
        pltpu.async_copy(xf_hbm.at[idx_v], buf, sem).wait()
        pltpu.async_copy(buf, out_hbm.at[idx_v], sem).wait()
        pltpu.sync_copy(bf_hbm.at[pl.ds(base, _ROWS_G)], buf)
        pltpu.sync_copy(gidx_hbm.at[pl.ds(base, _ROWS_G)], idx_v)
        pltpu.async_copy(buf, out_hbm.at[idx_v], sem).wait()

    return combine


def _combine(xf, bf, gidx, uidx):
    return _combine_kernel()(xf, bf, gidx, uidx)


def _rope_perm():
    one = np.concatenate([np.arange(0, HD, 2), np.arange(1, HD, 2)])
    return np.concatenate([one + HD * h for h in range(NH)])


_PERM = _rope_perm()
_HSWAP = np.concatenate([np.concatenate([np.arange(32, 64), np.arange(32)])
                         + HD * h for h in range(NH)])
_PERM_S = _PERM[_HSWAP]


def kernel(x, freqs_cis, w_gate, Wq, Wk, Wv, Wo, W1, W2):
    wg2 = w_gate.reshape(1, D)
    gidx, uidx, aux = _route(x, wg2)

    x_flat = x.reshape(B * S, D)
    gidx_f = gidx.reshape(B * K)
    selected = _gather(x_flat, gidx_f)
    selb = selected.reshape(B, K, D)

    h1 = _attn(selb, freqs_cis[:K], Wq[:, _PERM], Wk[:, _PERM], Wv, Wo)
    block_out = _mlp(h1, W1, W2)

    out = _combine(x_flat, block_out.reshape(B * K, D),
                   gidx_f, uidx.reshape(B * K))
    return out.reshape(B, S, D), aux[0, 0]

# --- scband reference (transcript-rebuilt; emitter-appended) ---
"""Pipeline reference for scband-mo-dlayer-14869176778962 (READ-ONLY COPY).

The authoritative reference and input builder live on the scoring server;
editing this copy changes nothing except your own understanding.
"""

import jax, jax.numpy as jnp
import numpy as np

B, S, D_MODEL = 4, 2048, 768
N_HEADS, HEAD_DIM, D_FF = 12, 64, 3072
CAPACITY = 0.5


def _rms(x):
    return x * jax.lax.rsqrt(jnp.mean(x * x, axis=-1, keepdims=True) + 1e-6)


def _rope(t, theta):
    # t: [B, H, T, hd], theta: [T, hd//2]
    cos = jnp.cos(theta)
    sin = jnp.sin(theta)
    t1 = t[..., 0::2]
    t2 = t[..., 1::2]
    r = jnp.stack([t1 * cos - t2 * sin, t1 * sin + t2 * cos], axis=-1)
    return r.reshape(t.shape)


def _block(h, theta, Wq, Wk, Wv, Wo, W1, W2):
    # Simple pre-norm transformer block with RoPE causal attention + GELU MLP.
    Bb, T, D = h.shape
    hn = _rms(h)
    q = (hn @ Wq).reshape(Bb, T, N_HEADS, HEAD_DIM).transpose(0, 2, 1, 3)
    k = (hn @ Wk).reshape(Bb, T, N_HEADS, HEAD_DIM).transpose(0, 2, 1, 3)
    v = (hn @ Wv).reshape(Bb, T, N_HEADS, HEAD_DIM).transpose(0, 2, 1, 3)
    q = _rope(q, theta)
    k = _rope(k, theta)
    att = jnp.einsum('bhqd,bhkd->bhqk', q, k) / float(np.sqrt(HEAD_DIM))
    causal = jnp.tril(jnp.ones((T, T), dtype=bool))
    att = jnp.where(causal[None, None, :, :], att, -1e9)
    att = jax.nn.softmax(att, axis=-1)
    o = jnp.einsum('bhqk,bhkd->bhqd', att, v).transpose(0, 2, 1, 3).reshape(Bb, T, D) @ Wo
    h = h + o
    h = h + jax.nn.gelu(_rms(h) @ W1) @ W2
    return h


def setup_inputs(seed: int = 0) -> dict:
    key = jax.random.key(seed)
    ks = jax.random.split(key, 9)
    x = jax.random.normal(ks[0], (B, S, D_MODEL), dtype=jnp.float32)
    pos = jnp.arange(S, dtype=jnp.float32)[:, None]
    inv = 1.0 / (10000.0 ** (jnp.arange(0, HEAD_DIM, 2, dtype=jnp.float32) / HEAD_DIM))
    freqs_cis = (pos * inv[None, :]).astype(jnp.float32)
    sc = 0.02
    w_gate = jax.random.normal(ks[1], (D_MODEL,), dtype=jnp.float32) * sc
    Wq = jax.random.normal(ks[2], (D_MODEL, D_MODEL), dtype=jnp.float32) * sc
    Wk = jax.random.normal(ks[3], (D_MODEL, D_MODEL), dtype=jnp.float32) * sc
    Wv = jax.random.normal(ks[4], (D_MODEL, D_MODEL), dtype=jnp.float32) * sc
    Wo = jax.random.normal(ks[5], (D_MODEL, D_MODEL), dtype=jnp.float32) * sc
    W1 = jax.random.normal(ks[6], (D_MODEL, D_FF), dtype=jnp.float32) * sc
    W2 = jax.random.normal(ks[7], (D_FF, D_MODEL), dtype=jnp.float32) * sc
    return {"x": x, "freqs_cis": freqs_cis, "w_gate": w_gate, "Wq": Wq, "Wk": Wk, "Wv": Wv, "Wo": Wo, "W1": W1, "W2": W2}


def reference(x, freqs_cis, w_gate, Wq, Wk, Wv, Wo, W1, W2):
    Bb, Ss, D = x.shape
    # Router: Linear(d_model -> 1, no bias), squeeze -> [B, S]
    scores = x @ w_gate
    k = max(1, int(Ss * CAPACITY))
    # top-k tokens per sequence (over dim=1); lax.top_k works on last axis of [B, S]
    topk_vals, topk_idx = jax.lax.top_k(scores, k)
    # gather selected tokens: [B, k, D]
    selected = jnp.take_along_axis(x, topk_idx[:, :, None], axis=1)
    block_out = _block(selected, freqs_cis[:k], Wq, Wk, Wv, Wo, W1, W2)
    # scatter processed tokens back (overwrite, like torch scatter_)
    b_idx = jnp.arange(Bb)[:, None]
    output = x.at[b_idx, topk_idx].set(block_out)
    router_probs = jax.nn.sigmoid(scores)
    aux_loss = jnp.mean((jnp.mean(router_probs, axis=1) - CAPACITY) ** 2)
    return (output, aux_loss)

if __name__ == "__main__":
    import jax
    _d = setup_inputs()
    print(jax.jit(kernel)(*tuple(_d.values())))

</pallas_src>

<mosaic_0001>
#map = affine_map<(d0, d1) -> (0, 0)>
#map1 = affine_map<(d0, d1) -> (0)>
module attributes {stable_mosaic.version = 14 : i64} {
  func.func @gather(%arg0: i32, %arg1: i32, %arg2: memref<8192x768xf32, #tpu.memory_space<hbm>>, %arg3: memref<4096xi32, #tpu.memory_space<hbm>>, %arg4: memref<4096x768xf32, #tpu.memory_space<hbm>>, %arg5: memref<128xi32, #tpu.memory_space<vmem>>, %arg6: memref<128x768xf32, #tpu.memory_space<vmem>>, %arg7: memref<!tpu.dma_semaphore, #tpu.memory_space<semaphore_mem>>) attributes {dimension_semantics = [#tpu.dimension_semantics<core_parallel>, #tpu.dimension_semantics<subcore_parallel>], iteration_bounds = array<i64: 2, 16>, scalar_prefetch = 0 : i64, scratch_operands = 3 : i64, tpu.core_type = #tpu.core_type<sc_vector_subcore>, window_params = [{transform_indices = #map}, {transform_indices = #map1}, {transform_indices = #map}]} {
    %mul3A = arith.constant 2 : i32
    %mul3A_0 = arith.muli %arg1, %mul3A : i32
    %add3A = arith.addi %mul3A_0, %arg0 : i32
    %mul3A_1 = arith.constant 128 : i32
    %mul3A_2 = arith.muli %add3A, %mul3A_1 : i32
    "tpu.region"() ({
      %run_scoped3A = tpu.sem_alloc : memref<!tpu.dma_semaphore, #tpu.memory_space<semaphore_mem>>
      %dma_start3A_7 = tpu.memref_slice %arg3[%mul3A_2] : memref<4096xi32, #tpu.memory_space<hbm>> -> memref<128xi32, #tpu.memory_space<hbm>>
      %dma_start3A_8 = tpu.memref_slice %arg3[%mul3A_2] : memref<4096xi32, #tpu.memory_space<hbm>> -> memref<128xi32, #tpu.memory_space<hbm>>
      tpu.enqueue_dma source(%dma_start3A_8 : memref<128xi32, #tpu.memory_space<hbm>>) target(%arg5 : memref<128xi32, #tpu.memory_space<vmem>>) target_semaphore(%run_scoped3A : memref<!tpu.dma_semaphore, #tpu.memory_space<semaphore_mem>>)
      %dma_wait3A_9 = tpu.memref_slice %arg3[%mul3A_2] : memref<4096xi32, #tpu.memory_space<hbm>> -> memref<128xi32, #tpu.memory_space<hbm>>
      %dma_wait3A_10 = tpu.memref_slice %arg3[%mul3A_2] : memref<4096xi32, #tpu.memory_space<hbm>> -> memref<128xi32, #tpu.memory_space<hbm>>
      tpu.wait_dma2 semaphore(%run_scoped3A : memref<!tpu.dma_semaphore, #tpu.memory_space<semaphore_mem>>) src(%dma_wait3A_10 : memref<128xi32, #tpu.memory_space<hbm>>) dst(%arg5 : memref<128xi32, #tpu.memory_space<vmem>>)
      tpu.yield
    }) : () -> ()
    %dma_start3A = arith.constant 0 : i32
    %dma_start3A_3 = arith.constant 0 : i32
    %dma_start3A_4 = tpu.memref_slice %arg2[%dma_start3A, %dma_start3A_3] : memref<8192x768xf32, #tpu.memory_space<hbm>> -> memref<8192x768xf32, #tpu.memory_space<hbm>>
    tpu.enqueue_indirect_dma source(%dma_start3A_4 : memref<8192x768xf32, #tpu.memory_space<hbm>>) target(%arg6 : memref<128x768xf32, #tpu.memory_space<vmem>>) offsets(%arg5 : memref<128xi32, #tpu.memory_space<vmem>>) semaphore(%arg7 : memref<!tpu.dma_semaphore, #tpu.memory_space<semaphore_mem>>)
    %dma_wait3A = arith.constant 0 : i32
    %dma_wait3A_5 = arith.constant 0 : i32
    %dma_wait3A_6 = tpu.memref_slice %arg2[%dma_wait3A, %dma_wait3A_5] : memref<8192x768xf32, #tpu.memory_space<hbm>> -> memref<8192x768xf32, #tpu.memory_space<hbm>>
    tpu.wait_indirect_dma semaphore(%arg7 : memref<!tpu.dma_semaphore, #tpu.memory_space<semaphore_mem>>) src(%dma_wait3A_6 : memref<8192x768xf32, #tpu.memory_space<hbm>>) dst(%arg6 : memref<128x768xf32, #tpu.memory_space<vmem>>)
    "tpu.region"() ({
      %run_scoped3A = tpu.sem_alloc : memref<!tpu.dma_semaphore, #tpu.memory_space<semaphore_mem>>
      %dma_start3A_7 = arith.constant 0 : i32
      %dma_start3A_8 = tpu.memref_slice %arg4[%mul3A_2, %dma_start3A_7] : memref<4096x768xf32, #tpu.memory_space<hbm>> -> memref<128x768xf32, #tpu.memory_space<hbm>>
      %dma_start3A_9 = arith.constant 0 : i32
      %dma_start3A_10 = tpu.memref_slice %arg4[%mul3A_2, %dma_start3A_9] : memref<4096x768xf32, #tpu.memory_space<hbm>> -> memref<128x768xf32, #tpu.memory_space<hbm>>
      tpu.enqueue_dma source(%arg6 : memref<128x768xf32, #tpu.memory_space<vmem>>) target(%dma_start3A_10 : memref<128x768xf32, #tpu.memory_space<hbm>>) target_semaphore(%run_scoped3A : memref<!tpu.dma_semaphore, #tpu.memory_space<semaphore_mem>>)
      %dma_wait3A_11 = arith.constant 0 : i32
      %dma_wait3A_12 = tpu.memref_slice %arg4[%mul3A_2, %dma_wait3A_11] : memref<4096x768xf32, #tpu.memory_space<hbm>> -> memref<128x768xf32, #tpu.memory_space<hbm>>
      %dma_wait3A_13 = arith.constant 0 : i32
      %dma_wait3A_14 = tpu.memref_slice %arg4[%mul3A_2, %dma_wait3A_13] : memref<4096x768xf32, #tpu.memory_space<hbm>> -> memref<128x768xf32, #tpu.memory_space<hbm>>
      tpu.wait_dma2 semaphore(%run_scoped3A : memref<!tpu.dma_semaphore, #tpu.memory_space<semaphore_mem>>) src(%arg6 : memref<128x768xf32, #tpu.memory_space<vmem>>) dst(%dma_wait3A_14 : memref<128x768xf32, #tpu.memory_space<hbm>>)
      tpu.yield
    }) : () -> ()
    return
  }
}

#map = affine_map<(d0, d1) -> (0, 0)>
#map1 = affine_map<(d0, d1) -> (0)>
module attributes {stable_mosaic.version = 14 : i64} {
  func.func @combine(%arg0: i32, %arg1: i32, %arg2: memref<8192x768xf32, #tpu.memory_space<hbm>>, %arg3: memref<4096x768xf32, #tpu.memory_space<hbm>>, %arg4: memref<4096xi32, #tpu.memory_space<hbm>>, %arg5: memref<4096xi32, #tpu.memory_space<hbm>>, %arg6: memref<8192x768xf32, #tpu.memory_space<hbm>>, %arg7: memref<128xi32, #tpu.memory_space<vmem>>, %arg8: memref<128x768xf32, #tpu.memory_space<vmem>>, %arg9: memref<!tpu.dma_semaphore, #tpu.memory_space<semaphore_mem>>) attributes {dimension_semantics = [#tpu.dimension_semantics<core_parallel>, #tpu.dimension_semantics<subcore_parallel>], iteration_bounds = array<i64: 2, 16>, scalar_prefetch = 0 : i64, scratch_operands = 3 : i64, tpu.core_type = #tpu.core_type<sc_vector_subcore>, window_params = [{transform_indices = #map}, {transform_indices = #map}, {transform_indices = #map1}, {transform_indices = #map1}, {transform_indices = #map}]} {
    %mul3A = arith.constant 2 : i32
    %mul3A_0 = arith.muli %arg1, %mul3A : i32
    %add3A = arith.addi %mul3A_0, %arg0 : i32
    %mul3A_1 = arith.constant 128 : i32
    %mul3A_2 = arith.muli %add3A, %mul3A_1 : i32
    "tpu.region"() ({
      %run_scoped3A = tpu.sem_alloc : memref<!tpu.dma_semaphore, #tpu.memory_space<semaphore_mem>>
      %dma_start3A_19 = tpu.memref_slice %arg5[%mul3A_2] : memref<4096xi32, #tpu.memory_space<hbm>> -> memref<128xi32, #tpu.memory_space<hbm>>
      %dma_start3A_20 = tpu.memref_slice %arg5[%mul3A_2] : memref<4096xi32, #tpu.memory_space<hbm>> -> memref<128xi32, #tpu.memory_space<hbm>>
      tpu.enqueue_dma source(%dma_start3A_20 : memref<128xi32, #tpu.memory_space<hbm>>) target(%arg7 : memref<128xi32, #tpu.memory_space<vmem>>) target_semaphore(%run_scoped3A : memref<!tpu.dma_semaphore, #tpu.memory_space<semaphore_mem>>)
      %dma_wait3A_21 = tpu.memref_slice %arg5[%mul3A_2] : memref<4096xi32, #tpu.memory_space<hbm>> -> memref<128xi32, #tpu.memory_space<hbm>>
      %dma_wait3A_22 = tpu.memref_slice %arg5[%mul3A_2] : memref<4096xi32, #tpu.memory_space<hbm>> -> memref<128xi32, #tpu.memory_space<hbm>>
      tpu.wait_dma2 semaphore(%run_scoped3A : memref<!tpu.dma_semaphore, #tpu.memory_space<semaphore_mem>>) src(%dma_wait3A_22 : memref<128xi32, #tpu.memory_space<hbm>>) dst(%arg7 : memref<128xi32, #tpu.memory_space<vmem>>)
      tpu.yield
    }) : () -> ()
    %dma_start3A = arith.constant 0 : i32
    %dma_start3A_3 = arith.constant 0 : i32
    %dma_start3A_4 = tpu.memref_slice %arg2[%dma_start3A, %dma_start3A_3] : memref<8192x768xf32, #tpu.memory_space<hbm>> -> memref<8192x768xf32, #tpu.memory_space<hbm>>
    tpu.enqueue_indirect_dma source(%dma_start3A_4 : memref<8192x768xf32, #tpu.memory_space<hbm>>) target(%arg8 : memref<128x768xf32, #tpu.memory_space<vmem>>) offsets(%arg7 : memref<128xi32, #tpu.memory_space<vmem>>) semaphore(%arg9 : memref<!tpu.dma_semaphore, #tpu.memory_space<semaphore_mem>>)
    %dma_wait3A = arith.constant 0 : i32
    %dma_wait3A_5 = arith.constant 0 : i32
    %dma_wait3A_6 = tpu.memref_slice %arg2[%dma_wait3A, %dma_wait3A_5] : memref<8192x768xf32, #tpu.memory_space<hbm>> -> memref<8192x768xf32, #tpu.memory_space<hbm>>
    tpu.wait_indirect_dma semaphore(%arg9 : memref<!tpu.dma_semaphore, #tpu.memory_space<semaphore_mem>>) src(%dma_wait3A_6 : memref<8192x768xf32, #tpu.memory_space<hbm>>) dst(%arg8 : memref<128x768xf32, #tpu.memory_space<vmem>>)
    %dma_start3A_7 = arith.constant 0 : i32
    %dma_start3A_8 = arith.constant 0 : i32
    %dma_start3A_9 = tpu.memref_slice %arg6[%dma_start3A_7, %dma_start3A_8] : memref<8192x768xf32, #tpu.memory_space<hbm>> -> memref<8192x768xf32, #tpu.memory_space<hbm>>
    tpu.enqueue_indirect_dma source(%arg8 : memref<128x768xf32, #tpu.memory_space<vmem>>) target(%dma_start3A_9 : memref<8192x768xf32, #tpu.memory_space<hbm>>) offsets(%arg7 : memref<128xi32, #tpu.memory_space<vmem>>) semaphore(%arg9 : memref<!tpu.dma_semaphore, #tpu.memory_space<semaphore_mem>>)
    %dma_wait3A_10 = arith.constant 0 : i32
    %dma_wait3A_11 = arith.constant 0 : i32
    %dma_wait3A_12 = tpu.memref_slice %arg6[%dma_wait3A_10, %dma_wait3A_11] : memref<8192x768xf32, #tpu.memory_space<hbm>> -> memref<8192x768xf32, #tpu.memory_space<hbm>>
    tpu.wait_indirect_dma semaphore(%arg9 : memref<!tpu.dma_semaphore, #tpu.memory_space<semaphore_mem>>) src(%arg8 : memref<128x768xf32, #tpu.memory_space<vmem>>) dst(%dma_wait3A_12 : memref<8192x768xf32, #tpu.memory_space<hbm>>)
    "tpu.region"() ({
      %run_scoped3A = tpu.sem_alloc : memref<!tpu.dma_semaphore, #tpu.memory_space<semaphore_mem>>
      %dma_start3A_19 = arith.constant 0 : i32
      %dma_start3A_20 = tpu.memref_slice %arg3[%mul3A_2, %dma_start3A_19] : memref<4096x768xf32, #tpu.memory_space<hbm>> -> memref<128x768xf32, #tpu.memory_space<hbm>>
      %dma_start3A_21 = arith.constant 0 : i32
      %dma_start3A_22 = tpu.memref_slice %arg3[%mul3A_2, %dma_start3A_21] : memref<4096x768xf32, #tpu.memory_space<hbm>> -> memref<128x768xf32, #tpu.memory_space<hbm>>
      tpu.enqueue_dma source(%dma_start3A_22 : memref<128x768xf32, #tpu.memory_space<hbm>>) target(%arg8 : memref<128x768xf32, #tpu.memory_space<vmem>>) target_semaphore(%run_scoped3A : memref<!tpu.dma_semaphore, #tpu.memory_space<semaphore_mem>>)
      %dma_wait3A_23 = arith.constant 0 : i32
      %dma_wait3A_24 = tpu.memref_slice %arg3[%mul3A_2, %dma_wait3A_23] : memref<4096x768xf32, #tpu.memory_space<hbm>> -> memref<128x768xf32, #tpu.memory_space<hbm>>
      %dma_wait3A_25 = arith.constant 0 : i32
      %dma_wait3A_26 = tpu.memref_slice %arg3[%mul3A_2, %dma_wait3A_25] : memref<4096x768xf32, #tpu.memory_space<hbm>> -> memref<128x768xf32, #tpu.memory_space<hbm>>
      tpu.wait_dma2 semaphore(%run_scoped3A : memref<!tpu.dma_semaphore, #tpu.memory_space<semaphore_mem>>) src(%dma_wait3A_26 : memref<128x768xf32, #tpu.memory_space<hbm>>) dst(%arg8 : memref<128x768xf32, #tpu.memory_space<vmem>>)
      tpu.yield
    }) : () -> ()
    "tpu.region"() ({
      %run_scoped3A = tpu.sem_alloc : memref<!tpu.dma_semaphore, #tpu.memory_space<semaphore_mem>>
      %dma_start3A_19 = tpu.memref_slice %arg4[%mul3A_2] : memref<4096xi32, #tpu.memory_space<hbm>> -> memref<128xi32, #tpu.memory_space<hbm>>
      %dma_start3A_20 = tpu.memref_slice %arg4[%mul3A_2] : memref<4096xi32, #tpu.memory_space<hbm>> -> memref<128xi32, #tpu.memory_space<hbm>>
      tpu.enqueue_dma source(%dma_start3A_20 : memref<128xi32, #tpu.memory_space<hbm>>) target(%arg7 : memref<128xi32, #tpu.memory_space<vmem>>) target_semaphore(%run_scoped3A : memref<!tpu.dma_semaphore, #tpu.memory_space<semaphore_mem>>)
      %dma_wait3A_21 = tpu.memref_slice %arg4[%mul3A_2] : memref<4096xi32, #tpu.memory_space<hbm>> -> memref<128xi32, #tpu.memory_space<hbm>>
      %dma_wait3A_22 = tpu.memref_slice %arg4[%mul3A_2] : memref<4096xi32, #tpu.memory_space<hbm>> -> memref<128xi32, #tpu.memory_space<hbm>>
      tpu.wait_dma2 semaphore(%run_scoped3A : memref<!tpu.dma_semaphore, #tpu.memory_space<semaphore_mem>>) src(%dma_wait3A_22 : memref<128xi32, #tpu.memory_space<hbm>>) dst(%arg7 : memref<128xi32, #tpu.memory_space<vmem>>)
      tpu.yield
    }) : () -> ()
    %dma_start3A_13 = arith.constant 0 : i32
    %dma_start3A_14 = arith.constant 0 : i32
    %dma_start3A_15 = tpu.memref_slice %arg6[%dma_start3A_13, %dma_start3A_14] : memref<8192x768xf32, #tpu.memory_space<hbm>> -> memref<8192x768xf32, #tpu.memory_space<hbm>>
    tpu.enqueue_indirect_dma source(%arg8 : memref<128x768xf32, #tpu.memory_space<vmem>>) target(%dma_start3A_15 : memref<8192x768xf32, #tpu.memory_space<hbm>>) offsets(%arg7 : memref<128xi32, #tpu.memory_space<vmem>>) semaphore(%arg9 : memref<!tpu.dma_semaphore, #tpu.memory_space<semaphore_mem>>)
    %dma_wait3A_16 = arith.constant 0 : i32
    %dma_wait3A_17 = arith.constant 0 : i32
    %dma_wait3A_18 = tpu.memref_slice %arg6[%dma_wait3A_16, %dma_wait3A_17] : memref<8192x768xf32, #tpu.memory_space<hbm>> -> memref<8192x768xf32, #tpu.memory_space<hbm>>
    tpu.wait_indirect_dma semaphore(%arg9 : memref<!tpu.dma_semaphore, #tpu.memory_space<semaphore_mem>>) src(%arg8 : memref<128x768xf32, #tpu.memory_space<vmem>>) dst(%dma_wait3A_18 : memref<8192x768xf32, #tpu.memory_space<hbm>>)
    return
  }
}

module attributes {stable_mosaic.version = 14 : i64} {
  func.func @_route_body(%arg0: i32, %arg1: memref<1x2048x768xf32, #tpu.memory_space<vmem>>, %arg2: memref<1x768xf32, #tpu.memory_space<vmem>>, %arg3: memref<1x1x1024xi32, #tpu.memory_space<vmem>>, %arg4: memref<1x1x1024xi32, #tpu.memory_space<vmem>>, %arg5: memref<1x1xf32, #tpu.memory_space<vmem>>, %arg6: memref<2048x1xf32, #tpu.memory_space<vmem>>, %arg7: memref<2048x1xf32, #tpu.memory_space<vmem>>) attributes {dimension_semantics = [#tpu.dimension_semantics<arbitrary>], iteration_bounds = array<i64: 4>, scalar_prefetch = 0 : i64, scratch_operands = 2 : i64, tpu.core_type = #tpu.core_type<tc>, window_params = [{transform_indices = @transform_0, window_bounds = array<i64: 1, 2048, 768>}, {pipeline_mode = #tpu.pipeline_mode<synchronous>, transform_indices = @transform_1, window_bounds = array<i64: 1, 768>}, {transform_indices = @transform_2, window_bounds = array<i64: 1, 1, 1024>}, {transform_indices = @transform_3, window_bounds = array<i64: 1, 1, 1024>}, {pipeline_mode = #tpu.pipeline_mode<synchronous>, transform_indices = @transform_4, window_bounds = array<i64: 1, 1>}]} {
    %get3A = arith.constant 0 : index
    %get3A_0 = arith.constant 0 : index
    %get3A_1 = arith.constant 0 : index
    %get3A_2 = vector.load %arg1[%get3A, %get3A_0, %get3A_1] : memref<1x2048x768xf32, #tpu.memory_space<vmem>>, vector<1x2048x768xf32>
    %get3A_3 = vector.shape_cast %get3A_2 : vector<1x2048x768xf32> to vector<2048x768xf32>
    %get3A_4 = arith.constant 0 : index
    %get3A_5 = arith.constant 0 : index
    %get3A_6 = vector.load %arg2[%get3A_4, %get3A_5] : memref<1x768xf32, #tpu.memory_space<vmem>>, vector<1x768xf32>
    %dot_general3A = arith.constant dense<0.000000e+00> : vector<1x2048xf32>
    %dot_general3A_7 = tpu.matmul %get3A_6, %get3A_3, %dot_general3A {dimension_numbers = #tpu.dot_dimension_numbers<[1], [1], [0], [0], [0, 0, 1, 0], [], []>, transpose_lhs_hint = false} : vector<1x768xf32>, vector<2048x768xf32>, vector<1x2048xf32> -> vector<1x2048xf32>
    %transpose3A = tpu.transpose %dot_general3A_7, [1, 0] : vector<1x2048xf32> -> vector<2048x1xf32>
    %broadcast_in_dim3A = arith.constant 1.000000e+00 : bf16
    %broadcast_in_dim3A_8 = vector.broadcast %broadcast_in_dim3A : bf16 to vector<2048x1xbf16>
    %iota3A = tpu.iota {dimensions = array<i32: 0>} : vector<2048x2xi32>
    %iota3A_9 = tpu.iota {dimensions = array<i32: 1>} : vector<2048x2xi32>
    %eq3A = arith.constant 0 : i32
    %eq3A_10 = vector.broadcast %eq3A : i32 to vector<2048x2xi32>
    %eq3A_11 = arith.cmpi eq, %iota3A_9, %eq3A_10 : vector<2048x2xi32>
    %jit3A = arith.constant 8 : i32
    %div3A = vector.broadcast %jit3A : i32 to vector<2048x2xi32>
    %div3A_12 = arith.divsi %iota3A, %div3A : vector<2048x2xi32>
    %sign3A = arith.constant 0 : i32
    %sign3A_13 = vector.broadcast %sign3A : i32 to vector<2048x2xi32>
    %sign3A_14 = arith.cmpi sgt, %iota3A, %sign3A_13 : vector<2048x2xi32>
    %sign3A_15 = arith.extui %sign3A_14 : vector<2048x2xi1> to vector<2048x2xi32>
    %sign3A_16 = arith.constant 0 : i32
    %sign3A_17 = vector.broadcast %sign3A_16 : i32 to vector<2048x2xi32>
    %sign3A_18 = arith.cmpi slt, %iota3A, %sign3A_17 : vector<2048x2xi32>
    %sign3A_19 = arith.extui %sign3A_18 : vector<2048x2xi1> to vector<2048x2xi32>
    %sign3A_20 = arith.subi %sign3A_15, %sign3A_19 : vector<2048x2xi32>
    %sign3A_21 = arith.constant 0 : i32
    %sign3A_22 = arith.cmpi sgt, %jit3A, %sign3A_21 : i32
    %sign3A_23 = arith.extui %sign3A_22 : i1 to i32
    %sign3A_24 = arith.constant 0 : i32
    %sign3A_25 = arith.cmpi slt, %jit3A, %sign3A_24 : i32
    %sign3A_26 = arith.extui %sign3A_25 : i1 to i32
    %sign3A_27 = arith.subi %sign3A_23, %sign3A_26 : i32
    %ne3A = vector.broadcast %sign3A_27 : i32 to vector<2048x2xi32>
    %ne3A_28 = arith.cmpi ne, %sign3A_20, %ne3A : vector<2048x2xi32>
    %rem3A = vector.broadcast %jit3A : i32 to vector<2048x2xi32>
    %rem3A_29 = arith.remsi %iota3A, %rem3A : vector<2048x2xi32>
    %ne3A_30 = arith.constant 0 : i32
    %ne3A_31 = vector.broadcast %ne3A_30 : i32 to vector<2048x2xi32>
    %ne3A_32 = arith.cmpi ne, %rem3A_29, %ne3A_31 : vector<2048x2xi32>
    %and3A = arith.andi %ne3A_28, %ne3A_32 : vector<2048x2xi1>
    %sub3A = arith.constant 1 : i32
    %sub3A_33 = vector.broadcast %sub3A : i32 to vector<2048x2xi32>
    %sub3A_34 = arith.subi %div3A_12, %sub3A_33 : vector<2048x2xi32>
    %select_n3A = arith.select %and3A, %sub3A_34, %div3A_12 : vector<2048x2xi1>, vector<2048x2xi32>
    %jit3A_35 = arith.constant 8 : i32
    %eq3A_36 = arith.constant 0 : i32
    %eq3A_37 = arith.cmpi eq, %jit3A_35, %eq3A_36 : i32
    %jit3A_38 = arith.constant 1 : i32
    %select_n3A_39 = arith.select %eq3A_37, %jit3A_38, %jit3A_35 : i32
    %rem3A_40 = vector.broadcast %select_n3A_39 : i32 to vector<2048x2xi32>
    %rem3A_41 = arith.remsi %iota3A, %rem3A_40 : vector<2048x2xi32>
    %ne3A_42 = arith.constant 0 : i32
    %ne3A_43 = vector.broadcast %ne3A_42 : i32 to vector<2048x2xi32>
    %ne3A_44 = arith.cmpi ne, %rem3A_41, %ne3A_43 : vector<2048x2xi32>
    %lt3A = arith.constant 0 : i32
    %lt3A_45 = vector.broadcast %lt3A : i32 to vector<2048x2xi32>
    %lt3A_46 = arith.cmpi slt, %rem3A_41, %lt3A_45 : vector<2048x2xi32>
    %lt3A_47 = arith.constant 0 : i32
    %lt3A_48 = arith.cmpi slt, %select_n3A_39, %lt3A_47 : i32
    %ne3A_49 = vector.broadcast %lt3A_48 : i1 to vector<2048x2xi1>
    %ne3A_50 = vector.broadcast %ne3A_49 : vector<2048x2xi1> to vector<2048x2xi1>
    %ne3A_51 = arith.xori %lt3A_46, %ne3A_50 : vector<2048x2xi1>
    %and3A_52 = arith.andi %ne3A_51, %ne3A_44 : vector<2048x2xi1>
    %add3A = vector.broadcast %select_n3A_39 : i32 to vector<2048x2xi32>
    %add3A_53 = arith.addi %rem3A_41, %add3A : vector<2048x2xi32>
    %select_n3A_54 = arith.select %and3A_52, %add3A_53, %rem3A_41 : vector<2048x2xi1>, vector<2048x2xi32>
    %select_n3A_55 = arith.select %eq3A_11, %select_n3A, %select_n3A_54 : vector<2048x2xi1>, vector<2048x2xi32>
    %convert_element_type3A = arith.sitofp %select_n3A_55 : vector<2048x2xi32> to vector<2048x2xbf16>
    %iota3A_56 = tpu.iota {dimensions = array<i32: 1>} : vector<256x2048xi32>
    %iota3A_57 = tpu.iota {dimensions = array<i32: 0>} : vector<256x2048xi32>
    %sub3A_58 = arith.subi %iota3A_56, %iota3A_57 : vector<256x2048xi32>
    %slice3A = vector.extract_strided_slice %transpose3A {offsets = [0, 0], sizes = [256, 1], strides = [1, 1]} : vector<2048x1xf32> to vector<256x1xf32>
    %gt3A = vector.broadcast %dot_general3A_7 : vector<1x2048xf32> to vector<256x2048xf32>
    %gt3A_59 = vector.broadcast %slice3A : vector<256x1xf32> to vector<256x2048xf32>
    %gt3A_60 = arith.cmpf ogt, %gt3A, %gt3A_59 : vector<256x2048xf32>
    %eq3A_61 = vector.broadcast %dot_general3A_7 : vector<1x2048xf32> to vector<256x2048xf32>
    %eq3A_62 = vector.broadcast %slice3A : vector<256x1xf32> to vector<256x2048xf32>
    %eq3A_63 = arith.cmpf oeq, %eq3A_61, %eq3A_62 : vector<256x2048xf32>
    %lt3A_64 = arith.constant 0 : i32
    %lt3A_65 = vector.broadcast %lt3A_64 : i32 to vector<256x2048xi32>
    %lt3A_66 = arith.cmpi slt, %sub3A_58, %lt3A_65 : vector<256x2048xi32>
    %and3A_67 = arith.andi %eq3A_63, %lt3A_66 : vector<256x2048xi1>
    %or3A = arith.ori %gt3A_60, %and3A_67 : vector<256x2048xi1>
    %convert_element_type3A_68 = arith.extui %or3A : vector<256x2048xi1> to vector<256x2048xi32>
    %convert_element_type3A_69 = arith.sitofp %convert_element_type3A_68 : vector<256x2048xi32> to vector<256x2048xf32>
    %convert_element_type3A_70 = arith.truncf %convert_element_type3A_69 : vector<256x2048xf32> to vector<256x2048xbf16>
    %dot_general3A_71 = arith.constant dense<0.000000e+00> : vector<256x1xf32>
    %dot_general3A_72 = tpu.matmul %convert_element_type3A_70, %broadcast_in_dim3A_8, %dot_general3A_71 {dimension_numbers = #tpu.dot_dimension_numbers<[1], [0], [0], [1], [0, 0, 1, 1], [], []>, transpose_lhs_hint = false} : vector<256x2048xbf16>, vector<2048x1xbf16>, vector<256x1xf32> -> vector<256x1xf32>
    %swap3A = arith.constant 0 : index
    %swap3A_73 = arith.constant 0 : index
    %swap3A_74 = vector.load %arg6[%swap3A, %swap3A_73] : memref<2048x1xf32, #tpu.memory_space<vmem>>, vector<256x1xf32>
    tpu.vector_store %arg6[%swap3A, %swap3A_73], %dot_general3A_72 {strides = array<i32>} : memref<2048x1xf32, #tpu.memory_space<vmem>>, vector<256x1xf32>,
    %slice3A_75 = vector.extract_strided_slice %transpose3A {offsets = [256, 0], sizes = [256, 1], strides = [1, 1]} : vector<2048x1xf32> to vector<256x1xf32>
    %gt3A_76 = vector.broadcast %dot_general3A_7 : vector<1x2048xf32> to vector<256x2048xf32>
    %gt3A_77 = vector.broadcast %slice3A_75 : vector<256x1xf32> to vector<256x2048xf32>
    %gt3A_78 = arith.cmpf ogt, %gt3A_76, %gt3A_77 : vector<256x2048xf32>
    %eq3A_79 = vector.broadcast %dot_general3A_7 : vector<1x2048xf32> to vector<256x2048xf32>
    %eq3A_80 = vector.broadcast %slice3A_75 : vector<256x1xf32> to vector<256x2048xf32>
    %eq3A_81 = arith.cmpf oeq, %eq3A_79, %eq3A_80 : vector<256x2048xf32>
    %lt3A_82 = arith.constant 256 : i32
    %lt3A_83 = vector.broadcast %lt3A_82 : i32 to vector<256x2048xi32>
    %lt3A_84 = arith.cmpi slt, %sub3A_58, %lt3A_83 : vector<256x2048xi32>
    %and3A_85 = arith.andi %eq3A_81, %lt3A_84 : vector<256x2048xi1>
    %or3A_86 = arith.ori %gt3A_78, %and3A_85 : vector<256x2048xi1>
    %convert_element_type3A_87 = arith.extui %or3A_86 : vector<256x2048xi1> to vector<256x2048xi32>
    %convert_element_type3A_88 = arith.sitofp %convert_element_type3A_87 : vector<256x2048xi32> to vector<256x2048xf32>
    %convert_element_type3A_89 = arith.truncf %convert_element_type3A_88 : vector<256x2048xf32> to vector<256x2048xbf16>
    %dot_general3A_90 = arith.constant dense<0.000000e+00> : vector<256x1xf32>
    %dot_general3A_91 = tpu.matmul %convert_element_type3A_89, %broadcast_in_dim3A_8, %dot_general3A_90 {dimension_numbers = #tpu.dot_dimension_numbers<[1], [0], [0], [1], [0, 0, 1, 1], [], []>, transpose_lhs_hint = false} : vector<256x2048xbf16>, vector<2048x1xbf16>, vector<256x1xf32> -> vector<256x1xf32>
    %swap3A_92 = arith.constant 256 : index
    %swap3A_93 = arith.constant 0 : index
    %swap3A_94 = vector.load %arg6[%swap3A_92, %swap3A_93] : memref<2048x1xf32, #tpu.memory_space<vmem>>, vector<256x1xf32>
    tpu.vector_store %arg6[%swap3A_92, %swap3A_93], %dot_general3A_91 {strides = array<i32>} : memref<2048x1xf32, #tpu.memory_space<vmem>>, vector<256x1xf32>,
    %slice3A_95 = vector.extract_strided_slice %transpose3A {offsets = [512, 0], sizes = [256, 1], strides = [1, 1]} : vector<2048x1xf32> to vector<256x1xf32>
    %gt3A_96 = vector.broadcast %dot_general3A_7 : vector<1x2048xf32> to vector<256x2048xf32>
    %gt3A_97 = vector.broadcast %slice3A_95 : vector<256x1xf32> to vector<256x2048xf32>
    %gt3A_98 = arith.cmpf ogt, %gt3A_96, %gt3A_97 : vector<256x2048xf32>
    %eq3A_99 = vector.broadcast %dot_general3A_7 : vector<1x2048xf32> to vector<256x2048xf32>
    %eq3A_100 = vector.broadcast %slice3A_95 : vector<256x1xf32> to vector<256x2048xf32>
    %eq3A_101 = arith.cmpf oeq, %eq3A_99, %eq3A_100 : vector<256x2048xf32>
    %lt3A_102 = arith.constant 512 : i32
    %lt3A_103 = vector.broadcast %lt3A_102 : i32 to vector<256x2048xi32>
    %lt3A_104 = arith.cmpi slt, %sub3A_58, %lt3A_103 : vector<256x2048xi32>
    %and3A_105 = arith.andi %eq3A_101, %lt3A_104 : vector<256x2048xi1>
    %or3A_106 = arith.ori %gt3A_98, %and3A_105 : vector<256x2048xi1>
    %convert_element_type3A_107 = arith.extui %or3A_106 : vector<256x2048xi1> to vector<256x2048xi32>
    %convert_element_type3A_108 = arith.sitofp %convert_element_type3A_107 : vector<256x2048xi32> to vector<256x2048xf32>
    %convert_element_type3A_109 = arith.truncf %convert_element_type3A_108 : vector<256x2048xf32> to vector<256x2048xbf16>
    %dot_general3A_110 = arith.constant dense<0.000000e+00> : vector<256x1xf32>
    %dot_general3A_111 = tpu.matmul %convert_element_type3A_109, %broadcast_in_dim3A_8, %dot_general3A_110 {dimension_numbers = #tpu.dot_dimension_numbers<[1], [0], [0], [1], [0, 0, 1, 1], [], []>, transpose_lhs_hint = false} : vector<256x2048xbf16>, vector<2048x1xbf16>, vector<256x1xf32> -> vector<256x1xf32>
    %swap3A_112 = arith.constant 512 : index
    %swap3A_113 = arith.constant 0 : index
    %swap3A_114 = vector.load %arg6[%swap3A_112, %swap3A_113] : memref<2048x1xf32, #tpu.memory_space<vmem>>, vector<256x1xf32>
    tpu.vector_store %arg6[%swap3A_112, %swap3A_113], %dot_general3A_111 {strides = array<i32>} : memref<2048x1xf32, #tpu.memory_space<vmem>>, vector<256x1xf32>,
    %slice3A_115 = vector.extract_strided_slice %transpose3A {offsets = [768, 0], sizes = [256, 1], strides = [1, 1]} : vector<2048x1xf32> to vector<256x1xf32>
    %gt3A_116 = vector.broadcast %dot_general3A_7 : vector<1x2048xf32> to vector<256x2048xf32>
    %gt3A_117 = vector.broadcast %slice3A_115 : vector<256x1xf32> to vector<256x2048xf32>
    %gt3A_118 = arith.cmpf ogt, %gt3A_116, %gt3A_117 : vector<256x2048xf32>
    %eq3A_119 = vector.broadcast %dot_general3A_7 : vector<1x2048xf32> to vector<256x2048xf32>
    %eq3A_120 = vector.broadcast %slice3A_115 : vector<256x1xf32> to vector<256x2048xf32>
    %eq3A_121 = arith.cmpf oeq, %eq3A_119, %eq3A_120 : vector<256x2048xf32>
    %lt3A_122 = arith.constant 768 : i32
    %lt3A_123 = vector.broadcast %lt3A_122 : i32 to vector<256x2048xi32>
    %lt3A_124 = arith.cmpi slt, %sub3A_58, %lt3A_123 : vector<256x2048xi32>
    %and3A_125 = arith.andi %eq3A_121, %lt3A_124 : vector<256x2048xi1>
    %or3A_126 = arith.ori %gt3A_118, %and3A_125 : vector<256x2048xi1>
    %convert_element_type3A_127 = arith.extui %or3A_126 : vector<256x2048xi1> to vector<256x2048xi32>
    %convert_element_type3A_128 = arith.sitofp %convert_element_type3A_127 : vector<256x2048xi32> to vector<256x2048xf32>
    %convert_element_type3A_129 = arith.truncf %convert_element_type3A_128 : vector<256x2048xf32> to vector<256x2048xbf16>
    %dot_general3A_130 = arith.constant dense<0.000000e+00> : vector<256x1xf32>
    %dot_general3A_131 = tpu.matmul %convert_element_type3A_129, %broadcast_in_dim3A_8, %dot_general3A_130 {dimension_numbers = #tpu.dot_dimension_numbers<[1], [0], [0], [1], [0, 0, 1, 1], [], []>, transpose_lhs_hint = false} : vector<256x2048xbf16>, vector<2048x1xbf16>, vector<256x1xf32> -> vector<256x1xf32>
    %swap3A_132 = arith.constant 768 : index
    %swap3A_133 = arith.constant 0 : index
    %swap3A_134 = vector.load %arg6[%swap3A_132, %swap3A_133] : memref<2048x1xf32, #tpu.memory_space<vmem>>, vector<256x1xf32>
    tpu.vector_store %arg6[%swap3A_132, %swap3A_133], %dot_general3A_131 {strides = array<i32>} : memref<2048x1xf32, #tpu.memory_space<vmem>>, vector<256x1xf32>,
    %slice3A_135 = vector.extract_strided_slice %transpose3A {offsets = [1024, 0], sizes = [256, 1], strides = [1, 1]} : vector<2048x1xf32> to vector<256x1xf32>
    %gt3A_136 = vector.broadcast %dot_general3A_7 : vector<1x2048xf32> to vector<256x2048xf32>
    %gt3A_137 = vector.broadcast %slice3A_135 : vector<256x1xf32> to vector<256x2048xf32>
    %gt3A_138 = arith.cmpf ogt, %gt3A_136, %gt3A_137 : vector<256x2048xf32>
    %eq3A_139 = vector.broadcast %dot_general3A_7 : vector<1x2048xf32> to vector<256x2048xf32>
    %eq3A_140 = vector.broadcast %slice3A_135 : vector<256x1xf32> to vector<256x2048xf32>
    %eq3A_141 = arith.cmpf oeq, %eq3A_139, %eq3A_140 : vector<256x2048xf32>
    %lt3A_142 = arith.constant 1024 : i32
    %lt3A_143 = vector.broadcast %lt3A_142 : i32 to vector<256x2048xi32>
    %lt3A_144 = arith.cmpi slt, %sub3A_58, %lt3A_143 : vector<256x2048xi32>
    %and3A_145 = arith.andi %eq3A_141, %lt3A_144 : vector<256x2048xi1>
    %or3A_146 = arith.ori %gt3A_138, %and3A_145 : vector<256x2048xi1>
    %convert_element_type3A_147 = arith.extui %or3A_146 : vector<256x2048xi1> to vector<256x2048xi32>
    %convert_element_type3A_148 = arith.sitofp %convert_element_type3A_147 : vector<256x2048xi32> to vector<256x2048xf32>
    %convert_element_type3A_149 = arith.truncf %convert_element_type3A_148 : vector<256x2048xf32> to vector<256x2048xbf16>
    %dot_general3A_150 = arith.constant dense<0.000000e+00> : vector<256x1xf32>
    %dot_general3A_151 = tpu.matmul %convert_element_type3A_149, %broadcast_in_dim3A_8, %dot_general3A_150 {dimension_numbers = #tpu.dot_dimension_numbers<[1], [0], [0], [1], [0, 0, 1, 1], [], []>, transpose_lhs_hint = false} : vector<256x2048xbf16>, vector<2048x1xbf16>, vector<256x1xf32> -> vector<256x1xf32>
    %swap3A_152 = arith.constant 1024 : index
    %swap3A_153 = arith.constant 0 : index
    %swap3A_154 = vector.load %arg6[%swap3A_152, %swap3A_153] : memref<2048x1xf32, #tpu.memory_space<vmem>>, vector<256x1xf32>
    tpu.vector_store %arg6[%swap3A_152, %swap3A_153], %dot_general3A_151 {strides = array<i32>} : memref<2048x1xf32, #tpu.memory_space<vmem>>, vector<256x1xf32>,
    %slice3A_155 = vector.extract_strided_slice %transpose3A {offsets = [1280, 0], sizes = [256, 1], strides = [1, 1]} : vector<2048x1xf32> to vector<256x1xf32>
    %gt3A_156 = vector.broadcast %dot_general3A_7 : vector<1x2048xf32> to vector<256x2048xf32>
    %gt3A_157 = vector.broadcast %slice3A_155 : vector<256x1xf32> to vector<256x2048xf32>
    %gt3A_158 = arith.cmpf ogt, %gt3A_156, %gt3A_157 : vector<256x2048xf32>
    %eq3A_159 = vector.broadcast %dot_general3A_7 : vector<1x2048xf32> to vector<256x2048xf32>
    %eq3A_160 = vector.broadcast %slice3A_155 : vector<256x1xf32> to vector<256x2048xf32>
    %eq3A_161 = arith.cmpf oeq, %eq3A_159, %eq3A_160 : vector<256x2048xf32>
    %lt3A_162 = arith.constant 1280 : i32
    %lt3A_163 = vector.broadcast %lt3A_162 : i32 to vector<256x2048xi32>
    %lt3A_164 = arith.cmpi slt, %sub3A_58, %lt3A_163 : vector<256x2048xi32>
    %and3A_165 = arith.andi %eq3A_161, %lt3A_164 : vector<256x2048xi1>
    %or3A_166 = arith.ori %gt3A_158, %and3A_165 : vector<256x2048xi1>
    %convert_element_type3A_167 = arith.extui %or3A_166 : vector<256x2048xi1> to vector<256x2048xi32>
    %convert_element_type3A_168 = arith.sitofp %convert_element_type3A_167 : vector<256x2048xi32> to vector<256x2048xf32>
    %convert_element_type3A_169 = arith.truncf %convert_element_type3A_168 : vector<256x2048xf32> to vector<256x2048xbf16>
    %dot_general3A_170 = arith.constant dense<0.000000e+00> : vector<256x1xf32>
    %dot_general3A_171 = tpu.matmul %convert_element_type3A_169, %broadcast_in_dim3A_8, %dot_general3A_170 {dimension_numbers = #tpu.dot_dimension_numbers<[1], [0], [0], [1], [0, 0, 1, 1], [], []>, transpose_lhs_hint = false} : vector<256x2048xbf16>, vector<2048x1xbf16>, vector<256x1xf32> -> vector<256x1xf32>
    %swap3A_172 = arith.constant 1280 : index
    %swap3A_173 = arith.constant 0 : index
    %swap3A_174 = vector.load %arg6[%swap3A_172, %swap3A_173] : memref<2048x1xf32, #tpu.memory_space<vmem>>, vector<256x1xf32>
    tpu.vector_store %arg6[%swap3A_172, %swap3A_173], %dot_general3A_171 {strides = array<i32>} : memref<2048x1xf32, #tpu.memory_space<vmem>>, vector<256x1xf32>,
    %slice3A_175 = vector.extract_strided_slice %transpose3A {offsets = [1536, 0], sizes = [256, 1], strides = [1, 1]} : vector<2048x1xf32> to vector<256x1xf32>
    %gt3A_176 = vector.broadcast %dot_general3A_7 : vector<1x2048xf32> to vector<256x2048xf32>
    %gt3A_177 = vector.broadcast %slice3A_175 : vector<256x1xf32> to vector<256x2048xf32>
    %gt3A_178 = arith.cmpf ogt, %gt3A_176, %gt3A_177 : vector<256x2048xf32>
    %eq3A_179 = vector.broadcast %dot_general3A_7 : vector<1x2048xf32> to vector<256x2048xf32>
    %eq3A_180 = vector.broadcast %slice3A_175 : vector<256x1xf32> to vector<256x2048xf32>
    %eq3A_181 = arith.cmpf oeq, %eq3A_179, %eq3A_180 : vector<256x2048xf32>
    %lt3A_182 = arith.constant 1536 : i32
    %lt3A_183 = vector.broadcast %lt3A_182 : i32 to vector<256x2048xi32>
    %lt3A_184 = arith.cmpi slt, %sub3A_58, %lt3A_183 : vector<256x2048xi32>
    %and3A_185 = arith.andi %eq3A_181, %lt3A_184 : vector<256x2048xi1>
    %or3A_186 = arith.ori %gt3A_178, %and3A_185 : vector<256x2048xi1>
    %convert_element_type3A_187 = arith.extui %or3A_186 : vector<256x2048xi1> to vector<256x2048xi32>
    %convert_element_type3A_188 = arith.sitofp %convert_element_type3A_187 : vector<256x2048xi32> to vector<256x2048xf32>
    %convert_element_type3A_189 = arith.truncf %convert_element_type3A_188 : vector<256x2048xf32> to vector<256x2048xbf16>
    %dot_general3A_190 = arith.constant dense<0.000000e+00> : vector<256x1xf32>
    %dot_general3A_191 = tpu.matmul %convert_element_type3A_189, %broadcast_in_dim3A_8, %dot_general3A_190 {dimension_numbers = #tpu.dot_dimension_numbers<[1], [0], [0], [1], [0, 0, 1, 1], [], []>, transpose_lhs_hint = false} : vector<256x2048xbf16>, vector<2048x1xbf16>, vector<256x1xf32> -> vector<256x1xf32>
    %swap3A_192 = arith.constant 1536 : index
    %swap3A_193 = arith.constant 0 : index
    %swap3A_194 = vector.load %arg6[%swap3A_192, %swap3A_193] : memref<2048x1xf32, #tpu.memory_space<vmem>>, vector<256x1xf32>
    tpu.vector_store %arg6[%swap3A_192, %swap3A_193], %dot_general3A_191 {strides = array<i32>} : memref<2048x1xf32, #tpu.memory_space<vmem>>, vector<256x1xf32>,
    %slice3A_195 = vector.extract_strided_slice %transpose3A {offsets = [1792, 0], sizes = [256, 1], strides = [1, 1]} : vector<2048x1xf32> to vector<256x1xf32>
    %gt3A_196 = vector.broadcast %dot_general3A_7 : vector<1x2048xf32> to vector<256x2048xf32>
    %gt3A_197 = vector.broadcast %slice3A_195 : vector<256x1xf32> to vector<256x2048xf32>
    %gt3A_198 = arith.cmpf ogt, %gt3A_196, %gt3A_197 : vector<256x2048xf32>
    %eq3A_199 = vector.broadcast %dot_general3A_7 : vector<1x2048xf32> to vector<256x2048xf32>
    %eq3A_200 = vector.broadcast %slice3A_195 : vector<256x1xf32> to vector<256x2048xf32>
    %eq3A_201 = arith.cmpf oeq, %eq3A_199, %eq3A_200 : vector<256x2048xf32>
    %lt3A_202 = arith.constant 1792 : i32
    %lt3A_203 = vector.broadcast %lt3A_202 : i32 to vector<256x2048xi32>
    %lt3A_204 = arith.cmpi slt, %sub3A_58, %lt3A_203 : vector<256x2048xi32>
    %and3A_205 = arith.andi %eq3A_201, %lt3A_204 : vector<256x2048xi1>
    %or3A_206 = arith.ori %gt3A_198, %and3A_205 : vector<256x2048xi1>
    %convert_element_type3A_207 = arith.extui %or3A_206 : vector<256x2048xi1> to vector<256x2048xi32>
    %convert_element_type3A_208 = arith.sitofp %convert_element_type3A_207 : vector<256x2048xi32> to vector<256x2048xf32>
    %convert_element_type3A_209 = arith.truncf %convert_element_type3A_208 : vector<256x2048xf32> to vector<256x2048xbf16>
    %dot_general3A_210 = arith.constant dense<0.000000e+00> : vector<256x1xf32>
    %dot_general3A_211 = tpu.matmul %convert_element_type3A_209, %broadcast_in_dim3A_8, %dot_general3A_210 {dimension_numbers = #tpu.dot_dimension_numbers<[1], [0], [0], [1], [0, 0, 1, 1], [], []>, transpose_lhs_hint = false} : vector<256x2048xbf16>, vector<2048x1xbf16>, vector<256x1xf32> -> vector<256x1xf32>
    %swap3A_212 = arith.constant 1792 : index
    %swap3A_213 = arith.constant 0 : index
    %swap3A_214 = vector.load %arg6[%swap3A_212, %swap3A_213] : memref<2048x1xf32, #tpu.memory_space<vmem>>, vector<256x1xf32>
    tpu.vector_store %arg6[%swap3A_212, %swap3A_213], %dot_general3A_211 {strides = array<i32>} : memref<2048x1xf32, #tpu.memory_space<vmem>>, vector<256x1xf32>,
    %get3A_215 = arith.constant 0 : index
    %get3A_216 = arith.constant 0 : index
    %get3A_217 = vector.load %arg6[%get3A_215, %get3A_216] : memref<2048x1xf32, #tpu.memory_space<vmem>>, vector<2048x1xf32>
    %transpose3A_218 = tpu.transpose %get3A_217, [1, 0] : vector<2048x1xf32> -> vector<1x2048xf32>
    %iota3A_219 = tpu.iota {dimensions = array<i32: 0>} : vector<256x1xi32>
    %convert_element_type3A_220 = arith.sitofp %iota3A_219 : vector<256x1xi32> to vector<256x1xf32>
    %add3A_221 = arith.constant 0.000000e+00 : f32
    %add3A_222 = vector.broadcast %add3A_221 : f32 to vector<256x1xf32>
    %add3A_223 = arith.addf %convert_element_type3A_220, %add3A_222 : vector<256x1xf32>
    %eq3A_224 = vector.broadcast %transpose3A_218 : vector<1x2048xf32> to vector<256x2048xf32>
    %eq3A_225 = vector.broadcast %add3A_223 : vector<256x1xf32> to vector<256x2048xf32>
    %eq3A_226 = arith.cmpf oeq, %eq3A_224, %eq3A_225 : vector<256x2048xf32>
    %convert_element_type3A_227 = arith.extui %eq3A_226 : vector<256x2048xi1> to vector<256x2048xi32>
    %convert_element_type3A_228 = arith.sitofp %convert_element_type3A_227 : vector<256x2048xi32> to vector<256x2048xf32>
    %convert_element_type3A_229 = arith.truncf %convert_element_type3A_228 : vector<256x2048xf32> to vector<256x2048xbf16>
    %dot_general3A_230 = arith.constant dense<0.000000e+00> : vector<256x2xf32>
    %dot_general3A_231 = tpu.matmul %convert_element_type3A_229, %convert_element_type3A, %dot_general3A_230 {dimension_numbers = #tpu.dot_dimension_numbers<[1], [0], [0], [1], [0, 0, 1, 1], [], []>, transpose_lhs_hint = false} : vector<256x2048xbf16>, vector<2048x2xbf16>, vector<256x2xf32> -> vector<256x2xf32>
    %slice3A_232 = vector.extract_strided_slice %dot_general3A_231 {offsets = [0, 0], sizes = [256, 1], strides = [1, 1]} : vector<256x2xf32> to vector<256x1xf32>
    %mul3A = arith.constant 8.000000e+00 : f32
    %mul3A_233 = vector.broadcast %mul3A : f32 to vector<256x1xf32>
    %mul3A_234 = arith.mulf %slice3A_232, %mul3A_233 : vector<256x1xf32>
    %slice3A_235 = vector.extract_strided_slice %dot_general3A_231 {offsets = [0, 1], sizes = [256, 1], strides = [1, 1]} : vector<256x2xf32> to vector<256x1xf32>
    %add3A_236 = arith.addf %mul3A_234, %slice3A_235 : vector<256x1xf32>
    %swap3A_237 = arith.constant 0 : index
    %swap3A_238 = arith.constant 0 : index
    %swap3A_239 = vector.load %arg7[%swap3A_237, %swap3A_238] : memref<2048x1xf32, #tpu.memory_space<vmem>>, vector<256x1xf32>
    tpu.vector_store %arg7[%swap3A_237, %swap3A_238], %add3A_236 {strides = array<i32>} : memref<2048x1xf32, #tpu.memory_space<vmem>>, vector<256x1xf32>,
    %iota3A_240 = tpu.iota {dimensions = array<i32: 0>} : vector<256x1xi32>
    %convert_element_type3A_241 = arith.sitofp %iota3A_240 : vector<256x1xi32> to vector<256x1xf32>
    %add3A_242 = arith.constant 2.560000e+02 : f32
    %add3A_243 = vector.broadcast %add3A_242 : f32 to vector<256x1xf32>
    %add3A_244 = arith.addf %convert_element_type3A_241, %add3A_243 : vector<256x1xf32>
    %eq3A_245 = vector.broadcast %transpose3A_218 : vector<1x2048xf32> to vector<256x2048xf32>
    %eq3A_246 = vector.broadcast %add3A_244 : vector<256x1xf32> to vector<256x2048xf32>
    %eq3A_247 = arith.cmpf oeq, %eq3A_245, %eq3A_246 : vector<256x2048xf32>
    %convert_element_type3A_248 = arith.extui %eq3A_247 : vector<256x2048xi1> to vector<256x2048xi32>
    %convert_element_type3A_249 = arith.sitofp %convert_element_type3A_248 : vector<256x2048xi32> to vector<256x2048xf32>
    %convert_element_type3A_250 = arith.truncf %convert_element_type3A_249 : vector<256x2048xf32> to vector<256x2048xbf16>
    %dot_general3A_251 = arith.constant dense<0.000000e+00> : vector<256x2xf32>
    %dot_general3A_252 = tpu.matmul %convert_element_type3A_250, %convert_element_type3A, %dot_general3A_251 {dimension_numbers = #tpu.dot_dimension_numbers<[1], [0], [0], [1], [0, 0, 1, 1], [], []>, transpose_lhs_hint = false} : vector<256x2048xbf16>, vector<2048x2xbf16>, vector<256x2xf32> -> vector<256x2xf32>
    %slice3A_253 = vector.extract_strided_slice %dot_general3A_252 {offsets = [0, 0], sizes = [256, 1], strides = [1, 1]} : vector<256x2xf32> to vector<256x1xf32>
    %mul3A_254 = arith.constant 8.000000e+00 : f32
    %mul3A_255 = vector.broadcast %mul3A_254 : f32 to vector<256x1xf32>
    %mul3A_256 = arith.mulf %slice3A_253, %mul3A_255 : vector<256x1xf32>
    %slice3A_257 = vector.extract_strided_slice %dot_general3A_252 {offsets = [0, 1], sizes = [256, 1], strides = [1, 1]} : vector<256x2xf32> to vector<256x1xf32>
    %add3A_258 = arith.addf %mul3A_256, %slice3A_257 : vector<256x1xf32>
    %swap3A_259 = arith.constant 256 : index
    %swap3A_260 = arith.constant 0 : index
    %swap3A_261 = vector.load %arg7[%swap3A_259, %swap3A_260] : memref<2048x1xf32, #tpu.memory_space<vmem>>, vector<256x1xf32>
    tpu.vector_store %arg7[%swap3A_259, %swap3A_260], %add3A_258 {strides = array<i32>} : memref<2048x1xf32, #tpu.memory_space<vmem>>, vector<256x1xf32>,
    %iota3A_262 = tpu.iota {dimensions = array<i32: 0>} : vector<256x1xi32>
    %convert_element_type3A_263 = arith.sitofp %iota3A_262 : vector<256x1xi32> to vector<256x1xf32>
    %add3A_264 = arith.constant 5.120000e+02 : f32
    %add3A_265 = vector.broadcast %add3A_264 : f32 to vector<256x1xf32>
    %add3A_266 = arith.addf %convert_element_type3A_263, %add3A_265 : vector<256x1xf32>
    %eq3A_267 = vector.broadcast %transpose3A_218 : vector<1x2048xf32> to vector<256x2048xf32>
    %eq3A_268 = vector.broadcast %add3A_266 : vector<256x1xf32> to vector<256x2048xf32>
    %eq3A_269 = arith.cmpf oeq, %eq3A_267, %eq3A_268 : vector<256x2048xf32>
    %convert_element_type3A_270 = arith.extui %eq3A_269 : vector<256x2048xi1> to vector<256x2048xi32>
    %convert_element_type3A_271 = arith.sitofp %convert_element_type3A_270 : vector<256x2048xi32> to vector<256x2048xf32>
    %convert_element_type3A_272 = arith.truncf %convert_element_type3A_271 : vector<256x2048xf32> to vector<256x2048xbf16>
    %dot_general3A_273 = arith.constant dense<0.000000e+00> : vector<256x2xf32>
    %dot_general3A_274 = tpu.matmul %convert_element_type3A_272, %convert_element_type3A, %dot_general3A_273 {dimension_numbers = #tpu.dot_dimension_numbers<[1], [0], [0], [1], [0, 0, 1, 1], [], []>, transpose_lhs_hint = false} : vector<256x2048xbf16>, vector<2048x2xbf16>, vector<256x2xf32> -> vector<256x2xf32>
    %slice3A_275 = vector.extract_strided_slice %dot_general3A_274 {offsets = [0, 0], sizes = [256, 1], strides = [1, 1]} : vector<256x2xf32> to vector<256x1xf32>
    %mul3A_276 = arith.constant 8.000000e+00 : f32
    %mul3A_277 = vector.broadcast %mul3A_276 : f32 to vector<256x1xf32>
    %mul3A_278 = arith.mulf %slice3A_275, %mul3A_277 : vector<256x1xf32>
    %slice3A_279 = vector.extract_strided_slice %dot_general3A_274 {offsets = [0, 1], sizes = [256, 1], strides = [1, 1]} : vector<256x2xf32> to vector<256x1xf32>
    %add3A_280 = arith.addf %mul3A_278, %slice3A_279 : vector<256x1xf32>
    %swap3A_281 = arith.constant 512 : index
    %swap3A_282 = arith.constant 0 : index
    %swap3A_283 = vector.load %arg7[%swap3A_281, %swap3A_282] : memref<2048x1xf32, #tpu.memory_space<vmem>>, vector<256x1xf32>
    tpu.vector_store %arg7[%swap3A_281, %swap3A_282], %add3A_280 {strides = array<i32>} : memref<2048x1xf32, #tpu.memory_space<vmem>>, vector<256x1xf32>,
    %iota3A_284 = tpu.iota {dimensions = array<i32: 0>} : vector<256x1xi32>
    %convert_element_type3A_285 = arith.sitofp %iota3A_284 : vector<256x1xi32> to vector<256x1xf32>
    %add3A_286 = arith.constant 7.680000e+02 : f32
    %add3A_287 = vector.broadcast %add3A_286 : f32 to vector<256x1xf32>
    %add3A_288 = arith.addf %convert_element_type3A_285, %add3A_287 : vector<256x1xf32>
    %eq3A_289 = vector.broadcast %transpose3A_218 : vector<1x2048xf32> to vector<256x2048xf32>
    %eq3A_290 = vector.broadcast %add3A_288 : vector<256x1xf32> to vector<256x2048xf32>
    %eq3A_291 = arith.cmpf oeq, %eq3A_289, %eq3A_290 : vector<256x2048xf32>
    %convert_element_type3A_292 = arith.extui %eq3A_291 : vector<256x2048xi1> to vector<256x2048xi32>
    %convert_element_type3A_293 = arith.sitofp %convert_element_type3A_292 : vector<256x2048xi32> to vector<256x2048xf32>
    %convert_element_type3A_294 = arith.truncf %convert_element_type3A_293 : vector<256x2048xf32> to vector<256x2048xbf16>
    %dot_general3A_295 = arith.constant dense<0.000000e+00> : vector<256x2xf32>
    %dot_general3A_296 = tpu.matmul %convert_element_type3A_294, %convert_element_type3A, %dot_general3A_295 {dimension_numbers = #tpu.dot_dimension_numbers<[1], [0], [0], [1], [0, 0, 1, 1], [], []>, transpose_lhs_hint = false} : vector<256x2048xbf16>, vector<2048x2xbf16>, vector<256x2xf32> -> vector<256x2xf32>
    %slice3A_297 = vector.extract_strided_slice %dot_general3A_296 {offsets = [0, 0], sizes = [256, 1], strides = [1, 1]} : vector<256x2xf32> to vector<256x1xf32>
    %mul3A_298 = arith.constant 8.000000e+00 : f32
    %mul3A_299 = vector.broadcast %mul3A_298 : f32 to vector<256x1xf32>
    %mul3A_300 = arith.mulf %slice3A_297, %mul3A_299 : vector<256x1xf32>
    %slice3A_301 = vector.extract_strided_slice %dot_general3A_296 {offsets = [0, 1], sizes = [256, 1], strides = [1, 1]} : vector<256x2xf32> to vector<256x1xf32>
    %add3A_302 = arith.addf %mul3A_300, %slice3A_301 : vector<256x1xf32>
    %swap3A_303 = arith.constant 768 : index
    %swap3A_304 = arith.constant 0 : index
    %swap3A_305 = vector.load %arg7[%swap3A_303, %swap3A_304] : memref<2048x1xf32, #tpu.memory_space<vmem>>, vector<256x1xf32>
    tpu.vector_store %arg7[%swap3A_303, %swap3A_304], %add3A_302 {strides = array<i32>} : memref<2048x1xf32, #tpu.memory_space<vmem>>, vector<256x1xf32>,
    %iota3A_306 = tpu.iota {dimensions = array<i32: 0>} : vector<256x1xi32>
    %convert_element_type3A_307 = arith.sitofp %iota3A_306 : vector<256x1xi32> to vector<256x1xf32>
    %add3A_308 = arith.constant 1.024000e+03 : f32
    %add3A_309 = vector.broadcast %add3A_308 : f32 to vector<256x1xf32>
    %add3A_310 = arith.addf %convert_element_type3A_307, %add3A_309 : vector<256x1xf32>
    %eq3A_311 = vector.broadcast %transpose3A_218 : vector<1x2048xf32> to vector<256x2048xf32>
    %eq3A_312 = vector.broadcast %add3A_310 : vector<256x1xf32> to vector<256x2048xf32>
    %eq3A_313 = arith.cmpf oeq, %eq3A_311, %eq3A_312 : vector<256x2048xf32>
    %convert_element_type3A_314 = arith.extui %eq3A_313 : vector<256x2048xi1> to vector<256x2048xi32>
    %convert_element_type3A_315 = arith.sitofp %convert_element_type3A_314 : vector<256x2048xi32> to vector<256x2048xf32>
    %convert_element_type3A_316 = arith.truncf %convert_element_type3A_315 : vector<256x2048xf32> to vector<256x2048xbf16>
    %dot_general3A_317 = arith.constant dense<0.000000e+00> : vector<256x2xf32>
    %dot_general3A_318 = tpu.matmul %convert_element_type3A_316, %convert_element_type3A, %dot_general3A_317 {dimension_numbers = #tpu.dot_dimension_numbers<[1], [0], [0], [1], [0, 0, 1, 1], [], []>, transpose_lhs_hint = false} : vector<256x2048xbf16>, vector<2048x2xbf16>, vector<256x2xf32> -> vector<256x2xf32>
    %slice3A_319 = vector.extract_strided_slice %dot_general3A_318 {offsets = [0, 0], sizes = [256, 1], strides = [1, 1]} : vector<256x2xf32> to vector<256x1xf32>
    %mul3A_320 = arith.constant 8.000000e+00 : f32
    %mul3A_321 = vector.broadcast %mul3A_320 : f32 to vector<256x1xf32>
    %mul3A_322 = arith.mulf %slice3A_319, %mul3A_321 : vector<256x1xf32>
    %slice3A_323 = vector.extract_strided_slice %dot_general3A_318 {offsets = [0, 1], sizes = [256, 1], strides = [1, 1]} : vector<256x2xf32> to vector<256x1xf32>
    %add3A_324 = arith.addf %mul3A_322, %slice3A_323 : vector<256x1xf32>
    %swap3A_325 = arith.constant 1024 : index
    %swap3A_326 = arith.constant 0 : index
    %swap3A_327 = vector.load %arg7[%swap3A_325, %swap3A_326] : memref<2048x1xf32, #tpu.memory_space<vmem>>, vector<256x1xf32>
    tpu.vector_store %arg7[%swap3A_325, %swap3A_326], %add3A_324 {strides = array<i32>} : memref<2048x1xf32, #tpu.memory_space<vmem>>, vector<256x1xf32>,
    %iota3A_328 = tpu.iota {dimensions = array<i32: 0>} : vector<256x1xi32>
    %convert_element_type3A_329 = arith.sitofp %iota3A_328 : vector<256x1xi32> to vector<256x1xf32>
    %add3A_330 = arith.constant 1.280000e+03 : f32
    %add3A_331 = vector.broadcast %add3A_330 : f32 to vector<256x1xf32>
    %add3A_332 = arith.addf %convert_element_type3A_329, %add3A_331 : vector<256x1xf32>
    %eq3A_333 = vector.broadcast %transpose3A_218 : vector<1x2048xf32> to vector<256x2048xf32>
    %eq3A_334 = vector.broadcast %add3A_332 : vector<256x1xf32> to vector<256x2048xf32>
    %eq3A_335 = arith.cmpf oeq, %eq3A_333, %eq3A_334 : vector<256x2048xf32>
    %convert_element_type3A_336 = arith.extui %eq3A_335 : vector<256x2048xi1> to vector<256x2048xi32>
    %convert_element_type3A_337 = arith.sitofp %convert_element_type3A_336 : vector<256x2048xi32> to vector<256x2048xf32>
    %convert_element_type3A_338 = arith.truncf %convert_element_type3A_337 : vector<256x2048xf32> to vector<256x2048xbf16>
    %dot_general3A_339 = arith.constant dense<0.000000e+00> : vector<256x2xf32>
    %dot_general3A_340 = tpu.matmul %convert_element_type3A_338, %convert_element_type3A, %dot_general3A_339 {dimension_numbers = #tpu.dot_dimension_numbers<[1], [0], [0], [1], [0, 0, 1, 1], [], []>, transpose_lhs_hint = false} : vector<256x2048xbf16>, vector<2048x2xbf16>, vector<256x2xf32> -> vector<256x2xf32>
    %slice3A_341 = vector.extract_strided_slice %dot_general3A_340 {offsets = [0, 0], sizes = [256, 1], strides = [1, 1]} : vector<256x2xf32> to vector<256x1xf32>
    %mul3A_342 = arith.constant 8.000000e+00 : f32
    %mul3A_343 = vector.broadcast %mul3A_342 : f32 to vector<256x1xf32>
    %mul3A_344 = arith.mulf %slice3A_341, %mul3A_343 : vector<256x1xf32>
    %slice3A_345 = vector.extract_strided_slice %dot_general3A_340 {offsets = [0, 1], sizes = [256, 1], strides = [1, 1]} : vector<256x2xf32> to vector<256x1xf32>
    %add3A_346 = arith.addf %mul3A_344, %slice3A_345 : vector<256x1xf32>
    %swap3A_347 = arith.constant 1280 : index
    %swap3A_348 = arith.constant 0 : index
    %swap3A_349 = vector.load %arg7[%swap3A_347, %swap3A_348] : memref<2048x1xf32, #tpu.memory_space<vmem>>, vector<256x1xf32>
    tpu.vector_store %arg7[%swap3A_347, %swap3A_348], %add3A_346 {strides = array<i32>} : memref<2048x1xf32, #tpu.memory_space<vmem>>, vector<256x1xf32>,
    %iota3A_350 = tpu.iota {dimensions = array<i32: 0>} : vector<256x1xi32>
    %convert_element_type3A_351 = arith.sitofp %iota3A_350 : vector<256x1xi32> to vector<256x1xf32>
    %add3A_352 = arith.constant 1.536000e+03 : f32
    %add3A_353 = vector.broadcast %add3A_352 : f32 to vector<256x1xf32>
    %add3A_354 = arith.addf %convert_element_type3A_351, %add3A_353 : vector<256x1xf32>
    %eq3A_355 = vector.broadcast %transpose3A_218 : vector<1x2048xf32> to vector<256x2048xf32>
    %eq3A_356 = vector.broadcast %add3A_354 : vector<256x1xf32> to vector<256x2048xf32>
    %eq3A_357 = arith.cmpf oeq, %eq3A_355, %eq3A_356 : vector<256x2048xf32>
    %convert_element_type3A_358 = arith.extui %eq3A_357 : vector<256x2048xi1> to vector<256x2048xi32>
    %convert_element_type3A_359 = arith.sitofp %convert_element_type3A_358 : vector<256x2048xi32> to vector<256x2048xf32>
    %convert_element_type3A_360 = arith.truncf %convert_element_type3A_359 : vector<256x2048xf32> to vector<256x2048xbf16>
    %dot_general3A_361 = arith.constant dense<0.000000e+00> : vector<256x2xf32>
    %dot_general3A_362 = tpu.matmul %convert_element_type3A_360, %convert_element_type3A, %dot_general3A_361 {dimension_numbers = #tpu.dot_dimension_numbers<[1], [0], [0], [1], [0, 0, 1, 1], [], []>, transpose_lhs_hint = false} : vector<256x2048xbf16>, vector<2048x2xbf16>, vector<256x2xf32> -> vector<256x2xf32>
    %slice3A_363 = vector.extract_strided_slice %dot_general3A_362 {offsets = [0, 0], sizes = [256, 1], strides = [1, 1]} : vector<256x2xf32> to vector<256x1xf32>
    %mul3A_364 = arith.constant 8.000000e+00 : f32
    %mul3A_365 = vector.broadcast %mul3A_364 : f32 to vector<256x1xf32>
    %mul3A_366 = arith.mulf %slice3A_363, %mul3A_365 : vector<256x1xf32>
    %slice3A_367 = vector.extract_strided_slice %dot_general3A_362 {offsets = [0, 1], sizes = [256, 1], strides = [1, 1]} : vector<256x2xf32> to vector<256x1xf32>
    %add3A_368 = arith.addf %mul3A_366, %slice3A_367 : vector<256x1xf32>
    %swap3A_369 = arith.constant 1536 : index
    %swap3A_370 = arith.constant 0 : index
    %swap3A_371 = vector.load %arg7[%swap3A_369, %swap3A_370] : memref<2048x1xf32, #tpu.memory_space<vmem>>, vector<256x1xf32>
    tpu.vector_store %arg7[%swap3A_369, %swap3A_370], %add3A_368 {strides = array<i32>} : memref<2048x1xf32, #tpu.memory_space<vmem>>, vector<256x1xf32>,
    %iota3A_372 = tpu.iota {dimensions = array<i32: 0>} : vector<256x1xi32>
    %convert_element_type3A_373 = arith.sitofp %iota3A_372 : vector<256x1xi32> to vector<256x1xf32>
    %add3A_374 = arith.constant 1.792000e+03 : f32
    %add3A_375 = vector.broadcast %add3A_374 : f32 to vector<256x1xf32>
    %add3A_376 = arith.addf %convert_element_type3A_373, %add3A_375 : vector<256x1xf32>
    %eq3A_377 = vector.broadcast %transpose3A_218 : vector<1x2048xf32> to vector<256x2048xf32>
    %eq3A_378 = vector.broadcast %add3A_376 : vector<256x1xf32> to vector<256x2048xf32>
    %eq3A_379 = arith.cmpf oeq, %eq3A_377, %eq3A_378 : vector<256x2048xf32>
    %convert_element_type3A_380 = arith.extui %eq3A_379 : vector<256x2048xi1> to vector<256x2048xi32>
    %convert_element_type3A_381 = arith.sitofp %convert_element_type3A_380 : vector<256x2048xi32> to vector<256x2048xf32>
    %convert_element_type3A_382 = arith.truncf %convert_element_type3A_381 : vector<256x2048xf32> to vector<256x2048xbf16>
    %dot_general3A_383 = arith.constant dense<0.000000e+00> : vector<256x2xf32>
    %dot_general3A_384 = tpu.matmul %convert_element_type3A_382, %convert_element_type3A, %dot_general3A_383 {dimension_numbers = #tpu.dot_dimension_numbers<[1], [0], [0], [1], [0, 0, 1, 1], [], []>, transpose_lhs_hint = false} : vector<256x2048xbf16>, vector<2048x2xbf16>, vector<256x2xf32> -> vector<256x2xf32>
    %slice3A_385 = vector.extract_strided_slice %dot_general3A_384 {offsets = [0, 0], sizes = [256, 1], strides = [1, 1]} : vector<256x2xf32> to vector<256x1xf32>
    %mul3A_386 = arith.constant 8.000000e+00 : f32
    %mul3A_387 = vector.broadcast %mul3A_386 : f32 to vector<256x1xf32>
    %mul3A_388 = arith.mulf %slice3A_385, %mul3A_387 : vector<256x1xf32>
    %slice3A_389 = vector.extract_strided_slice %dot_general3A_384 {offsets = [0, 1], sizes = [256, 1], strides = [1, 1]} : vector<256x2xf32> to vector<256x1xf32>
    %add3A_390 = arith.addf %mul3A_388, %slice3A_389 : vector<256x1xf32>
    %swap3A_391 = arith.constant 1792 : index
    %swap3A_392 = arith.constant 0 : index
    %swap3A_393 = vector.load %arg7[%swap3A_391, %swap3A_392] : memref<2048x1xf32, #tpu.memory_space<vmem>>, vector<256x1xf32>
    tpu.vector_store %arg7[%swap3A_391, %swap3A_392], %add3A_390 {strides = array<i32>} : memref<2048x1xf32, #tpu.memory_space<vmem>>, vector<256x1xf32>,
    %get3A_394 = arith.constant 0 : index
    %get3A_395 = arith.constant 0 : index
    %get3A_396 = vector.load %arg7[%get3A_394, %get3A_395] : memref<2048x1xf32, #tpu.memory_space<vmem>>, vector<2048x1xf32>
    %transpose3A_397 = tpu.transpose %get3A_396, [1, 0] : vector<2048x1xf32> -> vector<1x2048xf32>
    %convert_element_type3A_398 = arith.sitofp %arg0 : i32 to f32
    %mul3A_399 = arith.constant 2.048000e+03 : f32
    %mul3A_400 = arith.mulf %mul3A_399, %convert_element_type3A_398 : f32
    %add3A_401 = vector.broadcast %mul3A_400 : f32 to vector<1x2048xf32>
    %add3A_402 = arith.addf %transpose3A_397, %add3A_401 : vector<1x2048xf32>
    %slice3A_403 = vector.extract_strided_slice %add3A_402 {offsets = [0, 0], sizes = [1, 1024], strides = [1, 1]} : vector<1x2048xf32> to vector<1x1024xf32>
    %convert_element_type3A_404 = arith.fptosi %slice3A_403 : vector<1x1024xf32> to vector<1x1024xi32>
    %swap3A_405 = arith.constant 0 : index
    %swap3A_406 = arith.constant 0 : index
    %swap3A_407 = arith.constant 0 : index
    %swap3A_408 = vector.load %arg3[%swap3A_405, %swap3A_406, %swap3A_407] : memref<1x1x1024xi32, #tpu.memory_space<vmem>>, vector<1x1x1024xi32>
    %swap3A_409 = vector.shape_cast %swap3A_408 : vector<1x1x1024xi32> to vector<1x1024xi32>
    %swap3A_410 = vector.shape_cast %convert_element_type3A_404 : vector<1x1024xi32> to vector<1x1x1024xi32>
    tpu.vector_store %arg3[%swap3A_405, %swap3A_406, %swap3A_407], %swap3A_410 {strides = array<i32>} : memref<1x1x1024xi32, #tpu.memory_space<vmem>>, vector<1x1x1024xi32>,
    %slice3A_411 = vector.extract_strided_slice %add3A_402 {offsets = [0, 1024], sizes = [1, 1024], strides = [1, 1]} : vector<1x2048xf32> to vector<1x1024xf32>
    %convert_element_type3A_412 = arith.fptosi %slice3A_411 : vector<1x1024xf32> to vector<1x1024xi32>
    %swap3A_413 = arith.constant 0 : index
    %swap3A_414 = arith.constant 0 : index
    %swap3A_415 = arith.constant 0 : index
    %swap3A_416 = vector.load %arg4[%swap3A_413, %swap3A_414, %swap3A_415] : memref<1x1x1024xi32, #tpu.memory_space<vmem>>, vector<1x1x1024xi32>
    %swap3A_417 = vector.shape_cast %swap3A_416 : vector<1x1x1024xi32> to vector<1x1024xi32>
    %swap3A_418 = vector.shape_cast %convert_element_type3A_412 : vector<1x1024xi32> to vector<1x1x1024xi32>
    tpu.vector_store %arg4[%swap3A_413, %swap3A_414, %swap3A_415], %swap3A_418 {strides = array<i32>} : memref<1x1x1024xi32, #tpu.memory_space<vmem>>, vector<1x1x1024xi32>,
    %logistic3A = arith.negf %dot_general3A_7 : vector<1x2048xf32>
    %logistic3A_419 = math.exp %logistic3A : vector<1x2048xf32>
    %logistic3A_420 = arith.constant 1.000000e+00 : f32
    %logistic3A_421 = vector.broadcast %logistic3A_420 : f32 to vector<1x2048xf32>
    %logistic3A_422 = arith.addf %logistic3A_421, %logistic3A_419 : vector<1x2048xf32>
    %logistic3A_423 = arith.divf %logistic3A_421, %logistic3A_422 : vector<1x2048xf32>
    %reduce_sum3A = arith.constant dense<0.000000e+00> : vector<1xf32>
    %reduce_sum3A_424 = vector.multi_reduction <add>, %logistic3A_423, %reduce_sum3A [1] : vector<1x2048xf32> to vector<1xf32>
    %broadcast_in_dim3A_425 = vector.shape_cast %reduce_sum3A_424 : vector<1xf32> to vector<1x1xf32>
    %div3A_426 = arith.constant 2.048000e+03 : f32
    %div3A_427 = vector.broadcast %div3A_426 : f32 to vector<1x1xf32>
    %div3A_428 = arith.divf %broadcast_in_dim3A_425, %div3A_427 : vector<1x1xf32>
    %eq3A_429 = arith.constant 0 : i32
    %eq3A_430 = arith.cmpi eq, %arg0, %eq3A_429 : i32
    %convert_element_type3A_431 = arith.extui %eq3A_430 : i1 to i32
    %cond3A = arith.constant 0 : i32
    %cond3A_432 = arith.cmpi ne, %convert_element_type3A_431, %cond3A : i32
    scf.if %cond3A_432 {
      %broadcast_in_dim3A_446 = arith.constant 0.000000e+00 : f32
      %broadcast_in_dim3A_447 = vector.broadcast %broadcast_in_dim3A_446 : f32 to vector<1x1xf32>
      %swap3A_448 = arith.constant 0 : index
      %swap3A_449 = arith.constant 0 : index
      %swap3A_450 = vector.load %arg5[%swap3A_448, %swap3A_449] : memref<1x1xf32, #tpu.memory_space<vmem>>, vector<1x1xf32>
      tpu.vector_store %arg5[%swap3A_448, %swap3A_449], %broadcast_in_dim3A_447 {strides = array<i32>} : memref<1x1xf32, #tpu.memory_space<vmem>>, vector<1x1xf32>,
    } else {
    }
    %get3A_433 = arith.constant 0 : index
    %get3A_434 = arith.constant 0 : index
    %get3A_435 = vector.load %arg5[%get3A_433, %get3A_434] : memref<1x1xf32, #tpu.memory_space<vmem>>, vector<1x1xf32>
    %sub3A_436 = arith.constant 5.000000e-01 : f32
    %sub3A_437 = vector.broadcast %sub3A_436 : f32 to vector<1x1xf32>
    %sub3A_438 = arith.subf %div3A_428, %sub3A_437 : vector<1x1xf32>
    %integer_pow3A = arith.mulf %sub3A_438, %sub3A_438 : vector<1x1xf32>
    %mul3A_439 = arith.constant 2.500000e-01 : f32
    %mul3A_440 = vector.broadcast %mul3A_439 : f32 to vector<1x1xf32>
    %mul3A_441 = arith.mulf %integer_pow3A, %mul3A_440 : vector<1x1xf32>
    %add3A_442 = arith.addf %get3A_435, %mul3A_441 : vector<1x1xf32>
    %swap3A_443 = arith.constant 0 : index
    %swap3A_444 = arith.constant 0 : index
    %swap3A_445 = vector.load %arg5[%swap3A_443, %swap3A_444] : memref<1x1xf32, #tpu.memory_space<vmem>>, vector<1x1xf32>
    tpu.vector_store %arg5[%swap3A_443, %swap3A_444], %add3A_442 {strides = array<i32>} : memref<1x1xf32, #tpu.memory_space<vmem>>, vector<1x1xf32>,
    return
  }
  func.func @transform_0(%arg0: i32) -> (i32, i32, i32) {
    %c0_i32 = arith.constant 0 : i32
    %c0_i32_0 = arith.constant 0 : i32
    %c0_i32_1 = arith.constant 0 : i32
    return %arg0, %c0_i32, %c0_i32_0 : i32, i32, i32
  }
  func.func @transform_1(%arg0: i32) -> (i32, i32) {
    %c0_i32 = arith.constant 0 : i32
    %c0_i32_0 = arith.constant 0 : i32
    %c0_i32_1 = arith.constant 0 : i32
    return %c0_i32, %c0_i32_0 : i32, i32
  }
  func.func @transform_2(%arg0: i32) -> (i32, i32, i32) {
    %c0_i32 = arith.constant 0 : i32
    %c0_i32_0 = arith.constant 0 : i32
    %c0_i32_1 = arith.constant 0 : i32
    return %arg0, %c0_i32, %c0_i32_0 : i32, i32, i32
  }
  func.func @transform_3(%arg0: i32) -> (i32, i32, i32) {
    %c0_i32 = arith.constant 0 : i32
    %c0_i32_0 = arith.constant 0 : i32
    %c0_i32_1 = arith.constant 0 : i32
    return %arg0, %c0_i32, %c0_i32_0 : i32, i32, i32
  }
  func.func @transform_4(%arg0: i32) -> (i32, i32) {
    %c0_i32 = arith.constant 0 : i32
    %c0_i32_0 = arith.constant 0 : i32
    %c0_i32_1 = arith.constant 0 : i32
    return %c0_i32, %c0_i32_0 : i32, i32
  }
}

module attributes {stable_mosaic.version = 14 : i64} {
  func.func @_attn_body(%arg0: i32, %arg1: memref<1x1024x768xf32, #tpu.memory_space<vmem>>, %arg2: memref<1024x32xf32, #tpu.memory_space<vmem>>, %arg3: memref<768x768xf32, #tpu.memory_space<vmem>>, %arg4: memref<768x768xf32, #tpu.memory_space<vmem>>, %arg5: memref<768x768xf32, #tpu.memory_space<vmem>>, %arg6: memref<768x768xf32, #tpu.memory_space<vmem>>, %arg7: memref<1x1024x768xf32, #tpu.memory_space<vmem>>, %arg8: memref<1024x768xbf16, #tpu.memory_space<vmem>>) attributes {dimension_semantics = [#tpu.dimension_semantics<arbitrary>], iteration_bounds = array<i64: 4>, scalar_prefetch = 0 : i64, scratch_operands = 1 : i64, tpu.core_type = #tpu.core_type<tc>, window_params = [{transform_indices = @transform_0, window_bounds = array<i64: 1, 1024, 768>}, {pipeline_mode = #tpu.pipeline_mode<synchronous>, transform_indices = @transform_1, window_bounds = array<i64: 1024, 32>}, {pipeline_mode = #tpu.pipeline_mode<synchronous>, transform_indices = @transform_2, window_bounds = array<i64: 768, 768>}, {pipeline_mode = #tpu.pipeline_mode<synchronous>, transform_indices = @transform_3, window_bounds = array<i64: 768, 768>}, {pipeline_mode = #tpu.pipeline_mode<synchronous>, transform_indices = @transform_4, window_bounds = array<i64: 768, 768>}, {pipeline_mode = #tpu.pipeline_mode<synchronous>, transform_indices = @transform_5, window_bounds = array<i64: 768, 768>}, {transform_indices = @transform_6, window_bounds = array<i64: 1, 1024, 768>}]} {
    %get3A = arith.constant 0 : index
    %get3A_0 = arith.constant 0 : index
    %get3A_1 = arith.constant 0 : index
    %get3A_2 = vector.load %arg1[%get3A, %get3A_0, %get3A_1] : memref<1x1024x768xf32, #tpu.memory_space<vmem>>, vector<1x1024x768xf32>
    %get3A_3 = vector.shape_cast %get3A_2 : vector<1x1024x768xf32> to vector<1024x768xf32>
    %get3A_4 = arith.constant 0 : index
    %get3A_5 = arith.constant 0 : index
    %get3A_6 = vector.load %arg2[%get3A_4, %get3A_5] : memref<1024x32xf32, #tpu.memory_space<vmem>>, vector<1024x32xf32>
    %cos3A = math.cos %get3A_6 : vector<1024x32xf32>
    %sin3A = math.sin %get3A_6 : vector<1024x32xf32>
    %mul3A = arith.mulf %get3A_3, %get3A_3 : vector<1024x768xf32>
    %reduce_sum3A = arith.constant dense<0.000000e+00> : vector<1024xf32>
    %reduce_sum3A_7 = vector.multi_reduction <add>, %mul3A, %reduce_sum3A [1] : vector<1024x768xf32> to vector<1024xf32>
    %broadcast_in_dim3A = vector.shape_cast %reduce_sum3A_7 : vector<1024xf32> to vector<1024x1xf32>
    %div3A = arith.constant 7.680000e+02 : f32
    %div3A_8 = vector.broadcast %div3A : f32 to vector<1024x1xf32>
    %div3A_9 = arith.divf %broadcast_in_dim3A, %div3A_8 : vector<1024x1xf32>
    %add3A = arith.constant 9.99999997E-7 : f32
    %add3A_10 = vector.broadcast %add3A : f32 to vector<1024x1xf32>
    %add3A_11 = arith.addf %div3A_9, %add3A_10 : vector<1024x1xf32>
    %rsqrt3A = math.rsqrt %add3A_11 : vector<1024x1xf32>
    %mul3A_12 = vector.broadcast %rsqrt3A : vector<1024x1xf32> to vector<1024x768xf32>
    %mul3A_13 = arith.mulf %get3A_3, %mul3A_12 : vector<1024x768xf32>
    %convert_element_type3A = arith.truncf %mul3A_13 : vector<1024x768xf32> to vector<1024x768xbf16>
    %get3A_14 = arith.constant 0 : index
    %get3A_15 = arith.constant 0 : index
    %get3A_16 = vector.load %arg3[%get3A_14, %get3A_15] : memref<768x768xf32, #tpu.memory_space<vmem>>, vector<768x768xf32>
    %convert_element_type3A_17 = arith.truncf %get3A_16 : vector<768x768xf32> to vector<768x768xbf16>
    %dot_general3A = arith.constant dense<0.000000e+00> : vector<1024x768xf32>
    %dot_general3A_18 = tpu.matmul %convert_element_type3A, %convert_element_type3A_17, %dot_general3A {dimension_numbers = #tpu.dot_dimension_numbers<[1], [0], [0], [1], [0, 0, 1, 1], [], []>, transpose_lhs_hint = false} : vector<1024x768xbf16>, vector<768x768xbf16>, vector<1024x768xf32> -> vector<1024x768xf32>
    %get3A_19 = arith.constant 0 : index
    %get3A_20 = arith.constant 0 : index
    %get3A_21 = vector.load %arg4[%get3A_19, %get3A_20] : memref<768x768xf32, #tpu.memory_space<vmem>>, vector<768x768xf32>
    %convert_element_type3A_22 = arith.truncf %get3A_21 : vector<768x768xf32> to vector<768x768xbf16>
    %dot_general3A_23 = arith.constant dense<0.000000e+00> : vector<1024x768xf32>
    %dot_general3A_24 = tpu.matmul %convert_element_type3A, %convert_element_type3A_22, %dot_general3A_23 {dimension_numbers = #tpu.dot_dimension_numbers<[1], [0], [0], [1], [0, 0, 1, 1], [], []>, transpose_lhs_hint = false} : vector<1024x768xbf16>, vector<768x768xbf16>, vector<1024x768xf32> -> vector<1024x768xf32>
    %get3A_25 = arith.constant 0 : index
    %get3A_26 = arith.constant 0 : index
    %get3A_27 = vector.load %arg5[%get3A_25, %get3A_26] : memref<768x768xf32, #tpu.memory_space<vmem>>, vector<768x768xf32>
    %convert_element_type3A_28 = arith.truncf %get3A_27 : vector<768x768xf32> to vector<768x768xbf16>
    %dot_general3A_29 = arith.constant dense<0.000000e+00> : vector<1024x768xf32>
    %dot_general3A_30 = tpu.matmul %convert_element_type3A, %convert_element_type3A_28, %dot_general3A_29 {dimension_numbers = #tpu.dot_dimension_numbers<[1], [0], [0], [1], [0, 0, 1, 1], [], []>, transpose_lhs_hint = false} : vector<1024x768xbf16>, vector<768x768xbf16>, vector<1024x768xf32> -> vector<1024x768xf32>
    %convert_element_type3A_31 = arith.truncf %dot_general3A_30 : vector<1024x768xf32> to vector<1024x768xbf16>
    %broadcast_in_dim3A_32 = arith.constant 1.000000e+00 : bf16
    %broadcast_in_dim3A_33 = vector.broadcast %broadcast_in_dim3A_32 : bf16 to vector<1024x1xbf16>
    %iota3A = tpu.iota {dimensions = array<i32: 0>} : vector<256x256xi32>
    %iota3A_34 = tpu.iota {dimensions = array<i32: 1>} : vector<256x256xi32>
    %ge3A = arith.cmpi sge, %iota3A, %iota3A_34 : vector<256x256xi32>
    %convert_element_type3A_35 = arith.extui %ge3A : vector<256x256xi1> to vector<256x256xi32>
    %convert_element_type3A_36 = arith.sitofp %convert_element_type3A_35 : vector<256x256xi32> to vector<256x256xf32>
    %slice3A = vector.extract_strided_slice %dot_general3A_18 {offsets = [0, 0], sizes = [1024, 32], strides = [1, 1]} : vector<1024x768xf32> to vector<1024x32xf32>
    %slice3A_37 = vector.extract_strided_slice %dot_general3A_18 {offsets = [0, 32], sizes = [1024, 32], strides = [1, 1]} : vector<1024x768xf32> to vector<1024x32xf32>
    %slice3A_38 = vector.extract_strided_slice %dot_general3A_24 {offsets = [0, 0], sizes = [1024, 32], strides = [1, 1]} : vector<1024x768xf32> to vector<1024x32xf32>
    %slice3A_39 = vector.extract_strided_slice %dot_general3A_24 {offsets = [0, 32], sizes = [1024, 32], strides = [1, 1]} : vector<1024x768xf32> to vector<1024x32xf32>
    %mul3A_40 = arith.mulf %slice3A, %cos3A : vector<1024x32xf32>
    %mul3A_41 = arith.mulf %slice3A_37, %sin3A : vector<1024x32xf32>
    %sub3A = arith.subf %mul3A_40, %mul3A_41 : vector<1024x32xf32>
    %mul3A_42 = arith.mulf %slice3A_37, %cos3A : vector<1024x32xf32>
    %mul3A_43 = arith.mulf %slice3A, %sin3A : vector<1024x32xf32>
    %add3A_44 = arith.addf %mul3A_42, %mul3A_43 : vector<1024x32xf32>
    %concatenate3A = tpu.concatenate %sub3A, %add3A_44 in 1 : vector<1024x32xf32>, vector<1024x32xf32> -> vector<1024x64xf32>
    %mul3A_45 = arith.constant 1.250000e-01 : f32
    %mul3A_46 = vector.broadcast %mul3A_45 : f32 to vector<1024x64xf32>
    %mul3A_47 = arith.mulf %concatenate3A, %mul3A_46 : vector<1024x64xf32>
    %convert_element_type3A_48 = arith.truncf %mul3A_47 : vector<1024x64xf32> to vector<1024x64xbf16>
    %mul3A_49 = arith.mulf %slice3A_38, %cos3A : vector<1024x32xf32>
    %mul3A_50 = arith.mulf %slice3A_39, %sin3A : vector<1024x32xf32>
    %sub3A_51 = arith.subf %mul3A_49, %mul3A_50 : vector<1024x32xf32>
    %mul3A_52 = arith.mulf %slice3A_39, %cos3A : vector<1024x32xf32>
    %mul3A_53 = arith.mulf %slice3A_38, %sin3A : vector<1024x32xf32>
    %add3A_54 = arith.addf %mul3A_52, %mul3A_53 : vector<1024x32xf32>
    %concatenate3A_55 = tpu.concatenate %sub3A_51, %add3A_54 in 1 : vector<1024x32xf32>, vector<1024x32xf32> -> vector<1024x64xf32>
    %convert_element_type3A_56 = arith.truncf %concatenate3A_55 : vector<1024x64xf32> to vector<1024x64xbf16>
    %slice3A_57 = vector.extract_strided_slice %convert_element_type3A_31 {offsets = [0, 0], sizes = [1024, 64], strides = [1, 1]} : vector<1024x768xbf16> to vector<1024x64xbf16>
    %concatenate3A_58 = tpu.concatenate %slice3A_57, %broadcast_in_dim3A_33 in 1 : vector<1024x64xbf16>, vector<1024x1xbf16> -> vector<1024x65xbf16>
    %slice3A_59 = vector.extract_strided_slice %convert_element_type3A_48 {offsets = [0, 0], sizes = [256, 64], strides = [1, 1]} : vector<1024x64xbf16> to vector<256x64xbf16>
    %slice3A_60 = vector.extract_strided_slice %convert_element_type3A_56 {offsets = [0, 0], sizes = [256, 64], strides = [1, 1]} : vector<1024x64xbf16> to vector<256x64xbf16>
    %dot_general3A_61 = arith.constant dense<0.000000e+00> : vector<256x256xf32>
    %dot_general3A_62 = tpu.matmul %slice3A_59, %slice3A_60, %dot_general3A_61 {dimension_numbers = #tpu.dot_dimension_numbers<[1], [1], [0], [0], [0, 0, 1, 0], [], []>, transpose_lhs_hint = false} : vector<256x64xbf16>, vector<256x64xbf16>, vector<256x256xf32> -> vector<256x256xf32>
    %exp3A = math.exp %dot_general3A_62 : vector<256x256xf32>
    %mul3A_63 = arith.mulf %exp3A, %convert_element_type3A_36 : vector<256x256xf32>
    %convert_element_type3A_64 = arith.truncf %mul3A_63 : vector<256x256xf32> to vector<256x256xbf16>
    %slice3A_65 = vector.extract_strided_slice %concatenate3A_58 {offsets = [0, 0], sizes = [256, 65], strides = [1, 1]} : vector<1024x65xbf16> to vector<256x65xbf16>
    %dot_general3A_66 = arith.constant dense<0.000000e+00> : vector<256x65xf32>
    %dot_general3A_67 = tpu.matmul %convert_element_type3A_64, %slice3A_65, %dot_general3A_66 {dimension_numbers = #tpu.dot_dimension_numbers<[1], [0], [0], [1], [0, 0, 1, 1], [], []>, transpose_lhs_hint = false} : vector<256x256xbf16>, vector<256x65xbf16>, vector<256x65xf32> -> vector<256x65xf32>
    %slice3A_68 = vector.extract_strided_slice %dot_general3A_67 {offsets = [0, 0], sizes = [256, 64], strides = [1, 1]} : vector<256x65xf32> to vector<256x64xf32>
    %slice3A_69 = vector.extract_strided_slice %dot_general3A_67 {offsets = [0, 64], sizes = [256, 1], strides = [1, 1]} : vector<256x65xf32> to vector<256x1xf32>
    %div3A_70 = arith.constant 1.000000e+00 : f32
    %div3A_71 = vector.broadcast %div3A_70 : f32 to vector<256x1xf32>
    %div3A_72 = arith.divf %div3A_71, %slice3A_69 : vector<256x1xf32>
    %mul3A_73 = vector.broadcast %div3A_72 : vector<256x1xf32> to vector<256x64xf32>
    %mul3A_74 = arith.mulf %slice3A_68, %mul3A_73 : vector<256x64xf32>
    %convert_element_type3A_75 = arith.truncf %mul3A_74 : vector<256x64xf32> to vector<256x64xbf16>
    %swap3A = arith.constant 0 : index
    %swap3A_76 = arith.constant 0 : index
    %swap3A_77 = vector.load %arg8[%swap3A, %swap3A_76] : memref<1024x768xbf16, #tpu.memory_space<vmem>>, vector<256x64xbf16>
    tpu.vector_store %arg8[%swap3A, %swap3A_76], %convert_element_type3A_75 {strides = array<i32>} : memref<1024x768xbf16, #tpu.memory_space<vmem>>, vector<256x64xbf16>,
    %slice3A_78 = vector.extract_strided_slice %convert_element_type3A_48 {offsets = [256, 0], sizes = [256, 64], strides = [1, 1]} : vector<1024x64xbf16> to vector<256x64xbf16>
    %slice3A_79 = vector.extract_strided_slice %convert_element_type3A_56 {offsets = [0, 0], sizes = [512, 64], strides = [1, 1]} : vector<1024x64xbf16> to vector<512x64xbf16>
    %dot_general3A_80 = arith.constant dense<0.000000e+00> : vector<256x512xf32>
    %dot_general3A_81 = tpu.matmul %slice3A_78, %slice3A_79, %dot_general3A_80 {dimension_numbers = #tpu.dot_dimension_numbers<[1], [1], [0], [0], [0, 0, 1, 0], [], []>, transpose_lhs_hint = false} : vector<256x64xbf16>, vector<512x64xbf16>, vector<256x512xf32> -> vector<256x512xf32>
    %slice3A_82 = vector.extract_strided_slice %dot_general3A_81 {offsets = [0, 256], sizes = [256, 256], strides = [1, 1]} : vector<256x512xf32> to vector<256x256xf32>
    %exp3A_83 = math.exp %slice3A_82 : vector<256x256xf32>
    %mul3A_84 = arith.mulf %exp3A_83, %convert_element_type3A_36 : vector<256x256xf32>
    %convert_element_type3A_85 = arith.truncf %mul3A_84 : vector<256x256xf32> to vector<256x256xbf16>
    %slice3A_86 = vector.extract_strided_slice %concatenate3A_58 {offsets = [256, 0], sizes = [256, 65], strides = [1, 1]} : vector<1024x65xbf16> to vector<256x65xbf16>
    %dot_general3A_87 = arith.constant dense<0.000000e+00> : vector<256x65xf32>
    %dot_general3A_88 = tpu.matmul %convert_element_type3A_85, %slice3A_86, %dot_general3A_87 {dimension_numbers = #tpu.dot_dimension_numbers<[1], [0], [0], [1], [0, 0, 1, 1], [], []>, transpose_lhs_hint = false} : vector<256x256xbf16>, vector<256x65xbf16>, vector<256x65xf32> -> vector<256x65xf32>
    %slice3A_89 = vector.extract_strided_slice %dot_general3A_81 {offsets = [0, 0], sizes = [256, 256], strides = [1, 1]} : vector<256x512xf32> to vector<256x256xf32>
    %exp3A_90 = math.exp %slice3A_89 : vector<256x256xf32>
    %convert_element_type3A_91 = arith.truncf %exp3A_90 : vector<256x256xf32> to vector<256x256xbf16>
    %slice3A_92 = vector.extract_strided_slice %concatenate3A_58 {offsets = [0, 0], sizes = [256, 65], strides = [1, 1]} : vector<1024x65xbf16> to vector<256x65xbf16>
    %dot_general3A_93 = arith.constant dense<0.000000e+00> : vector<256x65xf32>
    %dot_general3A_94 = tpu.matmul %convert_element_type3A_91, %slice3A_92, %dot_general3A_93 {dimension_numbers = #tpu.dot_dimension_numbers<[1], [0], [0], [1], [0, 0, 1, 1], [], []>, transpose_lhs_hint = false} : vector<256x256xbf16>, vector<256x65xbf16>, vector<256x65xf32> -> vector<256x65xf32>
    %add3A_95 = arith.addf %dot_general3A_88, %dot_general3A_94 : vector<256x65xf32>
    %slice3A_96 = vector.extract_strided_slice %add3A_95 {offsets = [0, 0], sizes = [256, 64], strides = [1, 1]} : vector<256x65xf32> to vector<256x64xf32>
    %slice3A_97 = vector.extract_strided_slice %add3A_95 {offsets = [0, 64], sizes = [256, 1], strides = [1, 1]} : vector<256x65xf32> to vector<256x1xf32>
    %div3A_98 = arith.constant 1.000000e+00 : f32
    %div3A_99 = vector.broadcast %div3A_98 : f32 to vector<256x1xf32>
    %div3A_100 = arith.divf %div3A_99, %slice3A_97 : vector<256x1xf32>
    %mul3A_101 = vector.broadcast %div3A_100 : vector<256x1xf32> to vector<256x64xf32>
    %mul3A_102 = arith.mulf %slice3A_96, %mul3A_101 : vector<256x64xf32>
    %convert_element_type3A_103 = arith.truncf %mul3A_102 : vector<256x64xf32> to vector<256x64xbf16>
    %swap3A_104 = arith.constant 256 : index
    %swap3A_105 = arith.constant 0 : index
    %swap3A_106 = vector.load %arg8[%swap3A_104, %swap3A_105] : memref<1024x768xbf16, #tpu.memory_space<vmem>>, vector<256x64xbf16>
    tpu.vector_store %arg8[%swap3A_104, %swap3A_105], %convert_element_type3A_103 {strides = array<i32>} : memref<1024x768xbf16, #tpu.memory_space<vmem>>, vector<256x64xbf16>,
    %slice3A_107 = vector.extract_strided_slice %convert_element_type3A_48 {offsets = [512, 0], sizes = [256, 64], strides = [1, 1]} : vector<1024x64xbf16> to vector<256x64xbf16>
    %slice3A_108 = vector.extract_strided_slice %convert_element_type3A_56 {offsets = [0, 0], sizes = [768, 64], strides = [1, 1]} : vector<1024x64xbf16> to vector<768x64xbf16>
    %dot_general3A_109 = arith.constant dense<0.000000e+00> : vector<256x768xf32>
    %dot_general3A_110 = tpu.matmul %slice3A_107, %slice3A_108, %dot_general3A_109 {dimension_numbers = #tpu.dot_dimension_numbers<[1], [1], [0], [0], [0, 0, 1, 0], [], []>, transpose_lhs_hint = false} : vector<256x64xbf16>, vector<768x64xbf16>, vector<256x768xf32> -> vector<256x768xf32>
    %slice3A_111 = vector.extract_strided_slice %dot_general3A_110 {offsets = [0, 512], sizes = [256, 256], strides = [1, 1]} : vector<256x768xf32> to vector<256x256xf32>
    %exp3A_112 = math.exp %slice3A_111 : vector<256x256xf32>
    %mul3A_113 = arith.mulf %exp3A_112, %convert_element_type3A_36 : vector<256x256xf32>
    %convert_element_type3A_114 = arith.truncf %mul3A_113 : vector<256x256xf32> to vector<256x256xbf16>
    %slice3A_115 = vector.extract_strided_slice %concatenate3A_58 {offsets = [512, 0], sizes = [256, 65], strides = [1, 1]} : vector<1024x65xbf16> to vector<256x65xbf16>
    %dot_general3A_116 = arith.constant dense<0.000000e+00> : vector<256x65xf32>
    %dot_general3A_117 = tpu.matmul %convert_element_type3A_114, %slice3A_115, %dot_general3A_116 {dimension_numbers = #tpu.dot_dimension_numbers<[1], [0], [0], [1], [0, 0, 1, 1], [], []>, transpose_lhs_hint = false} : vector<256x256xbf16>, vector<256x65xbf16>, vector<256x65xf32> -> vector<256x65xf32>
    %slice3A_118 = vector.extract_strided_slice %dot_general3A_110 {offsets = [0, 0], sizes = [256, 512], strides = [1, 1]} : vector<256x768xf32> to vector<256x512xf32>
    %exp3A_119 = math.exp %slice3A_118 : vector<256x512xf32>
    %convert_element_type3A_120 = arith.truncf %exp3A_119 : vector<256x512xf32> to vector<256x512xbf16>
    %slice3A_121 = vector.extract_strided_slice %concatenate3A_58 {offsets = [0, 0], sizes = [512, 65], strides = [1, 1]} : vector<1024x65xbf16> to vector<512x65xbf16>
    %dot_general3A_122 = arith.constant dense<0.000000e+00> : vector<256x65xf32>
    %dot_general3A_123 = tpu.matmul %convert_element_type3A_120, %slice3A_121, %dot_general3A_122 {dimension_numbers = #tpu.dot_dimension_numbers<[1], [0], [0], [1], [0, 0, 1, 1], [], []>, transpose_lhs_hint = false} : vector<256x512xbf16>, vector<512x65xbf16>, vector<256x65xf32> -> vector<256x65xf32>
    %add3A_124 = arith.addf %dot_general3A_117, %dot_general3A_123 : vector<256x65xf32>
    %slice3A_125 = vector.extract_strided_slice %add3A_124 {offsets = [0, 0], sizes = [256, 64], strides = [1, 1]} : vector<256x65xf32> to vector<256x64xf32>
    %slice3A_126 = vector.extract_strided_slice %add3A_124 {offsets = [0, 64], sizes = [256, 1], strides = [1, 1]} : vector<256x65xf32> to vector<256x1xf32>
    %div3A_127 = arith.constant 1.000000e+00 : f32
    %div3A_128 = vector.broadcast %div3A_127 : f32 to vector<256x1xf32>
    %div3A_129 = arith.divf %div3A_128, %slice3A_126 : vector<256x1xf32>
    %mul3A_130 = vector.broadcast %div3A_129 : vector<256x1xf32> to vector<256x64xf32>
    %mul3A_131 = arith.mulf %slice3A_125, %mul3A_130 : vector<256x64xf32>
    %convert_element_type3A_132 = arith.truncf %mul3A_131 : vector<256x64xf32> to vector<256x64xbf16>
    %swap3A_133 = arith.constant 512 : index
    %swap3A_134 = arith.constant 0 : index
    %swap3A_135 = vector.load %arg8[%swap3A_133, %swap3A_134] : memref<1024x768xbf16, #tpu.memory_space<vmem>>, vector<256x64xbf16>
    tpu.vector_store %arg8[%swap3A_133, %swap3A_134], %convert_element_type3A_132 {strides = array<i32>} : memref<1024x768xbf16, #tpu.memory_space<vmem>>, vector<256x64xbf16>,
    %slice3A_136 = vector.extract_strided_slice %convert_element_type3A_48 {offsets = [768, 0], sizes = [256, 64], strides = [1, 1]} : vector<1024x64xbf16> to vector<256x64xbf16>
    %dot_general3A_137 = arith.constant dense<0.000000e+00> : vector<256x1024xf32>
    %dot_general3A_138 = tpu.matmul %slice3A_136, %convert_element_type3A_56, %dot_general3A_137 {dimension_numbers = #tpu.dot_dimension_numbers<[1], [1], [0], [0], [0, 0, 1, 0], [], []>, transpose_lhs_hint = false} : vector<256x64xbf16>, vector<1024x64xbf16>, vector<256x1024xf32> -> vector<256x1024xf32>
    %slice3A_139 = vector.extract_strided_slice %dot_general3A_138 {offsets = [0, 768], sizes = [256, 256], strides = [1, 1]} : vector<256x1024xf32> to vector<256x256xf32>
    %exp3A_140 = math.exp %slice3A_139 : vector<256x256xf32>
    %mul3A_141 = arith.mulf %exp3A_140, %convert_element_type3A_36 : vector<256x256xf32>
    %convert_element_type3A_142 = arith.truncf %mul3A_141 : vector<256x256xf32> to vector<256x256xbf16>
    %slice3A_143 = vector.extract_strided_slice %concatenate3A_58 {offsets = [768, 0], sizes = [256, 65], strides = [1, 1]} : vector<1024x65xbf16> to vector<256x65xbf16>
    %dot_general3A_144 = arith.constant dense<0.000000e+00> : vector<256x65xf32>
    %dot_general3A_145 = tpu.matmul %convert_element_type3A_142, %slice3A_143, %dot_general3A_144 {dimension_numbers = #tpu.dot_dimension_numbers<[1], [0], [0], [1], [0, 0, 1, 1], [], []>, transpose_lhs_hint = false} : vector<256x256xbf16>, vector<256x65xbf16>, vector<256x65xf32> -> vector<256x65xf32>
    %slice3A_146 = vector.extract_strided_slice %dot_general3A_138 {offsets = [0, 0], sizes = [256, 768], strides = [1, 1]} : vector<256x1024xf32> to vector<256x768xf32>
    %exp3A_147 = math.exp %slice3A_146 : vector<256x768xf32>
    %convert_element_type3A_148 = arith.truncf %exp3A_147 : vector<256x768xf32> to vector<256x768xbf16>
    %slice3A_149 = vector.extract_strided_slice %concatenate3A_58 {offsets = [0, 0], sizes = [768, 65], strides = [1, 1]} : vector<1024x65xbf16> to vector<768x65xbf16>
    %dot_general3A_150 = arith.constant dense<0.000000e+00> : vector<256x65xf32>
    %dot_general3A_151 = tpu.matmul %convert_element_type3A_148, %slice3A_149, %dot_general3A_150 {dimension_numbers = #tpu.dot_dimension_numbers<[1], [0], [0], [1], [0, 0, 1, 1], [], []>, transpose_lhs_hint = false} : vector<256x768xbf16>, vector<768x65xbf16>, vector<256x65xf32> -> vector<256x65xf32>
    %add3A_152 = arith.addf %dot_general3A_145, %dot_general3A_151 : vector<256x65xf32>
    %slice3A_153 = vector.extract_strided_slice %add3A_152 {offsets = [0, 0], sizes = [256, 64], strides = [1, 1]} : vector<256x65xf32> to vector<256x64xf32>
    %slice3A_154 = vector.extract_strided_slice %add3A_152 {offsets = [0, 64], sizes = [256, 1], strides = [1, 1]} : vector<256x65xf32> to vector<256x1xf32>
    %div3A_155 = arith.constant 1.000000e+00 : f32
    %div3A_156 = vector.broadcast %div3A_155 : f32 to vector<256x1xf32>
    %div3A_157 = arith.divf %div3A_156, %slice3A_154 : vector<256x1xf32>
    %mul3A_158 = vector.broadcast %div3A_157 : vector<256x1xf32> to vector<256x64xf32>
    %mul3A_159 = arith.mulf %slice3A_153, %mul3A_158 : vector<256x64xf32>
    %convert_element_type3A_160 = arith.truncf %mul3A_159 : vector<256x64xf32> to vector<256x64xbf16>
    %swap3A_161 = arith.constant 768 : index
    %swap3A_162 = arith.constant 0 : index
    %swap3A_163 = vector.load %arg8[%swap3A_161, %swap3A_162] : memref<1024x768xbf16, #tpu.memory_space<vmem>>, vector<256x64xbf16>
    tpu.vector_store %arg8[%swap3A_161, %swap3A_162], %convert_element_type3A_160 {strides = array<i32>} : memref<1024x768xbf16, #tpu.memory_space<vmem>>, vector<256x64xbf16>,
    %slice3A_164 = vector.extract_strided_slice %dot_general3A_18 {offsets = [0, 64], sizes = [1024, 32], strides = [1, 1]} : vector<1024x768xf32> to vector<1024x32xf32>
    %slice3A_165 = vector.extract_strided_slice %dot_general3A_18 {offsets = [0, 96], sizes = [1024, 32], strides = [1, 1]} : vector<1024x768xf32> to vector<1024x32xf32>
    %slice3A_166 = vector.extract_strided_slice %dot_general3A_24 {offsets = [0, 64], sizes = [1024, 32], strides = [1, 1]} : vector<1024x768xf32> to vector<1024x32xf32>
    %slice3A_167 = vector.extract_strided_slice %dot_general3A_24 {offsets = [0, 96], sizes = [1024, 32], strides = [1, 1]} : vector<1024x768xf32> to vector<1024x32xf32>
    %mul3A_168 = arith.mulf %slice3A_164, %cos3A : vector<1024x32xf32>
    %mul3A_169 = arith.mulf %slice3A_165, %sin3A : vector<1024x32xf32>
    %sub3A_170 = arith.subf %mul3A_168, %mul3A_169 : vector<1024x32xf32>
    %mul3A_171 = arith.mulf %slice3A_165, %cos3A : vector<1024x32xf32>
    %mul3A_172 = arith.mulf %slice3A_164, %sin3A : vector<1024x32xf32>
    %add3A_173 = arith.addf %mul3A_171, %mul3A_172 : vector<1024x32xf32>
    %concatenate3A_174 = tpu.concatenate %sub3A_170, %add3A_173 in 1 : vector<1024x32xf32>, vector<1024x32xf32> -> vector<1024x64xf32>
    %mul3A_175 = arith.constant 1.250000e-01 : f32
    %mul3A_176 = vector.broadcast %mul3A_175 : f32 to vector<1024x64xf32>
    %mul3A_177 = arith.mulf %concatenate3A_174, %mul3A_176 : vector<1024x64xf32>
    %convert_element_type3A_178 = arith.truncf %mul3A_177 : vector<1024x64xf32> to vector<1024x64xbf16>
    %mul3A_179 = arith.mulf %slice3A_166, %cos3A : vector<1024x32xf32>
    %mul3A_180 = arith.mulf %slice3A_167, %sin3A : vector<1024x32xf32>
    %sub3A_181 = arith.subf %mul3A_179, %mul3A_180 : vector<1024x32xf32>
    %mul3A_182 = arith.mulf %slice3A_167, %cos3A : vector<1024x32xf32>
    %mul3A_183 = arith.mulf %slice3A_166, %sin3A : vector<1024x32xf32>
    %add3A_184 = arith.addf %mul3A_182, %mul3A_183 : vector<1024x32xf32>
    %concatenate3A_185 = tpu.concatenate %sub3A_181, %add3A_184 in 1 : vector<1024x32xf32>, vector<1024x32xf32> -> vector<1024x64xf32>
    %convert_element_type3A_186 = arith.truncf %concatenate3A_185 : vector<1024x64xf32> to vector<1024x64xbf16>
    %slice3A_187 = vector.extract_strided_slice %convert_element_type3A_31 {offsets = [0, 64], sizes = [1024, 64], strides = [1, 1]} : vector<1024x768xbf16> to vector<1024x64xbf16>
    %concatenate3A_188 = tpu.concatenate %slice3A_187, %broadcast_in_dim3A_33 in 1 : vector<1024x64xbf16>, vector<1024x1xbf16> -> vector<1024x65xbf16>
    %slice3A_189 = vector.extract_strided_slice %convert_element_type3A_178 {offsets = [0, 0], sizes = [256, 64], strides = [1, 1]} : vector<1024x64xbf16> to vector<256x64xbf16>
    %slice3A_190 = vector.extract_strided_slice %convert_element_type3A_186 {offsets = [0, 0], sizes = [256, 64], strides = [1, 1]} : vector<1024x64xbf16> to vector<256x64xbf16>
    %dot_general3A_191 = arith.constant dense<0.000000e+00> : vector<256x256xf32>
    %dot_general3A_192 = tpu.matmul %slice3A_189, %slice3A_190, %dot_general3A_191 {dimension_numbers = #tpu.dot_dimension_numbers<[1], [1], [0], [0], [0, 0, 1, 0], [], []>, transpose_lhs_hint = false} : vector<256x64xbf16>, vector<256x64xbf16>, vector<256x256xf32> -> vector<256x256xf32>
    %exp3A_193 = math.exp %dot_general3A_192 : vector<256x256xf32>
    %mul3A_194 = arith.mulf %exp3A_193, %convert_element_type3A_36 : vector<256x256xf32>
    %convert_element_type3A_195 = arith.truncf %mul3A_194 : vector<256x256xf32> to vector<256x256xbf16>
    %slice3A_196 = vector.extract_strided_slice %concatenate3A_188 {offsets = [0, 0], sizes = [256, 65], strides = [1, 1]} : vector<1024x65xbf16> to vector<256x65xbf16>
    %dot_general3A_197 = arith.constant dense<0.000000e+00> : vector<256x65xf32>
    %dot_general3A_198 = tpu.matmul %convert_element_type3A_195, %slice3A_196, %dot_general3A_197 {dimension_numbers = #tpu.dot_dimension_numbers<[1], [0], [0], [1], [0, 0, 1, 1], [], []>, transpose_lhs_hint = false} : vector<256x256xbf16>, vector<256x65xbf16>, vector<256x65xf32> -> vector<256x65xf32>
    %slice3A_199 = vector.extract_strided_slice %dot_general3A_198 {offsets = [0, 0], sizes = [256, 64], strides = [1, 1]} : vector<256x65xf32> to vector<256x64xf32>
    %slice3A_200 = vector.extract_strided_slice %dot_general3A_198 {offsets = [0, 64], sizes = [256, 1], strides = [1, 1]} : vector<256x65xf32> to vector<256x1xf32>
    %div3A_201 = arith.constant 1.000000e+00 : f32
    %div3A_202 = vector.broadcast %div3A_201 : f32 to vector<256x1xf32>
    %div3A_203 = arith.divf %div3A_202, %slice3A_200 : vector<256x1xf32>
    %mul3A_204 = vector.broadcast %div3A_203 : vector<256x1xf32> to vector<256x64xf32>
    %mul3A_205 = arith.mulf %slice3A_199, %mul3A_204 : vector<256x64xf32>
    %convert_element_type3A_206 = arith.truncf %mul3A_205 : vector<256x64xf32> to vector<256x64xbf16>
    %swap3A_207 = arith.constant 0 : index
    %swap3A_208 = arith.constant 64 : index
    %swap3A_209 = vector.load %arg8[%swap3A_207, %swap3A_208] : memref<1024x768xbf16, #tpu.memory_space<vmem>>, vector<256x64xbf16>
    tpu.vector_store %arg8[%swap3A_207, %swap3A_208], %convert_element_type3A_206 {strides = array<i32>} : memref<1024x768xbf16, #tpu.memory_space<vmem>>, vector<256x64xbf16>,
    %slice3A_210 = vector.extract_strided_slice %convert_element_type3A_178 {offsets = [256, 0], sizes = [256, 64], strides = [1, 1]} : vector<1024x64xbf16> to vector<256x64xbf16>
    %slice3A_211 = vector.extract_strided_slice %convert_element_type3A_186 {offsets = [0, 0], sizes = [512, 64], strides = [1, 1]} : vector<1024x64xbf16> to vector<512x64xbf16>
    %dot_general3A_212 = arith.constant dense<0.000000e+00> : vector<256x512xf32>
    %dot_general3A_213 = tpu.matmul %slice3A_210, %slice3A_211, %dot_general3A_212 {dimension_numbers = #tpu.dot_dimension_numbers<[1], [1], [0], [0], [0, 0, 1, 0], [], []>, transpose_lhs_hint = false} : vector<256x64xbf16>, vector<512x64xbf16>, vector<256x512xf32> -> vector<256x512xf32>
    %slice3A_214 = vector.extract_strided_slice %dot_general3A_213 {offsets = [0, 256], sizes = [256, 256], strides = [1, 1]} : vector<256x512xf32> to vector<256x256xf32>
    %exp3A_215 = math.exp %slice3A_214 : vector<256x256xf32>
    %mul3A_216 = arith.mulf %exp3A_215, %convert_element_type3A_36 : vector<256x256xf32>
    %convert_element_type3A_217 = arith.truncf %mul3A_216 : vector<256x256xf32> to vector<256x256xbf16>
    %slice3A_218 = vector.extract_strided_slice %concatenate3A_188 {offsets = [256, 0], sizes = [256, 65], strides = [1, 1]} : vector<1024x65xbf16> to vector<256x65xbf16>
    %dot_general3A_219 = arith.constant dense<0.000000e+00> : vector<256x65xf32>
    %dot_general3A_220 = tpu.matmul %convert_element_type3A_217, %slice3A_218, %dot_general3A_219 {dimension_numbers = #tpu.dot_dimension_numbers<[1], [0], [0], [1], [0, 0, 1, 1], [], []>, transpose_lhs_hint = false} : vector<256x256xbf16>, vector<256x65xbf16>, vector<256x65xf32> -> vector<256x65xf32>
    %slice3A_221 = vector.extract_strided_slice %dot_general3A_213 {offsets = [0, 0], sizes = [256, 256], strides = [1, 1]} : vector<256x512xf32> to vector<256x256xf32>
    %exp3A_222 = math.exp %slice3A_221 : vector<256x256xf32>
    %convert_element_type3A_223 = arith.truncf %exp3A_222 : vector<256x256xf32> to vector<256x256xbf16>
    %slice3A_224 = vector.extract_strided_slice %concatenate3A_188 {offsets = [0, 0], sizes = [256, 65], strides = [1, 1]} : vector<1024x65xbf16> to vector<256x65xbf16>
    %dot_general3A_225 = arith.constant dense<0.000000e+00> : vector<256x65xf32>
    %dot_general3A_226 = tpu.matmul %convert_element_type3A_223, %slice3A_224, %dot_general3A_225 {dimension_numbers = #tpu.dot_dimension_numbers<[1], [0], [0], [1], [0, 0, 1, 1], [], []>, transpose_lhs_hint = false} : vector<256x256xbf16>, vector<256x65xbf16>, vector<256x65xf32> -> vector<256x65xf32>
    %add3A_227 = arith.addf %dot_general3A_220, %dot_general3A_226 : vector<256x65xf32>
    %slice3A_228 = vector.extract_strided_slice %add3A_227 {offsets = [0, 0], sizes = [256, 64], strides = [1, 1]} : vector<256x65xf32> to vector<256x64xf32>
    %slice3A_229 = vector.extract_strided_slice %add3A_227 {offsets = [0, 64], sizes = [256, 1], strides = [1, 1]} : vector<256x65xf32> to vector<256x1xf32>
    %div3A_230 = arith.constant 1.000000e+00 : f32
    %div3A_231 = vector.broadcast %div3A_230 : f32 to vector<256x1xf32>
    %div3A_232 = arith.divf %div3A_231, %slice3A_229 : vector<256x1xf32>
    %mul3A_233 = vector.broadcast %div3A_232 : vector<256x1xf32> to vector<256x64xf32>
    %mul3A_234 = arith.mulf %slice3A_228, %mul3A_233 : vector<256x64xf32>
    %convert_element_type3A_235 = arith.truncf %mul3A_234 : vector<256x64xf32> to vector<256x64xbf16>
    %swap3A_236 = arith.constant 256 : index
    %swap3A_237 = arith.constant 64 : index
    %swap3A_238 = vector.load %arg8[%swap3A_236, %swap3A_237] : memref<1024x768xbf16, #tpu.memory_space<vmem>>, vector<256x64xbf16>
    tpu.vector_store %arg8[%swap3A_236, %swap3A_237], %convert_element_type3A_235 {strides = array<i32>} : memref<1024x768xbf16, #tpu.memory_space<vmem>>, vector<256x64xbf16>,
    %slice3A_239 = vector.extract_strided_slice %convert_element_type3A_178 {offsets = [512, 0], sizes = [256, 64], strides = [1, 1]} : vector<1024x64xbf16> to vector<256x64xbf16>
    %slice3A_240 = vector.extract_strided_slice %convert_element_type3A_186 {offsets = [0, 0], sizes = [768, 64], strides = [1, 1]} : vector<1024x64xbf16> to vector<768x64xbf16>
    %dot_general3A_241 = arith.constant dense<0.000000e+00> : vector<256x768xf32>
    %dot_general3A_242 = tpu.matmul %slice3A_239, %slice3A_240, %dot_general3A_241 {dimension_numbers = #tpu.dot_dimension_numbers<[1], [1], [0], [0], [0, 0, 1, 0], [], []>, transpose_lhs_hint = false} : vector<256x64xbf16>, vector<768x64xbf16>, vector<256x768xf32> -> vector<256x768xf32>
    %slice3A_243 = vector.extract_strided_slice %dot_general3A_242 {offsets = [0, 512], sizes = [256, 256], strides = [1, 1]} : vector<256x768xf32> to vector<256x256xf32>
    %exp3A_244 = math.exp %slice3A_243 : vector<256x256xf32>
    %mul3A_245 = arith.mulf %exp3A_244, %convert_element_type3A_36 : vector<256x256xf32>
    %convert_element_type3A_246 = arith.truncf %mul3A_245 : vector<256x256xf32> to vector<256x256xbf16>
    %slice3A_247 = vector.extract_strided_slice %concatenate3A_188 {offsets = [512, 0], sizes = [256, 65], strides = [1, 1]} : vector<1024x65xbf16> to vector<256x65xbf16>
    %dot_general3A_248 = arith.constant dense<0.000000e+00> : vector<256x65xf32>
    %dot_general3A_249 = tpu.matmul %convert_element_type3A_246, %slice3A_247, %dot_general3A_248 {dimension_numbers = #tpu.dot_dimension_numbers<[1], [0], [0], [1], [0, 0, 1, 1], [], []>, transpose_lhs_hint = false} : vector<256x256xbf16>, vector<256x65xbf16>, vector<256x65xf32> -> vector<256x65xf32>
    %slice3A_250 = vector.extract_strided_slice %dot_general3A_242 {offsets = [0, 0], sizes = [256, 512], strides = [1, 1]} : vector<256x768xf32> to vector<256x512xf32>
    %exp3A_251 = math.exp %slice3A_250 : vector<256x512xf32>
    %convert_element_type3A_252 = arith.truncf %exp3A_251 : vector<256x512xf32> to vector<256x512xbf16>
    %slice3A_253 = vector.extract_strided_slice %concatenate3A_188 {offsets = [0, 0], sizes = [512, 65], strides = [1, 1]} : vector<1024x65xbf16> to vector<512x65xbf16>
    %dot_general3A_254 = arith.constant dense<0.000000e+00> : vector<256x65xf32>
    %dot_general3A_255 = tpu.matmul %convert_element_type3A_252, %slice3A_253, %dot_general3A_254 {dimension_numbers = #tpu.dot_dimension_numbers<[1], [0], [0], [1], [0, 0, 1, 1], [], []>, transpose_lhs_hint = false} : vector<256x512xbf16>, vector<512x65xbf16>, vector<256x65xf32> -> vector<256x65xf32>
    %add3A_256 = arith.addf %dot_general3A_249, %dot_general3A_255 : vector<256x65xf32>
    %slice3A_257 = vector.extract_strided_slice %add3A_256 {offsets = [0, 0], sizes = [256, 64], strides = [1, 1]} : vector<256x65xf32> to vector<256x64xf32>
    %slice3A_258 = vector.extract_strided_slice %add3A_256 {offsets = [0, 64], sizes = [256, 1], strides = [1, 1]} : vector<256x65xf32> to vector<256x1xf32>
    %div3A_259 = arith.constant 1.000000e+00 : f32
    %div3A_260 = vector.broadcast %div3A_259 : f32 to vector<256x1xf32>
    %div3A_261 = arith.divf %div3A_260, %slice3A_258 : vector<256x1xf32>
    %mul3A_262 = vector.broadcast %div3A_261 : vector<256x1xf32> to vector<256x64xf32>
    %mul3A_263 = arith.mulf %slice3A_257, %mul3A_262 : vector<256x64xf32>
    %convert_element_type3A_264 = arith.truncf %mul3A_263 : vector<256x64xf32> to vector<256x64xbf16>
    %swap3A_265 = arith.constant 512 : index
    %swap3A_266 = arith.constant 64 : index
    %swap3A_267 = vector.load %arg8[%swap3A_265, %swap3A_266] : memref<1024x768xbf16, #tpu.memory_space<vmem>>, vector<256x64xbf16>
    tpu.vector_store %arg8[%swap3A_265, %swap3A_266], %convert_element_type3A_264 {strides = array<i32>} : memref<1024x768xbf16, #tpu.memory_space<vmem>>, vector<256x64xbf16>,
    %slice3A_268 = vector.extract_strided_slice %convert_element_type3A_178 {offsets = [768, 0], sizes = [256, 64], strides = [1, 1]} : vector<1024x64xbf16> to vector<256x64xbf16>
    %dot_general3A_269 = arith.constant dense<0.000000e+00> : vector<256x1024xf32>
    %dot_general3A_270 = tpu.matmul %slice3A_268, %convert_element_type3A_186, %dot_general3A_269 {dimension_numbers = #tpu.dot_dimension_numbers<[1], [1], [0], [0], [0, 0, 1, 0], [], []>, transpose_lhs_hint = false} : vector<256x64xbf16>, vector<1024x64xbf16>, vector<256x1024xf32> -> vector<256x1024xf32>
    %slice3A_271 = vector.extract_strided_slice %dot_general3A_270 {offsets = [0, 768], sizes = [256, 256], strides = [1, 1]} : vector<256x1024xf32> to vector<256x256xf32>
    %exp3A_272 = math.exp %slice3A_271 : vector<256x256xf32>
    %mul3A_273 = arith.mulf %exp3A_272, %convert_element_type3A_36 : vector<256x256xf32>
    %convert_element_type3A_274 = arith.truncf %mul3A_273 : vector<256x256xf32> to vector<256x256xbf16>
    %slice3A_275 = vector.extract_strided_slice %concatenate3A_188 {offsets = [768, 0], sizes = [256, 65], strides = [1, 1]} : vector<1024x65xbf16> to vector<256x65xbf16>
    %dot_general3A_276 = arith.constant dense<0.000000e+00> : vector<256x65xf32>
    %dot_general3A_277 = tpu.matmul %convert_element_type3A_274, %slice3A_275, %dot_general3A_276 {dimension_numbers = #tpu.dot_dimension_numbers<[1], [0], [0], [1], [0, 0, 1, 1], [], []>, transpose_lhs_hint = false} : vector<256x256xbf16>, vector<256x65xbf16>, vector<256x65xf32> -> vector<256x65xf32>
    %slice3A_278 = vector.extract_strided_slice %dot_general3A_270 {offsets = [0, 0], sizes = [256, 768], strides = [1, 1]} : vector<256x1024xf32> to vector<256x768xf32>
    %exp3A_279 = math.exp %slice3A_278 : vector<256x768xf32>
    %convert_element_type3A_280 = arith.truncf %exp3A_279 : vector<256x768xf32> to vector<256x768xbf16>
    %slice3A_281 = vector.extract_strided_slice %concatenate3A_188 {offsets = [0, 0], sizes = [768, 65], strides = [1, 1]} : vector<1024x65xbf16> to vector<768x65xbf16>
    %dot_general3A_282 = arith.constant dense<0.000000e+00> : vector<256x65xf32>
    %dot_general3A_283 = tpu.matmul %convert_element_type3A_280, %slice3A_281, %dot_general3A_282 {dimension_numbers = #tpu.dot_dimension_numbers<[1], [0], [0], [1], [0, 0, 1, 1], [], []>, transpose_lhs_hint = false} : vector<256x768xbf16>, vector<768x65xbf16>, vector<256x65xf32> -> vector<256x65xf32>
    %add3A_284 = arith.addf %dot_general3A_277, %dot_general3A_283 : vector<256x65xf32>
    %slice3A_285 = vector.extract_strided_slice %add3A_284 {offsets = [0, 0], sizes = [256, 64], strides = [1, 1]} : vector<256x65xf32> to vector<256x64xf32>
    %slice3A_286 = vector.extract_strided_slice %add3A_284 {offsets = [0, 64], sizes = [256, 1], strides = [1, 1]} : vector<256x65xf32> to vector<256x1xf32>
    %div3A_287 = arith.constant 1.000000e+00 : f32
    %div3A_288 = vector.broadcast %div3A_287 : f32 to vector<256x1xf32>
    %div3A_289 = arith.divf %div3A_288, %slice3A_286 : vector<256x1xf32>
    %mul3A_290 = vector.broadcast %div3A_289 : vector<256x1xf32> to vector<256x64xf32>
    %mul3A_291 = arith.mulf %slice3A_285, %mul3A_290 : vector<256x64xf32>
    %convert_element_type3A_292 = arith.truncf %mul3A_291 : vector<256x64xf32> to vector<256x64xbf16>
    %swap3A_293 = arith.constant 768 : index
    %swap3A_294 = arith.constant 64 : index
    %swap3A_295 = vector.load %arg8[%swap3A_293, %swap3A_294] : memref<1024x768xbf16, #tpu.memory_space<vmem>>, vector<256x64xbf16>
    tpu.vector_store %arg8[%swap3A_293, %swap3A_294], %convert_element_type3A_292 {strides = array<i32>} : memref<1024x768xbf16, #tpu.memory_space<vmem>>, vector<256x64xbf16>,
    %slice3A_296 = vector.extract_strided_slice %dot_general3A_18 {offsets = [0, 128], sizes = [1024, 32], strides = [1, 1]} : vector<1024x768xf32> to vector<1024x32xf32>
    %slice3A_297 = vector.extract_strided_slice %dot_general3A_18 {offsets = [0, 160], sizes = [1024, 32], strides = [1, 1]} : vector<1024x768xf32> to vector<1024x32xf32>
    %slice3A_298 = vector.extract_strided_slice %dot_general3A_24 {offsets = [0, 128], sizes = [1024, 32], strides = [1, 1]} : vector<1024x768xf32> to vector<1024x32xf32>
    %slice3A_299 = vector.extract_strided_slice %dot_general3A_24 {offsets = [0, 160], sizes = [1024, 32], strides = [1, 1]} : vector<1024x768xf32> to vector<1024x32xf32>
    %mul3A_300 = arith.mulf %slice3A_296, %cos3A : vector<1024x32xf32>
    %mul3A_301 = arith.mulf %slice3A_297, %sin3A : vector<1024x32xf32>
    %sub3A_302 = arith.subf %mul3A_300, %mul3A_301 : vector<1024x32xf32>
    %mul3A_303 = arith.mulf %slice3A_297, %cos3A : vector<1024x32xf32>
    %mul3A_304 = arith.mulf %slice3A_296, %sin3A : vector<1024x32xf32>
    %add3A_305 = arith.addf %mul3A_303, %mul3A_304 : vector<1024x32xf32>
    %concatenate3A_306 = tpu.concatenate %sub3A_302, %add3A_305 in 1 : vector<1024x32xf32>, vector<1024x32xf32> -> vector<1024x64xf32>
    %mul3A_307 = arith.constant 1.250000e-01 : f32
    %mul3A_308 = vector.broadcast %mul3A_307 : f32 to vector<1024x64xf32>
    %mul3A_309 = arith.mulf %concatenate3A_306, %mul3A_308 : vector<1024x64xf32>
    %convert_element_type3A_310 = arith.truncf %mul3A_309 : vector<1024x64xf32> to vector<1024x64xbf16>
    %mul3A_311 = arith.mulf %slice3A_298, %cos3A : vector<1024x32xf32>
    %mul3A_312 = arith.mulf %slice3A_299, %sin3A : vector<1024x32xf32>
    %sub3A_313 = arith.subf %mul3A_311, %mul3A_312 : vector<1024x32xf32>
    %mul3A_314 = arith.mulf %slice3A_299, %cos3A : vector<1024x32xf32>
    %mul3A_315 = arith.mulf %slice3A_298, %sin3A : vector<1024x32xf32>
    %add3A_316 = arith.addf %mul3A_314, %mul3A_315 : vector<1024x32xf32>
    %concatenate3A_317 = tpu.concatenate %sub3A_313, %add3A_316 in 1 : vector<1024x32xf32>, vector<1024x32xf32> -> vector<1024x64xf32>
    %convert_element_type3A_318 = arith.truncf %concatenate3A_317 : vector<1024x64xf32> to vector<1024x64xbf16>
    %slice3A_319 = vector.extract_strided_slice %convert_element_type3A_31 {offsets = [0, 128], sizes = [1024, 64], strides = [1, 1]} : vector<1024x768xbf16> to vector<1024x64xbf16>
    %concatenate3A_320 = tpu.concatenate %slice3A_319, %broadcast_in_dim3A_33 in 1 : vector<1024x64xbf16>, vector<1024x1xbf16> -> vector<1024x65xbf16>
    %slice3A_321 = vector.extract_strided_slice %convert_element_type3A_310 {offsets = [0, 0], sizes = [256, 64], strides = [1, 1]} : vector<1024x64xbf16> to vector<256x64xbf16>
    %slice3A_322 = vector.extract_strided_slice %convert_element_type3A_318 {offsets = [0, 0], sizes = [256, 64], strides = [1, 1]} : vector<1024x64xbf16> to vector<256x64xbf16>
    %dot_general3A_323 = arith.constant dense<0.000000e+00> : vector<256x256xf32>
    %dot_general3A_324 = tpu.matmul %slice3A_321, %slice3A_322, %dot_general3A_323 {dimension_numbers = #tpu.dot_dimension_numbers<[1], [1], [0], [0], [0, 0, 1, 0], [], []>, transpose_lhs_hint = false} : vector<256x64xbf16>, vector<256x64xbf16>, vector<256x256xf32> -> vector<256x256xf32>
    %exp3A_325 = math.exp %dot_general3A_324 : vector<256x256xf32>
    %mul3A_326 = arith.mulf %exp3A_325, %convert_element_type3A_36 : vector<256x256xf32>
    %convert_element_type3A_327 = arith.truncf %mul3A_326 : vector<256x256xf32> to vector<256x256xbf16>
    %slice3A_328 = vector.extract_strided_slice %concatenate3A_320 {offsets = [0, 0], sizes = [256, 65], strides = [1, 1]} : vector<1024x65xbf16> to vector<256x65xbf16>
    %dot_general3A_329 = arith.constant dense<0.000000e+00> : vector<256x65xf32>
    %dot_general3A_330 = tpu.matmul %convert_element_type3A_327, %slice3A_328, %dot_general3A_329 {dimension_numbers = #tpu.dot_dimension_numbers<[1], [0], [0], [1], [0, 0, 1, 1], [], []>, transpose_lhs_hint = false} : vector<256x256xbf16>, vector<256x65xbf16>, vector<256x65xf32> -> vector<256x65xf32>
    %slice3A_331 = vector.extract_strided_slice %dot_general3A_330 {offsets = [0, 0], sizes = [256, 64], strides = [1, 1]} : vector<256x65xf32> to vector<256x64xf32>
    %slice3A_332 = vector.extract_strided_slice %dot_general3A_330 {offsets = [0, 64], sizes = [256, 1], strides = [1, 1]} : vector<256x65xf32> to vector<256x1xf32>
    %div3A_333 = arith.constant 1.000000e+00 : f32
    %div3A_334 = vector.broadcast %div3A_333 : f32 to vector<256x1xf32>
    %div3A_335 = arith.divf %div3A_334, %slice3A_332 : vector<256x1xf32>
    %mul3A_336 = vector.broadcast %div3A_335 : vector<256x1xf32> to vector<256x64xf32>
    %mul3A_337 = arith.mulf %slice3A_331, %mul3A_336 : vector<256x64xf32>
    %convert_element_type3A_338 = arith.truncf %mul3A_337 : vector<256x64xf32> to vector<256x64xbf16>
    %swap3A_339 = arith.constant 0 : index
    %swap3A_340 = arith.constant 128 : index
    %swap3A_341 = vector.load %arg8[%swap3A_339, %swap3A_340] : memref<1024x768xbf16, #tpu.memory_space<vmem>>, vector<256x64xbf16>
    tpu.vector_store %arg8[%swap3A_339, %swap3A_340], %convert_element_type3A_338 {strides = array<i32>} : memref<1024x768xbf16, #tpu.memory_space<vmem>>, vector<256x64xbf16>,
    %slice3A_342 = vector.extract_strided_slice %convert_element_type3A_310 {offsets = [256, 0], sizes = [256, 64], strides = [1, 1]} : vector<1024x64xbf16> to vector<256x64xbf16>
    %slice3A_343 = vector.extract_strided_slice %convert_element_type3A_318 {offsets = [0, 0], sizes = [512, 64], strides = [1, 1]} : vector<1024x64xbf16> to vector<512x64xbf16>
    %dot_general3A_344 = arith.constant dense<0.000000e+00> : vector<256x512xf32>
    %dot_general3A_345 = tpu.matmul %slice3A_342, %slice3A_343, %dot_general3A_344 {dimension_numbers = #tpu.dot_dimension_numbers<[1], [1], [0], [0], [0, 0, 1, 0], [], []>, transpose_lhs_hint = false} : vector<256x64xbf16>, vector<512x64xbf16>, vector<256x512xf32> -> vector<256x512xf32>
    %slice3A_346 = vector.extract_strided_slice %dot_general3A_345 {offsets = [0, 256], sizes = [256, 256], strides = [1, 1]} : vector<256x512xf32> to vector<256x256xf32>
    %exp3A_347 = math.exp %slice3A_346 : vector<256x256xf32>
    %mul3A_348 = arith.mulf %exp3A_347, %convert_element_type3A_36 : vector<256x256xf32>
    %convert_element_type3A_349 = arith.truncf %mul3A_348 : vector<256x256xf32> to vector<256x256xbf16>
    %slice3A_350 = vector.extract_strided_slice %concatenate3A_320 {offsets = [256, 0], sizes = [256, 65], strides = [1, 1]} : vector<1024x65xbf16> to vector<256x65xbf16>
    %dot_general3A_351 = arith.constant dense<0.000000e+00> : vector<256x65xf32>
    %dot_general3A_352 = tpu.matmul %convert_element_type3A_349, %slice3A_350, %dot_general3A_351 {dimension_numbers = #tpu.dot_dimension_numbers<[1], [0], [0], [1], [0, 0, 1, 1], [], []>, transpose_lhs_hint = false} : vector<256x256xbf16>, vector<256x65xbf16>, vector<256x65xf32> -> vector<256x65xf32>
    %slice3A_353 = vector.extract_strided_slice %dot_general3A_345 {offsets = [0, 0], sizes = [256, 256], strides = [1, 1]} : vector<256x512xf32> to vector<256x256xf32>
    %exp3A_354 = math.exp %slice3A_353 : vector<256x256xf32>
    %convert_element_type3A_355 = arith.truncf %exp3A_354 : vector<256x256xf32> to vector<256x256xbf16>
    %slice3A_356 = vector.extract_strided_slice %concatenate3A_320 {offsets = [0, 0], sizes = [256, 65], strides = [1, 1]} : vector<1024x65xbf16> to vector<256x65xbf16>
    %dot_general3A_357 = arith.constant dense<0.000000e+00> : vector<256x65xf32>
    %dot_general3A_358 = tpu.matmul %convert_element_type3A_355, %slice3A_356, %dot_general3A_357 {dimension_numbers = #tpu.dot_dimension_numbers<[1], [0], [0], [1], [0, 0, 1, 1], [], []>, transpose_lhs_hint = false} : vector<256x256xbf16>, vector<256x65xbf16>, vector<256x65xf32> -> vector<256x65xf32>
    %add3A_359 = arith.addf %dot_general3A_352, %dot_general3A_358 : vector<256x65xf32>
    %slice3A_360 = vector.extract_strided_slice %add3A_359 {offsets = [0, 0], sizes = [256, 64], strides = [1, 1]} : vector<256x65xf32> to vector<256x64xf32>
    %slice3A_361 = vector.extract_strided_slice %add3A_359 {offsets = [0, 64], sizes = [256, 1], strides = [1, 1]} : vector<256x65xf32> to vector<256x1xf32>
    %div3A_362 = arith.constant 1.000000e+00 : f32
    %div3A_363 = vector.broadcast %div3A_362 : f32 to vector<256x1xf32>
    %div3A_364 = arith.divf %div3A_363, %slice3A_361 : vector<256x1xf32>
    %mul3A_365 = vector.broadcast %div3A_364 : vector<256x1xf32> to vector<256x64xf32>
    %mul3A_366 = arith.mulf %slice3A_360, %mul3A_365 : vector<256x64xf32>
    %convert_element_type3A_367 = arith.truncf %mul3A_366 : vector<256x64xf32> to vector<256x64xbf16>
    %swap3A_368 = arith.constant 256 : index
    %swap3A_369 = arith.constant 128 : index
    %swap3A_370 = vector.load %arg8[%swap3A_368, %swap3A_369] : memref<1024x768xbf16, #tpu.memory_space<vmem>>, vector<256x64xbf16>
    tpu.vector_store %arg8[%swap3A_368, %swap3A_369], %convert_element_type3A_367 {strides = array<i32>} : memref<1024x768xbf16, #tpu.memory_space<vmem>>, vector<256x64xbf16>,
    %slice3A_371 = vector.extract_strided_slice %convert_element_type3A_310 {offsets = [512, 0], sizes = [256, 64], strides = [1, 1]} : vector<1024x64xbf16> to vector<256x64xbf16>
    %slice3A_372 = vector.extract_strided_slice %convert_element_type3A_318 {offsets = [0, 0], sizes = [768, 64], strides = [1, 1]} : vector<1024x64xbf16> to vector<768x64xbf16>
    %dot_general3A_373 = arith.constant dense<0.000000e+00> : vector<256x768xf32>
    %dot_general3A_374 = tpu.matmul %slice3A_371, %slice3A_372, %dot_general3A_373 {dimension_numbers = #tpu.dot_dimension_numbers<[1], [1], [0], [0], [0, 0, 1, 0], [], []>, transpose_lhs_hint = false} : vector<256x64xbf16>, vector<768x64xbf16>, vector<256x768xf32> -> vector<256x768xf32>
    %slice3A_375 = vector.extract_strided_slice %dot_general3A_374 {offsets = [0, 512], sizes = [256, 256], strides = [1, 1]} : vector<256x768xf32> to vector<256x256xf32>
    %exp3A_376 = math.exp %slice3A_375 : vector<256x256xf32>
    %mul3A_377 = arith.mulf %exp3A_376, %convert_element_type3A_36 : vector<256x256xf32>
    %convert_element_type3A_378 = arith.truncf %mul3A_377 : vector<256x256xf32> to vector<256x256xbf16>
    %slice3A_379 = vector.extract_strided_slice %concatenate3A_320 {offsets = [512, 0], sizes = [256, 65], strides = [1, 1]} : vector<1024x65xbf16> to vector<256x65xbf16>
    %dot_general3A_380 = arith.constant dense<0.000000e+00> : vector<256x65xf32>
    %dot_general3A_381 = tpu.matmul %convert_element_type3A_378, %slice3A_379, %dot_general3A_380 {dimension_numbers = #tpu.dot_dimension_numbers<[1], [0], [0], [1], [0, 0, 1, 1], [], []>, transpose_lhs_hint = false} : vector<256x256xbf16>, vector<256x65xbf16>, vector<256x65xf32> -> vector<256x65xf32>
    %slice3A_382 = vector.extract_strided_slice %dot_general3A_374 {offsets = [0, 0], sizes = [256, 512], strides = [1, 1]} : vector<256x768xf32> to vector<256x512xf32>
    %exp3A_383 = math.exp %slice3A_382 : vector<256x512xf32>
    %convert_element_type3A_384 = arith.truncf %exp3A_383 : vector<256x512xf32> to vector<256x512xbf16>
    %slice3A_385 = vector.extract_strided_slice %concatenate3A_320 {offsets = [0, 0], sizes = [512, 65], strides = [1, 1]} : vector<1024x65xbf16> to vector<512x65xbf16>
    %dot_general3A_386 = arith.constant dense<0.000000e+00> : vector<256x65xf32>
    %dot_general3A_387 = tpu.matmul %convert_element_type3A_384, %slice3A_385, %dot_general3A_386 {dimension_numbers = #tpu.dot_dimension_numbers<[1], [0], [0], [1], [0, 0, 1, 1], [], []>, transpose_lhs_hint = false} : vector<256x512xbf16>, vector<512x65xbf16>, vector<256x65xf32> -> vector<256x65xf32>
    %add3A_388 = arith.addf %dot_general3A_381, %dot_general3A_387 : vector<256x65xf32>
    %slice3A_389 = vector.extract_strided_slice %add3A_388 {offsets = [0, 0], sizes = [256, 64], strides = [1, 1]} : vector<256x65xf32> to vector<256x64xf32>
    %slice3A_390 = vector.extract_strided_slice %add3A_388 {offsets = [0, 64], sizes = [256, 1], strides = [1, 1]} : vector<256x65xf32> to vector<256x1xf32>
    %div3A_391 = arith.constant 1.000000e+00 : f32
    %div3A_392 = vector.broadcast %div3A_391 : f32 to vector<256x1xf32>
    %div3A_393 = arith.divf %div3A_392, %slice3A_390 : vector<256x1xf32>
    %mul3A_394 = vector.broadcast %div3A_393 : vector<256x1xf32> to vector<256x64xf32>
    %mul3A_395 = arith.mulf %slice3A_389, %mul3A_394 : vector<256x64xf32>
    %convert_element_type3A_396 = arith.truncf %mul3A_395 : vector<256x64xf32> to vector<256x64xbf16>
    %swap3A_397 = arith.constant 512 : index
    %swap3A_398 = arith.constant 128 : index
    %swap3A_399 = vector.load %arg8[%swap3A_397, %swap3A_398] : memref<1024x768xbf16, #tpu.memory_space<vmem>>, vector<256x64xbf16>
    tpu.vector_store %arg8[%swap3A_397, %swap3A_398], %convert_element_type3A_396 {strides = array<i32>} : memref<1024x768xbf16, #tpu.memory_space<vmem>>, vector<256x64xbf16>,
    %slice3A_400 = vector.extract_strided_slice %convert_element_type3A_310 {offsets = [768, 0], sizes = [256, 64], strides = [1, 1]} : vector<1024x64xbf16> to vector<256x64xbf16>
    %dot_general3A_401 = arith.constant dense<0.000000e+00> : vector<256x1024xf32>
    %dot_general3A_402 = tpu.matmul %slice3A_400, %convert_element_type3A_318, %dot_general3A_401 {dimension_numbers = #tpu.dot_dimension_numbers<[1], [1], [0], [0], [0, 0, 1, 0], [], []>, transpose_lhs_hint = false} : vector<256x64xbf16>, vector<1024x64xbf16>, vector<256x1024xf32> -> vector<256x1024xf32>
    %slice3A_403 = vector.extract_strided_slice %dot_general3A_402 {offsets = [0, 768], sizes = [256, 256], strides = [1, 1]} : vector<256x1024xf32> to vector<256x256xf32>
    %exp3A_404 = math.exp %slice3A_403 : vector<256x256xf32>
    %mul3A_405 = arith.mulf %exp3A_404, %convert_element_type3A_36 : vector<256x256xf32>
    %convert_element_type3A_406 = arith.truncf %mul3A_405 : vector<256x256xf32> to vector<256x256xbf16>
    %slice3A_407 = vector.extract_strided_slice %concatenate3A_320 {offsets = [768, 0], sizes = [256, 65], strides = [1, 1]} : vector<1024x65xbf16> to vector<256x65xbf16>
    %dot_general3A_408 = arith.constant dense<0.000000e+00> : vector<256x65xf32>
    %dot_general3A_409 = tpu.matmul %convert_element_type3A_406, %slice3A_407, %dot_general3A_408 {dimension_numbers = #tpu.dot_dimension_numbers<[1], [0], [0], [1], [0, 0, 1, 1], [], []>, transpose_lhs_hint = false} : vector<256x256xbf16>, vector<256x65xbf16>, vector<256x65xf32> -> vector<256x65xf32>
    %slice3A_410 = vector.extract_strided_slice %dot_general3A_402 {offsets = [0, 0], sizes = [256, 768], strides = [1, 1]} : vector<256x1024xf32> to vector<256x768xf32>
    %exp3A_411 = math.exp %slice3A_410 : vector<256x768xf32>
    %convert_element_type3A_412 = arith.truncf %exp3A_411 : vector<256x768xf32> to vector<256x768xbf16>
    %slice3A_413 = vector.extract_strided_slice %concatenate3A_320 {offsets = [0, 0], sizes = [768, 65], strides = [1, 1]} : vector<1024x65xbf16> to vector<768x65xbf16>
    %dot_general3A_414 = arith.constant dense<0.000000e+00> : vector<256x65xf32>
    %dot_general3A_415 = tpu.matmul %convert_element_type3A_412, %slice3A_413, %dot_general3A_414 {dimension_numbers = #tpu.dot_dimension_numbers<[1], [0], [0], [1], [0, 0, 1, 1], [], []>, transpose_lhs_hint = false} : vector<256x768xbf16>, vector<768x65xbf16>, vector<256x65xf32> -> vector<256x65xf32>
    %add3A_416 = arith.addf %dot_general3A_409, %dot_general3A_415 : vector<256x65xf32>
    %slice3A_417 = vector.extract_strided_slice %add3A_416 {offsets = [0, 0], sizes = [256, 64], strides = [1, 1]} : vector<256x65xf32> to vector<256x64xf32>
    %slice3A_418 = vector.extract_strided_slice %add3A_416 {offsets = [0, 64], sizes = [256, 1], strides = [1, 1]} : vector<256x65xf32> to vector<256x1xf32>
    %div3A_419 = arith.constant 1.000000e+00 : f32
    %div3A_420 = vector.broadcast %div3A_419 : f32 to vector<256x1xf32>
    %div3A_421 = arith.divf %div3A_420, %slice3A_418 : vector<256x1xf32>
    %mul3A_422 = vector.broadcast %div3A_421 : vector<256x1xf32> to vector<256x64xf32>
    %mul3A_423 = arith.mulf %slice3A_417, %mul3A_422 : vector<256x64xf32>
    %convert_element_type3A_424 = arith.truncf %mul3A_423 : vector<256x64xf32> to vector<256x64xbf16>
    %swap3A_425 = arith.constant 768 : index
    %swap3A_426 = arith.constant 128 : index
    %swap3A_427 = vector.load %arg8[%swap3A_425, %swap3A_426] : memref<1024x768xbf16, #tpu.memory_space<vmem>>, vector<256x64xbf16>
    tpu.vector_store %arg8[%swap3A_425, %swap3A_426], %convert_element_type3A_424 {strides = array<i32>} : memref<1024x768xbf16, #tpu.memory_space<vmem>>, vector<256x64xbf16>,
    %slice3A_428 = vector.extract_strided_slice %dot_general3A_18 {offsets = [0, 192], sizes = [1024, 32], strides = [1, 1]} : vector<1024x768xf32> to vector<1024x32xf32>
    %slice3A_429 = vector.extract_strided_slice %dot_general3A_18 {offsets = [0, 224], sizes = [1024, 32], strides = [1, 1]} : vector<1024x768xf32> to vector<1024x32xf32>
    %slice3A_430 = vector.extract_strided_slice %dot_general3A_24 {offsets = [0, 192], sizes = [1024, 32], strides = [1, 1]} : vector<1024x768xf32> to vector<1024x32xf32>
    %slice3A_431 = vector.extract_strided_slice %dot_general3A_24 {offsets = [0, 224], sizes = [1024, 32], strides = [1, 1]} : vector<1024x768xf32> to vector<1024x32xf32>
    %mul3A_432 = arith.mulf %slice3A_428, %cos3A : vector<1024x32xf32>
    %mul3A_433 = arith.mulf %slice3A_429, %sin3A : vector<1024x32xf32>
    %sub3A_434 = arith.subf %mul3A_432, %mul3A_433 : vector<1024x32xf32>
    %mul3A_435 = arith.mulf %slice3A_429, %cos3A : vector<1024x32xf32>
    %mul3A_436 = arith.mulf %slice3A_428, %sin3A : vector<1024x32xf32>
    %add3A_437 = arith.addf %mul3A_435, %mul3A_436 : vector<1024x32xf32>
    %concatenate3A_438 = tpu.concatenate %sub3A_434, %add3A_437 in 1 : vector<1024x32xf32>, vector<1024x32xf32> -> vector<1024x64xf32>
    %mul3A_439 = arith.constant 1.250000e-01 : f32
    %mul3A_440 = vector.broadcast %mul3A_439 : f32 to vector<1024x64xf32>
    %mul3A_441 = arith.mulf %concatenate3A_438, %mul3A_440 : vector<1024x64xf32>
    %convert_element_type3A_442 = arith.truncf %mul3A_441 : vector<1024x64xf32> to vector<1024x64xbf16>
    %mul3A_443 = arith.mulf %slice3A_430, %cos3A : vector<1024x32xf32>
    %mul3A_444 = arith.mulf %slice3A_431, %sin3A : vector<1024x32xf32>
    %sub3A_445 = arith.subf %mul3A_443, %mul3A_444 : vector<1024x32xf32>
    %mul3A_446 = arith.mulf %slice3A_431, %cos3A : vector<1024x32xf32>
    %mul3A_447 = arith.mulf %slice3A_430, %sin3A : vector<1024x32xf32>
    %add3A_448 = arith.addf %mul3A_446, %mul3A_447 : vector<1024x32xf32>
    %concatenate3A_449 = tpu.concatenate %sub3A_445, %add3A_448 in 1 : vector<1024x32xf32>, vector<1024x32xf32> -> vector<1024x64xf32>
    %convert_element_type3A_450 = arith.truncf %concatenate3A_449 : vector<1024x64xf32> to vector<1024x64xbf16>
    %slice3A_451 = vector.extract_strided_slice %convert_element_type3A_31 {offsets = [0, 192], sizes = [1024, 64], strides = [1, 1]} : vector<1024x768xbf16> to vector<1024x64xbf16>
    %concatenate3A_452 = tpu.concatenate %slice3A_451, %broadcast_in_dim3A_33 in 1 : vector<1024x64xbf16>, vector<1024x1xbf16> -> vector<1024x65xbf16>
    %slice3A_453 = vector.extract_strided_slice %convert_element_type3A_442 {offsets = [0, 0], sizes = [256, 64], strides = [1, 1]} : vector<1024x64xbf16> to vector<256x64xbf16>
    %slice3A_454 = vector.extract_strided_slice %convert_element_type3A_450 {offsets = [0, 0], sizes = [256, 64], strides = [1, 1]} : vector<1024x64xbf16> to vector<256x64xbf16>
    %dot_general3A_455 = arith.constant dense<0.000000e+00> : vector<256x256xf32>
    %dot_general3A_456 = tpu.matmul %slice3A_453, %slice3A_454, %dot_general3A_455 {dimension_numbers = #tpu.dot_dimension_numbers<[1], [1], [0], [0], [0, 0, 1, 0], [], []>, transpose_lhs_hint = false} : vector<256x64xbf16>, vector<256x64xbf16>, vector<256x256xf32> -> vector<256x256xf32>
    %exp3A_457 = math.exp %dot_general3A_456 : vector<256x256xf32>
    %mul3A_458 = arith.mulf %exp3A_457, %convert_element_type3A_36 : vector<256x256xf32>
    %convert_element_type3A_459 = arith.truncf %mul3A_458 : vector<256x256xf32> to vector<256x256xbf16>
    %slice3A_460 = vector.extract_strided_slice %concatenate3A_452 {offsets = [0, 0], sizes = [256, 65], strides = [1, 1]} : vector<1024x65xbf16> to vector<256x65xbf16>
    %dot_general3A_461 = arith.constant dense<0.000000e+00> : vector<256x65xf32>
    %dot_general3A_462 = tpu.matmul %convert_element_type3A_459, %slice3A_460, %dot_general3A_461 {dimension_numbers = #tpu.dot_dimension_numbers<[1], [0], [0], [1], [0, 0, 1, 1], [], []>, transpose_lhs_hint = false} : vector<256x256xbf16>, vector<256x65xbf16>, vector<256x65xf32> -> vector<256x65xf32>
    %slice3A_463 = vector.extract_strided_slice %dot_general3A_462 {offsets = [0, 0], sizes = [256, 64], strides = [1, 1]} : vector<256x65xf32> to vector<256x64xf32>
    %slice3A_464 = vector.extract_strided_slice %dot_general3A_462 {offsets = [0, 64], sizes = [256, 1], strides = [1, 1]} : vector<256x65xf32> to vector<256x1xf32>
    %div3A_465 = arith.constant 1.000000e+00 : f32
    %div3A_466 = vector.broadcast %div3A_465 : f32 to vector<256x1xf32>
    %div3A_467 = arith.divf %div3A_466, %slice3A_464 : vector<256x1xf32>
    %mul3A_468 = vector.broadcast %div3A_467 : vector<256x1xf32> to vector<256x64xf32>
    %mul3A_469 = arith.mulf %slice3A_463, %mul3A_468 : vector<256x64xf32>
    %convert_element_type3A_470 = arith.truncf %mul3A_469 : vector<256x64xf32> to vector<256x64xbf16>
    %swap3A_471 = arith.constant 0 : index
    %swap3A_472 = arith.constant 192 : index
    %swap3A_473 = vector.load %arg8[%swap3A_471, %swap3A_472] : memref<1024x768xbf16, #tpu.memory_space<vmem>>, vector<256x64xbf16>
    tpu.vector_store %arg8[%swap3A_471, %swap3A_472], %convert_element_type3A_470 {strides = array<i32>} : memref<1024x768xbf16, #tpu.memory_space<vmem>>, vector<256x64xbf16>,
    %slice3A_474 = vector.extract_strided_slice %convert_element_type3A_442 {offsets = [256, 0], sizes = [256, 64], strides = [1, 1]} : vector<1024x64xbf16> to vector<256x64xbf16>
    %slice3A_475 = vector.extract_strided_slice %convert_element_type3A_450 {offsets = [0, 0], sizes = [512, 64], strides = [1, 1]} : vector<1024x64xbf16> to vector<512x64xbf16>
    %dot_general3A_476 = arith.constant dense<0.000000e+00> : vector<256x512xf32>
    %dot_general3A_477 = tpu.matmul %slice3A_474, %slice3A_475, %dot_general3A_476 {dimension_numbers = #tpu.dot_dimension_numbers<[1], [1], [0], [0], [0, 0, 1, 0], [], []>, transpose_lhs_hint = false} : vector<256x64xbf16>, vector<512x64xbf16>, vector<256x512xf32> -> vector<256x512xf32>
    %slice3A_478 = vector.extract_strided_slice %dot_general3A_477 {offsets = [0, 256], sizes = [256, 256], strides = [1, 1]} : vector<256x512xf32> to vector<256x256xf32>
    %exp3A_479 = math.exp %slice3A_478 : vector<256x256xf32>
    %mul3A_480 = arith.mulf %exp3A_479, %convert_element_type3A_36 : vector<256x256xf32>
    %convert_element_type3A_481 = arith.truncf %mul3A_480 : vector<256x256xf32> to vector<256x256xbf16>
    %slice3A_482 = vector.extract_strided_slice %concatenate3A_452 {offsets = [256, 0], sizes = [256, 65], strides = [1, 1]} : vector<1024x65xbf16> to vector<256x65xbf16>
    %dot_general3A_483 = arith.constant dense<0.000000e+00> : vector<256x65xf32>
    %dot_general3A_484 = tpu.matmul %convert_element_type3A_481, %slice3A_482, %dot_general3A_483 {dimension_numbers = #tpu.dot_dimension_numbers<[1], [0], [0], [1], [0, 0, 1, 1], [], []>, transpose_lhs_hint = false} : vector<256x256xbf16>, vector<256x65xbf16>, vector<256x65xf32> -> vector<256x65xf32>
    %slice3A_485 = vector.extract_strided_slice %dot_general3A_477 {offsets = [0, 0], sizes = [256, 256], strides = [1, 1]} : vector<256x512xf32> to vector<256x256xf32>
    %exp3A_486 = math.exp %slice3A_485 : vector<256x256xf32>
    %convert_element_type3A_487 = arith.truncf %exp3A_486 : vector<256x256xf32> to vector<256x256xbf16>
    %slice3A_488 = vector.extract_strided_slice %concatenate3A_452 {offsets = [0, 0], sizes = [256, 65], strides = [1, 1]} : vector<1024x65xbf16> to vector<256x65xbf16>
    %dot_general3A_489 = arith.constant dense<0.000000e+00> : vector<256x65xf32>
    %dot_general3A_490 = tpu.matmul %convert_element_type3A_487, %slice3A_488, %dot_general3A_489 {dimension_numbers = #tpu.dot_dimension_numbers<[1], [0], [0], [1], [0, 0, 1, 1], [], []>, transpose_lhs_hint = false} : vector<256x256xbf16>, vector<256x65xbf16>, vector<256x65xf32> -> vector<256x65xf32>
    %add3A_491 = arith.addf %dot_general3A_484, %dot_general3A_490 : vector<256x65xf32>
    %slice3A_492 = vector.extract_strided_slice %add3A_491 {offsets = [0, 0], sizes = [256, 64], strides = [1, 1]} : vector<256x65xf32> to vector<256x64xf32>
    %slice3A_493 = vector.extract_strided_slice %add3A_491 {offsets = [0, 64], sizes = [256, 1], strides = [1, 1]} : vector<256x65xf32> to vector<256x1xf32>
    %div3A_494 = arith.constant 1.000000e+00 : f32
    %div3A_495 = vector.broadcast %div3A_494 : f32 to vector<256x1xf32>
    %div3A_496 = arith.divf %div3A_495, %slice3A_493 : vector<256x1xf32>
    %mul3A_497 = vector.broadcast %div3A_496 : vector<256x1xf32> to vector<256x64xf32>
    %mul3A_498 = arith.mulf %slice3A_492, %mul3A_497 : vector<256x64xf32>
    %convert_element_type3A_499 = arith.truncf %mul3A_498 : vector<256x64xf32> to vector<256x64xbf16>
    %swap3A_500 = arith.constant 256 : index
    %swap3A_501 = arith.constant 192 : index
    %swap3A_502 = vector.load %arg8[%swap3A_500, %swap3A_501] : memref<1024x768xbf16, #tpu.memory_space<vmem>>, vector<256x64xbf16>
    tpu.vector_store %arg8[%swap3A_500, %swap3A_501], %convert_element_type3A_499 {strides = array<i32>} : memref<1024x768xbf16, #tpu.memory_space<vmem>>, vector<256x64xbf16>,
    %slice3A_503 = vector.extract_strided_slice %convert_element_type3A_442 {offsets = [512, 0], sizes = [256, 64], strides = [1, 1]} : vector<1024x64xbf16> to vector<256x64xbf16>
    %slice3A_504 = vector.extract_strided_slice %convert_element_type3A_450 {offsets = [0, 0], sizes = [768, 64], strides = [1, 1]} : vector<1024x64xbf16> to vector<768x64xbf16>
    %dot_general3A_505 = arith.constant dense<0.000000e+00> : vector<256x768xf32>
    %dot_general3A_506 = tpu.matmul %slice3A_503, %slice3A_504, %dot_general3A_505 {dimension_numbers = #tpu.dot_dimension_numbers<[1], [1], [0], [0], [0, 0, 1, 0], [], []>, transpose_lhs_hint = false} : vector<256x64xbf16>, vector<768x64xbf16>, vector<256x768xf32> -> vector<256x768xf32>
    %slice3A_507 = vector.extract_strided_slice %dot_general3A_506 {offsets = [0, 512], sizes = [256, 256], strides = [1, 1]} : vector<256x768xf32> to vector<256x256xf32>
    %exp3A_508 = math.exp %slice3A_507 : vector<256x256xf32>
    %mul3A_509 = arith.mulf %exp3A_508, %convert_element_type3A_36 : vector<256x256xf32>
    %convert_element_type3A_510 = arith.truncf %mul3A_509 : vector<256x256xf32> to vector<256x256xbf16>
    %slice3A_511 = vector.extract_strided_slice %concatenate3A_452 {offsets = [512, 0], sizes = [256, 65], strides = [1, 1]} : vector<1024x65xbf16> to vector<256x65xbf16>
    %dot_general3A_512 = arith.constant dense<0.000000e+00> : vector<256x65xf32>
    %dot_general3A_513 = tpu.matmul %convert_element_type3A_510, %slice3A_511, %dot_general3A_512 {dimension_numbers = #tpu.dot_dimension_numbers<[1], [0], [0], [1], [0, 0, 1, 1], [], []>, transpose_lhs_hint = false} : vector<256x256xbf16>, vector<256x65xbf16>, vector<256x65xf32> -> vector<256x65xf32>
    %slice3A_514 = vector.extract_strided_slice %dot_general3A_506 {offsets = [0, 0], sizes = [256, 512], strides = [1, 1]} : vector<256x768xf32> to vector<256x512xf32>
    %exp3A_515 = math.exp %slice3A_514 : vector<256x512xf32>
    %convert_element_type3A_516 = arith.truncf %exp3A_515 : vector<256x512xf32> to vector<256x512xbf16>
    %slice3A_517 = vector.extract_strided_slice %concatenate3A_452 {offsets = [0, 0], sizes = [512, 65], strides = [1, 1]} : vector<1024x65xbf16> to vector<512x65xbf16>
    %dot_general3A_518 = arith.constant dense<0.000000e+00> : vector<256x65xf32>
    %dot_general3A_519 = tpu.matmul %convert_element_type3A_516, %slice3A_517, %dot_general3A_518 {dimension_numbers = #tpu.dot_dimension_numbers<[1], [0], [0], [1], [0, 0, 1, 1], [], []>, transpose_lhs_hint = false} : vector<256x512xbf16>, vector<512x65xbf16>, vector<256x65xf32> -> vector<256x65xf32>
    %add3A_520 = arith.addf %dot_general3A_513, %dot_general3A_519 : vector<256x65xf32>
    %slice3A_521 = vector.extract_strided_slice %add3A_520 {offsets = [0, 0], sizes = [256, 64], strides = [1, 1]} : vector<256x65xf32> to vector<256x64xf32>
    %slice3A_522 = vector.extract_strided_slice %add3A_520 {offsets = [0, 64], sizes = [256, 1], strides = [1, 1]} : vector<256x65xf32> to vector<256x1xf32>
    %div3A_523 = arith.constant 1.000000e+00 : f32
    %div3A_524 = vector.broadcast %div3A_523 : f32 to vector<256x1xf32>
    %div3A_525 = arith.divf %div3A_524, %slice3A_522 : vector<256x1xf32>
    %mul3A_526 = vector.broadcast %div3A_525 : vector<256x1xf32> to vector<256x64xf32>
    %mul3A_527 = arith.mulf %slice3A_521, %mul3A_526 : vector<256x64xf32>
    %convert_element_type3A_528 = arith.truncf %mul3A_527 : vector<256x64xf32> to vector<256x64xbf16>
    %swap3A_529 = arith.constant 512 : index
    %swap3A_530 = arith.constant 192 : index
    %swap3A_531 = vector.load %arg8[%swap3A_529, %swap3A_530] : memref<1024x768xbf16, #tpu.memory_space<vmem>>, vector<256x64xbf16>
    tpu.vector_store %arg8[%swap3A_529, %swap3A_530], %convert_element_type3A_528 {strides = array<i32>} : memref<1024x768xbf16, #tpu.memory_space<vmem>>, vector<256x64xbf16>,
    %slice3A_532 = vector.extract_strided_slice %convert_element_type3A_442 {offsets = [768, 0], sizes = [256, 64], strides = [1, 1]} : vector<1024x64xbf16> to vector<256x64xbf16>
    %dot_general3A_533 = arith.constant dense<0.000000e+00> : vector<256x1024xf32>
    %dot_general3A_534 = tpu.matmul %slice3A_532, %convert_element_type3A_450, %dot_general3A_533 {dimension_numbers = #tpu.dot_dimension_numbers<[1], [1], [0], [0], [0, 0, 1, 0], [], []>, transpose_lhs_hint = false} : vector<256x64xbf16>, vector<1024x64xbf16>, vector<256x1024xf32> -> vector<256x1024xf32>
    %slice3A_535 = vector.extract_strided_slice %dot_general3A_534 {offsets = [0, 768], sizes = [256, 256], strides = [1, 1]} : vector<256x1024xf32> to vector<256x256xf32>
    %exp3A_536 = math.exp %slice3A_535 : vector<256x256xf32>
    %mul3A_537 = arith.mulf %exp3A_536, %convert_element_type3A_36 : vector<256x256xf32>
    %convert_element_type3A_538 = arith.truncf %mul3A_537 : vector<256x256xf32> to vector<256x256xbf16>
    %slice3A_539 = vector.extract_strided_slice %concatenate3A_452 {offsets = [768, 0], sizes = [256, 65], strides = [1, 1]} : vector<1024x65xbf16> to vector<256x65xbf16>
    %dot_general3A_540 = arith.constant dense<0.000000e+00> : vector<256x65xf32>
    %dot_general3A_541 = tpu.matmul %convert_element_type3A_538, %slice3A_539, %dot_general3A_540 {dimension_numbers = #tpu.dot_dimension_numbers<[1], [0], [0], [1], [0, 0, 1, 1], [], []>, transpose_lhs_hint = false} : vector<256x256xbf16>, vector<256x65xbf16>, vector<256x65xf32> -> vector<256x65xf32>
    %slice3A_542 = vector.extract_strided_slice %dot_general3A_534 {offsets = [0, 0], sizes = [256, 768], strides = [1, 1]} : vector<256x1024xf32> to vector<256x768xf32>
    %exp3A_543 = math.exp %slice3A_542 : vector<256x768xf32>
    %convert_element_type3A_544 = arith.truncf %exp3A_543 : vector<256x768xf32> to vector<256x768xbf16>
    %slice3A_545 = vector.extract_strided_slice %concatenate3A_452 {offsets = [0, 0], sizes = [768, 65], strides = [1, 1]} : vector<1024x65xbf16> to vector<768x65xbf16>
    %dot_general3A_546 = arith.constant dense<0.000000e+00> : vector<256x65xf32>
    %dot_general3A_547 = tpu.matmul %convert_element_type3A_544, %slice3A_545, %dot_general3A_546 {dimension_numbers = #tpu.dot_dimension_numbers<[1], [0], [0], [1], [0, 0, 1, 1], [], []>, transpose_lhs_hint = false} : vector<256x768xbf16>, vector<768x65xbf16>, vector<256x65xf32> -> vector<256x65xf32>
    %add3A_548 = arith.addf %dot_general3A_541, %dot_general3A_547 : vector<256x65xf32>
    %slice3A_549 = vector.extract_strided_slice %add3A_548 {offsets = [0, 0], sizes = [256, 64], strides = [1, 1]} : vector<256x65xf32> to vector<256x64xf32>
    %slice3A_550 = vector.extract_strided_slice %add3A_548 {offsets = [0, 64], sizes = [256, 1], strides = [1, 1]} : vector<256x65xf32> to vector<256x1xf32>
    %div3A_551 = arith.constant 1.000000e+00 : f32
    %div3A_552 = vector.broadcast %div3A_551 : f32 to vector<256x1xf32>
    %div3A_553 = arith.divf %div3A_552, %slice3A_550 : vector<256x1xf32>
    %mul3A_554 = vector.broadcast %div3A_553 : vector<256x1xf32> to vector<256x64xf32>
    %mul3A_555 = arith.mulf %slice3A_549, %mul3A_554 : vector<256x64xf32>
    %convert_element_type3A_556 = arith.truncf %mul3A_555 : vector<256x64xf32> to vector<256x64xbf16>
    %swap3A_557 = arith.constant 768 : index
    %swap3A_558 = arith.constant 192 : index
    %swap3A_559 = vector.load %arg8[%swap3A_557, %swap3A_558] : memref<1024x768xbf16, #tpu.memory_space<vmem>>, vector<256x64xbf16>
    tpu.vector_store %arg8[%swap3A_557, %swap3A_558], %convert_element_type3A_556 {strides = array<i32>} : memref<1024x768xbf16, #tpu.memory_space<vmem>>, vector<256x64xbf16>,
    %slice3A_560 = vector.extract_strided_slice %dot_general3A_18 {offsets = [0, 256], sizes = [1024, 32], strides = [1, 1]} : vector<1024x768xf32> to vector<1024x32xf32>
    %slice3A_561 = vector.extract_strided_slice %dot_general3A_18 {offsets = [0, 288], sizes = [1024, 32], strides = [1, 1]} : vector<1024x768xf32> to vector<1024x32xf32>
    %slice3A_562 = vector.extract_strided_slice %dot_general3A_24 {offsets = [0, 256], sizes = [1024, 32], strides = [1, 1]} : vector<1024x768xf32> to vector<1024x32xf32>
    %slice3A_563 = vector.extract_strided_slice %dot_general3A_24 {offsets = [0, 288], sizes = [1024, 32], strides = [1, 1]} : vector<1024x768xf32> to vector<1024x32xf32>
    %mul3A_564 = arith.mulf %slice3A_560, %cos3A : vector<1024x32xf32>
    %mul3A_565 = arith.mulf %slice3A_561, %sin3A : vector<1024x32xf32>
    %sub3A_566 = arith.subf %mul3A_564, %mul3A_565 : vector<1024x32xf32>
    %mul3A_567 = arith.mulf %slice3A_561, %cos3A : vector<1024x32xf32>
    %mul3A_568 = arith.mulf %slice3A_560, %sin3A : vector<1024x32xf32>
    %add3A_569 = arith.addf %mul3A_567, %mul3A_568 : vector<1024x32xf32>
    %concatenate3A_570 = tpu.concatenate %sub3A_566, %add3A_569 in 1 : vector<1024x32xf32>, vector<1024x32xf32> -> vector<1024x64xf32>
    %mul3A_571 = arith.constant 1.250000e-01 : f32
    %mul3A_572 = vector.broadcast %mul3A_571 : f32 to vector<1024x64xf32>
    %mul3A_573 = arith.mulf %concatenate3A_570, %mul3A_572 : vector<1024x64xf32>
    %convert_element_type3A_574 = arith.truncf %mul3A_573 : vector<1024x64xf32> to vector<1024x64xbf16>
    %mul3A_575 = arith.mulf %slice3A_562, %cos3A : vector<1024x32xf32>
    %mul3A_576 = arith.mulf %slice3A_563, %sin3A : vector<1024x32xf32>
    %sub3A_577 = arith.subf %mul3A_575, %mul3A_576 : vector<1024x32xf32>
    %mul3A_578 = arith.mulf %slice3A_563, %cos3A : vector<1024x32xf32>
    %mul3A_579 = arith.mulf %slice3A_562, %sin3A : vector<1024x32xf32>
    %add3A_580 = arith.addf %mul3A_578, %mul3A_579 : vector<1024x32xf32>
    %concatenate3A_581 = tpu.concatenate %sub3A_577, %add3A_580 in 1 : vector<1024x32xf32>, vector<1024x32xf32> -> vector<1024x64xf32>
    %convert_element_type3A_582 = arith.truncf %concatenate3A_581 : vector<1024x64xf32> to vector<1024x64xbf16>
    %slice3A_583 = vector.extract_strided_slice %convert_element_type3A_31 {offsets = [0, 256], sizes = [1024, 64], strides = [1, 1]} : vector<1024x768xbf16> to vector<1024x64xbf16>
    %concatenate3A_584 = tpu.concatenate %slice3A_583, %broadcast_in_dim3A_33 in 1 : vector<1024x64xbf16>, vector<1024x1xbf16> -> vector<1024x65xbf16>
    %slice3A_585 = vector.extract_strided_slice %convert_element_type3A_574 {offsets = [0, 0], sizes = [256, 64], strides = [1, 1]} : vector<1024x64xbf16> to vector<256x64xbf16>
    %slice3A_586 = vector.extract_strided_slice %convert_element_type3A_582 {offsets = [0, 0], sizes = [256, 64], strides = [1, 1]} : vector<1024x64xbf16> to vector<256x64xbf16>
    %dot_general3A_587 = arith.constant dense<0.000000e+00> : vector<256x256xf32>
    %dot_general3A_588 = tpu.matmul %slice3A_585, %slice3A_586, %dot_general3A_587 {dimension_numbers = #tpu.dot_dimension_numbers<[1], [1], [0], [0], [0, 0, 1, 0], [], []>, transpose_lhs_hint = false} : vector<256x64xbf16>, vector<256x64xbf16>, vector<256x256xf32> -> vector<256x256xf32>
    %exp3A_589 = math.exp %dot_general3A_588 : vector<256x256xf32>
    %mul3A_590 = arith.mulf %exp3A_589, %convert_element_type3A_36 : vector<256x256xf32>
    %convert_element_type3A_591 = arith.truncf %mul3A_590 : vector<256x256xf32> to vector<256x256xbf16>
    %slice3A_592 = vector.extract_strided_slice %concatenate3A_584 {offsets = [0, 0], sizes = [256, 65], strides = [1, 1]} : vector<1024x65xbf16> to vector<256x65xbf16>
    %dot_general3A_593 = arith.constant dense<0.000000e+00> : vector<256x65xf32>
    %dot_general3A_594 = tpu.matmul %convert_element_type3A_591, %slice3A_592, %dot_general3A_593 {dimension_numbers = #tpu.dot_dimension_numbers<[1], [0], [0], [1], [0, 0, 1, 1], [], []>, transpose_lhs_hint = false} : vector<256x256xbf16>, vector<256x65xbf16>, vector<256x65xf32> -> vector<256x65xf32>
    %slice3A_595 = vector.extract_strided_slice %dot_general3A_594 {offsets = [0, 0], sizes = [256, 64], strides = [1, 1]} : vector<256x65xf32> to vector<256x64xf32>
    %slice3A_596 = vector.extract_strided_slice %dot_general3A_594 {offsets = [0, 64], sizes = [256, 1], strides = [1, 1]} : vector<256x65xf32> to vector<256x1xf32>
    %div3A_597 = arith.constant 1.000000e+00 : f32
    %div3A_598 = vector.broadcast %div3A_597 : f32 to vector<256x1xf32>
    %div3A_599 = arith.divf %div3A_598, %slice3A_596 : vector<256x1xf32>
    %mul3A_600 = vector.broadcast %div3A_599 : vector<256x1xf32> to vector<256x64xf32>
    %mul3A_601 = arith.mulf %slice3A_595, %mul3A_600 : vector<256x64xf32>
    %convert_element_type3A_602 = arith.truncf %mul3A_601 : vector<256x64xf32> to vector<256x64xbf16>
    %swap3A_603 = arith.constant 0 : index
    %swap3A_604 = arith.constant 256 : index
    %swap3A_605 = vector.load %arg8[%swap3A_603, %swap3A_604] : memref<1024x768xbf16, #tpu.memory_space<vmem>>, vector<256x64xbf16>
    tpu.vector_store %arg8[%swap3A_603, %swap3A_604], %convert_element_type3A_602 {strides = array<i32>} : memref<1024x768xbf16, #tpu.memory_space<vmem>>, vector<256x64xbf16>,
    %slice3A_606 = vector.extract_strided_slice %convert_element_type3A_574 {offsets = [256, 0], sizes = [256, 64], strides = [1, 1]} : vector<1024x64xbf16> to vector<256x64xbf16>
    %slice3A_607 = vector.extract_strided_slice %convert_element_type3A_582 {offsets = [0, 0], sizes = [512, 64], strides = [1, 1]} : vector<1024x64xbf16> to vector<512x64xbf16>
    %dot_general3A_608 = arith.constant dense<0.000000e+00> : vector<256x512xf32>
    %dot_general3A_609 = tpu.matmul %slice3A_606, %slice3A_607, %dot_general3A_608 {dimension_numbers = #tpu.dot_dimension_numbers<[1], [1], [0], [0], [0, 0, 1, 0], [], []>, transpose_lhs_hint = false} : vector<256x64xbf16>, vector<512x64xbf16>, vector<256x512xf32> -> vector<256x512xf32>
    %slice3A_610 = vector.extract_strided_slice %dot_general3A_609 {offsets = [0, 256], sizes = [256, 256], strides = [1, 1]} : vector<256x512xf32> to vector<256x256xf32>
    %exp3A_611 = math.exp %slice3A_610 : vector<256x256xf32>
    %mul3A_612 = arith.mulf %exp3A_611, %convert_element_type3A_36 : vector<256x256xf32>
    %convert_element_type3A_613 = arith.truncf %mul3A_612 : vector<256x256xf32> to vector<256x256xbf16>
    %slice3A_614 = vector.extract_strided_slice %concatenate3A_584 {offsets = [256, 0], sizes = [256, 65], strides = [1, 1]} : vector<1024x65xbf16> to vector<256x65xbf16>
    %dot_general3A_615 = arith.constant dense<0.000000e+00> : vector<256x65xf32>
    %dot_general3A_616 = tpu.matmul %convert_element_type3A_613, %slice3A_614, %dot_general3A_615 {dimension_numbers = #tpu.dot_dimension_numbers<[1], [0], [0], [1], [0, 0, 1, 1], [], []>, transpose_lhs_hint = false} : vector<256x256xbf16>, vector<256x65xbf16>, vector<256x65xf32> -> vector<256x65xf32>
    %slice3A_617 = vector.extract_strided_slice %dot_general3A_609 {offsets = [0, 0], sizes = [256, 256], strides = [1, 1]} : vector<256x512xf32> to vector<256x256xf32>
    %exp3A_618 = math.exp %slice3A_617 : vector<256x256xf32>
    %convert_element_type3A_619 = arith.truncf %exp3A_618 : vector<256x256xf32> to vector<256x256xbf16>
    %slice3A_620 = vector.extract_strided_slice %concatenate3A_584 {offsets = [0, 0], sizes = [256, 65], strides = [1, 1]} : vector<1024x65xbf16> to vector<256x65xbf16>
    %dot_general3A_621 = arith.constant dense<0.000000e+00> : vector<256x65xf32>
    %dot_general3A_622 = tpu.matmul %convert_element_type3A_619, %slice3A_620, %dot_general3A_621 {dimension_numbers = #tpu.dot_dimension_numbers<[1], [0], [0], [1], [0, 0, 1, 1], [], []>, transpose_lhs_hint = false} : vector<256x256xbf16>, vector<256x65xbf16>, vector<256x65xf32> -> vector<256x65xf32>
    %add3A_623 = arith.addf %dot_general3A_616, %dot_general3A_622 : vector<256x65xf32>
    %slice3A_624 = vector.extract_strided_slice %add3A_623 {offsets = [0, 0], sizes = [256, 64], strides = [1, 1]} : vector<256x65xf32> to vector<256x64xf32>
    %slice3A_625 = vector.extract_strided_slice %add3A_623 {offsets = [0, 64], sizes = [256, 1], strides = [1, 1]} : vector<256x65xf32> to vector<256x1xf32>
    %div3A_626 = arith.constant 1.000000e+00 : f32
    %div3A_627 = vector.broadcast %div3A_626 : f32 to vector<256x1xf32>
    %div3A_628 = arith.divf %div3A_627, %slice3A_625 : vector<256x1xf32>
    %mul3A_629 = vector.broadcast %div3A_628 : vector<256x1xf32> to vector<256x64xf32>
    %mul3A_630 = arith.mulf %slice3A_624, %mul3A_629 : vector<256x64xf32>
    %convert_element_type3A_631 = arith.truncf %mul3A_630 : vector<256x64xf32> to vector<256x64xbf16>
    %swap3A_632 = arith.constant 256 : index
    %swap3A_633 = arith.constant 256 : index
    %swap3A_634 = vector.load %arg8[%swap3A_632, %swap3A_633] : memref<1024x768xbf16, #tpu.memory_space<vmem>>, vector<256x64xbf16>
    tpu.vector_store %arg8[%swap3A_632, %swap3A_633], %convert_element_type3A_631 {strides = array<i32>} : memref<1024x768xbf16, #tpu.memory_space<vmem>>, vector<256x64xbf16>,
    %slice3A_635 = vector.extract_strided_slice %convert_element_type3A_574 {offsets = [512, 0], sizes = [256, 64], strides = [1, 1]} : vector<1024x64xbf16> to vector<256x64xbf16>
    %slice3A_636 = vector.extract_strided_slice %convert_element_type3A_582 {offsets = [0, 0], sizes = [768, 64], strides = [1, 1]} : vector<1024x64xbf16> to vector<768x64xbf16>
    %dot_general3A_637 = arith.constant dense<0.000000e+00> : vector<256x768xf32>
    %dot_general3A_638 = tpu.matmul %slice3A_635, %slice3A_636, %dot_general3A_637 {dimension_numbers = #tpu.dot_dimension_numbers<[1], [1], [0], [0], [0, 0, 1, 0], [], []>, transpose_lhs_hint = false} : vector<256x64xbf16>, vector<768x64xbf16>, vector<256x768xf32> -> vector<256x768xf32>
    %slice3A_639 = vector.extract_strided_slice %dot_general3A_638 {offsets = [0, 512], sizes = [256, 256], strides = [1, 1]} : vector<256x768xf32> to vector<256x256xf32>
    %exp3A_640 = math.exp %slice3A_639 : vector<256x256xf32>
    %mul3A_641 = arith.mulf %exp3A_640, %convert_element_type3A_36 : vector<256x256xf32>
    %convert_element_type3A_642 = arith.truncf %mul3A_641 : vector<256x256xf32> to vector<256x256xbf16>
    %slice3A_643 = vector.extract_strided_slice %concatenate3A_584 {offsets = [512, 0], sizes = [256, 65], strides = [1, 1]} : vector<1024x65xbf16> to vector<256x65xbf16>
    %dot_general3A_644 = arith.constant dense<0.000000e+00> : vector<256x65xf32>
    %dot_general3A_645 = tpu.matmul %convert_element_type3A_642, %slice3A_643, %dot_general3A_644 {dimension_numbers = #tpu.dot_dimension_numbers<[1], [0], [0], [1], [0, 0, 1, 1], [], []>, transpose_lhs_hint = false} : vector<256x256xbf16>, vector<256x65xbf16>, vector<256x65xf32> -> vector<256x65xf32>
    %slice3A_646 = vector.extract_strided_slice %dot_general3A_638 {offsets = [0, 0], sizes = [256, 512], strides = [1, 1]} : vector<256x768xf32> to vector<256x512xf32>
    %exp3A_647 = math.exp %slice3A_646 : vector<256x512xf32>
    %convert_element_type3A_648 = arith.truncf %exp3A_647 : vector<256x512xf32> to vector<256x512xbf16>
    %slice3A_649 = vector.extract_strided_slice %concatenate3A_584 {offsets = [0, 0], sizes = [512, 65], strides = [1, 1]} : vector<1024x65xbf16> to vector<512x65xbf16>
    %dot_general3A_650 = arith.constant dense<0.000000e+00> : vector<256x65xf32>
    %dot_general3A_651 = tpu.matmul %convert_element_type3A_648, %slice3A_649, %dot_general3A_650 {dimension_numbers = #tpu.dot_dimension_numbers<[1], [0], [0], [1], [0, 0, 1, 1], [], []>, transpose_lhs_hint = false} : vector<256x512xbf16>, vector<512x65xbf16>, vector<256x65xf32> -> vector<256x65xf32>
    %add3A_652 = arith.addf %dot_general3A_645, %dot_general3A_651 : vector<256x65xf32>
    %slice3A_653 = vector.extract_strided_slice %add3A_652 {offsets = [0, 0], sizes = [256, 64], strides = [1, 1]} : vector<256x65xf32> to vector<256x64xf32>
    %slice3A_654 = vector.extract_strided_slice %add3A_652 {offsets = [0, 64], sizes = [256, 1], strides = [1, 1]} : vector<256x65xf32> to vector<256x1xf32>
    %div3A_655 = arith.constant 1.000000e+00 : f32
    %div3A_656 = vector.broadcast %div3A_655 : f32 to vector<256x1xf32>
    %div3A_657 = arith.divf %div3A_656, %slice3A_654 : vector<256x1xf32>
    %mul3A_658 = vector.broadcast %div3A_657 : vector<256x1xf32> to vector<256x64xf32>
    %mul3A_659 = arith.mulf %slice3A_653, %mul3A_658 : vector<256x64xf32>
    %convert_element_type3A_660 = arith.truncf %mul3A_659 : vector<256x64xf32> to vector<256x64xbf16>
    %swap3A_661 = arith.constant 512 : index
    %swap3A_662 = arith.constant 256 : index
    %swap3A_663 = vector.load %arg8[%swap3A_661, %swap3A_662] : memref<1024x768xbf16, #tpu.memory_space<vmem>>, vector<256x64xbf16>
    tpu.vector_store %arg8[%swap3A_661, %swap3A_662], %convert_element_type3A_660 {strides = array<i32>} : memref<1024x768xbf16, #tpu.memory_space<vmem>>, vector<256x64xbf16>,
    %slice3A_664 = vector.extract_strided_slice %convert_element_type3A_574 {offsets = [768, 0], sizes = [256, 64], strides = [1, 1]} : vector<1024x64xbf16> to vector<256x64xbf16>
    %dot_general3A_665 = arith.constant dense<0.000000e+00> : vector<256x1024xf32>
    %dot_general3A_666 = tpu.matmul %slice3A_664, %convert_element_type3A_582, %dot_general3A_665 {dimension_numbers = #tpu.dot_dimension_numbers<[1], [1], [0], [0], [0, 0, 1, 0], [], []>, transpose_lhs_hint = false} : vector<256x64xbf16>, vector<1024x64xbf16>, vector<256x1024xf32> -> vector<256x1024xf32>
    %slice3A_667 = vector.extract_strided_slice %dot_general3A_666 {offsets = [0, 768], sizes = [256, 256], strides = [1, 1]} : vector<256x1024xf32> to vector<256x256xf32>
    %exp3A_668 = math.exp %slice3A_667 : vector<256x256xf32>
    %mul3A_669 = arith.mulf %exp3A_668, %convert_element_type3A_36 : vector<256x256xf32>
    %convert_element_type3A_670 = arith.truncf %mul3A_669 : vector<256x256xf32> to vector<256x256xbf16>
    %slice3A_671 = vector.extract_strided_slice %concatenate3A_584 {offsets = [768, 0], sizes = [256, 65], strides = [1, 1]} : vector<1024x65xbf16> to vector<256x65xbf16>
    %dot_general3A_672 = arith.constant dense<0.000000e+00> : vector<256x65xf32>
    %dot_general3A_673 = tpu.matmul %convert_element_type3A_670, %slice3A_671, %dot_general3A_672 {dimension_numbers = #tpu.dot_dimension_numbers<[1], [0], [0], [1], [0, 0, 1, 1], [], []>, transpose_lhs_hint = false} : vector<256x256xbf16>, vector<256x65xbf16>, vector<256x65xf32> -> vector<256x65xf32>
    %slice3A_674 = vector.extract_strided_slice %dot_general3A_666 {offsets = [0, 0], sizes = [256, 768], strides = [1, 1]} : vector<256x1024xf32> to vector<256x768xf32>
    %exp3A_675 = math.exp %slice3A_674 : vector<256x768xf32>
    %convert_element_type3A_676 = arith.truncf %exp3A_675 : vector<256x768xf32> to vector<256x768xbf16>
    %slice3A_677 = vector.extract_strided_slice %concatenate3A_584 {offsets = [0, 0], sizes = [768, 65], strides = [1, 1]} : vector<1024x65xbf16> to vector<768x65xbf16>
    %dot_general3A_678 = arith.constant dense<0.000000e+00> : vector<256x65xf32>
    %dot_general3A_679 = tpu.matmul %convert_element_type3A_676, %slice3A_677, %dot_general3A_678 {dimension_numbers = #tpu.dot_dimension_numbers<[1], [0], [0], [1], [0, 0, 1, 1], [], []>, transpose_lhs_hint = false} : vector<256x768xbf16>, vector<768x65xbf16>, vector<256x65xf32> -> vector<256x65xf32>
    %add3A_680 = arith.addf %dot_general3A_673, %dot_general3A_679 : vector<256x65xf32>
    %slice3A_681 = vector.extract_strided_slice %add3A_680 {offsets = [0, 0], sizes = [256, 64], strides = [1, 1]} : vector<256x65xf32> to vector<256x64xf32>
    %slice3A_682 = vector.extract_strided_slice %add3A_680 {offsets = [0, 64], sizes = [256, 1], strides = [1, 1]} : vector<256x65xf32> to vector<256x1xf32>
    %div3A_683 = arith.constant 1.000000e+00 : f32
    %div3A_684 = vector.broadcast %div3A_683 : f32 to vector<256x1xf32>
    %div3A_685 = arith.divf %div3A_684, %slice3A_682 : vector<256x1xf32>
    %mul3A_686 = vector.broadcast %div3A_685 : vector<256x1xf32> to vector<256x64xf32>
    %mul3A_687 = arith.mulf %slice3A_681, %mul3A_686 : vector<256x64xf32>
    %convert_element_type3A_688 = arith.truncf %mul3A_687 : vector<256x64xf32> to vector<256x64xbf16>
    %swap3A_689 = arith.constant 768 : index
    %swap3A_690 = arith.constant 256 : index
    %swap3A_691 = vector.load %arg8[%swap3A_689, %swap3A_690] : memref<1024x768xbf16, #tpu.memory_space<vmem>>, vector<256x64xbf16>
    tpu.vector_store %arg8[%swap3A_689, %swap3A_690], %convert_element_type3A_688 {strides = array<i32>} : memref<1024x768xbf16, #tpu.memory_space<vmem>>, vector<256x64xbf16>,
    %slice3A_692 = vector.extract_strided_slice %dot_general3A_18 {offsets = [0, 320], sizes = [1024, 32], strides = [1, 1]} : vector<1024x768xf32> to vector<1024x32xf32>
    %slice3A_693 = vector.extract_strided_slice %dot_general3A_18 {offsets = [0, 352], sizes = [1024, 32], strides = [1, 1]} : vector<1024x768xf32> to vector<1024x32xf32>
    %slice3A_694 = vector.extract_strided_slice %dot_general3A_24 {offsets = [0, 320], sizes = [1024, 32], strides = [1, 1]} : vector<1024x768xf32> to vector<1024x32xf32>
    %slice3A_695 = vector.extract_strided_slice %dot_general3A_24 {offsets = [0, 352], sizes = [1024, 32], strides = [1, 1]} : vector<1024x768xf32> to vector<1024x32xf32>
    %mul3A_696 = arith.mulf %slice3A_692, %cos3A : vector<1024x32xf32>
    %mul3A_697 = arith.mulf %slice3A_693, %sin3A : vector<1024x32xf32>
    %sub3A_698 = arith.subf %mul3A_696, %mul3A_697 : vector<1024x32xf32>
    %mul3A_699 = arith.mulf %slice3A_693, %cos3A : vector<1024x32xf32>
    %mul3A_700 = arith.mulf %slice3A_692, %sin3A : vector<1024x32xf32>
    %add3A_701 = arith.addf %mul3A_699, %mul3A_700 : vector<1024x32xf32>
    %concatenate3A_702 = tpu.concatenate %sub3A_698, %add3A_701 in 1 : vector<1024x32xf32>, vector<1024x32xf32> -> vector<1024x64xf32>
    %mul3A_703 = arith.constant 1.250000e-01 : f32
    %mul3A_704 = vector.broadcast %mul3A_703 : f32 to vector<1024x64xf32>
    %mul3A_705 = arith.mulf %concatenate3A_702, %mul3A_704 : vector<1024x64xf32>
    %convert_element_type3A_706 = arith.truncf %mul3A_705 : vector<1024x64xf32> to vector<1024x64xbf16>
    %mul3A_707 = arith.mulf %slice3A_694, %cos3A : vector<1024x32xf32>
    %mul3A_708 = arith.mulf %slice3A_695, %sin3A : vector<1024x32xf32>
    %sub3A_709 = arith.subf %mul3A_707, %mul3A_708 : vector<1024x32xf32>
    %mul3A_710 = arith.mulf %slice3A_695, %cos3A : vector<1024x32xf32>
    %mul3A_711 = arith.mulf %slice3A_694, %sin3A : vector<1024x32xf32>
    %add3A_712 = arith.addf %mul3A_710, %mul3A_711 : vector<1024x32xf32>
    %concatenate3A_713 = tpu.concatenate %sub3A_709, %add3A_712 in 1 : vector<1024x32xf32>, vector<1024x32xf32> -> vector<1024x64xf32>
    %convert_element_type3A_714 = arith.truncf %concatenate3A_713 : vector<1024x64xf32> to vector<1024x64xbf16>
    %slice3A_715 = vector.extract_strided_slice %convert_element_type3A_31 {offsets = [0, 320], sizes = [1024, 64], strides = [1, 1]} : vector<1024x768xbf16> to vector<1024x64xbf16>
    %concatenate3A_716 = tpu.concatenate %slice3A_715, %broadcast_in_dim3A_33 in 1 : vector<1024x64xbf16>, vector<1024x1xbf16> -> vector<1024x65xbf16>
    %slice3A_717 = vector.extract_strided_slice %convert_element_type3A_706 {offsets = [0, 0], sizes = [256, 64], strides = [1, 1]} : vector<1024x64xbf16> to vector<256x64xbf16>
    %slice3A_718 = vector.extract_strided_slice %convert_element_type3A_714 {offsets = [0, 0], sizes = [256, 64], strides = [1, 1]} : vector<1024x64xbf16> to vector<256x64xbf16>
    %dot_general3A_719 = arith.constant dense<0.000000e+00> : vector<256x256xf32>
    %dot_general3A_720 = tpu.matmul %slice3A_717, %slice3A_718, %dot_general3A_719 {dimension_numbers = #tpu.dot_dimension_numbers<[1], [1], [0], [0], [0, 0, 1, 0], [], []>, transpose_lhs_hint = false} : vector<256x64xbf16>, vector<256x64xbf16>, vector<256x256xf32> -> vector<256x256xf32>
    %exp3A_721 = math.exp %dot_general3A_720 : vector<256x256xf32>
    %mul3A_722 = arith.mulf %exp3A_721, %convert_element_type3A_36 : vector<256x256xf32>
    %convert_element_type3A_723 = arith.truncf %mul3A_722 : vector<256x256xf32> to vector<256x256xbf16>
    %slice3A_724 = vector.extract_strided_slice %concatenate3A_716 {offsets = [0, 0], sizes = [256, 65], strides = [1, 1]} : vector<1024x65xbf16> to vector<256x65xbf16>
    %dot_general3A_725 = arith.constant dense<0.000000e+00> : vector<256x65xf32>
    %dot_general3A_726 = tpu.matmul %convert_element_type3A_723, %slice3A_724, %dot_general3A_725 {dimension_numbers = #tpu.dot_dimension_numbers<[1], [0], [0], [1], [0, 0, 1, 1], [], []>, transpose_lhs_hint = false} : vector<256x256xbf16>, vector<256x65xbf16>, vector<256x65xf32> -> vector<256x65xf32>
    %slice3A_727 = vector.extract_strided_slice %dot_general3A_726 {offsets = [0, 0], sizes = [256, 64], strides = [1, 1]} : vector<256x65xf32> to vector<256x64xf32>
    %slice3A_728 = vector.extract_strided_slice %dot_general3A_726 {offsets = [0, 64], sizes = [256, 1], strides = [1, 1]} : vector<256x65xf32> to vector<256x1xf32>
    %div3A_729 = arith.constant 1.000000e+00 : f32
    %div3A_730 = vector.broadcast %div3A_729 : f32 to vector<256x1xf32>
    %div3A_731 = arith.divf %div3A_730, %slice3A_728 : vector<256x1xf32>
    %mul3A_732 = vector.broadcast %div3A_731 : vector<256x1xf32> to vector<256x64xf32>
    %mul3A_733 = arith.mulf %slice3A_727, %mul3A_732 : vector<256x64xf32>
    %convert_element_type3A_734 = arith.truncf %mul3A_733 : vector<256x64xf32> to vector<256x64xbf16>
    %swap3A_735 = arith.constant 0 : index
    %swap3A_736 = arith.constant 320 : index
    %swap3A_737 = vector.load %arg8[%swap3A_735, %swap3A_736] : memref<1024x768xbf16, #tpu.memory_space<vmem>>, vector<256x64xbf16>
    tpu.vector_store %arg8[%swap3A_735, %swap3A_736], %convert_element_type3A_734 {strides = array<i32>} : memref<1024x768xbf16, #tpu.memory_space<vmem>>, vector<256x64xbf16>,
    %slice3A_738 = vector.extract_strided_slice %convert_element_type3A_706 {offsets = [256, 0], sizes = [256, 64], strides = [1, 1]} : vector<1024x64xbf16> to vector<256x64xbf16>
    %slice3A_739 = vector.extract_strided_slice %convert_element_type3A_714 {offsets = [0, 0], sizes = [512, 64], strides = [1, 1]} : vector<1024x64xbf16> to vector<512x64xbf16>
    %dot_general3A_740 = arith.constant dense<0.000000e+00> : vector<256x512xf32>
    %dot_general3A_741 = tpu.matmul %slice3A_738, %slice3A_739, %dot_general3A_740 {dimension_numbers = #tpu.dot_dimension_numbers<[1], [1], [0], [0], [0, 0, 1, 0], [], []>, transpose_lhs_hint = false} : vector<256x64xbf16>, vector<512x64xbf16>, vector<256x512xf32> -> vector<256x512xf32>
    %slice3A_742 = vector.extract_strided_slice %dot_general3A_741 {offsets = [0, 256], sizes = [256, 256], strides = [1, 1]} : vector<256x512xf32> to vector<256x256xf32>
    %exp3A_743 = math.exp %slice3A_742 : vector<256x256xf32>
    %mul3A_744 = arith.mulf %exp3A_743, %convert_element_type3A_36 : vector<256x256xf32>
    %convert_element_type3A_745 = arith.truncf %mul3A_744 : vector<256x256xf32> to vector<256x256xbf16>
    %slice3A_746 = vector.extract_strided_slice %concatenate3A_716 {offsets = [256, 0], sizes = [256, 65], strides = [1, 1]} : vector<1024x65xbf16> to vector<256x65xbf16>
    %dot_general3A_747 = arith.constant dense<0.000000e+00> : vector<256x65xf32>
    %dot_general3A_748 = tpu.matmul %convert_element_type3A_745, %slice3A_746, %dot_general3A_747 {dimension_numbers = #tpu.dot_dimension_numbers<[1], [0], [0], [1], [0, 0, 1, 1], [], []>, transpose_lhs_hint = false} : vector<256x256xbf16>, vector<256x65xbf16>, vector<256x65xf32> -> vector<256x65xf32>
    %slice3A_749 = vector.extract_strided_slice %dot_general3A_741 {offsets = [0, 0], sizes = [256, 256], strides = [1, 1]} : vector<256x512xf32> to vector<256x256xf32>
    %exp3A_750 = math.exp %slice3A_749 : vector<256x256xf32>
    %convert_element_type3A_751 = arith.truncf %exp3A_750 : vector<256x256xf32> to vector<256x256xbf16>
    %slice3A_752 = vector.extract_strided_slice %concatenate3A_716 {offsets = [0, 0], sizes = [256, 65], strides = [1, 1]} : vector<1024x65xbf16> to vector<256x65xbf16>
    %dot_general3A_753 = arith.constant dense<0.000000e+00> : vector<256x65xf32>
    %dot_general3A_754 = tpu.matmul %convert_element_type3A_751, %slice3A_752, %dot_general3A_753 {dimension_numbers = #tpu.dot_dimension_numbers<[1], [0], [0], [1], [0, 0, 1, 1], [], []>, transpose_lhs_hint = false} : vector<256x256xbf16>, vector<256x65xbf16>, vector<256x65xf32> -> vector<256x65xf32>
    %add3A_755 = arith.addf %dot_general3A_748, %dot_general3A_754 : vector<256x65xf32>
    %slice3A_756 = vector.extract_strided_slice %add3A_755 {offsets = [0, 0], sizes = [256, 64], strides = [1, 1]} : vector<256x65xf32> to vector<256x64xf32>
    %slice3A_757 = vector.extract_strided_slice %add3A_755 {offsets = [0, 64], sizes = [256, 1], strides = [1, 1]} : vector<256x65xf32> to vector<256x1xf32>
    %div3A_758 = arith.constant 1.000000e+00 : f32
    %div3A_759 = vector.broadcast %div3A_758 : f32 to vector<256x1xf32>
    %div3A_760 = arith.divf %div3A_759, %slice3A_757 : vector<256x1xf32>
    %mul3A_761 = vector.broadcast %div3A_760 : vector<256x1xf32> to vector<256x64xf32>
    %mul3A_762 = arith.mulf %slice3A_756, %mul3A_761 : vector<256x64xf32>
    %convert_element_type3A_763 = arith.truncf %mul3A_762 : vector<256x64xf32> to vector<256x64xbf16>
    %swap3A_764 = arith.constant 256 : index
    %swap3A_765 = arith.constant 320 : index
    %swap3A_766 = vector.load %arg8[%swap3A_764, %swap3A_765] : memref<1024x768xbf16, #tpu.memory_space<vmem>>, vector<256x64xbf16>
    tpu.vector_store %arg8[%swap3A_764, %swap3A_765], %convert_element_type3A_763 {strides = array<i32>} : memref<1024x768xbf16, #tpu.memory_space<vmem>>, vector<256x64xbf16>,
    %slice3A_767 = vector.extract_strided_slice %convert_element_type3A_706 {offsets = [512, 0], sizes = [256, 64], strides = [1, 1]} : vector<1024x64xbf16> to vector<256x64xbf16>
    %slice3A_768 = vector.extract_strided_slice %convert_element_type3A_714 {offsets = [0, 0], sizes = [768, 64], strides = [1, 1]} : vector<1024x64xbf16> to vector<768x64xbf16>
    %dot_general3A_769 = arith.constant dense<0.000000e+00> : vector<256x768xf32>
    %dot_general3A_770 = tpu.matmul %slice3A_767, %slice3A_768, %dot_general3A_769 {dimension_numbers = #tpu.dot_dimension_numbers<[1], [1], [0], [0], [0, 0, 1, 0], [], []>, transpose_lhs_hint = false} : vector<256x64xbf16>, vector<768x64xbf16>, vector<256x768xf32> -> vector<256x768xf32>
    %slice3A_771 = vector.extract_strided_slice %dot_general3A_770 {offsets = [0, 512], sizes = [256, 256], strides = [1, 1]} : vector<256x768xf32> to vector<256x256xf32>
    %exp3A_772 = math.exp %slice3A_771 : vector<256x256xf32>
    %mul3A_773 = arith.mulf %exp3A_772, %convert_element_type3A_36 : vector<256x256xf32>
    %convert_element_type3A_774 = arith.truncf %mul3A_773 : vector<256x256xf32> to vector<256x256xbf16>
    %slice3A_775 = vector.extract_strided_slice %concatenate3A_716 {offsets = [512, 0], sizes = [256, 65], strides = [1, 1]} : vector<1024x65xbf16> to vector<256x65xbf16>
    %dot_general3A_776 = arith.constant dense<0.000000e+00> : vector<256x65xf32>
    %dot_general3A_777 = tpu.matmul %convert_element_type3A_774, %slice3A_775, %dot_general3A_776 {dimension_numbers = #tpu.dot_dimension_numbers<[1], [0], [0], [1], [0, 0, 1, 1], [], []>, transpose_lhs_hint = false} : vector<256x256xbf16>, vector<256x65xbf16>, vector<256x65xf32> -> vector<256x65xf32>
    %slice3A_778 = vector.extract_strided_slice %dot_general3A_770 {offsets = [0, 0], sizes = [256, 512], strides = [1, 1]} : vector<256x768xf32> to vector<256x512xf32>
    %exp3A_779 = math.exp %slice3A_778 : vector<256x512xf32>
    %convert_element_type3A_780 = arith.truncf %exp3A_779 : vector<256x512xf32> to vector<256x512xbf16>
    %slice3A_781 = vector.extract_strided_slice %concatenate3A_716 {offsets = [0, 0], sizes = [512, 65], strides = [1, 1]} : vector<1024x65xbf16> to vector<512x65xbf16>
    %dot_general3A_782 = arith.constant dense<0.000000e+00> : vector<256x65xf32>
    %dot_general3A_783 = tpu.matmul %convert_element_type3A_780, %slice3A_781, %dot_general3A_782 {dimension_numbers = #tpu.dot_dimension_numbers<[1], [0], [0], [1], [0, 0, 1, 1], [], []>, transpose_lhs_hint = false} : vector<256x512xbf16>, vector<512x65xbf16>, vector<256x65xf32> -> vector<256x65xf32>
    %add3A_784 = arith.addf %dot_general3A_777, %dot_general3A_783 : vector<256x65xf32>
    %slice3A_785 = vector.extract_strided_slice %add3A_784 {offsets = [0, 0], sizes = [256, 64], strides = [1, 1]} : vector<256x65xf32> to vector<256x64xf32>
    %slice3A_786 = vector.extract_strided_slice %add3A_784 {offsets = [0, 64], sizes = [256, 1], strides = [1, 1]} : vector<256x65xf32> to vector<256x1xf32>
    %div3A_787 = arith.constant 1.000000e+00 : f32
    %div3A_788 = vector.broadcast %div3A_787 : f32 to vector<256x1xf32>
    %div3A_789 = arith.divf %div3A_788, %slice3A_786 : vector<256x1xf32>
    %mul3A_790 = vector.broadcast %div3A_789 : vector<256x1xf32> to vector<256x64xf32>
    %mul3A_791 = arith.mulf %slice3A_785, %mul3A_790 : vector<256x64xf32>
    %convert_element_type3A_792 = arith.truncf %mul3A_791 : vector<256x64xf32> to vector<256x64xbf16>
    %swap3A_793 = arith.constant 512 : index
    %swap3A_794 = arith.constant 320 : index
    %swap3A_795 = vector.load %arg8[%swap3A_793, %swap3A_794] : memref<1024x768xbf16, #tpu.memory_space<vmem>>, vector<256x64xbf16>
    tpu.vector_store %arg8[%swap3A_793, %swap3A_794], %convert_element_type3A_792 {strides = array<i32>} : memref<1024x768xbf16, #tpu.memory_space<vmem>>, vector<256x64xbf16>,
    %slice3A_796 = vector.extract_strided_slice %convert_element_type3A_706 {offsets = [768, 0], sizes = [256, 64], strides = [1, 1]} : vector<1024x64xbf16> to vector<256x64xbf16>
    %dot_general3A_797 = arith.constant dense<0.000000e+00> : vector<256x1024xf32>
    %dot_general3A_798 = tpu.matmul %slice3A_796, %convert_element_type3A_714, %dot_general3A_797 {dimension_numbers = #tpu.dot_dimension_numbers<[1], [1], [0], [0], [0, 0, 1, 0], [], []>, transpose_lhs_hint = false} : vector<256x64xbf16>, vector<1024x64xbf16>, vector<256x1024xf32> -> vector<256x1024xf32>
    %slice3A_799 = vector.extract_strided_slice %dot_general3A_798 {offsets = [0, 768], sizes = [256, 256], strides = [1, 1]} : vector<256x1024xf32> to vector<256x256xf32>
    %exp3A_800 = math.exp %slice3A_799 : vector<256x256xf32>
    %mul3A_801 = arith.mulf %exp3A_800, %convert_element_type3A_36 : vector<256x256xf32>
    %convert_element_type3A_802 = arith.truncf %mul3A_801 : vector<256x256xf32> to vector<256x256xbf16>
    %slice3A_803 = vector.extract_strided_slice %concatenate3A_716 {offsets = [768, 0], sizes = [256, 65], strides = [1, 1]} : vector<1024x65xbf16> to vector<256x65xbf16>
    %dot_general3A_804 = arith.constant dense<0.000000e+00> : vector<256x65xf32>
    %dot_general3A_805 = tpu.matmul %convert_element_type3A_802, %slice3A_803, %dot_general3A_804 {dimension_numbers = #tpu.dot_dimension_numbers<[1], [0], [0], [1], [0, 0, 1, 1], [], []>, transpose_lhs_hint = false} : vector<256x256xbf16>, vector<256x65xbf16>, vector<256x65xf32> -> vector<256x65xf32>
    %slice3A_806 = vector.extract_strided_slice %dot_general3A_798 {offsets = [0, 0], sizes = [256, 768], strides = [1, 1]} : vector<256x1024xf32> to vector<256x768xf32>
    %exp3A_807 = math.exp %slice3A_806 : vector<256x768xf32>
    %convert_element_type3A_808 = arith.truncf %exp3A_807 : vector<256x768xf32> to vector<256x768xbf16>
    %slice3A_809 = vector.extract_strided_slice %concatenate3A_716 {offsets = [0, 0], sizes = [768, 65], strides = [1, 1]} : vector<1024x65xbf16> to vector<768x65xbf16>
    %dot_general3A_810 = arith.constant dense<0.000000e+00> : vector<256x65xf32>
    %dot_general3A_811 = tpu.matmul %convert_element_type3A_808, %slice3A_809, %dot_general3A_810 {dimension_numbers = #tpu.dot_dimension_numbers<[1], [0], [0], [1], [0, 0, 1, 1], [], []>, transpose_lhs_hint = false} : vector<256x768xbf16>, vector<768x65xbf16>, vector<256x65xf32> -> vector<256x65xf32>
    %add3A_812 = arith.addf %dot_general3A_805, %dot_general3A_811 : vector<256x65xf32>
    %slice3A_813 = vector.extract_strided_slice %add3A_812 {offsets = [0, 0], sizes = [256, 64], strides = [1, 1]} : vector<256x65xf32> to vector<256x64xf32>
    %slice3A_814 = vector.extract_strided_slice %add3A_812 {offsets = [0, 64], sizes = [256, 1], strides = [1, 1]} : vector<256x65xf32> to vector<256x1xf32>
    %div3A_815 = arith.constant 1.000000e+00 : f32
    %div3A_816 = vector.broadcast %div3A_815 : f32 to vector<256x1xf32>
    %div3A_817 = arith.divf %div3A_816, %slice3A_814 : vector<256x1xf32>
    %mul3A_818 = vector.broadcast %div3A_817 : vector<256x1xf32> to vector<256x64xf32>
    %mul3A_819 = arith.mulf %slice3A_813, %mul3A_818 : vector<256x64xf32>
    %convert_element_type3A_820 = arith.truncf %mul3A_819 : vector<256x64xf32> to vector<256x64xbf16>
    %swap3A_821 = arith.constant 768 : index
    %swap3A_822 = arith.constant 320 : index
    %swap3A_823 = vector.load %arg8[%swap3A_821, %swap3A_822] : memref<1024x768xbf16, #tpu.memory_space<vmem>>, vector<256x64xbf16>
    tpu.vector_store %arg8[%swap3A_821, %swap3A_822], %convert_element_type3A_820 {strides = array<i32>} : memref<1024x768xbf16, #tpu.memory_space<vmem>>, vector<256x64xbf16>,
    %slice3A_824 = vector.extract_strided_slice %dot_general3A_18 {offsets = [0, 384], sizes = [1024, 32], strides = [1, 1]} : vector<1024x768xf32> to vector<1024x32xf32>
    %slice3A_825 = vector.extract_strided_slice %dot_general3A_18 {offsets = [0, 416], sizes = [1024, 32], strides = [1, 1]} : vector<1024x768xf32> to vector<1024x32xf32>
    %slice3A_826 = vector.extract_strided_slice %dot_general3A_24 {offsets = [0, 384], sizes = [1024, 32], strides = [1, 1]} : vector<1024x768xf32> to vector<1024x32xf32>
    %slice3A_827 = vector.extract_strided_slice %dot_general3A_24 {offsets = [0, 416], sizes = [1024, 32], strides = [1, 1]} : vector<1024x768xf32> to vector<1024x32xf32>
    %mul3A_828 = arith.mulf %slice3A_824, %cos3A : vector<1024x32xf32>
    %mul3A_829 = arith.mulf %slice3A_825, %sin3A : vector<1024x32xf32>
    %sub3A_830 = arith.subf %mul3A_828, %mul3A_829 : vector<1024x32xf32>
    %mul3A_831 = arith.mulf %slice3A_825, %cos3A : vector<1024x32xf32>
    %mul3A_832 = arith.mulf %slice3A_824, %sin3A : vector<1024x32xf32>
    %add3A_833 = arith.addf %mul3A_831, %mul3A_832 : vector<1024x32xf32>
    %concatenate3A_834 = tpu.concatenate %sub3A_830, %add3A_833 in 1 : vector<1024x32xf32>, vector<1024x32xf32> -> vector<1024x64xf32>
    %mul3A_835 = arith.constant 1.250000e-01 : f32
    %mul3A_836 = vector.broadcast %mul3A_835 : f32 to vector<1024x64xf32>
    %mul3A_837 = arith.mulf %concatenate3A_834, %mul3A_836 : vector<1024x64xf32>
    %convert_element_type3A_838 = arith.truncf %mul3A_837 : vector<1024x64xf32> to vector<1024x64xbf16>
    %mul3A_839 = arith.mulf %slice3A_826, %cos3A : vector<1024x32xf32>
    %mul3A_840 = arith.mulf %slice3A_827, %sin3A : vector<1024x32xf32>
    %sub3A_841 = arith.subf %mul3A_839, %mul3A_840 : vector<1024x32xf32>
    %mul3A_842 = arith.mulf %slice3A_827, %cos3A : vector<1024x32xf32>
    %mul3A_843 = arith.mulf %slice3A_826, %sin3A : vector<1024x32xf32>
    %add3A_844 = arith.addf %mul3A_842, %mul3A_843 : vector<1024x32xf32>
    %concatenate3A_845 = tpu.concatenate %sub3A_841, %add3A_844 in 1 : vector<1024x32xf32>, vector<1024x32xf32> -> vector<1024x64xf32>
    %convert_element_type3A_846 = arith.truncf %concatenate3A_845 : vector<1024x64xf32> to vector<1024x64xbf16>
    %slice3A_847 = vector.extract_strided_slice %convert_element_type3A_31 {offsets = [0, 384], sizes = [1024, 64], strides = [1, 1]} : vector<1024x768xbf16> to vector<1024x64xbf16>
    %concatenate3A_848 = tpu.concatenate %slice3A_847, %broadcast_in_dim3A_33 in 1 : vector<1024x64xbf16>, vector<1024x1xbf16> -> vector<1024x65xbf16>
    %slice3A_849 = vector.extract_strided_slice %convert_element_type3A_838 {offsets = [0, 0], sizes = [256, 64], strides = [1, 1]} : vector<1024x64xbf16> to vector<256x64xbf16>
    %slice3A_850 = vector.extract_strided_slice %convert_element_type3A_846 {offsets = [0, 0], sizes = [256, 64], strides = [1, 1]} : vector<1024x64xbf16> to vector<256x64xbf16>
    %dot_general3A_851 = arith.constant dense<0.000000e+00> : vector<256x256xf32>
    %dot_general3A_852 = tpu.matmul %slice3A_849, %slice3A_850, %dot_general3A_851 {dimension_numbers = #tpu.dot_dimension_numbers<[1], [1], [0], [0], [0, 0, 1, 0], [], []>, transpose_lhs_hint = false} : vector<256x64xbf16>, vector<256x64xbf16>, vector<256x256xf32> -> vector<256x256xf32>
    %exp3A_853 = math.exp %dot_general3A_852 : vector<256x256xf32>
    %mul3A_854 = arith.mulf %exp3A_853, %convert_element_type3A_36 : vector<256x256xf32>
    %convert_element_type3A_855 = arith.truncf %mul3A_854 : vector<256x256xf32> to vector<256x256xbf16>
    %slice3A_856 = vector.extract_strided_slice %concatenate3A_848 {offsets = [0, 0], sizes = [256, 65], strides = [1, 1]} : vector<1024x65xbf16> to vector<256x65xbf16>
    %dot_general3A_857 = arith.constant dense<0.000000e+00> : vector<256x65xf32>
    %dot_general3A_858 = tpu.matmul %convert_element_type3A_855, %slice3A_856, %dot_general3A_857 {dimension_numbers = #tpu.dot_dimension_numbers<[1], [0], [0], [1], [0, 0, 1, 1], [], []>, transpose_lhs_hint = false} : vector<256x256xbf16>, vector<256x65xbf16>, vector<256x65xf32> -> vector<256x65xf32>
    %slice3A_859 = vector.extract_strided_slice %dot_general3A_858 {offsets = [0, 0], sizes = [256, 64], strides = [1, 1]} : vector<256x65xf32> to vector<256x64xf32>
    %slice3A_860 = vector.extract_strided_slice %dot_general3A_858 {offsets = [0, 64], sizes = [256, 1], strides = [1, 1]} : vector<256x65xf32> to vector<256x1xf32>
    %div3A_861 = arith.constant 1.000000e+00 : f32
    %div3A_862 = vector.broadcast %div3A_861 : f32 to vector<256x1xf32>
    %div3A_863 = arith.divf %div3A_862, %slice3A_860 : vector<256x1xf32>
    %mul3A_864 = vector.broadcast %div3A_863 : vector<256x1xf32> to vector<256x64xf32>
    %mul3A_865 = arith.mulf %slice3A_859, %mul3A_864 : vector<256x64xf32>
    %convert_element_type3A_866 = arith.truncf %mul3A_865 : vector<256x64xf32> to vector<256x64xbf16>
    %swap3A_867 = arith.constant 0 : index
    %swap3A_868 = arith.constant 384 : index
    %swap3A_869 = vector.load %arg8[%swap3A_867, %swap3A_868] : memref<1024x768xbf16, #tpu.memory_space<vmem>>, vector<256x64xbf16>
    tpu.vector_store %arg8[%swap3A_867, %swap3A_868], %convert_element_type3A_866 {strides = array<i32>} : memref<1024x768xbf16, #tpu.memory_space<vmem>>, vector<256x64xbf16>,
    %slice3A_870 = vector.extract_strided_slice %convert_element_type3A_838 {offsets = [256, 0], sizes = [256, 64], strides = [1, 1]} : vector<1024x64xbf16> to vector<256x64xbf16>
    %slice3A_871 = vector.extract_strided_slice %convert_element_type3A_846 {offsets = [0, 0], sizes = [512, 64], strides = [1, 1]} : vector<1024x64xbf16> to vector<512x64xbf16>
    %dot_general3A_872 = arith.constant dense<0.000000e+00> : vector<256x512xf32>
    %dot_general3A_873 = tpu.matmul %slice3A_870, %slice3A_871, %dot_general3A_872 {dimension_numbers = #tpu.dot_dimension_numbers<[1], [1], [0], [0], [0, 0, 1, 0], [], []>, transpose_lhs_hint = false} : vector<256x64xbf16>, vector<512x64xbf16>, vector<256x512xf32> -> vector<256x512xf32>
    %slice3A_874 = vector.extract_strided_slice %dot_general3A_873 {offsets = [0, 256], sizes = [256, 256], strides = [1, 1]} : vector<256x512xf32> to vector<256x256xf32>
    %exp3A_875 = math.exp %slice3A_874 : vector<256x256xf32>
    %mul3A_876 = arith.mulf %exp3A_875, %convert_element_type3A_36 : vector<256x256xf32>
    %convert_element_type3A_877 = arith.truncf %mul3A_876 : vector<256x256xf32> to vector<256x256xbf16>
    %slice3A_878 = vector.extract_strided_slice %concatenate3A_848 {offsets = [256, 0], sizes = [256, 65], strides = [1, 1]} : vector<1024x65xbf16> to vector<256x65xbf16>
    %dot_general3A_879 = arith.constant dense<0.000000e+00> : vector<256x65xf32>
    %dot_general3A_880 = tpu.matmul %convert_element_type3A_877, %slice3A_878, %dot_general3A_879 {dimension_numbers = #tpu.dot_dimension_numbers<[1], [0], [0], [1], [0, 0, 1, 1], [], []>, transpose_lhs_hint = false} : vector<256x256xbf16>, vector<256x65xbf16>, vector<256x65xf32> -> vector<256x65xf32>
    %slice3A_881 = vector.extract_strided_slice %dot_general3A_873 {offsets = [0, 0], sizes = [256, 256], strides = [1, 1]} : vector<256x512xf32> to vector<256x256xf32>
    %exp3A_882 = math.exp %slice3A_881 : vector<256x256xf32>
    %convert_element_type3A_883 = arith.truncf %exp3A_882 : vector<256x256xf32> to vector<256x256xbf16>
    %slice3A_884 = vector.extract_strided_slice %concatenate3A_848 {offsets = [0, 0], sizes = [256, 65], strides = [1, 1]} : vector<1024x65xbf16> to vector<256x65xbf16>
    %dot_general3A_885 = arith.constant dense<0.000000e+00> : vector<256x65xf32>
    %dot_general3A_886 = tpu.matmul %convert_element_type3A_883, %slice3A_884, %dot_general3A_885 {dimension_numbers = #tpu.dot_dimension_numbers<[1], [0], [0], [1], [0, 0, 1, 1], [], []>, transpose_lhs_hint = false} : vector<256x256xbf16>, vector<256x65xbf16>, vector<256x65xf32> -> vector<256x65xf32>
    %add3A_887 = arith.addf %dot_general3A_880, %dot_general3A_886 : vector<256x65xf32>
    %slice3A_888 = vector.extract_strided_slice %add3A_887 {offsets = [0, 0], sizes = [256, 64], strides = [1, 1]} : vector<256x65xf32> to vector<256x64xf32>
    %slice3A_889 = vector.extract_strided_slice %add3A_887 {offsets = [0, 64], sizes = [256, 1], strides = [1, 1]} : vector<256x65xf32> to vector<256x1xf32>
    %div3A_890 = arith.constant 1.000000e+00 : f32
    %div3A_891 = vector.broadcast %div3A_890 : f32 to vector<256x1xf32>
    %div3A_892 = arith.divf %div3A_891, %slice3A_889 : vector<256x1xf32>
    %mul3A_893 = vector.broadcast %div3A_892 : vector<256x1xf32> to vector<256x64xf32>
    %mul3A_894 = arith.mulf %slice3A_888, %mul3A_893 : vector<256x64xf32>
    %convert_element_type3A_895 = arith.truncf %mul3A_894 : vector<256x64xf32> to vector<256x64xbf16>
    %swap3A_896 = arith.constant 256 : index
    %swap3A_897 = arith.constant 384 : index
    %swap3A_898 = vector.load %arg8[%swap3A_896, %swap3A_897] : memref<1024x768xbf16, #tpu.memory_space<vmem>>, vector<256x64xbf16>
    tpu.vector_store %arg8[%swap3A_896, %swap3A_897], %convert_element_type3A_895 {strides = array<i32>} : memref<1024x768xbf16, #tpu.memory_space<vmem>>, vector<256x64xbf16>,
    %slice3A_899 = vector.extract_strided_slice %convert_element_type3A_838 {offsets = [512, 0], sizes = [256, 64], strides = [1, 1]} : vector<1024x64xbf16> to vector<256x64xbf16>
    %slice3A_900 = vector.extract_strided_slice %convert_element_type3A_846 {offsets = [0, 0], sizes = [768, 64], strides = [1, 1]} : vector<1024x64xbf16> to vector<768x64xbf16>
    %dot_general3A_901 = arith.constant dense<0.000000e+00> : vector<256x768xf32>
    %dot_general3A_902 = tpu.matmul %slice3A_899, %slice3A_900, %dot_general3A_901 {dimension_numbers = #tpu.dot_dimension_numbers<[1], [1], [0], [0], [0, 0, 1, 0], [], []>, transpose_lhs_hint = false} : vector<256x64xbf16>, vector<768x64xbf16>, vector<256x768xf32> -> vector<256x768xf32>
    %slice3A_903 = vector.extract_strided_slice %dot_general3A_902 {offsets = [0, 512], sizes = [256, 256], strides = [1, 1]} : vector<256x768xf32> to vector<256x256xf32>
    %exp3A_904 = math.exp %slice3A_903 : vector<256x256xf32>
    %mul3A_905 = arith.mulf %exp3A_904, %convert_element_type3A_36 : vector<256x256xf32>
    %convert_element_type3A_906 = arith.truncf %mul3A_905 : vector<256x256xf32> to vector<256x256xbf16>
    %slice3A_907 = vector.extract_strided_slice %concatenate3A_848 {offsets = [512, 0], sizes = [256, 65], strides = [1, 1]} : vector<1024x65xbf16> to vector<256x65xbf16>
    %dot_general3A_908 = arith.constant dense<0.000000e+00> : vector<256x65xf32>
    %dot_general3A_909 = tpu.matmul %convert_element_type3A_906, %slice3A_907, %dot_general3A_908 {dimension_numbers = #tpu.dot_dimension_numbers<[1], [0], [0], [1], [0, 0, 1, 1], [], []>, transpose_lhs_hint = false} : vector<256x256xbf16>, vector<256x65xbf16>, vector<256x65xf32> -> vector<256x65xf32>
    %slice3A_910 = vector.extract_strided_slice %dot_general3A_902 {offsets = [0, 0], sizes = [256, 512], strides = [1, 1]} : vector<256x768xf32> to vector<256x512xf32>
    %exp3A_911 = math.exp %slice3A_910 : vector<256x512xf32>
    %convert_element_type3A_912 = arith.truncf %exp3A_911 : vector<256x512xf32> to vector<256x512xbf16>
    %slice3A_913 = vector.extract_strided_slice %concatenate3A_848 {offsets = [0, 0], sizes = [512, 65], strides = [1, 1]} : vector<1024x65xbf16> to vector<512x65xbf16>
    %dot_general3A_914 = arith.constant dense<0.000000e+00> : vector<256x65xf32>
    %dot_general3A_915 = tpu.matmul %convert_element_type3A_912, %slice3A_913, %dot_general3A_914 {dimension_numbers = #tpu.dot_dimension_numbers<[1], [0], [0], [1], [0, 0, 1, 1], [], []>, transpose_lhs_hint = false} : vector<256x512xbf16>, vector<512x65xbf16>, vector<256x65xf32> -> vector<256x65xf32>
    %add3A_916 = arith.addf %dot_general3A_909, %dot_general3A_915 : vector<256x65xf32>
    %slice3A_917 = vector.extract_strided_slice %add3A_916 {offsets = [0, 0], sizes = [256, 64], strides = [1, 1]} : vector<256x65xf32> to vector<256x64xf32>
    %slice3A_918 = vector.extract_strided_slice %add3A_916 {offsets = [0, 64], sizes = [256, 1], strides = [1, 1]} : vector<256x65xf32> to vector<256x1xf32>
    %div3A_919 = arith.constant 1.000000e+00 : f32
    %div3A_920 = vector.broadcast %div3A_919 : f32 to vector<256x1xf32>
    %div3A_921 = arith.divf %div3A_920, %slice3A_918 : vector<256x1xf32>
    %mul3A_922 = vector.broadcast %div3A_921 : vector<256x1xf32> to vector<256x64xf32>
    %mul3A_923 = arith.mulf %slice3A_917, %mul3A_922 : vector<256x64xf32>
    %convert_element_type3A_924 = arith.truncf %mul3A_923 : vector<256x64xf32> to vector<256x64xbf16>
    %swap3A_925 = arith.constant 512 : index
    %swap3A_926 = arith.constant 384 : index
    %swap3A_927 = vector.load %arg8[%swap3A_925, %swap3A_926] : memref<1024x768xbf16, #tpu.memory_space<vmem>>, vector<256x64xbf16>
    tpu.vector_store %arg8[%swap3A_925, %swap3A_926], %convert_element_type3A_924 {strides = array<i32>} : memref<1024x768xbf16, #tpu.memory_space<vmem>>, vector<256x64xbf16>,
    %slice3A_928 = vector.extract_strided_slice %convert_element_type3A_838 {offsets = [768, 0], sizes = [256, 64], strides = [1, 1]} : vector<1024x64xbf16> to vector<256x64xbf16>
    %dot_general3A_929 = arith.constant dense<0.000000e+00> : vector<256x1024xf32>
    %dot_general3A_930 = tpu.matmul %slice3A_928, %convert_element_type3A_846, %dot_general3A_929 {dimension_numbers = #tpu.dot_dimension_numbers<[1], [1], [0], [0], [0, 0, 1, 0], [], []>, transpose_lhs_hint = false} : vector<256x64xbf16>, vector<1024x64xbf16>, vector<256x1024xf32> -> vector<256x1024xf32>
    %slice3A_931 = vector.extract_strided_slice %dot_general3A_930 {offsets = [0, 768], sizes = [256, 256], strides = [1, 1]} : vector<256x1024xf32> to vector<256x256xf32>
    %exp3A_932 = math.exp %slice3A_931 : vector<256x256xf32>
    %mul3A_933 = arith.mulf %exp3A_932, %convert_element_type3A_36 : vector<256x256xf32>
    %convert_element_type3A_934 = arith.truncf %mul3A_933 : vector<256x256xf32> to vector<256x256xbf16>
    %slice3A_935 = vector.extract_strided_slice %concatenate3A_848 {offsets = [768, 0], sizes = [256, 65], strides = [1, 1]} : vector<1024x65xbf16> to vector<256x65xbf16>
    %dot_general3A_936 = arith.constant dense<0.000000e+00> : vector<256x65xf32>
    %dot_general3A_937 = tpu.matmul %convert_element_type3A_934, %slice3A_935, %dot_general3A_936 {dimension_numbers = #tpu.dot_dimension_numbers<[1], [0], [0], [1], [0, 0, 1, 1], [], []>, transpose_lhs_hint = false} : vector<256x256xbf16>, vector<256x65xbf16>, vector<256x65xf32> -> vector<256x65xf32>
    %slice3A_938 = vector.extract_strided_slice %dot_general3A_930 {offsets = [0, 0], sizes = [256, 768], strides = [1, 1]} : vector<256x1024xf32> to vector<256x768xf32>
    %exp3A_939 = math.exp %slice3A_938 : vector<256x768xf32>
    %convert_element_type3A_940 = arith.truncf %exp3A_939 : vector<256x768xf32> to vector<256x768xbf16>
    %slice3A_941 = vector.extract_strided_slice %concatenate3A_848 {offsets = [0, 0], sizes = [768, 65], strides = [1, 1]} : vector<1024x65xbf16> to vector<768x65xbf16>
    %dot_general3A_942 = arith.constant dense<0.000000e+00> : vector<256x65xf32>
    %dot_general3A_943 = tpu.matmul %convert_element_type3A_940, %slice3A_941, %dot_general3A_942 {dimension_numbers = #tpu.dot_dimension_numbers<[1], [0], [0], [1], [0, 0, 1, 1], [], []>, transpose_lhs_hint = false} : vector<256x768xbf16>, vector<768x65xbf16>, vector<256x65xf32> -> vector<256x65xf32>
    %add3A_944 = arith.addf %dot_general3A_937, %dot_general3A_943 : vector<256x65xf32>
    %slice3A_945 = vector.extract_strided_slice %add3A_944 {offsets = [0, 0], sizes = [256, 64], strides = [1, 1]} : vector<256x65xf32> to vector<256x64xf32>
    %slice3A_946 = vector.extract_strided_slice %add3A_944 {offsets = [0, 64], sizes = [256, 1], strides = [1, 1]} : vector<256x65xf32> to vector<256x1xf32>
    %div3A_947 = arith.constant 1.000000e+00 : f32
    %div3A_948 = vector.broadcast %div3A_947 : f32 to vector<256x1xf32>
    %div3A_949 = arith.divf %div3A_948, %slice3A_946 : vector<256x1xf32>
    %mul3A_950 = vector.broadcast %div3A_949 : vector<256x1xf32> to vector<256x64xf32>
    %mul3A_951 = arith.mulf %slice3A_945, %mul3A_950 : vector<256x64xf32>
    %convert_element_type3A_952 = arith.truncf %mul3A_951 : vector<256x64xf32> to vector<256x64xbf16>
    %swap3A_953 = arith.constant 768 : index
    %swap3A_954 = arith.constant 384 : index
    %swap3A_955 = vector.load %arg8[%swap3A_953, %swap3A_954] : memref<1024x768xbf16, #tpu.memory_space<vmem>>, vector<256x64xbf16>
    tpu.vector_store %arg8[%swap3A_953, %swap3A_954], %convert_element_type3A_952 {strides = array<i32>} : memref<1024x768xbf16, #tpu.memory_space<vmem>>, vector<256x64xbf16>,
    %slice3A_956 = vector.extract_strided_slice %dot_general3A_18 {offsets = [0, 448], sizes = [1024, 32], strides = [1, 1]} : vector<1024x768xf32> to vector<1024x32xf32>
    %slice3A_957 = vector.extract_strided_slice %dot_general3A_18 {offsets = [0, 480], sizes = [1024, 32], strides = [1, 1]} : vector<1024x768xf32> to vector<1024x32xf32>
    %slice3A_958 = vector.extract_strided_slice %dot_general3A_24 {offsets = [0, 448], sizes = [1024, 32], strides = [1, 1]} : vector<1024x768xf32> to vector<1024x32xf32>
    %slice3A_959 = vector.extract_strided_slice %dot_general3A_24 {offsets = [0, 480], sizes = [1024, 32], strides = [1, 1]} : vector<1024x768xf32> to vector<1024x32xf32>
    %mul3A_960 = arith.mulf %slice3A_956, %cos3A : vector<1024x32xf32>
    %mul3A_961 = arith.mulf %slice3A_957, %sin3A : vector<1024x32xf32>
    %sub3A_962 = arith.subf %mul3A_960, %mul3A_961 : vector<1024x32xf32>
    %mul3A_963 = arith.mulf %slice3A_957, %cos3A : vector<1024x32xf32>
    %mul3A_964 = arith.mulf %slice3A_956, %sin3A : vector<1024x32xf32>
    %add3A_965 = arith.addf %mul3A_963, %mul3A_964 : vector<1024x32xf32>
    %concatenate3A_966 = tpu.concatenate %sub3A_962, %add3A_965 in 1 : vector<1024x32xf32>, vector<1024x32xf32> -> vector<1024x64xf32>
    %mul3A_967 = arith.constant 1.250000e-01 : f32
    %mul3A_968 = vector.broadcast %mul3A_967 : f32 to vector<1024x64xf32>
    %mul3A_969 = arith.mulf %concatenate3A_966, %mul3A_968 : vector<1024x64xf32>
    %convert_element_type3A_970 = arith.truncf %mul3A_969 : vector<1024x64xf32> to vector<1024x64xbf16>
    %mul3A_971 = arith.mulf %slice3A_958, %cos3A : vector<1024x32xf32>
    %mul3A_972 = arith.mulf %slice3A_959, %sin3A : vector<1024x32xf32>
    %sub3A_973 = arith.subf %mul3A_971, %mul3A_972 : vector<1024x32xf32>
    %mul3A_974 = arith.mulf %slice3A_959, %cos3A : vector<1024x32xf32>
    %mul3A_975 = arith.mulf %slice3A_958, %sin3A : vector<1024x32xf32>
    %add3A_976 = arith.addf %mul3A_974, %mul3A_975 : vector<1024x32xf32>
    %concatenate3A_977 = tpu.concatenate %sub3A_973, %add3A_976 in 1 : vector<1024x32xf32>, vector<1024x32xf32> -> vector<1024x64xf32>
    %convert_element_type3A_978 = arith.truncf %concatenate3A_977 : vector<1024x64xf32> to vector<1024x64xbf16>
    %slice3A_979 = vector.extract_strided_slice %convert_element_type3A_31 {offsets = [0, 448], sizes = [1024, 64], strides = [1, 1]} : vector<1024x768xbf16> to vector<1024x64xbf16>
    %concatenate3A_980 = tpu.concatenate %slice3A_979, %broadcast_in_dim3A_33 in 1 : vector<1024x64xbf16>, vector<1024x1xbf16> -> vector<1024x65xbf16>
    %slice3A_981 = vector.extract_strided_slice %convert_element_type3A_970 {offsets = [0, 0], sizes = [256, 64], strides = [1, 1]} : vector<1024x64xbf16> to vector<256x64xbf16>
    %slice3A_982 = vector.extract_strided_slice %convert_element_type3A_978 {offsets = [0, 0], sizes = [256, 64], strides = [1, 1]} : vector<1024x64xbf16> to vector<256x64xbf16>
    %dot_general3A_983 = arith.constant dense<0.000000e+00> : vector<256x256xf32>
    %dot_general3A_984 = tpu.matmul %slice3A_981, %slice3A_982, %dot_general3A_983 {dimension_numbers = #tpu.dot_dimension_numbers<[1], [1], [0], [0], [0, 0, 1, 0], [], []>, transpose_lhs_hint = false} : vector<256x64xbf16>, vector<256x64xbf16>, vector<256x256xf32> -> vector<256x256xf32>
    %exp3A_985 = math.exp %dot_general3A_984 : vector<256x256xf32>
    %mul3A_986 = arith.mulf %exp3A_985, %convert_element_type3A_36 : vector<256x256xf32>
    %convert_element_type3A_987 = arith.truncf %mul3A_986 : vector<256x256xf32> to vector<256x256xbf16>
    %slice3A_988 = vector.extract_strided_slice %concatenate3A_980 {offsets = [0, 0], sizes = [256, 65], strides = [1, 1]} : vector<1024x65xbf16> to vector<256x65xbf16>
    %dot_general3A_989 = arith.constant dense<0.000000e+00> : vector<256x65xf32>
    %dot_general3A_990 = tpu.matmul %convert_element_type3A_987, %slice3A_988, %dot_general3A_989 {dimension_numbers = #tpu.dot_dimension_numbers<[1], [0], [0], [1], [0, 0, 1, 1], [], []>, transpose_lhs_hint = false} : vector<256x256xbf16>, vector<256x65xbf16>, vector<256x65xf32> -> vector<256x65xf32>
    %slice3A_991 = vector.extract_strided_slice %dot_general3A_990 {offsets = [0, 0], sizes = [256, 64], strides = [1, 1]} : vector<256x65xf32> to vector<256x64xf32>
    %slice3A_992 = vector.extract_strided_slice %dot_general3A_990 {offsets = [0, 64], sizes = [256, 1], strides = [1, 1]} : vector<256x65xf32> to vector<256x1xf32>
    %div3A_993 = arith.constant 1.000000e+00 : f32
    %div3A_994 = vector.broadcast %div3A_993 : f32 to vector<256x1xf32>
    %div3A_995 = arith.divf %div3A_994, %slice3A_992 : vector<256x1xf32>
    %mul3A_996 = vector.broadcast %div3A_995 : vector<256x1xf32> to vector<256x64xf32>
    %mul3A_997 = arith.mulf %slice3A_991, %mul3A_996 : vector<256x64xf32>
    %convert_element_type3A_998 = arith.truncf %mul3A_997 : vector<256x64xf32> to vector<256x64xbf16>
    %swap3A_999 = arith.constant 0 : index
    %swap3A_1000 = arith.constant 448 : index
    %swap3A_1001 = vector.load %arg8[%swap3A_999, %swap3A_1000] : memref<1024x768xbf16, #tpu.memory_space<vmem>>, vector<256x64xbf16>
    tpu.vector_store %arg8[%swap3A_999, %swap3A_1000], %convert_element_type3A_998 {strides = array<i32>} : memref<1024x768xbf16, #tpu.memory_space<vmem>>, vector<256x64xbf16>,
    %slice3A_1002 = vector.extract_strided_slice %convert_element_type3A_970 {offsets = [256, 0], sizes = [256, 64], strides = [1, 1]} : vector<1024x64xbf16> to vector<256x64xbf16>
    %slice3A_1003 = vector.extract_strided_slice %convert_element_type3A_978 {offsets = [0, 0], sizes = [512, 64], strides = [1, 1]} : vector<1024x64xbf16> to vector<512x64xbf16>
    %dot_general3A_1004 = arith.constant dense<0.000000e+00> : vector<256x512xf32>
    %dot_general3A_1005 = tpu.matmul %slice3A_1002, %slice3A_1003, %dot_general3A_1004 {dimension_numbers = #tpu.dot_dimension_numbers<[1], [1], [0], [0], [0, 0, 1, 0], [], []>, transpose_lhs_hint = false} : vector<256x64xbf16>, vector<512x64xbf16>, vector<256x512xf32> -> vector<256x512xf32>
    %slice3A_1006 = vector.extract_strided_slice %dot_general3A_1005 {offsets = [0, 256], sizes = [256, 256], strides = [1, 1]} : vector<256x512xf32> to vector<256x256xf32>
    %exp3A_1007 = math.exp %slice3A_1006 : vector<256x256xf32>
    %mul3A_1008 = arith.mulf %exp3A_1007, %convert_element_type3A_36 : vector<256x256xf32>
    %convert_element_type3A_1009 = arith.truncf %mul3A_1008 : vector<256x256xf32> to vector<256x256xbf16>
    %slice3A_1010 = vector.extract_strided_slice %concatenate3A_980 {offsets = [256, 0], sizes = [256, 65], strides = [1, 1]} : vector<1024x65xbf16> to vector<256x65xbf16>
    %dot_general3A_1011 = arith.constant dense<0.000000e+00> : vector<256x65xf32>
    %dot_general3A_1012 = tpu.matmul %convert_element_type3A_1009, %slice3A_1010, %dot_general3A_1011 {dimension_numbers = #tpu.dot_dimension_numbers<[1], [0], [0], [1], [0, 0, 1, 1], [], []>, transpose_lhs_hint = false} : vector<256x256xbf16>, vector<256x65xbf16>, vector<256x65xf32> -> vector<256x65xf32>
    %slice3A_1013 = vector.extract_strided_slice %dot_general3A_1005 {offsets = [0, 0], sizes = [256, 256], strides = [1, 1]} : vector<256x512xf32> to vector<256x256xf32>
    %exp3A_1014 = math.exp %slice3A_1013 : vector<256x256xf32>
    %convert_element_type3A_1015 = arith.truncf %exp3A_1014 : vector<256x256xf32> to vector<256x256xbf16>
    %slice3A_1016 = vector.extract_strided_slice %concatenate3A_980 {offsets = [0, 0], sizes = [256, 65], strides = [1, 1]} : vector<1024x65xbf16> to vector<256x65xbf16>
    %dot_general3A_1017 = arith.constant dense<0.000000e+00> : vector<256x65xf32>
    %dot_general3A_1018 = tpu.matmul %convert_element_type3A_1015, %slice3A_1016, %dot_general3A_1017 {dimension_numbers = #tpu.dot_dimension_numbers<[1], [0], [0], [1], [0, 0, 1, 1], [], []>, transpose_lhs_hint = false} : vector<256x256xbf16>, vector<256x65xbf16>, vector<256x65xf32> -> vector<256x65xf32>
    %add3A_1019 = arith.addf %dot_general3A_1012, %dot_general3A_1018 : vector<256x65xf32>
    %slice3A_1020 = vector.extract_strided_slice %add3A_1019 {offsets = [0, 0], sizes = [256, 64], strides = [1, 1]} : vector<256x65xf32> to vector<256x64xf32>
    %slice3A_1021 = vector.extract_strided_slice %add3A_1019 {offsets = [0, 64], sizes = [256, 1], strides = [1, 1]} : vector<256x65xf32> to vector<256x1xf32>
    %div3A_1022 = arith.constant 1.000000e+00 : f32
    %div3A_1023 = vector.broadcast %div3A_1022 : f32 to vector<256x1xf32>
    %div3A_1024 = arith.divf %div3A_1023, %slice3A_1021 : vector<256x1xf32>
    %mul3A_1025 = vector.broadcast %div3A_1024 : vector<256x1xf32> to vector<256x64xf32>
    %mul3A_1026 = arith.mulf %slice3A_1020, %mul3A_1025 : vector<256x64xf32>
    %convert_element_type3A_1027 = arith.truncf %mul3A_1026 : vector<256x64xf32> to vector<256x64xbf16>
    %swap3A_1028 = arith.constant 256 : index
    %swap3A_1029 = arith.constant 448 : index
    %swap3A_1030 = vector.load %arg8[%swap3A_1028, %swap3A_1029] : memref<1024x768xbf16, #tpu.memory_space<vmem>>, vector<256x64xbf16>
    tpu.vector_store %arg8[%swap3A_1028, %swap3A_1029], %convert_element_type3A_1027 {strides = array<i32>} : memref<1024x768xbf16, #tpu.memory_space<vmem>>, vector<256x64xbf16>,
    %slice3A_1031 = vector.extract_strided_slice %convert_element_type3A_970 {offsets = [512, 0], sizes = [256, 64], strides = [1, 1]} : vector<1024x64xbf16> to vector<256x64xbf16>
    %slice3A_1032 = vector.extract_strided_slice %convert_element_type3A_978 {offsets = [0, 0], sizes = [768, 64], strides = [1, 1]} : vector<1024x64xbf16> to vector<768x64xbf16>
    %dot_general3A_1033 = arith.constant dense<0.000000e+00> : vector<256x768xf32>
    %dot_general3A_1034 = tpu.matmul %slice3A_1031, %slice3A_1032, %dot_general3A_1033 {dimension_numbers = #tpu.dot_dimension_numbers<[1], [1], [0], [0], [0, 0, 1, 0], [], []>, transpose_lhs_hint = false} : vector<256x64xbf16>, vector<768x64xbf16>, vector<256x768xf32> -> vector<256x768xf32>
    %slice3A_1035 = vector.extract_strided_slice %dot_general3A_1034 {offsets = [0, 512], sizes = [256, 256], strides = [1, 1]} : vector<256x768xf32> to vector<256x256xf32>
    %exp3A_1036 = math.exp %slice3A_1035 : vector<256x256xf32>
    %mul3A_1037 = arith.mulf %exp3A_1036, %convert_element_type3A_36 : vector<256x256xf32>
    %convert_element_type3A_1038 = arith.truncf %mul3A_1037 : vector<256x256xf32> to vector<256x256xbf16>
    %slice3A_1039 = vector.extract_strided_slice %concatenate3A_980 {offsets = [512, 0], sizes = [256, 65], strides = [1, 1]} : vector<1024x65xbf16> to vector<256x65xbf16>
    %dot_general3A_1040 = arith.constant dense<0.000000e+00> : vector<256x65xf32>
    %dot_general3A_1041 = tpu.matmul %convert_element_type3A_1038, %slice3A_1039, %dot_general3A_1040 {dimension_numbers = #tpu.dot_dimension_numbers<[1], [0], [0], [1], [0, 0, 1, 1], [], []>, transpose_lhs_hint = false} : vector<256x256xbf16>, vector<256x65xbf16>, vector<256x65xf32> -> vector<256x65xf32>
    %slice3A_1042 = vector.extract_strided_slice %dot_general3A_1034 {offsets = [0, 0], sizes = [256, 512], strides = [1, 1]} : vector<256x768xf32> to vector<256x512xf32>
    %exp3A_1043 = math.exp %slice3A_1042 : vector<256x512xf32>
    %convert_element_type3A_1044 = arith.truncf %exp3A_1043 : vector<256x512xf32> to vector<256x512xbf16>
    %slice3A_1045 = vector.extract_strided_slice %concatenate3A_980 {offsets = [0, 0], sizes = [512, 65], strides = [1, 1]} : vector<1024x65xbf16> to vector<512x65xbf16>
    %dot_general3A_1046 = arith.constant dense<0.000000e+00> : vector<256x65xf32>
    %dot_general3A_1047 = tpu.matmul %convert_element_type3A_1044, %slice3A_1045, %dot_general3A_1046 {dimension_numbers = #tpu.dot_dimension_numbers<[1], [0], [0], [1], [0, 0, 1, 1], [], []>, transpose_lhs_hint = false} : vector<256x512xbf16>, vector<512x65xbf16>, vector<256x65xf32> -> vector<256x65xf32>
    %add3A_1048 = arith.addf %dot_general3A_1041, %dot_general3A_1047 : vector<256x65xf32>
    %slice3A_1049 = vector.extract_strided_slice %add3A_1048 {offsets = [0, 0], sizes = [256, 64], strides = [1, 1]} : vector<256x65xf32> to vector<256x64xf32>
    %slice3A_1050 = vector.extract_strided_slice %add3A_1048 {offsets = [0, 64], sizes = [256, 1], strides = [1, 1]} : vector<256x65xf32> to vector<256x1xf32>
    %div3A_1051 = arith.constant 1.000000e+00 : f32
    %div3A_1052 = vector.broadcast %div3A_1051 : f32 to vector<256x1xf32>
    %div3A_1053 = arith.divf %div3A_1052, %slice3A_1050 : vector<256x1xf32>
    %mul3A_1054 = vector.broadcast %div3A_1053 : vector<256x1xf32> to vector<256x64xf32>
    %mul3A_1055 = arith.mulf %slice3A_1049, %mul3A_1054 : vector<256x64xf32>
    %convert_element_type3A_1056 = arith.truncf %mul3A_1055 : vector<256x64xf32> to vector<256x64xbf16>
    %swap3A_1057 = arith.constant 512 : index
    %swap3A_1058 = arith.constant 448 : index
    %swap3A_1059 = vector.load %arg8[%swap3A_1057, %swap3A_1058] : memref<1024x768xbf16, #tpu.memory_space<vmem>>, vector<256x64xbf16>
    tpu.vector_store %arg8[%swap3A_1057, %swap3A_1058], %convert_element_type3A_1056 {strides = array<i32>} : memref<1024x768xbf16, #tpu.memory_space<vmem>>, vector<256x64xbf16>,
    %slice3A_1060 = vector.extract_strided_slice %convert_element_type3A_970 {offsets = [768, 0], sizes = [256, 64], strides = [1, 1]} : vector<1024x64xbf16> to vector<256x64xbf16>
    %dot_general3A_1061 = arith.constant dense<0.000000e+00> : vector<256x1024xf32>
    %dot_general3A_1062 = tpu.matmul %slice3A_1060, %convert_element_type3A_978, %dot_general3A_1061 {dimension_numbers = #tpu.dot_dimension_numbers<[1], [1], [0], [0], [0, 0, 1, 0], [], []>, transpose_lhs_hint = false} : vector<256x64xbf16>, vector<1024x64xbf16>, vector<256x1024xf32> -> vector<256x1024xf32>
    %slice3A_1063 = vector.extract_strided_slice %dot_general3A_1062 {offsets = [0, 768], sizes = [256, 256], strides = [1, 1]} : vector<256x1024xf32> to vector<256x256xf32>
    %exp3A_1064 = math.exp %slice3A_1063 : vector<256x256xf32>
    %mul3A_1065 = arith.mulf %exp3A_1064, %convert_element_type3A_36 : vector<256x256xf32>
    %convert_element_type3A_1066 = arith.truncf %mul3A_1065 : vector<256x256xf32> to vector<256x256xbf16>
    %slice3A_1067 = vector.extract_strided_slice %concatenate3A_980 {offsets = [768, 0], sizes = [256, 65], strides = [1, 1]} : vector<1024x65xbf16> to vector<256x65xbf16>
    %dot_general3A_1068 = arith.constant dense<0.000000e+00> : vector<256x65xf32>
    %dot_general3A_1069 = tpu.matmul %convert_element_type3A_1066, %slice3A_1067, %dot_general3A_1068 {dimension_numbers = #tpu.dot_dimension_numbers<[1], [0], [0], [1], [0, 0, 1, 1], [], []>, transpose_lhs_hint = false} : vector<256x256xbf16>, vector<256x65xbf16>, vector<256x65xf32> -> vector<256x65xf32>
    %slice3A_1070 = vector.extract_strided_slice %dot_general3A_1062 {offsets = [0, 0], sizes = [256, 768], strides = [1, 1]} : vector<256x1024xf32> to vector<256x768xf32>
    %exp3A_1071 = math.exp %slice3A_1070 : vector<256x768xf32>
    %convert_element_type3A_1072 = arith.truncf %exp3A_1071 : vector<256x768xf32> to vector<256x768xbf16>
    %slice3A_1073 = vector.extract_strided_slice %concatenate3A_980 {offsets = [0, 0], sizes = [768, 65], strides = [1, 1]} : vector<1024x65xbf16> to vector<768x65xbf16>
    %dot_general3A_1074 = arith.constant dense<0.000000e+00> : vector<256x65xf32>
    %dot_general3A_1075 = tpu.matmul %convert_element_type3A_1072, %slice3A_1073, %dot_general3A_1074 {dimension_numbers = #tpu.dot_dimension_numbers<[1], [0], [0], [1], [0, 0, 1, 1], [], []>, transpose_lhs_hint = false} : vector<256x768xbf16>, vector<768x65xbf16>, vector<256x65xf32> -> vector<256x65xf32>
    %add3A_1076 = arith.addf %dot_general3A_1069, %dot_general3A_1075 : vector<256x65xf32>
    %slice3A_1077 = vector.extract_strided_slice %add3A_1076 {offsets = [0, 0], sizes = [256, 64], strides = [1, 1]} : vector<256x65xf32> to vector<256x64xf32>
    %slice3A_1078 = vector.extract_strided_slice %add3A_1076 {offsets = [0, 64], sizes = [256, 1], strides = [1, 1]} : vector<256x65xf32> to vector<256x1xf32>
    %div3A_1079 = arith.constant 1.000000e+00 : f32
    %div3A_1080 = vector.broadcast %div3A_1079 : f32 to vector<256x1xf32>
    %div3A_1081 = arith.divf %div3A_1080, %slice3A_1078 : vector<256x1xf32>
    %mul3A_1082 = vector.broadcast %div3A_1081 : vector<256x1xf32> to vector<256x64xf32>
    %mul3A_1083 = arith.mulf %slice3A_1077, %mul3A_1082 : vector<256x64xf32>
    %convert_element_type3A_1084 = arith.truncf %mul3A_1083 : vector<256x64xf32> to vector<256x64xbf16>
    %swap3A_1085 = arith.constant 768 : index
    %swap3A_1086 = arith.constant 448 : index
    %swap3A_1087 = vector.load %arg8[%swap3A_1085, %swap3A_1086] : memref<1024x768xbf16, #tpu.memory_space<vmem>>, vector<256x64xbf16>
    tpu.vector_store %arg8[%swap3A_1085, %swap3A_1086], %convert_element_type3A_1084 {strides = array<i32>} : memref<1024x768xbf16, #tpu.memory_space<vmem>>, vector<256x64xbf16>,
    %slice3A_1088 = vector.extract_strided_slice %dot_general3A_18 {offsets = [0, 512], sizes = [1024, 32], strides = [1, 1]} : vector<1024x768xf32> to vector<1024x32xf32>
    %slice3A_1089 = vector.extract_strided_slice %dot_general3A_18 {offsets = [0, 544], sizes = [1024, 32], strides = [1, 1]} : vector<1024x768xf32> to vector<1024x32xf32>
    %slice3A_1090 = vector.extract_strided_slice %dot_general3A_24 {offsets = [0, 512], sizes = [1024, 32], strides = [1, 1]} : vector<1024x768xf32> to vector<1024x32xf32>
    %slice3A_1091 = vector.extract_strided_slice %dot_general3A_24 {offsets = [0, 544], sizes = [1024, 32], strides = [1, 1]} : vector<1024x768xf32> to vector<1024x32xf32>
    %mul3A_1092 = arith.mulf %slice3A_1088, %cos3A : vector<1024x32xf32>
    %mul3A_1093 = arith.mulf %slice3A_1089, %sin3A : vector<1024x32xf32>
    %sub3A_1094 = arith.subf %mul3A_1092, %mul3A_1093 : vector<1024x32xf32>
    %mul3A_1095 = arith.mulf %slice3A_1089, %cos3A : vector<1024x32xf32>
    %mul3A_1096 = arith.mulf %slice3A_1088, %sin3A : vector<1024x32xf32>
    %add3A_1097 = arith.addf %mul3A_1095, %mul3A_1096 : vector<1024x32xf32>
    %concatenate3A_1098 = tpu.concatenate %sub3A_1094, %add3A_1097 in 1 : vector<1024x32xf32>, vector<1024x32xf32> -> vector<1024x64xf32>
    %mul3A_1099 = arith.constant 1.250000e-01 : f32
    %mul3A_1100 = vector.broadcast %mul3A_1099 : f32 to vector<1024x64xf32>
    %mul3A_1101 = arith.mulf %concatenate3A_1098, %mul3A_1100 : vector<1024x64xf32>
    %convert_element_type3A_1102 = arith.truncf %mul3A_1101 : vector<1024x64xf32> to vector<1024x64xbf16>
    %mul3A_1103 = arith.mulf %slice3A_1090, %cos3A : vector<1024x32xf32>
    %mul3A_1104 = arith.mulf %slice3A_1091, %sin3A : vector<1024x32xf32>
    %sub3A_1105 = arith.subf %mul3A_1103, %mul3A_1104 : vector<1024x32xf32>
    %mul3A_1106 = arith.mulf %slice3A_1091, %cos3A : vector<1024x32xf32>
    %mul3A_1107 = arith.mulf %slice3A_1090, %sin3A : vector<1024x32xf32>
    %add3A_1108 = arith.addf %mul3A_1106, %mul3A_1107 : vector<1024x32xf32>
    %concatenate3A_1109 = tpu.concatenate %sub3A_1105, %add3A_1108 in 1 : vector<1024x32xf32>, vector<1024x32xf32> -> vector<1024x64xf32>
    %convert_element_type3A_1110 = arith.truncf %concatenate3A_1109 : vector<1024x64xf32> to vector<1024x64xbf16>
    %slice3A_1111 = vector.extract_strided_slice %convert_element_type3A_31 {offsets = [0, 512], sizes = [1024, 64], strides = [1, 1]} : vector<1024x768xbf16> to vector<1024x64xbf16>
    %concatenate3A_1112 = tpu.concatenate %slice3A_1111, %broadcast_in_dim3A_33 in 1 : vector<1024x64xbf16>, vector<1024x1xbf16> -> vector<1024x65xbf16>
    %slice3A_1113 = vector.extract_strided_slice %convert_element_type3A_1102 {offsets = [0, 0], sizes = [256, 64], strides = [1, 1]} : vector<1024x64xbf16> to vector<256x64xbf16>
    %slice3A_1114 = vector.extract_strided_slice %convert_element_type3A_1110 {offsets = [0, 0], sizes = [256, 64], strides = [1, 1]} : vector<1024x64xbf16> to vector<256x64xbf16>
    %dot_general3A_1115 = arith.constant dense<0.000000e+00> : vector<256x256xf32>
    %dot_general3A_1116 = tpu.matmul %slice3A_1113, %slice3A_1114, %dot_general3A_1115 {dimension_numbers = #tpu.dot_dimension_numbers<[1], [1], [0], [0], [0, 0, 1, 0], [], []>, transpose_lhs_hint = false} : vector<256x64xbf16>, vector<256x64xbf16>, vector<256x256xf32> -> vector<256x256xf32>
    %exp3A_1117 = math.exp %dot_general3A_1116 : vector<256x256xf32>
    %mul3A_1118 = arith.mulf %exp3A_1117, %convert_element_type3A_36 : vector<256x256xf32>
    %convert_element_type3A_1119 = arith.truncf %mul3A_1118 : vector<256x256xf32> to vector<256x256xbf16>
    %slice3A_1120 = vector.extract_strided_slice %concatenate3A_1112 {offsets = [0, 0], sizes = [256, 65], strides = [1, 1]} : vector<1024x65xbf16> to vector<256x65xbf16>
    %dot_general3A_1121 = arith.constant dense<0.000000e+00> : vector<256x65xf32>
    %dot_general3A_1122 = tpu.matmul %convert_element_type3A_1119, %slice3A_1120, %dot_general3A_1121 {dimension_numbers = #tpu.dot_dimension_numbers<[1], [0], [0], [1], [0, 0, 1, 1], [], []>, transpose_lhs_hint = false} : vector<256x256xbf16>, vector<256x65xbf16>, vector<256x65xf32> -> vector<256x65xf32>
    %slice3A_1123 = vector.extract_strided_slice %dot_general3A_1122 {offsets = [0, 0], sizes = [256, 64], strides = [1, 1]} : vector<256x65xf32> to vector<256x64xf32>
    %slice3A_1124 = vector.extract_strided_slice %dot_general3A_1122 {offsets = [0, 64], sizes = [256, 1], strides = [1, 1]} : vector<256x65xf32> to vector<256x1xf32>
    %div3A_1125 = arith.constant 1.000000e+00 : f32
    %div3A_1126 = vector.broadcast %div3A_1125 : f32 to vector<256x1xf32>
    %div3A_1127 = arith.divf %div3A_1126, %slice3A_1124 : vector<256x1xf32>
    %mul3A_1128 = vector.broadcast %div3A_1127 : vector<256x1xf32> to vector<256x64xf32>
    %mul3A_1129 = arith.mulf %slice3A_1123, %mul3A_1128 : vector<256x64xf32>
    %convert_element_type3A_1130 = arith.truncf %mul3A_1129 : vector<256x64xf32> to vector<256x64xbf16>
    %swap3A_1131 = arith.constant 0 : index
    %swap3A_1132 = arith.constant 512 : index
    %swap3A_1133 = vector.load %arg8[%swap3A_1131, %swap3A_1132] : memref<1024x768xbf16, #tpu.memory_space<vmem>>, vector<256x64xbf16>
    tpu.vector_store %arg8[%swap3A_1131, %swap3A_1132], %convert_element_type3A_1130 {strides = array<i32>} : memref<1024x768xbf16, #tpu.memory_space<vmem>>, vector<256x64xbf16>,
    %slice3A_1134 = vector.extract_strided_slice %convert_element_type3A_1102 {offsets = [256, 0], sizes = [256, 64], strides = [1, 1]} : vector<1024x64xbf16> to vector<256x64xbf16>
    %slice3A_1135 = vector.extract_strided_slice %convert_element_type3A_1110 {offsets = [0, 0], sizes = [512, 64], strides = [1, 1]} : vector<1024x64xbf16> to vector<512x64xbf16>
    %dot_general3A_1136 = arith.constant dense<0.000000e+00> : vector<256x512xf32>
    %dot_general3A_1137 = tpu.matmul %slice3A_1134, %slice3A_1135, %dot_general3A_1136 {dimension_numbers = #tpu.dot_dimension_numbers<[1], [1], [0], [0], [0, 0, 1, 0], [], []>, transpose_lhs_hint = false} : vector<256x64xbf16>, vector<512x64xbf16>, vector<256x512xf32> -> vector<256x512xf32>
    %slice3A_1138 = vector.extract_strided_slice %dot_general3A_1137 {offsets = [0, 256], sizes = [256, 256], strides = [1, 1]} : vector<256x512xf32> to vector<256x256xf32>
    %exp3A_1139 = math.exp %slice3A_1138 : vector<256x256xf32>
    %mul3A_1140 = arith.mulf %exp3A_1139, %convert_element_type3A_36 : vector<256x256xf32>
    %convert_element_type3A_1141 = arith.truncf %mul3A_1140 : vector<256x256xf32> to vector<256x256xbf16>
    %slice3A_1142 = vector.extract_strided_slice %concatenate3A_1112 {offsets = [256, 0], sizes = [256, 65], strides = [1, 1]} : vector<1024x65xbf16> to vector<256x65xbf16>
    %dot_general3A_1143 = arith.constant dense<0.000000e+00> : vector<256x65xf32>
    %dot_general3A_1144 = tpu.matmul %convert_element_type3A_1141, %slice3A_1142, %dot_general3A_1143 {dimension_numbers = #tpu.dot_dimension_numbers<[1], [0], [0], [1], [0, 0, 1, 1], [], []>, transpose_lhs_hint = false} : vector<256x256xbf16>, vector<256x65xbf16>, vector<256x65xf32> -> vector<256x65xf32>
    %slice3A_1145 = vector.extract_strided_slice %dot_general3A_1137 {offsets = [0, 0], sizes = [256, 256], strides = [1, 1]} : vector<256x512xf32> to vector<256x256xf32>
    %exp3A_1146 = math.exp %slice3A_1145 : vector<256x256xf32>
    %convert_element_type3A_1147 = arith.truncf %exp3A_1146 : vector<256x256xf32> to vector<256x256xbf16>
    %slice3A_1148 = vector.extract_strided_slice %concatenate3A_1112 {offsets = [0, 0], sizes = [256, 65], strides = [1, 1]} : vector<1024x65xbf16> to vector<256x65xbf16>
    %dot_general3A_1149 = arith.constant dense<0.000000e+00> : vector<256x65xf32>
    %dot_general3A_1150 = tpu.matmul %convert_element_type3A_1147, %slice3A_1148, %dot_general3A_1149 {dimension_numbers = #tpu.dot_dimension_numbers<[1], [0], [0], [1], [0, 0, 1, 1], [], []>, transpose_lhs_hint = false} : vector<256x256xbf16>, vector<256x65xbf16>, vector<256x65xf32> -> vector<256x65xf32>
    %add3A_1151 = arith.addf %dot_general3A_1144, %dot_general3A_1150 : vector<256x65xf32>
    %slice3A_1152 = vector.extract_strided_slice %add3A_1151 {offsets = [0, 0], sizes = [256, 64], strides = [1, 1]} : vector<256x65xf32> to vector<256x64xf32>
    %slice3A_1153 = vector.extract_strided_slice %add3A_1151 {offsets = [0, 64], sizes = [256, 1], strides = [1, 1]} : vector<256x65xf32> to vector<256x1xf32>
    %div3A_1154 = arith.constant 1.000000e+00 : f32
    %div3A_1155 = vector.broadcast %div3A_1154 : f32 to vector<256x1xf32>
    %div3A_1156 = arith.divf %div3A_1155, %slice3A_1153 : vector<256x1xf32>
    %mul3A_1157 = vector.broadcast %div3A_1156 : vector<256x1xf32> to vector<256x64xf32>
    %mul3A_1158 = arith.mulf %slice3A_1152, %mul3A_1157 : vector<256x64xf32>
    %convert_element_type3A_1159 = arith.truncf %mul3A_1158 : vector<256x64xf32> to vector<256x64xbf16>
    %swap3A_1160 = arith.constant 256 : index
    %swap3A_1161 = arith.constant 512 : index
    %swap3A_1162 = vector.load %arg8[%swap3A_1160, %swap3A_1161] : memref<1024x768xbf16, #tpu.memory_space<vmem>>, vector<256x64xbf16>
    tpu.vector_store %arg8[%swap3A_1160, %swap3A_1161], %convert_element_type3A_1159 {strides = array<i32>} : memref<1024x768xbf16, #tpu.memory_space<vmem>>, vector<256x64xbf16>,
    %slice3A_1163 = vector.extract_strided_slice %convert_element_type3A_1102 {offsets = [512, 0], sizes = [256, 64], strides = [1, 1]} : vector<1024x64xbf16> to vector<256x64xbf16>
    %slice3A_1164 = vector.extract_strided_slice %convert_element_type3A_1110 {offsets = [0, 0], sizes = [768, 64], strides = [1, 1]} : vector<1024x64xbf16> to vector<768x64xbf16>
    %dot_general3A_1165 = arith.constant dense<0.000000e+00> : vector<256x768xf32>
    %dot_general3A_1166 = tpu.matmul %slice3A_1163, %slice3A_1164, %dot_general3A_1165 {dimension_numbers = #tpu.dot_dimension_numbers<[1], [1], [0], [0], [0, 0, 1, 0], [], []>, transpose_lhs_hint = false} : vector<256x64xbf16>, vector<768x64xbf16>, vector<256x768xf32> -> vector<256x768xf32>
    %slice3A_1167 = vector.extract_strided_slice %dot_general3A_1166 {offsets = [0, 512], sizes = [256, 256], strides = [1, 1]} : vector<256x768xf32> to vector<256x256xf32>
    %exp3A_1168 = math.exp %slice3A_1167 : vector<256x256xf32>
    %mul3A_1169 = arith.mulf %exp3A_1168, %convert_element_type3A_36 : vector<256x256xf32>
    %convert_element_type3A_1170 = arith.truncf %mul3A_1169 : vector<256x256xf32> to vector<256x256xbf16>
    %slice3A_1171 = vector.extract_strided_slice %concatenate3A_1112 {offsets = [512, 0], sizes = [256, 65], strides = [1, 1]} : vector<1024x65xbf16> to vector<256x65xbf16>
    %dot_general3A_1172 = arith.constant dense<0.000000e+00> : vector<256x65xf32>
    %dot_general3A_1173 = tpu.matmul %convert_element_type3A_1170, %slice3A_1171, %dot_general3A_1172 {dimension_numbers = #tpu.dot_dimension_numbers<[1], [0], [0], [1], [0, 0, 1, 1], [], []>, transpose_lhs_hint = false} : vector<256x256xbf16>, vector<256x65xbf16>, vector<256x65xf32> -> vector<256x65xf32>
    %slice3A_1174 = vector.extract_strided_slice %dot_general3A_1166 {offsets = [0, 0], sizes = [256, 512], strides = [1, 1]} : vector<256x768xf32> to vector<256x512xf32>
    %exp3A_1175 = math.exp %slice3A_1174 : vector<256x512xf32>
    %convert_element_type3A_1176 = arith.truncf %exp3A_1175 : vector<256x512xf32> to vector<256x512xbf16>
    %slice3A_1177 = vector.extract_strided_slice %concatenate3A_1112 {offsets = [0, 0], sizes = [512, 65], strides = [1, 1]} : vector<1024x65xbf16> to vector<512x65xbf16>
    %dot_general3A_1178 = arith.constant dense<0.000000e+00> : vector<256x65xf32>
    %dot_general3A_1179 = tpu.matmul %convert_element_type3A_1176, %slice3A_1177, %dot_general3A_1178 {dimension_numbers = #tpu.dot_dimension_numbers<[1], [0], [0], [1], [0, 0, 1, 1], [], []>, transpose_lhs_hint = false} : vector<256x512xbf16>, vector<512x65xbf16>, vector<256x65xf32> -> vector<256x65xf32>
    %add3A_1180 = arith.addf %dot_general3A_1173, %dot_general3A_1179 : vector<256x65xf32>
    %slice3A_1181 = vector.extract_strided_slice %add3A_1180 {offsets = [0, 0], sizes = [256, 64], strides = [1, 1]} : vector<256x65xf32> to vector<256x64xf32>
    %slice3A_1182 = vector.extract_strided_slice %add3A_1180 {offsets = [0, 64], sizes = [256, 1], strides = [1, 1]} : vector<256x65xf32> to vector<256x1xf32>
    %div3A_1183 = arith.constant 1.000000e+00 : f32
    %div3A_1184 = vector.broadcast %div3A_1183 : f32 to vector<256x1xf32>
    %div3A_1185 = arith.divf %div3A_1184, %slice3A_1182 : vector<256x1xf32>
    %mul3A_1186 = vector.broadcast %div3A_1185 : vector<256x1xf32> to vector<256x64xf32>
    %mul3A_1187 = arith.mulf %slice3A_1181, %mul3A_1186 : vector<256x64xf32>
    %convert_element_type3A_1188 = arith.truncf %mul3A_1187 : vector<256x64xf32> to vector<256x64xbf16>
    %swap3A_1189 = arith.constant 512 : index
    %swap3A_1190 = arith.constant 512 : index
    %swap3A_1191 = vector.load %arg8[%swap3A_1189, %swap3A_1190] : memref<1024x768xbf16, #tpu.memory_space<vmem>>, vector<256x64xbf16>
    tpu.vector_store %arg8[%swap3A_1189, %swap3A_1190], %convert_element_type3A_1188 {strides = array<i32>} : memref<1024x768xbf16, #tpu.memory_space<vmem>>, vector<256x64xbf16>,
    %slice3A_1192 = vector.extract_strided_slice %convert_element_type3A_1102 {offsets = [768, 0], sizes = [256, 64], strides = [1, 1]} : vector<1024x64xbf16> to vector<256x64xbf16>
    %dot_general3A_1193 = arith.constant dense<0.000000e+00> : vector<256x1024xf32>
    %dot_general3A_1194 = tpu.matmul %slice3A_1192, %convert_element_type3A_1110, %dot_general3A_1193 {dimension_numbers = #tpu.dot_dimension_numbers<[1], [1], [0], [0], [0, 0, 1, 0], [], []>, transpose_lhs_hint = false} : vector<256x64xbf16>, vector<1024x64xbf16>, vector<256x1024xf32> -> vector<256x1024xf32>
    %slice3A_1195 = vector.extract_strided_slice %dot_general3A_1194 {offsets = [0, 768], sizes = [256, 256], strides = [1, 1]} : vector<256x1024xf32> to vector<256x256xf32>
    %exp3A_1196 = math.exp %slice3A_1195 : vector<256x256xf32>
    %mul3A_1197 = arith.mulf %exp3A_1196, %convert_element_type3A_36 : vector<256x256xf32>
    %convert_element_type3A_1198 = arith.truncf %mul3A_1197 : vector<256x256xf32> to vector<256x256xbf16>
    %slice3A_1199 = vector.extract_strided_slice %concatenate3A_1112 {offsets = [768, 0], sizes = [256, 65], strides = [1, 1]} : vector<1024x65xbf16> to vector<256x65xbf16>
    %dot_general3A_1200 = arith.constant dense<0.000000e+00> : vector<256x65xf32>
    %dot_general3A_1201 = tpu.matmul %convert_element_type3A_1198, %slice3A_1199, %dot_general3A_1200 {dimension_numbers = #tpu.dot_dimension_numbers<[1], [0], [0], [1], [0, 0, 1, 1], [], []>, transpose_lhs_hint = false} : vector<256x256xbf16>, vector<256x65xbf16>, vector<256x65xf32> -> vector<256x65xf32>
    %slice3A_1202 = vector.extract_strided_slice %dot_general3A_1194 {offsets = [0, 0], sizes = [256, 768], strides = [1, 1]} : vector<256x1024xf32> to vector<256x768xf32>
    %exp3A_1203 = math.exp %slice3A_1202 : vector<256x768xf32>
    %convert_element_type3A_1204 = arith.truncf %exp3A_1203 : vector<256x768xf32> to vector<256x768xbf16>
    %slice3A_1205 = vector.extract_strided_slice %concatenate3A_1112 {offsets = [0, 0], sizes = [768, 65], strides = [1, 1]} : vector<1024x65xbf16> to vector<768x65xbf16>
    %dot_general3A_1206 = arith.constant dense<0.000000e+00> : vector<256x65xf32>
    %dot_general3A_1207 = tpu.matmul %convert_element_type3A_1204, %slice3A_1205, %dot_general3A_1206 {dimension_numbers = #tpu.dot_dimension_numbers<[1], [0], [0], [1], [0, 0, 1, 1], [], []>, transpose_lhs_hint = false} : vector<256x768xbf16>, vector<768x65xbf16>, vector<256x65xf32> -> vector<256x65xf32>
    %add3A_1208 = arith.addf %dot_general3A_1201, %dot_general3A_1207 : vector<256x65xf32>
    %slice3A_1209 = vector.extract_strided_slice %add3A_1208 {offsets = [0, 0], sizes = [256, 64], strides = [1, 1]} : vector<256x65xf32> to vector<256x64xf32>
    %slice3A_1210 = vector.extract_strided_slice %add3A_1208 {offsets = [0, 64], sizes = [256, 1], strides = [1, 1]} : vector<256x65xf32> to vector<256x1xf32>
    %div3A_1211 = arith.constant 1.000000e+00 : f32
    %div3A_1212 = vector.broadcast %div3A_1211 : f32 to vector<256x1xf32>
    %div3A_1213 = arith.divf %div3A_1212, %slice3A_1210 : vector<256x1xf32>
    %mul3A_1214 = vector.broadcast %div3A_1213 : vector<256x1xf32> to vector<256x64xf32>
    %mul3A_1215 = arith.mulf %slice3A_1209, %mul3A_1214 : vector<256x64xf32>
    %convert_element_type3A_1216 = arith.truncf %mul3A_1215 : vector<256x64xf32> to vector<256x64xbf16>
    %swap3A_1217 = arith.constant 768 : index
    %swap3A_1218 = arith.constant 512 : index
    %swap3A_1219 = vector.load %arg8[%swap3A_1217, %swap3A_1218] : memref<1024x768xbf16, #tpu.memory_space<vmem>>, vector<256x64xbf16>
    tpu.vector_store %arg8[%swap3A_1217, %swap3A_1218], %convert_element_type3A_1216 {strides = array<i32>} : memref<1024x768xbf16, #tpu.memory_space<vmem>>, vector<256x64xbf16>,
    %slice3A_1220 = vector.extract_strided_slice %dot_general3A_18 {offsets = [0, 576], sizes = [1024, 32], strides = [1, 1]} : vector<1024x768xf32> to vector<1024x32xf32>
    %slice3A_1221 = vector.extract_strided_slice %dot_general3A_18 {offsets = [0, 608], sizes = [1024, 32], strides = [1, 1]} : vector<1024x768xf32> to vector<1024x32xf32>
    %slice3A_1222 = vector.extract_strided_slice %dot_general3A_24 {offsets = [0, 576], sizes = [1024, 32], strides = [1, 1]} : vector<1024x768xf32> to vector<1024x32xf32>
    %slice3A_1223 = vector.extract_strided_slice %dot_general3A_24 {offsets = [0, 608], sizes = [1024, 32], strides = [1, 1]} : vector<1024x768xf32> to vector<1024x32xf32>
    %mul3A_1224 = arith.mulf %slice3A_1220, %cos3A : vector<1024x32xf32>
    %mul3A_1225 = arith.mulf %slice3A_1221, %sin3A : vector<1024x32xf32>
    %sub3A_1226 = arith.subf %mul3A_1224, %mul3A_1225 : vector<1024x32xf32>
    %mul3A_1227 = arith.mulf %slice3A_1221, %cos3A : vector<1024x32xf32>
    %mul3A_1228 = arith.mulf %slice3A_1220, %sin3A : vector<1024x32xf32>
    %add3A_1229 = arith.addf %mul3A_1227, %mul3A_1228 : vector<1024x32xf32>
    %concatenate3A_1230 = tpu.concatenate %sub3A_1226, %add3A_1229 in 1 : vector<1024x32xf32>, vector<1024x32xf32> -> vector<1024x64xf32>
    %mul3A_1231 = arith.constant 1.250000e-01 : f32
    %mul3A_1232 = vector.broadcast %mul3A_1231 : f32 to vector<1024x64xf32>
    %mul3A_1233 = arith.mulf %concatenate3A_1230, %mul3A_1232 : vector<1024x64xf32>
    %convert_element_type3A_1234 = arith.truncf %mul3A_1233 : vector<1024x64xf32> to vector<1024x64xbf16>
    %mul3A_1235 = arith.mulf %slice3A_1222, %cos3A : vector<1024x32xf32>
    %mul3A_1236 = arith.mulf %slice3A_1223, %sin3A : vector<1024x32xf32>
    %sub3A_1237 = arith.subf %mul3A_1235, %mul3A_1236 : vector<1024x32xf32>
    %mul3A_1238 = arith.mulf %slice3A_1223, %cos3A : vector<1024x32xf32>
    %mul3A_1239 = arith.mulf %slice3A_1222, %sin3A : vector<1024x32xf32>
    %add3A_1240 = arith.addf %mul3A_1238, %mul3A_1239 : vector<1024x32xf32>
    %concatenate3A_1241 = tpu.concatenate %sub3A_1237, %add3A_1240 in 1 : vector<1024x32xf32>, vector<1024x32xf32> -> vector<1024x64xf32>
    %convert_element_type3A_1242 = arith.truncf %concatenate3A_1241 : vector<1024x64xf32> to vector<1024x64xbf16>
    %slice3A_1243 = vector.extract_strided_slice %convert_element_type3A_31 {offsets = [0, 576], sizes = [1024, 64], strides = [1, 1]} : vector<1024x768xbf16> to vector<1024x64xbf16>
    %concatenate3A_1244 = tpu.concatenate %slice3A_1243, %broadcast_in_dim3A_33 in 1 : vector<1024x64xbf16>, vector<1024x1xbf16> -> vector<1024x65xbf16>
    %slice3A_1245 = vector.extract_strided_slice %convert_element_type3A_1234 {offsets = [0, 0], sizes = [256, 64], strides = [1, 1]} : vector<1024x64xbf16> to vector<256x64xbf16>
    %slice3A_1246 = vector.extract_strided_slice %convert_element_type3A_1242 {offsets = [0, 0], sizes = [256, 64], strides = [1, 1]} : vector<1024x64xbf16> to vector<256x64xbf16>
    %dot_general3A_1247 = arith.constant dense<0.000000e+00> : vector<256x256xf32>
    %dot_general3A_1248 = tpu.matmul %slice3A_1245, %slice3A_1246, %dot_general3A_1247 {dimension_numbers = #tpu.dot_dimension_numbers<[1], [1], [0], [0], [0, 0, 1, 0], [], []>, transpose_lhs_hint = false} : vector<256x64xbf16>, vector<256x64xbf16>, vector<256x256xf32> -> vector<256x256xf32>
    %exp3A_1249 = math.exp %dot_general3A_1248 : vector<256x256xf32>
    %mul3A_1250 = arith.mulf %exp3A_1249, %convert_element_type3A_36 : vector<256x256xf32>
    %convert_element_type3A_1251 = arith.truncf %mul3A_1250 : vector<256x256xf32> to vector<256x256xbf16>
    %slice3A_1252 = vector.extract_strided_slice %concatenate3A_1244 {offsets = [0, 0], sizes = [256, 65], strides = [1, 1]} : vector<1024x65xbf16> to vector<256x65xbf16>
    %dot_general3A_1253 = arith.constant dense<0.000000e+00> : vector<256x65xf32>
    %dot_general3A_1254 = tpu.matmul %convert_element_type3A_1251, %slice3A_1252, %dot_general3A_1253 {dimension_numbers = #tpu.dot_dimension_numbers<[1], [0], [0], [1], [0, 0, 1, 1], [], []>, transpose_lhs_hint = false} : vector<256x256xbf16>, vector<256x65xbf16>, vector<256x65xf32> -> vector<256x65xf32>
    %slice3A_1255 = vector.extract_strided_slice %dot_general3A_1254 {offsets = [0, 0], sizes = [256, 64], strides = [1, 1]} : vector<256x65xf32> to vector<256x64xf32>
    %slice3A_1256 = vector.extract_strided_slice %dot_general3A_1254 {offsets = [0, 64], sizes = [256, 1], strides = [1, 1]} : vector<256x65xf32> to vector<256x1xf32>
    %div3A_1257 = arith.constant 1.000000e+00 : f32
    %div3A_1258 = vector.broadcast %div3A_1257 : f32 to vector<256x1xf32>
    %div3A_1259 = arith.divf %div3A_1258, %slice3A_1256 : vector<256x1xf32>
    %mul3A_1260 = vector.broadcast %div3A_1259 : vector<256x1xf32> to vector<256x64xf32>
    %mul3A_1261 = arith.mulf %slice3A_1255, %mul3A_1260 : vector<256x64xf32>
    %convert_element_type3A_1262 = arith.truncf %mul3A_1261 : vector<256x64xf32> to vector<256x64xbf16>
    %swap3A_1263 = arith.constant 0 : index
    %swap3A_1264 = arith.constant 576 : index
    %swap3A_1265 = vector.load %arg8[%swap3A_1263, %swap3A_1264] : memref<1024x768xbf16, #tpu.memory_space<vmem>>, vector<256x64xbf16>
    tpu.vector_store %arg8[%swap3A_1263, %swap3A_1264], %convert_element_type3A_1262 {strides = array<i32>} : memref<1024x768xbf16, #tpu.memory_space<vmem>>, vector<256x64xbf16>,
    %slice3A_1266 = vector.extract_strided_slice %convert_element_type3A_1234 {offsets = [256, 0], sizes = [256, 64], strides = [1, 1]} : vector<1024x64xbf16> to vector<256x64xbf16>
    %slice3A_1267 = vector.extract_strided_slice %convert_element_type3A_1242 {offsets = [0, 0], sizes = [512, 64], strides = [1, 1]} : vector<1024x64xbf16> to vector<512x64xbf16>
    %dot_general3A_1268 = arith.constant dense<0.000000e+00> : vector<256x512xf32>
    %dot_general3A_1269 = tpu.matmul %slice3A_1266, %slice3A_1267, %dot_general3A_1268 {dimension_numbers = #tpu.dot_dimension_numbers<[1], [1], [0], [0], [0, 0, 1, 0], [], []>, transpose_lhs_hint = false} : vector<256x64xbf16>, vector<512x64xbf16>, vector<256x512xf32> -> vector<256x512xf32>
    %slice3A_1270 = vector.extract_strided_slice %dot_general3A_1269 {offsets = [0, 256], sizes = [256, 256], strides = [1, 1]} : vector<256x512xf32> to vector<256x256xf32>
    %exp3A_1271 = math.exp %slice3A_1270 : vector<256x256xf32>
    %mul3A_1272 = arith.mulf %exp3A_1271, %convert_element_type3A_36 : vector<256x256xf32>
    %convert_element_type3A_1273 = arith.truncf %mul3A_1272 : vector<256x256xf32> to vector<256x256xbf16>
    %slice3A_1274 = vector.extract_strided_slice %concatenate3A_1244 {offsets = [256, 0], sizes = [256, 65], strides = [1, 1]} : vector<1024x65xbf16> to vector<256x65xbf16>
    %dot_general3A_1275 = arith.constant dense<0.000000e+00> : vector<256x65xf32>
    %dot_general3A_1276 = tpu.matmul %convert_element_type3A_1273, %slice3A_1274, %dot_general3A_1275 {dimension_numbers = #tpu.dot_dimension_numbers<[1], [0], [0], [1], [0, 0, 1, 1], [], []>, transpose_lhs_hint = false} : vector<256x256xbf16>, vector<256x65xbf16>, vector<256x65xf32> -> vector<256x65xf32>
    %slice3A_1277 = vector.extract_strided_slice %dot_general3A_1269 {offsets = [0, 0], sizes = [256, 256], strides = [1, 1]} : vector<256x512xf32> to vector<256x256xf32>
    %exp3A_1278 = math.exp %slice3A_1277 : vector<256x256xf32>
    %convert_element_type3A_1279 = arith.truncf %exp3A_1278 : vector<256x256xf32> to vector<256x256xbf16>
    %slice3A_1280 = vector.extract_strided_slice %concatenate3A_1244 {offsets = [0, 0], sizes = [256, 65], strides = [1, 1]} : vector<1024x65xbf16> to vector<256x65xbf16>
    %dot_general3A_1281 = arith.constant dense<0.000000e+00> : vector<256x65xf32>
    %dot_general3A_1282 = tpu.matmul %convert_element_type3A_1279, %slice3A_1280, %dot_general3A_1281 {dimension_numbers = #tpu.dot_dimension_numbers<[1], [0], [0], [1], [0, 0, 1, 1], [], []>, transpose_lhs_hint = false} : vector<256x256xbf16>, vector<256x65xbf16>, vector<256x65xf32> -> vector<256x65xf32>
    %add3A_1283 = arith.addf %dot_general3A_1276, %dot_general3A_1282 : vector<256x65xf32>
    %slice3A_1284 = vector.extract_strided_slice %add3A_1283 {offsets = [0, 0], sizes = [256, 64], strides = [1, 1]} : vector<256x65xf32> to vector<256x64xf32>
    %slice3A_1285 = vector.extract_strided_slice %add3A_1283 {offsets = [0, 64], sizes = [256, 1], strides = [1, 1]} : vector<256x65xf32> to vector<256x1xf32>
    %div3A_1286 = arith.constant 1.000000e+00 : f32
    %div3A_1287 = vector.broadcast %div3A_1286 : f32 to vector<256x1xf32>
    %div3A_1288 = arith.divf %div3A_1287, %slice3A_1285 : vector<256x1xf32>
    %mul3A_1289 = vector.broadcast %div3A_1288 : vector<256x1xf32> to vector<256x64xf32>
    %mul3A_1290 = arith.mulf %slice3A_1284, %mul3A_1289 : vector<256x64xf32>
    %convert_element_type3A_1291 = arith.truncf %mul3A_1290 : vector<256x64xf32> to vector<256x64xbf16>
    %swap3A_1292 = arith.constant 256 : index
    %swap3A_1293 = arith.constant 576 : index
    %swap3A_1294 = vector.load %arg8[%swap3A_1292, %swap3A_1293] : memref<1024x768xbf16, #tpu.memory_space<vmem>>, vector<256x64xbf16>
    tpu.vector_store %arg8[%swap3A_1292, %swap3A_1293], %convert_element_type3A_1291 {strides = array<i32>} : memref<1024x768xbf16, #tpu.memory_space<vmem>>, vector<256x64xbf16>,
    %slice3A_1295 = vector.extract_strided_slice %convert_element_type3A_1234 {offsets = [512, 0], sizes = [256, 64], strides = [1, 1]} : vector<1024x64xbf16> to vector<256x64xbf16>
    %slice3A_1296 = vector.extract_strided_slice %convert_element_type3A_1242 {offsets = [0, 0], sizes = [768, 64], strides = [1, 1]} : vector<1024x64xbf16> to vector<768x64xbf16>
    %dot_general3A_1297 = arith.constant dense<0.000000e+00> : vector<256x768xf32>
    %dot_general3A_1298 = tpu.matmul %slice3A_1295, %slice3A_1296, %dot_general3A_1297 {dimension_numbers = #tpu.dot_dimension_numbers<[1], [1], [0], [0], [0, 0, 1, 0], [], []>, transpose_lhs_hint = false} : vector<256x64xbf16>, vector<768x64xbf16>, vector<256x768xf32> -> vector<256x768xf32>
    %slice3A_1299 = vector.extract_strided_slice %dot_general3A_1298 {offsets = [0, 512], sizes = [256, 256], strides = [1, 1]} : vector<256x768xf32> to vector<256x256xf32>
    %exp3A_1300 = math.exp %slice3A_1299 : vector<256x256xf32>
    %mul3A_1301 = arith.mulf %exp3A_1300, %convert_element_type3A_36 : vector<256x256xf32>
    %convert_element_type3A_1302 = arith.truncf %mul3A_1301 : vector<256x256xf32> to vector<256x256xbf16>
    %slice3A_1303 = vector.extract_strided_slice %concatenate3A_1244 {offsets = [512, 0], sizes = [256, 65], strides = [1, 1]} : vector<1024x65xbf16> to vector<256x65xbf16>
    %dot_general3A_1304 = arith.constant dense<0.000000e+00> : vector<256x65xf32>
    %dot_general3A_1305 = tpu.matmul %convert_element_type3A_1302, %slice3A_1303, %dot_general3A_1304 {dimension_numbers = #tpu.dot_dimension_numbers<[1], [0], [0], [1], [0, 0, 1, 1], [], []>, transpose_lhs_hint = false} : vector<256x256xbf16>, vector<256x65xbf16>, vector<256x65xf32> -> vector<256x65xf32>
    %slice3A_1306 = vector.extract_strided_slice %dot_general3A_1298 {offsets = [0, 0], sizes = [256, 512], strides = [1, 1]} : vector<256x768xf32> to vector<256x512xf32>
    %exp3A_1307 = math.exp %slice3A_1306 : vector<256x512xf32>
    %convert_element_type3A_1308 = arith.truncf %exp3A_1307 : vector<256x512xf32> to vector<256x512xbf16>
    %slice3A_1309 = vector.extract_strided_slice %concatenate3A_1244 {offsets = [0, 0], sizes = [512, 65], strides = [1, 1]} : vector<1024x65xbf16> to vector<512x65xbf16>
    %dot_general3A_1310 = arith.constant dense<0.000000e+00> : vector<256x65xf32>
    %dot_general3A_1311 = tpu.matmul %convert_element_type3A_1308, %slice3A_1309, %dot_general3A_1310 {dimension_numbers = #tpu.dot_dimension_numbers<[1], [0], [0], [1], [0, 0, 1, 1], [], []>, transpose_lhs_hint = false} : vector<256x512xbf16>, vector<512x65xbf16>, vector<256x65xf32> -> vector<256x65xf32>
    %add3A_1312 = arith.addf %dot_general3A_1305, %dot_general3A_1311 : vector<256x65xf32>
    %slice3A_1313 = vector.extract_strided_slice %add3A_1312 {offsets = [0, 0], sizes = [256, 64], strides = [1, 1]} : vector<256x65xf32> to vector<256x64xf32>
    %slice3A_1314 = vector.extract_strided_slice %add3A_1312 {offsets = [0, 64], sizes = [256, 1], strides = [1, 1]} : vector<256x65xf32> to vector<256x1xf32>
    %div3A_1315 = arith.constant 1.000000e+00 : f32
    %div3A_1316 = vector.broadcast %div3A_1315 : f32 to vector<256x1xf32>
    %div3A_1317 = arith.divf %div3A_1316, %slice3A_1314 : vector<256x1xf32>
    %mul3A_1318 = vector.broadcast %div3A_1317 : vector<256x1xf32> to vector<256x64xf32>
    %mul3A_1319 = arith.mulf %slice3A_1313, %mul3A_1318 : vector<256x64xf32>
    %convert_element_type3A_1320 = arith.truncf %mul3A_1319 : vector<256x64xf32> to vector<256x64xbf16>
    %swap3A_1321 = arith.constant 512 : index
    %swap3A_1322 = arith.constant 576 : index
    %swap3A_1323 = vector.load %arg8[%swap3A_1321, %swap3A_1322] : memref<1024x768xbf16, #tpu.memory_space<vmem>>, vector<256x64xbf16>
    tpu.vector_store %arg8[%swap3A_1321, %swap3A_1322], %convert_element_type3A_1320 {strides = array<i32>} : memref<1024x768xbf16, #tpu.memory_space<vmem>>, vector<256x64xbf16>,
    %slice3A_1324 = vector.extract_strided_slice %convert_element_type3A_1234 {offsets = [768, 0], sizes = [256, 64], strides = [1, 1]} : vector<1024x64xbf16> to vector<256x64xbf16>
    %dot_general3A_1325 = arith.constant dense<0.000000e+00> : vector<256x1024xf32>
    %dot_general3A_1326 = tpu.matmul %slice3A_1324, %convert_element_type3A_1242, %dot_general3A_1325 {dimension_numbers = #tpu.dot_dimension_numbers<[1], [1], [0], [0], [0, 0, 1, 0], [], []>, transpose_lhs_hint = false} : vector<256x64xbf16>, vector<1024x64xbf16>, vector<256x1024xf32> -> vector<256x1024xf32>
    %slice3A_1327 = vector.extract_strided_slice %dot_general3A_1326 {offsets = [0, 768], sizes = [256, 256], strides = [1, 1]} : vector<256x1024xf32> to vector<256x256xf32>
    %exp3A_1328 = math.exp %slice3A_1327 : vector<256x256xf32>
    %mul3A_1329 = arith.mulf %exp3A_1328, %convert_element_type3A_36 : vector<256x256xf32>
    %convert_element_type3A_1330 = arith.truncf %mul3A_1329 : vector<256x256xf32> to vector<256x256xbf16>
    %slice3A_1331 = vector.extract_strided_slice %concatenate3A_1244 {offsets = [768, 0], sizes = [256, 65], strides = [1, 1]} : vector<1024x65xbf16> to vector<256x65xbf16>
    %dot_general3A_1332 = arith.constant dense<0.000000e+00> : vector<256x65xf32>
    %dot_general3A_1333 = tpu.matmul %convert_element_type3A_1330, %slice3A_1331, %dot_general3A_1332 {dimension_numbers = #tpu.dot_dimension_numbers<[1], [0], [0], [1], [0, 0, 1, 1], [], []>, transpose_lhs_hint = false} : vector<256x256xbf16>, vector<256x65xbf16>, vector<256x65xf32> -> vector<256x65xf32>
    %slice3A_1334 = vector.extract_strided_slice %dot_general3A_1326 {offsets = [0, 0], sizes = [256, 768], strides = [1, 1]} : vector<256x1024xf32> to vector<256x768xf32>
    %exp3A_1335 = math.exp %slice3A_1334 : vector<256x768xf32>
    %convert_element_type3A_1336 = arith.truncf %exp3A_1335 : vector<256x768xf32> to vector<256x768xbf16>
    %slice3A_1337 = vector.extract_strided_slice %concatenate3A_1244 {offsets = [0, 0], sizes = [768, 65], strides = [1, 1]} : vector<1024x65xbf16> to vector<768x65xbf16>
    %dot_general3A_1338 = arith.constant dense<0.000000e+00> : vector<256x65xf32>
    %dot_general3A_1339 = tpu.matmul %convert_element_type3A_1336, %slice3A_1337, %dot_general3A_1338 {dimension_numbers = #tpu.dot_dimension_numbers<[1], [0], [0], [1], [0, 0, 1, 1], [], []>, transpose_lhs_hint = false} : vector<256x768xbf16>, vector<768x65xbf16>, vector<256x65xf32> -> vector<256x65xf32>
    %add3A_1340 = arith.addf %dot_general3A_1333, %dot_general3A_1339 : vector<256x65xf32>
    %slice3A_1341 = vector.extract_strided_slice %add3A_1340 {offsets = [0, 0], sizes = [256, 64], strides = [1, 1]} : vector<256x65xf32> to vector<256x64xf32>
    %slice3A_1342 = vector.extract_strided_slice %add3A_1340 {offsets = [0, 64], sizes = [256, 1], strides = [1, 1]} : vector<256x65xf32> to vector<256x1xf32>
    %div3A_1343 = arith.constant 1.000000e+00 : f32
    %div3A_1344 = vector.broadcast %div3A_1343 : f32 to vector<256x1xf32>
    %div3A_1345 = arith.divf %div3A_1344, %slice3A_1342 : vector<256x1xf32>
    %mul3A_1346 = vector.broadcast %div3A_1345 : vector<256x1xf32> to vector<256x64xf32>
    %mul3A_1347 = arith.mulf %slice3A_1341, %mul3A_1346 : vector<256x64xf32>
    %convert_element_type3A_1348 = arith.truncf %mul3A_1347 : vector<256x64xf32> to vector<256x64xbf16>
    %swap3A_1349 = arith.constant 768 : index
    %swap3A_1350 = arith.constant 576 : index
    %swap3A_1351 = vector.load %arg8[%swap3A_1349, %swap3A_1350] : memref<1024x768xbf16, #tpu.memory_space<vmem>>, vector<256x64xbf16>
    tpu.vector_store %arg8[%swap3A_1349, %swap3A_1350], %convert_element_type3A_1348 {strides = array<i32>} : memref<1024x768xbf16, #tpu.memory_space<vmem>>, vector<256x64xbf16>,
    %slice3A_1352 = vector.extract_strided_slice %dot_general3A_18 {offsets = [0, 640], sizes = [1024, 32], strides = [1, 1]} : vector<1024x768xf32> to vector<1024x32xf32>
    %slice3A_1353 = vector.extract_strided_slice %dot_general3A_18 {offsets = [0, 672], sizes = [1024, 32], strides = [1, 1]} : vector<1024x768xf32> to vector<1024x32xf32>
    %slice3A_1354 = vector.extract_strided_slice %dot_general3A_24 {offsets = [0, 640], sizes = [1024, 32], strides = [1, 1]} : vector<1024x768xf32> to vector<1024x32xf32>
    %slice3A_1355 = vector.extract_strided_slice %dot_general3A_24 {offsets = [0, 672], sizes = [1024, 32], strides = [1, 1]} : vector<1024x768xf32> to vector<1024x32xf32>
    %mul3A_1356 = arith.mulf %slice3A_1352, %cos3A : vector<1024x32xf32>
    %mul3A_1357 = arith.mulf %slice3A_1353, %sin3A : vector<1024x32xf32>
    %sub3A_1358 = arith.subf %mul3A_1356, %mul3A_1357 : vector<1024x32xf32>
    %mul3A_1359 = arith.mulf %slice3A_1353, %cos3A : vector<1024x32xf32>
    %mul3A_1360 = arith.mulf %slice3A_1352, %sin3A : vector<1024x32xf32>
    %add3A_1361 = arith.addf %mul3A_1359, %mul3A_1360 : vector<1024x32xf32>
    %concatenate3A_1362 = tpu.concatenate %sub3A_1358, %add3A_1361 in 1 : vector<1024x32xf32>, vector<1024x32xf32> -> vector<1024x64xf32>
    %mul3A_1363 = arith.constant 1.250000e-01 : f32
    %mul3A_1364 = vector.broadcast %mul3A_1363 : f32 to vector<1024x64xf32>
    %mul3A_1365 = arith.mulf %concatenate3A_1362, %mul3A_1364 : vector<1024x64xf32>
    %convert_element_type3A_1366 = arith.truncf %mul3A_1365 : vector<1024x64xf32> to vector<1024x64xbf16>
    %mul3A_1367 = arith.mulf %slice3A_1354, %cos3A : vector<1024x32xf32>
    %mul3A_1368 = arith.mulf %slice3A_1355, %sin3A : vector<1024x32xf32>
    %sub3A_1369 = arith.subf %mul3A_1367, %mul3A_1368 : vector<1024x32xf32>
    %mul3A_1370 = arith.mulf %slice3A_1355, %cos3A : vector<1024x32xf32>
    %mul3A_1371 = arith.mulf %slice3A_1354, %sin3A : vector<1024x32xf32>
    %add3A_1372 = arith.addf %mul3A_1370, %mul3A_1371 : vector<1024x32xf32>
    %concatenate3A_1373 = tpu.concatenate %sub3A_1369, %add3A_1372 in 1 : vector<1024x32xf32>, vector<1024x32xf32> -> vector<1024x64xf32>
    %convert_element_type3A_1374 = arith.truncf %concatenate3A_1373 : vector<1024x64xf32> to vector<1024x64xbf16>
    %slice3A_1375 = vector.extract_strided_slice %convert_element_type3A_31 {offsets = [0, 640], sizes = [1024, 64], strides = [1, 1]} : vector<1024x768xbf16> to vector<1024x64xbf16>
    %concatenate3A_1376 = tpu.concatenate %slice3A_1375, %broadcast_in_dim3A_33 in 1 : vector<1024x64xbf16>, vector<1024x1xbf16> -> vector<1024x65xbf16>
    %slice3A_1377 = vector.extract_strided_slice %convert_element_type3A_1366 {offsets = [0, 0], sizes = [256, 64], strides = [1, 1]} : vector<1024x64xbf16> to vector<256x64xbf16>
    %slice3A_1378 = vector.extract_strided_slice %convert_element_type3A_1374 {offsets = [0, 0], sizes = [256, 64], strides = [1, 1]} : vector<1024x64xbf16> to vector<256x64xbf16>
    %dot_general3A_1379 = arith.constant dense<0.000000e+00> : vector<256x256xf32>
    %dot_general3A_1380 = tpu.matmul %slice3A_1377, %slice3A_1378, %dot_general3A_1379 {dimension_numbers = #tpu.dot_dimension_numbers<[1], [1], [0], [0], [0, 0, 1, 0], [], []>, transpose_lhs_hint = false} : vector<256x64xbf16>, vector<256x64xbf16>, vector<256x256xf32> -> vector<256x256xf32>
    %exp3A_1381 = math.exp %dot_general3A_1380 : vector<256x256xf32>
    %mul3A_1382 = arith.mulf %exp3A_1381, %convert_element_type3A_36 : vector<256x256xf32>
    %convert_element_type3A_1383 = arith.truncf %mul3A_1382 : vector<256x256xf32> to vector<256x256xbf16>
    %slice3A_1384 = vector.extract_strided_slice %concatenate3A_1376 {offsets = [0, 0], sizes = [256, 65], strides = [1, 1]} : vector<1024x65xbf16> to vector<256x65xbf16>
    %dot_general3A_1385 = arith.constant dense<0.000000e+00> : vector<256x65xf32>
    %dot_general3A_1386 = tpu.matmul %convert_element_type3A_1383, %slice3A_1384, %dot_general3A_1385 {dimension_numbers = #tpu.dot_dimension_numbers<[1], [0], [0], [1], [0, 0, 1, 1], [], []>, transpose_lhs_hint = false} : vector<256x256xbf16>, vector<256x65xbf16>, vector<256x65xf32> -> vector<256x65xf32>
    %slice3A_1387 = vector.extract_strided_slice %dot_general3A_1386 {offsets = [0, 0], sizes = [256, 64], strides = [1, 1]} : vector<256x65xf32> to vector<256x64xf32>
    %slice3A_1388 = vector.extract_strided_slice %dot_general3A_1386 {offsets = [0, 64], sizes = [256, 1], strides = [1, 1]} : vector<256x65xf32> to vector<256x1xf32>
    %div3A_1389 = arith.constant 1.000000e+00 : f32
    %div3A_1390 = vector.broadcast %div3A_1389 : f32 to vector<256x1xf32>
    %div3A_1391 = arith.divf %div3A_1390, %slice3A_1388 : vector<256x1xf32>
    %mul3A_1392 = vector.broadcast %div3A_1391 : vector<256x1xf32> to vector<256x64xf32>
    %mul3A_1393 = arith.mulf %slice3A_1387, %mul3A_1392 : vector<256x64xf32>
    %convert_element_type3A_1394 = arith.truncf %mul3A_1393 : vector<256x64xf32> to vector<256x64xbf16>
    %swap3A_1395 = arith.constant 0 : index
    %swap3A_1396 = arith.constant 640 : index
    %swap3A_1397 = vector.load %arg8[%swap3A_1395, %swap3A_1396] : memref<1024x768xbf16, #tpu.memory_space<vmem>>, vector<256x64xbf16>
    tpu.vector_store %arg8[%swap3A_1395, %swap3A_1396], %convert_element_type3A_1394 {strides = array<i32>} : memref<1024x768xbf16, #tpu.memory_space<vmem>>, vector<256x64xbf16>,
    %slice3A_1398 = vector.extract_strided_slice %convert_element_type3A_1366 {offsets = [256, 0], sizes = [256, 64], strides = [1, 1]} : vector<1024x64xbf16> to vector<256x64xbf16>
    %slice3A_1399 = vector.extract_strided_slice %convert_element_type3A_1374 {offsets = [0, 0], sizes = [512, 64], strides = [1, 1]} : vector<1024x64xbf16> to vector<512x64xbf16>
    %dot_general3A_1400 = arith.constant dense<0.000000e+00> : vector<256x512xf32>
    %dot_general3A_1401 = tpu.matmul %slice3A_1398, %slice3A_1399, %dot_general3A_1400 {dimension_numbers = #tpu.dot_dimension_numbers<[1], [1], [0], [0], [0, 0, 1, 0], [], []>, transpose_lhs_hint = false} : vector<256x64xbf16>, vector<512x64xbf16>, vector<256x512xf32> -> vector<256x512xf32>
    %slice3A_1402 = vector.extract_strided_slice %dot_general3A_1401 {offsets = [0, 256], sizes = [256, 256], strides = [1, 1]} : vector<256x512xf32> to vector<256x256xf32>
    %exp3A_1403 = math.exp %slice3A_1402 : vector<256x256xf32>
    %mul3A_1404 = arith.mulf %exp3A_1403, %convert_element_type3A_36 : vector<256x256xf32>
    %convert_element_type3A_1405 = arith.truncf %mul3A_1404 : vector<256x256xf32> to vector<256x256xbf16>
    %slice3A_1406 = vector.extract_strided_slice %concatenate3A_1376 {offsets = [256, 0], sizes = [256, 65], strides = [1, 1]} : vector<1024x65xbf16> to vector<256x65xbf16>
    %dot_general3A_1407 = arith.constant dense<0.000000e+00> : vector<256x65xf32>
    %dot_general3A_1408 = tpu.matmul %convert_element_type3A_1405, %slice3A_1406, %dot_general3A_1407 {dimension_numbers = #tpu.dot_dimension_numbers<[1], [0], [0], [1], [0, 0, 1, 1], [], []>, transpose_lhs_hint = false} : vector<256x256xbf16>, vector<256x65xbf16>, vector<256x65xf32> -> vector<256x65xf32>
    %slice3A_1409 = vector.extract_strided_slice %dot_general3A_1401 {offsets = [0, 0], sizes = [256, 256], strides = [1, 1]} : vector<256x512xf32> to vector<256x256xf32>
    %exp3A_1410 = math.exp %slice3A_1409 : vector<256x256xf32>
    %convert_element_type3A_1411 = arith.truncf %exp3A_1410 : vector<256x256xf32> to vector<256x256xbf16>
    %slice3A_1412 = vector.extract_strided_slice %concatenate3A_1376 {offsets = [0, 0], sizes = [256, 65], strides = [1, 1]} : vector<1024x65xbf16> to vector<256x65xbf16>
    %dot_general3A_1413 = arith.constant dense<0.000000e+00> : vector<256x65xf32>
    %dot_general3A_1414 = tpu.matmul %convert_element_type3A_1411, %slice3A_1412, %dot_general3A_1413 {dimension_numbers = #tpu.dot_dimension_numbers<[1], [0], [0], [1], [0, 0, 1, 1], [], []>, transpose_lhs_hint = false} : vector<256x256xbf16>, vector<256x65xbf16>, vector<256x65xf32> -> vector<256x65xf32>
    %add3A_1415 = arith.addf %dot_general3A_1408, %dot_general3A_1414 : vector<256x65xf32>
    %slice3A_1416 = vector.extract_strided_slice %add3A_1415 {offsets = [0, 0], sizes = [256, 64], strides = [1, 1]} : vector<256x65xf32> to vector<256x64xf32>
    %slice3A_1417 = vector.extract_strided_slice %add3A_1415 {offsets = [0, 64], sizes = [256, 1], strides = [1, 1]} : vector<256x65xf32> to vector<256x1xf32>
    %div3A_1418 = arith.constant 1.000000e+00 : f32
    %div3A_1419 = vector.broadcast %div3A_1418 : f32 to vector<256x1xf32>
    %div3A_1420 = arith.divf %div3A_1419, %slice3A_1417 : vector<256x1xf32>
    %mul3A_1421 = vector.broadcast %div3A_1420 : vector<256x1xf32> to vector<256x64xf32>
    %mul3A_1422 = arith.mulf %slice3A_1416, %mul3A_1421 : vector<256x64xf32>
    %convert_element_type3A_1423 = arith.truncf %mul3A_1422 : vector<256x64xf32> to vector<256x64xbf16>
    %swap3A_1424 = arith.constant 256 : index
    %swap3A_1425 = arith.constant 640 : index
    %swap3A_1426 = vector.load %arg8[%swap3A_1424, %swap3A_1425] : memref<1024x768xbf16, #tpu.memory_space<vmem>>, vector<256x64xbf16>
    tpu.vector_store %arg8[%swap3A_1424, %swap3A_1425], %convert_element_type3A_1423 {strides = array<i32>} : memref<1024x768xbf16, #tpu.memory_space<vmem>>, vector<256x64xbf16>,
    %slice3A_1427 = vector.extract_strided_slice %convert_element_type3A_1366 {offsets = [512, 0], sizes = [256, 64], strides = [1, 1]} : vector<1024x64xbf16> to vector<256x64xbf16>
    %slice3A_1428 = vector.extract_strided_slice %convert_element_type3A_1374 {offsets = [0, 0], sizes = [768, 64], strides = [1, 1]} : vector<1024x64xbf16> to vector<768x64xbf16>
    %dot_general3A_1429 = arith.constant dense<0.000000e+00> : vector<256x768xf32>
    %dot_general3A_1430 = tpu.matmul %slice3A_1427, %slice3A_1428, %dot_general3A_1429 {dimension_numbers = #tpu.dot_dimension_numbers<[1], [1], [0], [0], [0, 0, 1, 0], [], []>, transpose_lhs_hint = false} : vector<256x64xbf16>, vector<768x64xbf16>, vector<256x768xf32> -> vector<256x768xf32>
    %slice3A_1431 = vector.extract_strided_slice %dot_general3A_1430 {offsets = [0, 512], sizes = [256, 256], strides = [1, 1]} : vector<256x768xf32> to vector<256x256xf32>
    %exp3A_1432 = math.exp %slice3A_1431 : vector<256x256xf32>
    %mul3A_1433 = arith.mulf %exp3A_1432, %convert_element_type3A_36 : vector<256x256xf32>
    %convert_element_type3A_1434 = arith.truncf %mul3A_1433 : vector<256x256xf32> to vector<256x256xbf16>
    %slice3A_1435 = vector.extract_strided_slice %concatenate3A_1376 {offsets = [512, 0], sizes = [256, 65], strides = [1, 1]} : vector<1024x65xbf16> to vector<256x65xbf16>
    %dot_general3A_1436 = arith.constant dense<0.000000e+00> : vector<256x65xf32>
    %dot_general3A_1437 = tpu.matmul %convert_element_type3A_1434, %slice3A_1435, %dot_general3A_1436 {dimension_numbers = #tpu.dot_dimension_numbers<[1], [0], [0], [1], [0, 0, 1, 1], [], []>, transpose_lhs_hint = false} : vector<256x256xbf16>, vector<256x65xbf16>, vector<256x65xf32> -> vector<256x65xf32>
    %slice3A_1438 = vector.extract_strided_slice %dot_general3A_1430 {offsets = [0, 0], sizes = [256, 512], strides = [1, 1]} : vector<256x768xf32> to vector<256x512xf32>
    %exp3A_1439 = math.exp %slice3A_1438 : vector<256x512xf32>
    %convert_element_type3A_1440 = arith.truncf %exp3A_1439 : vector<256x512xf32> to vector<256x512xbf16>
    %slice3A_1441 = vector.extract_strided_slice %concatenate3A_1376 {offsets = [0, 0], sizes = [512, 65], strides = [1, 1]} : vector<1024x65xbf16> to vector<512x65xbf16>
    %dot_general3A_1442 = arith.constant dense<0.000000e+00> : vector<256x65xf32>
    %dot_general3A_1443 = tpu.matmul %convert_element_type3A_1440, %slice3A_1441, %dot_general3A_1442 {dimension_numbers = #tpu.dot_dimension_numbers<[1], [0], [0], [1], [0, 0, 1, 1], [], []>, transpose_lhs_hint = false} : vector<256x512xbf16>, vector<512x65xbf16>, vector<256x65xf32> -> vector<256x65xf32>
    %add3A_1444 = arith.addf %dot_general3A_1437, %dot_general3A_1443 : vector<256x65xf32>
    %slice3A_1445 = vector.extract_strided_slice %add3A_1444 {offsets = [0, 0], sizes = [256, 64], strides = [1, 1]} : vector<256x65xf32> to vector<256x64xf32>
    %slice3A_1446 = vector.extract_strided_slice %add3A_1444 {offsets = [0, 64], sizes = [256, 1], strides = [1, 1]} : vector<256x65xf32> to vector<256x1xf32>
    %div3A_1447 = arith.constant 1.000000e+00 : f32
    %div3A_1448 = vector.broadcast %div3A_1447 : f32 to vector<256x1xf32>
    %div3A_1449 = arith.divf %div3A_1448, %slice3A_1446 : vector<256x1xf32>
    %mul3A_1450 = vector.broadcast %div3A_1449 : vector<256x1xf32> to vector<256x64xf32>
    %mul3A_1451 = arith.mulf %slice3A_1445, %mul3A_1450 : vector<256x64xf32>
    %convert_element_type3A_1452 = arith.truncf %mul3A_1451 : vector<256x64xf32> to vector<256x64xbf16>
    %swap3A_1453 = arith.constant 512 : index
    %swap3A_1454 = arith.constant 640 : index
    %swap3A_1455 = vector.load %arg8[%swap3A_1453, %swap3A_1454] : memref<1024x768xbf16, #tpu.memory_space<vmem>>, vector<256x64xbf16>
    tpu.vector_store %arg8[%swap3A_1453, %swap3A_1454], %convert_element_type3A_1452 {strides = array<i32>} : memref<1024x768xbf16, #tpu.memory_space<vmem>>, vector<256x64xbf16>,
    %slice3A_1456 = vector.extract_strided_slice %convert_element_type3A_1366 {offsets = [768, 0], sizes = [256, 64], strides = [1, 1]} : vector<1024x64xbf16> to vector<256x64xbf16>
    %dot_general3A_1457 = arith.constant dense<0.000000e+00> : vector<256x1024xf32>
    %dot_general3A_1458 = tpu.matmul %slice3A_1456, %convert_element_type3A_1374, %dot_general3A_1457 {dimension_numbers = #tpu.dot_dimension_numbers<[1], [1], [0], [0], [0, 0, 1, 0], [], []>, transpose_lhs_hint = false} : vector<256x64xbf16>, vector<1024x64xbf16>, vector<256x1024xf32> -> vector<256x1024xf32>
    %slice3A_1459 = vector.extract_strided_slice %dot_general3A_1458 {offsets = [0, 768], sizes = [256, 256], strides = [1, 1]} : vector<256x1024xf32> to vector<256x256xf32>
    %exp3A_1460 = math.exp %slice3A_1459 : vector<256x256xf32>
    %mul3A_1461 = arith.mulf %exp3A_1460, %convert_element_type3A_36 : vector<256x256xf32>
    %convert_element_type3A_1462 = arith.truncf %mul3A_1461 : vector<256x256xf32> to vector<256x256xbf16>
    %slice3A_1463 = vector.extract_strided_slice %concatenate3A_1376 {offsets = [768, 0], sizes = [256, 65], strides = [1, 1]} : vector<1024x65xbf16> to vector<256x65xbf16>
    %dot_general3A_1464 = arith.constant dense<0.000000e+00> : vector<256x65xf32>
    %dot_general3A_1465 = tpu.matmul %convert_element_type3A_1462, %slice3A_1463, %dot_general3A_1464 {dimension_numbers = #tpu.dot_dimension_numbers<[1], [0], [0], [1], [0, 0, 1, 1], [], []>, transpose_lhs_hint = false} : vector<256x256xbf16>, vector<256x65xbf16>, vector<256x65xf32> -> vector<256x65xf32>
    %slice3A_1466 = vector.extract_strided_slice %dot_general3A_1458 {offsets = [0, 0], sizes = [256, 768], strides = [1, 1]} : vector<256x1024xf32> to vector<256x768xf32>
    %exp3A_1467 = math.exp %slice3A_1466 : vector<256x768xf32>
    %convert_element_type3A_1468 = arith.truncf %exp3A_1467 : vector<256x768xf32> to vector<256x768xbf16>
    %slice3A_1469 = vector.extract_strided_slice %concatenate3A_1376 {offsets = [0, 0], sizes = [768, 65], strides = [1, 1]} : vector<1024x65xbf16> to vector<768x65xbf16>
    %dot_general3A_1470 = arith.constant dense<0.000000e+00> : vector<256x65xf32>
    %dot_general3A_1471 = tpu.matmul %convert_element_type3A_1468, %slice3A_1469, %dot_general3A_1470 {dimension_numbers = #tpu.dot_dimension_numbers<[1], [0], [0], [1], [0, 0, 1, 1], [], []>, transpose_lhs_hint = false} : vector<256x768xbf16>, vector<768x65xbf16>, vector<256x65xf32> -> vector<256x65xf32>
    %add3A_1472 = arith.addf %dot_general3A_1465, %dot_general3A_1471 : vector<256x65xf32>
    %slice3A_1473 = vector.extract_strided_slice %add3A_1472 {offsets = [0, 0], sizes = [256, 64], strides = [1, 1]} : vector<256x65xf32> to vector<256x64xf32>
    %slice3A_1474 = vector.extract_strided_slice %add3A_1472 {offsets = [0, 64], sizes = [256, 1], strides = [1, 1]} : vector<256x65xf32> to vector<256x1xf32>
    %div3A_1475 = arith.constant 1.000000e+00 : f32
    %div3A_1476 = vector.broadcast %div3A_1475 : f32 to vector<256x1xf32>
    %div3A_1477 = arith.divf %div3A_1476, %slice3A_1474 : vector<256x1xf32>
    %mul3A_1478 = vector.broadcast %div3A_1477 : vector<256x1xf32> to vector<256x64xf32>
    %mul3A_1479 = arith.mulf %slice3A_1473, %mul3A_1478 : vector<256x64xf32>
    %convert_element_type3A_1480 = arith.truncf %mul3A_1479 : vector<256x64xf32> to vector<256x64xbf16>
    %swap3A_1481 = arith.constant 768 : index
    %swap3A_1482 = arith.constant 640 : index
    %swap3A_1483 = vector.load %arg8[%swap3A_1481, %swap3A_1482] : memref<1024x768xbf16, #tpu.memory_space<vmem>>, vector<256x64xbf16>
    tpu.vector_store %arg8[%swap3A_1481, %swap3A_1482], %convert_element_type3A_1480 {strides = array<i32>} : memref<1024x768xbf16, #tpu.memory_space<vmem>>, vector<256x64xbf16>,
    %slice3A_1484 = vector.extract_strided_slice %dot_general3A_18 {offsets = [0, 704], sizes = [1024, 32], strides = [1, 1]} : vector<1024x768xf32> to vector<1024x32xf32>
    %slice3A_1485 = vector.extract_strided_slice %dot_general3A_18 {offsets = [0, 736], sizes = [1024, 32], strides = [1, 1]} : vector<1024x768xf32> to vector<1024x32xf32>
    %slice3A_1486 = vector.extract_strided_slice %dot_general3A_24 {offsets = [0, 704], sizes = [1024, 32], strides = [1, 1]} : vector<1024x768xf32> to vector<1024x32xf32>
    %slice3A_1487 = vector.extract_strided_slice %dot_general3A_24 {offsets = [0, 736], sizes = [1024, 32], strides = [1, 1]} : vector<1024x768xf32> to vector<1024x32xf32>
    %mul3A_1488 = arith.mulf %slice3A_1484, %cos3A : vector<1024x32xf32>
    %mul3A_1489 = arith.mulf %slice3A_1485, %sin3A : vector<1024x32xf32>
    %sub3A_1490 = arith.subf %mul3A_1488, %mul3A_1489 : vector<1024x32xf32>
    %mul3A_1491 = arith.mulf %slice3A_1485, %cos3A : vector<1024x32xf32>
    %mul3A_1492 = arith.mulf %slice3A_1484, %sin3A : vector<1024x32xf32>
    %add3A_1493 = arith.addf %mul3A_1491, %mul3A_1492 : vector<1024x32xf32>
    %concatenate3A_1494 = tpu.concatenate %sub3A_1490, %add3A_1493 in 1 : vector<1024x32xf32>, vector<1024x32xf32> -> vector<1024x64xf32>
    %mul3A_1495 = arith.constant 1.250000e-01 : f32
    %mul3A_1496 = vector.broadcast %mul3A_1495 : f32 to vector<1024x64xf32>
    %mul3A_1497 = arith.mulf %concatenate3A_1494, %mul3A_1496 : vector<1024x64xf32>
    %convert_element_type3A_1498 = arith.truncf %mul3A_1497 : vector<1024x64xf32> to vector<1024x64xbf16>
    %mul3A_1499 = arith.mulf %slice3A_1486, %cos3A : vector<1024x32xf32>
    %mul3A_1500 = arith.mulf %slice3A_1487, %sin3A : vector<1024x32xf32>
    %sub3A_1501 = arith.subf %mul3A_1499, %mul3A_1500 : vector<1024x32xf32>
    %mul3A_1502 = arith.mulf %slice3A_1487, %cos3A : vector<1024x32xf32>
    %mul3A_1503 = arith.mulf %slice3A_1486, %sin3A : vector<1024x32xf32>
    %add3A_1504 = arith.addf %mul3A_1502, %mul3A_1503 : vector<1024x32xf32>
    %concatenate3A_1505 = tpu.concatenate %sub3A_1501, %add3A_1504 in 1 : vector<1024x32xf32>, vector<1024x32xf32> -> vector<1024x64xf32>
    %convert_element_type3A_1506 = arith.truncf %concatenate3A_1505 : vector<1024x64xf32> to vector<1024x64xbf16>
    %slice3A_1507 = vector.extract_strided_slice %convert_element_type3A_31 {offsets = [0, 704], sizes = [1024, 64], strides = [1, 1]} : vector<1024x768xbf16> to vector<1024x64xbf16>
    %concatenate3A_1508 = tpu.concatenate %slice3A_1507, %broadcast_in_dim3A_33 in 1 : vector<1024x64xbf16>, vector<1024x1xbf16> -> vector<1024x65xbf16>
    %slice3A_1509 = vector.extract_strided_slice %convert_element_type3A_1498 {offsets = [0, 0], sizes = [256, 64], strides = [1, 1]} : vector<1024x64xbf16> to vector<256x64xbf16>
    %slice3A_1510 = vector.extract_strided_slice %convert_element_type3A_1506 {offsets = [0, 0], sizes = [256, 64], strides = [1, 1]} : vector<1024x64xbf16> to vector<256x64xbf16>
    %dot_general3A_1511 = arith.constant dense<0.000000e+00> : vector<256x256xf32>
    %dot_general3A_1512 = tpu.matmul %slice3A_1509, %slice3A_1510, %dot_general3A_1511 {dimension_numbers = #tpu.dot_dimension_numbers<[1], [1], [0], [0], [0, 0, 1, 0], [], []>, transpose_lhs_hint = false} : vector<256x64xbf16>, vector<256x64xbf16>, vector<256x256xf32> -> vector<256x256xf32>
    %exp3A_1513 = math.exp %dot_general3A_1512 : vector<256x256xf32>
    %mul3A_1514 = arith.mulf %exp3A_1513, %convert_element_type3A_36 : vector<256x256xf32>
    %convert_element_type3A_1515 = arith.truncf %mul3A_1514 : vector<256x256xf32> to vector<256x256xbf16>
    %slice3A_1516 = vector.extract_strided_slice %concatenate3A_1508 {offsets = [0, 0], sizes = [256, 65], strides = [1, 1]} : vector<1024x65xbf16> to vector<256x65xbf16>
    %dot_general3A_1517 = arith.constant dense<0.000000e+00> : vector<256x65xf32>
    %dot_general3A_1518 = tpu.matmul %convert_element_type3A_1515, %slice3A_1516, %dot_general3A_1517 {dimension_numbers = #tpu.dot_dimension_numbers<[1], [0], [0], [1], [0, 0, 1, 1], [], []>, transpose_lhs_hint = false} : vector<256x256xbf16>, vector<256x65xbf16>, vector<256x65xf32> -> vector<256x65xf32>
    %slice3A_1519 = vector.extract_strided_slice %dot_general3A_1518 {offsets = [0, 0], sizes = [256, 64], strides = [1, 1]} : vector<256x65xf32> to vector<256x64xf32>
    %slice3A_1520 = vector.extract_strided_slice %dot_general3A_1518 {offsets = [0, 64], sizes = [256, 1], strides = [1, 1]} : vector<256x65xf32> to vector<256x1xf32>
    %div3A_1521 = arith.constant 1.000000e+00 : f32
    %div3A_1522 = vector.broadcast %div3A_1521 : f32 to vector<256x1xf32>
    %div3A_1523 = arith.divf %div3A_1522, %slice3A_1520 : vector<256x1xf32>
    %mul3A_1524 = vector.broadcast %div3A_1523 : vector<256x1xf32> to vector<256x64xf32>
    %mul3A_1525 = arith.mulf %slice3A_1519, %mul3A_1524 : vector<256x64xf32>
    %convert_element_type3A_1526 = arith.truncf %mul3A_1525 : vector<256x64xf32> to vector<256x64xbf16>
    %swap3A_1527 = arith.constant 0 : index
    %swap3A_1528 = arith.constant 704 : index
    %swap3A_1529 = vector.load %arg8[%swap3A_1527, %swap3A_1528] : memref<1024x768xbf16, #tpu.memory_space<vmem>>, vector<256x64xbf16>
    tpu.vector_store %arg8[%swap3A_1527, %swap3A_1528], %convert_element_type3A_1526 {strides = array<i32>} : memref<1024x768xbf16, #tpu.memory_space<vmem>>, vector<256x64xbf16>,
    %slice3A_1530 = vector.extract_strided_slice %convert_element_type3A_1498 {offsets = [256, 0], sizes = [256, 64], strides = [1, 1]} : vector<1024x64xbf16> to vector<256x64xbf16>
    %slice3A_1531 = vector.extract_strided_slice %convert_element_type3A_1506 {offsets = [0, 0], sizes = [512, 64], strides = [1, 1]} : vector<1024x64xbf16> to vector<512x64xbf16>
    %dot_general3A_1532 = arith.constant dense<0.000000e+00> : vector<256x512xf32>
    %dot_general3A_1533 = tpu.matmul %slice3A_1530, %slice3A_1531, %dot_general3A_1532 {dimension_numbers = #tpu.dot_dimension_numbers<[1], [1], [0], [0], [0, 0, 1, 0], [], []>, transpose_lhs_hint = false} : vector<256x64xbf16>, vector<512x64xbf16>, vector<256x512xf32> -> vector<256x512xf32>
    %slice3A_1534 = vector.extract_strided_slice %dot_general3A_1533 {offsets = [0, 256], sizes = [256, 256], strides = [1, 1]} : vector<256x512xf32> to vector<256x256xf32>
    %exp3A_1535 = math.exp %slice3A_1534 : vector<256x256xf32>
    %mul3A_1536 = arith.mulf %exp3A_1535, %convert_element_type3A_36 : vector<256x256xf32>
    %convert_element_type3A_1537 = arith.truncf %mul3A_1536 : vector<256x256xf32> to vector<256x256xbf16>
    %slice3A_1538 = vector.extract_strided_slice %concatenate3A_1508 {offsets = [256, 0], sizes = [256, 65], strides = [1, 1]} : vector<1024x65xbf16> to vector<256x65xbf16>
    %dot_general3A_1539 = arith.constant dense<0.000000e+00> : vector<256x65xf32>
    %dot_general3A_1540 = tpu.matmul %convert_element_type3A_1537, %slice3A_1538, %dot_general3A_1539 {dimension_numbers = #tpu.dot_dimension_numbers<[1], [0], [0], [1], [0, 0, 1, 1], [], []>, transpose_lhs_hint = false} : vector<256x256xbf16>, vector<256x65xbf16>, vector<256x65xf32> -> vector<256x65xf32>
    %slice3A_1541 = vector.extract_strided_slice %dot_general3A_1533 {offsets = [0, 0], sizes = [256, 256], strides = [1, 1]} : vector<256x512xf32> to vector<256x256xf32>
    %exp3A_1542 = math.exp %slice3A_1541 : vector<256x256xf32>
    %convert_element_type3A_1543 = arith.truncf %exp3A_1542 : vector<256x256xf32> to vector<256x256xbf16>
    %slice3A_1544 = vector.extract_strided_slice %concatenate3A_1508 {offsets = [0, 0], sizes = [256, 65], strides = [1, 1]} : vector<1024x65xbf16> to vector<256x65xbf16>
    %dot_general3A_1545 = arith.constant dense<0.000000e+00> : vector<256x65xf32>
    %dot_general3A_1546 = tpu.matmul %convert_element_type3A_1543, %slice3A_1544, %dot_general3A_1545 {dimension_numbers = #tpu.dot_dimension_numbers<[1], [0], [0], [1], [0, 0, 1, 1], [], []>, transpose_lhs_hint = false} : vector<256x256xbf16>, vector<256x65xbf16>, vector<256x65xf32> -> vector<256x65xf32>
    %add3A_1547 = arith.addf %dot_general3A_1540, %dot_general3A_1546 : vector<256x65xf32>
    %slice3A_1548 = vector.extract_strided_slice %add3A_1547 {offsets = [0, 0], sizes = [256, 64], strides = [1, 1]} : vector<256x65xf32> to vector<256x64xf32>
    %slice3A_1549 = vector.extract_strided_slice %add3A_1547 {offsets = [0, 64], sizes = [256, 1], strides = [1, 1]} : vector<256x65xf32> to vector<256x1xf32>
    %div3A_1550 = arith.constant 1.000000e+00 : f32
    %div3A_1551 = vector.broadcast %div3A_1550 : f32 to vector<256x1xf32>
    %div3A_1552 = arith.divf %div3A_1551, %slice3A_1549 : vector<256x1xf32>
    %mul3A_1553 = vector.broadcast %div3A_1552 : vector<256x1xf32> to vector<256x64xf32>
    %mul3A_1554 = arith.mulf %slice3A_1548, %mul3A_1553 : vector<256x64xf32>
    %convert_element_type3A_1555 = arith.truncf %mul3A_1554 : vector<256x64xf32> to vector<256x64xbf16>
    %swap3A_1556 = arith.constant 256 : index
    %swap3A_1557 = arith.constant 704 : index
    %swap3A_1558 = vector.load %arg8[%swap3A_1556, %swap3A_1557] : memref<1024x768xbf16, #tpu.memory_space<vmem>>, vector<256x64xbf16>
    tpu.vector_store %arg8[%swap3A_1556, %swap3A_1557], %convert_element_type3A_1555 {strides = array<i32>} : memref<1024x768xbf16, #tpu.memory_space<vmem>>, vector<256x64xbf16>,
    %slice3A_1559 = vector.extract_strided_slice %convert_element_type3A_1498 {offsets = [512, 0], sizes = [256, 64], strides = [1, 1]} : vector<1024x64xbf16> to vector<256x64xbf16>
    %slice3A_1560 = vector.extract_strided_slice %convert_element_type3A_1506 {offsets = [0, 0], sizes = [768, 64], strides = [1, 1]} : vector<1024x64xbf16> to vector<768x64xbf16>
    %dot_general3A_1561 = arith.constant dense<0.000000e+00> : vector<256x768xf32>
    %dot_general3A_1562 = tpu.matmul %slice3A_1559, %slice3A_1560, %dot_general3A_1561 {dimension_numbers = #tpu.dot_dimension_numbers<[1], [1], [0], [0], [0, 0, 1, 0], [], []>, transpose_lhs_hint = false} : vector<256x64xbf16>, vector<768x64xbf16>, vector<256x768xf32> -> vector<256x768xf32>
    %slice3A_1563 = vector.extract_strided_slice %dot_general3A_1562 {offsets = [0, 512], sizes = [256, 256], strides = [1, 1]} : vector<256x768xf32> to vector<256x256xf32>
    %exp3A_1564 = math.exp %slice3A_1563 : vector<256x256xf32>
    %mul3A_1565 = arith.mulf %exp3A_1564, %convert_element_type3A_36 : vector<256x256xf32>
    %convert_element_type3A_1566 = arith.truncf %mul3A_1565 : vector<256x256xf32> to vector<256x256xbf16>
    %slice3A_1567 = vector.extract_strided_slice %concatenate3A_1508 {offsets = [512, 0], sizes = [256, 65], strides = [1, 1]} : vector<1024x65xbf16> to vector<256x65xbf16>
    %dot_general3A_1568 = arith.constant dense<0.000000e+00> : vector<256x65xf32>
    %dot_general3A_1569 = tpu.matmul %convert_element_type3A_1566, %slice3A_1567, %dot_general3A_1568 {dimension_numbers = #tpu.dot_dimension_numbers<[1], [0], [0], [1], [0, 0, 1, 1], [], []>, transpose_lhs_hint = false} : vector<256x256xbf16>, vector<256x65xbf16>, vector<256x65xf32> -> vector<256x65xf32>
    %slice3A_1570 = vector.extract_strided_slice %dot_general3A_1562 {offsets = [0, 0], sizes = [256, 512], strides = [1, 1]} : vector<256x768xf32> to vector<256x512xf32>
    %exp3A_1571 = math.exp %slice3A_1570 : vector<256x512xf32>
    %convert_element_type3A_1572 = arith.truncf %exp3A_1571 : vector<256x512xf32> to vector<256x512xbf16>
    %slice3A_1573 = vector.extract_strided_slice %concatenate3A_1508 {offsets = [0, 0], sizes = [512, 65], strides = [1, 1]} : vector<1024x65xbf16> to vector<512x65xbf16>
    %dot_general3A_1574 = arith.constant dense<0.000000e+00> : vector<256x65xf32>
    %dot_general3A_1575 = tpu.matmul %convert_element_type3A_1572, %slice3A_1573, %dot_general3A_1574 {dimension_numbers = #tpu.dot_dimension_numbers<[1], [0], [0], [1], [0, 0, 1, 1], [], []>, transpose_lhs_hint = false} : vector<256x512xbf16>, vector<512x65xbf16>, vector<256x65xf32> -> vector<256x65xf32>
    %add3A_1576 = arith.addf %dot_general3A_1569, %dot_general3A_1575 : vector<256x65xf32>
    %slice3A_1577 = vector.extract_strided_slice %add3A_1576 {offsets = [0, 0], sizes = [256, 64], strides = [1, 1]} : vector<256x65xf32> to vector<256x64xf32>
    %slice3A_1578 = vector.extract_strided_slice %add3A_1576 {offsets = [0, 64], sizes = [256, 1], strides = [1, 1]} : vector<256x65xf32> to vector<256x1xf32>
    %div3A_1579 = arith.constant 1.000000e+00 : f32
    %div3A_1580 = vector.broadcast %div3A_1579 : f32 to vector<256x1xf32>
    %div3A_1581 = arith.divf %div3A_1580, %slice3A_1578 : vector<256x1xf32>
    %mul3A_1582 = vector.broadcast %div3A_1581 : vector<256x1xf32> to vector<256x64xf32>
    %mul3A_1583 = arith.mulf %slice3A_1577, %mul3A_1582 : vector<256x64xf32>
    %convert_element_type3A_1584 = arith.truncf %mul3A_1583 : vector<256x64xf32> to vector<256x64xbf16>
    %swap3A_1585 = arith.constant 512 : index
    %swap3A_1586 = arith.constant 704 : index
    %swap3A_1587 = vector.load %arg8[%swap3A_1585, %swap3A_1586] : memref<1024x768xbf16, #tpu.memory_space<vmem>>, vector<256x64xbf16>
    tpu.vector_store %arg8[%swap3A_1585, %swap3A_1586], %convert_element_type3A_1584 {strides = array<i32>} : memref<1024x768xbf16, #tpu.memory_space<vmem>>, vector<256x64xbf16>,
    %slice3A_1588 = vector.extract_strided_slice %convert_element_type3A_1498 {offsets = [768, 0], sizes = [256, 64], strides = [1, 1]} : vector<1024x64xbf16> to vector<256x64xbf16>
    %dot_general3A_1589 = arith.constant dense<0.000000e+00> : vector<256x1024xf32>
    %dot_general3A_1590 = tpu.matmul %slice3A_1588, %convert_element_type3A_1506, %dot_general3A_1589 {dimension_numbers = #tpu.dot_dimension_numbers<[1], [1], [0], [0], [0, 0, 1, 0], [], []>, transpose_lhs_hint = false} : vector<256x64xbf16>, vector<1024x64xbf16>, vector<256x1024xf32> -> vector<256x1024xf32>
    %slice3A_1591 = vector.extract_strided_slice %dot_general3A_1590 {offsets = [0, 768], sizes = [256, 256], strides = [1, 1]} : vector<256x1024xf32> to vector<256x256xf32>
    %exp3A_1592 = math.exp %slice3A_1591 : vector<256x256xf32>
    %mul3A_1593 = arith.mulf %exp3A_1592, %convert_element_type3A_36 : vector<256x256xf32>
    %convert_element_type3A_1594 = arith.truncf %mul3A_1593 : vector<256x256xf32> to vector<256x256xbf16>
    %slice3A_1595 = vector.extract_strided_slice %concatenate3A_1508 {offsets = [768, 0], sizes = [256, 65], strides = [1, 1]} : vector<1024x65xbf16> to vector<256x65xbf16>
    %dot_general3A_1596 = arith.constant dense<0.000000e+00> : vector<256x65xf32>
    %dot_general3A_1597 = tpu.matmul %convert_element_type3A_1594, %slice3A_1595, %dot_general3A_1596 {dimension_numbers = #tpu.dot_dimension_numbers<[1], [0], [0], [1], [0, 0, 1, 1], [], []>, transpose_lhs_hint = false} : vector<256x256xbf16>, vector<256x65xbf16>, vector<256x65xf32> -> vector<256x65xf32>
    %slice3A_1598 = vector.extract_strided_slice %dot_general3A_1590 {offsets = [0, 0], sizes = [256, 768], strides = [1, 1]} : vector<256x1024xf32> to vector<256x768xf32>
    %exp3A_1599 = math.exp %slice3A_1598 : vector<256x768xf32>
    %convert_element_type3A_1600 = arith.truncf %exp3A_1599 : vector<256x768xf32> to vector<256x768xbf16>
    %slice3A_1601 = vector.extract_strided_slice %concatenate3A_1508 {offsets = [0, 0], sizes = [768, 65], strides = [1, 1]} : vector<1024x65xbf16> to vector<768x65xbf16>
    %dot_general3A_1602 = arith.constant dense<0.000000e+00> : vector<256x65xf32>
    %dot_general3A_1603 = tpu.matmul %convert_element_type3A_1600, %slice3A_1601, %dot_general3A_1602 {dimension_numbers = #tpu.dot_dimension_numbers<[1], [0], [0], [1], [0, 0, 1, 1], [], []>, transpose_lhs_hint = false} : vector<256x768xbf16>, vector<768x65xbf16>, vector<256x65xf32> -> vector<256x65xf32>
    %add3A_1604 = arith.addf %dot_general3A_1597, %dot_general3A_1603 : vector<256x65xf32>
    %slice3A_1605 = vector.extract_strided_slice %add3A_1604 {offsets = [0, 0], sizes = [256, 64], strides = [1, 1]} : vector<256x65xf32> to vector<256x64xf32>
    %slice3A_1606 = vector.extract_strided_slice %add3A_1604 {offsets = [0, 64], sizes = [256, 1], strides = [1, 1]} : vector<256x65xf32> to vector<256x1xf32>
    %div3A_1607 = arith.constant 1.000000e+00 : f32
    %div3A_1608 = vector.broadcast %div3A_1607 : f32 to vector<256x1xf32>
    %div3A_1609 = arith.divf %div3A_1608, %slice3A_1606 : vector<256x1xf32>
    %mul3A_1610 = vector.broadcast %div3A_1609 : vector<256x1xf32> to vector<256x64xf32>
    %mul3A_1611 = arith.mulf %slice3A_1605, %mul3A_1610 : vector<256x64xf32>
    %convert_element_type3A_1612 = arith.truncf %mul3A_1611 : vector<256x64xf32> to vector<256x64xbf16>
    %swap3A_1613 = arith.constant 768 : index
    %swap3A_1614 = arith.constant 704 : index
    %swap3A_1615 = vector.load %arg8[%swap3A_1613, %swap3A_1614] : memref<1024x768xbf16, #tpu.memory_space<vmem>>, vector<256x64xbf16>
    tpu.vector_store %arg8[%swap3A_1613, %swap3A_1614], %convert_element_type3A_1612 {strides = array<i32>} : memref<1024x768xbf16, #tpu.memory_space<vmem>>, vector<256x64xbf16>,
    %get3A_1616 = arith.constant 0 : index
    %get3A_1617 = arith.constant 0 : index
    %get3A_1618 = vector.load %arg8[%get3A_1616, %get3A_1617] : memref<1024x768xbf16, #tpu.memory_space<vmem>>, vector<1024x768xbf16>
    %get3A_1619 = arith.constant 0 : index
    %get3A_1620 = arith.constant 0 : index
    %get3A_1621 = vector.load %arg6[%get3A_1619, %get3A_1620] : memref<768x768xf32, #tpu.memory_space<vmem>>, vector<768x768xf32>
    %convert_element_type3A_1622 = arith.truncf %get3A_1621 : vector<768x768xf32> to vector<768x768xbf16>
    %dot_general3A_1623 = arith.constant dense<0.000000e+00> : vector<1024x768xf32>
    %dot_general3A_1624 = tpu.matmul %get3A_1618, %convert_element_type3A_1622, %dot_general3A_1623 {dimension_numbers = #tpu.dot_dimension_numbers<[1], [0], [0], [1], [0, 0, 1, 1], [], []>, transpose_lhs_hint = false} : vector<1024x768xbf16>, vector<768x768xbf16>, vector<1024x768xf32> -> vector<1024x768xf32>
    %add3A_1625 = arith.addf %get3A_3, %dot_general3A_1624 : vector<1024x768xf32>
    %swap3A_1626 = arith.constant 0 : index
    %swap3A_1627 = arith.constant 0 : index
    %swap3A_1628 = arith.constant 0 : index
    %swap3A_1629 = vector.load %arg7[%swap3A_1626, %swap3A_1627, %swap3A_1628] : memref<1x1024x768xf32, #tpu.memory_space<vmem>>, vector<1x1024x768xf32>
    %swap3A_1630 = vector.shape_cast %swap3A_1629 : vector<1x1024x768xf32> to vector<1024x768xf32>
    %swap3A_1631 = vector.shape_cast %add3A_1625 : vector<1024x768xf32> to vector<1x1024x768xf32>
    tpu.vector_store %arg7[%swap3A_1626, %swap3A_1627, %swap3A_1628], %swap3A_1631 {strides = array<i32>} : memref<1x1024x768xf32, #tpu.memory_space<vmem>>, vector<1x1024x768xf32>,
    return
  }
  func.func @transform_0(%arg0: i32) -> (i32, i32, i32) {
    %c0_i32 = arith.constant 0 : i32
    %c0_i32_0 = arith.constant 0 : i32
    %c0_i32_1 = arith.constant 0 : i32
    return %arg0, %c0_i32, %c0_i32_0 : i32, i32, i32
  }
  func.func @transform_1(%arg0: i32) -> (i32, i32) {
    %c0_i32 = arith.constant 0 : i32
    %c0_i32_0 = arith.constant 0 : i32
    %c0_i32_1 = arith.constant 0 : i32
    return %c0_i32, %c0_i32_0 : i32, i32
  }
  func.func @transform_2(%arg0: i32) -> (i32, i32) {
    %c0_i32 = arith.constant 0 : i32
    %c0_i32_0 = arith.constant 0 : i32
    %c0_i32_1 = arith.constant 0 : i32
    return %c0_i32, %c0_i32_0 : i32, i32
  }
  func.func @transform_3(%arg0: i32) -> (i32, i32) {
    %c0_i32 = arith.constant 0 : i32
    %c0_i32_0 = arith.constant 0 : i32
    %c0_i32_1 = arith.constant 0 : i32
    return %c0_i32, %c0_i32_0 : i32, i32
  }
  func.func @transform_4(%arg0: i32) -> (i32, i32) {
    %c0_i32 = arith.constant 0 : i32
    %c0_i32_0 = arith.constant 0 : i32
    %c0_i32_1 = arith.constant 0 : i32
    return %c0_i32, %c0_i32_0 : i32, i32
  }
  func.func @transform_5(%arg0: i32) -> (i32, i32) {
    %c0_i32 = arith.constant 0 : i32
    %c0_i32_0 = arith.constant 0 : i32
    %c0_i32_1 = arith.constant 0 : i32
    return %c0_i32, %c0_i32_0 : i32, i32
  }
  func.func @transform_6(%arg0: i32) -> (i32, i32, i32) {
    %c0_i32 = arith.constant 0 : i32
    %c0_i32_0 = arith.constant 0 : i32
    %c0_i32_1 = arith.constant 0 : i32
    return %arg0, %c0_i32, %c0_i32_0 : i32, i32, i32
  }
}

module attributes {stable_mosaic.version = 14 : i64} {
  func.func @_mlp_body(%arg0: i32, %arg1: i32, %arg2: memref<1x256x768xf32, #tpu.memory_space<vmem>>, %arg3: memref<768x3072xf32, #tpu.memory_space<vmem>>, %arg4: memref<3072x768xf32, #tpu.memory_space<vmem>>, %arg5: memref<1x256x768xf32, #tpu.memory_space<vmem>>) attributes {dimension_semantics = [#tpu.dimension_semantics<arbitrary>, #tpu.dimension_semantics<arbitrary>], iteration_bounds = array<i64: 4, 4>, scalar_prefetch = 0 : i64, scratch_operands = 0 : i64, tpu.core_type = #tpu.core_type<tc>, window_params = [{transform_indices = @transform_0, window_bounds = array<i64: 1, 256, 768>}, {pipeline_mode = #tpu.pipeline_mode<synchronous>, transform_indices = @transform_1, window_bounds = array<i64: 768, 3072>}, {pipeline_mode = #tpu.pipeline_mode<synchronous>, transform_indices = @transform_2, window_bounds = array<i64: 3072, 768>}, {transform_indices = @transform_3, window_bounds = array<i64: 1, 256, 768>}]} {
    %get3A = arith.constant 0 : index
    %get3A_0 = arith.constant 0 : index
    %get3A_1 = arith.constant 0 : index
    %get3A_2 = vector.load %arg2[%get3A, %get3A_0, %get3A_1] : memref<1x256x768xf32, #tpu.memory_space<vmem>>, vector<1x256x768xf32>
    %get3A_3 = vector.shape_cast %get3A_2 : vector<1x256x768xf32> to vector<256x768xf32>
    %mul3A = arith.mulf %get3A_3, %get3A_3 : vector<256x768xf32>
    %reduce_sum3A = arith.constant dense<0.000000e+00> : vector<256xf32>
    %reduce_sum3A_4 = vector.multi_reduction <add>, %mul3A, %reduce_sum3A [1] : vector<256x768xf32> to vector<256xf32>
    %broadcast_in_dim3A = vector.shape_cast %reduce_sum3A_4 : vector<256xf32> to vector<256x1xf32>
    %div3A = arith.constant 7.680000e+02 : f32
    %div3A_5 = vector.broadcast %div3A : f32 to vector<256x1xf32>
    %div3A_6 = arith.divf %broadcast_in_dim3A, %div3A_5 : vector<256x1xf32>
    %add3A = arith.constant 9.99999997E-7 : f32
    %add3A_7 = vector.broadcast %add3A : f32 to vector<256x1xf32>
    %add3A_8 = arith.addf %div3A_6, %add3A_7 : vector<256x1xf32>
    %rsqrt3A = math.rsqrt %add3A_8 : vector<256x1xf32>
    %mul3A_9 = vector.broadcast %rsqrt3A : vector<256x1xf32> to vector<256x768xf32>
    %mul3A_10 = arith.mulf %get3A_3, %mul3A_9 : vector<256x768xf32>
    %convert_element_type3A = arith.truncf %mul3A_10 : vector<256x768xf32> to vector<256x768xbf16>
    %get3A_11 = arith.constant 0 : index
    %get3A_12 = arith.constant 0 : index
    %get3A_13 = vector.load %arg3[%get3A_11, %get3A_12] : memref<768x3072xf32, #tpu.memory_space<vmem>>, vector<768x3072xf32>
    %convert_element_type3A_14 = arith.truncf %get3A_13 : vector<768x3072xf32> to vector<768x3072xbf16>
    %dot_general3A = arith.constant dense<0.000000e+00> : vector<256x3072xf32>
    %dot_general3A_15 = tpu.matmul %convert_element_type3A, %convert_element_type3A_14, %dot_general3A {dimension_numbers = #tpu.dot_dimension_numbers<[1], [0], [0], [1], [0, 0, 1, 1], [], []>, transpose_lhs_hint = false} : vector<256x768xbf16>, vector<768x3072xbf16>, vector<256x3072xf32> -> vector<256x3072xf32>
    %integer_pow3A = arith.mulf %dot_general3A_15, %dot_general3A_15 : vector<256x3072xf32>
    %integer_pow3A_16 = arith.mulf %dot_general3A_15, %integer_pow3A : vector<256x3072xf32>
    %mul3A_17 = arith.constant 4.471500e-02 : f32
    %mul3A_18 = vector.broadcast %mul3A_17 : f32 to vector<256x3072xf32>
    %mul3A_19 = arith.mulf %mul3A_18, %integer_pow3A_16 : vector<256x3072xf32>
    %add3A_20 = arith.addf %dot_general3A_15, %mul3A_19 : vector<256x3072xf32>
    %mul3A_21 = arith.constant 0.797884583 : f32
    %mul3A_22 = vector.broadcast %mul3A_21 : f32 to vector<256x3072xf32>
    %mul3A_23 = arith.mulf %mul3A_22, %add3A_20 : vector<256x3072xf32>
    %tanh3A = math.tanh %mul3A_23 : vector<256x3072xf32>
    %add3A_24 = arith.constant 1.000000e+00 : f32
    %add3A_25 = vector.broadcast %add3A_24 : f32 to vector<256x3072xf32>
    %add3A_26 = arith.addf %add3A_25, %tanh3A : vector<256x3072xf32>
    %mul3A_27 = arith.constant 5.000000e-01 : f32
    %mul3A_28 = vector.broadcast %mul3A_27 : f32 to vector<256x3072xf32>
    %mul3A_29 = arith.mulf %mul3A_28, %add3A_26 : vector<256x3072xf32>
    %mul3A_30 = arith.mulf %dot_general3A_15, %mul3A_29 : vector<256x3072xf32>
    %convert_element_type3A_31 = arith.truncf %mul3A_30 : vector<256x3072xf32> to vector<256x3072xbf16>
    %get3A_32 = arith.constant 0 : index
    %get3A_33 = arith.constant 0 : index
    %get3A_34 = vector.load %arg4[%get3A_32, %get3A_33] : memref<3072x768xf32, #tpu.memory_space<vmem>>, vector<3072x768xf32>
    %convert_element_type3A_35 = arith.truncf %get3A_34 : vector<3072x768xf32> to vector<3072x768xbf16>
    %dot_general3A_36 = arith.constant dense<0.000000e+00> : vector<256x768xf32>
    %dot_general3A_37 = tpu.matmul %convert_element_type3A_31, %convert_element_type3A_35, %dot_general3A_36 {dimension_numbers = #tpu.dot_dimension_numbers<[1], [0], [0], [1], [0, 0, 1, 1], [], []>, transpose_lhs_hint = false} : vector<256x3072xbf16>, vector<3072x768xbf16>, vector<256x768xf32> -> vector<256x768xf32>
    %add3A_38 = arith.addf %get3A_3, %dot_general3A_37 : vector<256x768xf32>
    %swap3A = arith.constant 0 : index
    %swap3A_39 = arith.constant 0 : index
    %swap3A_40 = arith.constant 0 : index
    %swap3A_41 = vector.load %arg5[%swap3A, %swap3A_39, %swap3A_40] : memref<1x256x768xf32, #tpu.memory_space<vmem>>, vector<1x256x768xf32>
    %swap3A_42 = vector.shape_cast %swap3A_41 : vector<1x256x768xf32> to vector<256x768xf32>
    %swap3A_43 = vector.shape_cast %add3A_38 : vector<256x768xf32> to vector<1x256x768xf32>
    tpu.vector_store %arg5[%swap3A, %swap3A_39, %swap3A_40], %swap3A_43 {strides = array<i32>} : memref<1x256x768xf32, #tpu.memory_space<vmem>>, vector<1x256x768xf32>,
    return
  }
  func.func @transform_0(%arg0: i32, %arg1: i32) -> (i32, i32, i32) {
    %c0_i32 = arith.constant 0 : i32
    %c0_i32_0 = arith.constant 0 : i32
    return %arg0, %arg1, %c0_i32 : i32, i32, i32
  }
  func.func @transform_1(%arg0: i32, %arg1: i32) -> (i32, i32) {
    %c0_i32 = arith.constant 0 : i32
    %c0_i32_0 = arith.constant 0 : i32
    %c0_i32_1 = arith.constant 0 : i32
    return %c0_i32, %c0_i32_0 : i32, i32
  }
  func.func @transform_2(%arg0: i32, %arg1: i32) -> (i32, i32) {
    %c0_i32 = arith.constant 0 : i32
    %c0_i32_0 = arith.constant 0 : i32
    %c0_i32_1 = arith.constant 0 : i32
    return %c0_i32, %c0_i32_0 : i32, i32
  }
  func.func @transform_3(%arg0: i32, %arg1: i32) -> (i32, i32, i32) {
    %c0_i32 = arith.constant 0 : i32
    %c0_i32_0 = arith.constant 0 : i32
    return %arg0, %arg1, %c0_i32 : i32, i32, i32
  }
}

</mosaic_0001>

<sc_bundles>
// kernel: kernel.10.cloned.1.call-start
scs
__scs_entry_jumppad:
0x0: {  	(pc) =	sbr.rel $0x88, $3  }
0x1: {  	(tag) =	ssettag $0x0;
	lr =	simm.s32 $0x1  }
0x2: {  	[smem:$0x3F98] =	sst lr;
	_ =	strace $0xD0000000  }
0x3: {  	_ = 	snop  }
0x4: {  	_ = 	snop  }
0x5: {  	_ = 	snop  }
0x6: {  	_ = 	snop  }
0x7: {  	_ = 	snop  }
__scs_overlays_trampoline_lowered:
0x8: {  	[smem:$0x3FA7] =	sst s0  }
0x9: {  	[smem:$0x3FA8] =	sst s1  }
0xa: {  	[smem:$0x3FA9] =	sst s2  }
0xb: {  	[smem:$0x3FAA] =	sst s3  }
0xc: {  	[smem:$0x3FAB] =	sst s4  }
0xd: {  	[smem:$0x3FAC] =	sst s5  }
0xe: {  	[smem:$0x3FAD] =	sst s6  }
0xf: {  	[smem:$0x3FAE] =	sst s7  }
0x10: {  	[smem:$0x3FAF] =	sst s8  }
0x11: {  	[smem:$0x3FB0] =	sst s9;
	s0 =	simm.s32 @!p0 $0x0  }
0x12: {  	s1 =	sld [smem:$0x3F96];
	s0 =	simm.s32 @p0 $0x1  }
0x13: {  	[smem:$0x3FB1] =	sst s0;
	s0 =	simm.s32 @!p1 $0x0  }
0x14: {  	s2 =	sld [smem:$0x3F95];
	s0 =	simm.s32 @p1 $0x1  }
0x15: {  	[smem:$0x3FB2] =	sst s0;
	s0 =	simm.s32 @!p2 $0x0  }
0x16: {  	s3 =	sld [smem:$0x3FDB];
	s0 =	simm.s32 @p2 $0x1  }
0x17: {  	s4 =	simm.s32 $0x1BF5;
	[smem:$0x3FB4] =	sst s0  }
0x18: {  	s0 =	sld [smem:$0x3F97];
	_ =	swait.ge [sflag:s4], $0x0  }
0x19: {  	s7 =	sld [smem:$0x3F98]  }
0x1a: {  	s8 =	sadd.s32 $0xFFFFE003, lr  }
0x1b: {  	s9 =	sadd.s32 $0xFFFFFEF7, lr;
	s5 =	simm.s32 $0xFFFFFFFF;
	p2 =	slt.u32 s8, $0xFFFFF086  }
0x1c: {  	p1 =	slt.u32 s9, $0xF7A;
	s5 =	simm.s32 @!p2 $0x0  }
0x1d: {  	s5 =	simm.s32 @p1 $0x1;
	p0 =	seq.s32 s7, s2  }
0x1e: {  	s7 =	smul.u32 @!p0 $0xF7A, s2;
	p2 =	seq.s32 @!p0 s5, $0x0  }
0x1f: {  	s9 =	smul.u32 $0xF7A, s1;
	s8 =	simm.s32 @!p0 $0x1BF5;
	p2 =	por !p2, p0  }
0x20: {  	[sflag:s8] =	ssyncset.s32 @!p0 $0xFFFFF086;
	s6 =	sadd.s32 @!p0 s3, s7;
	s7 =	simm.s32 @!p0 $0x108  }
0x21: {  	s3 =	sadd.s32 s3, s9;
	s6 =	sadd.s32 @!p0 $0x88, s6;
	s7 =	simm.s32 @p2 $0x1082  }
0x22: {  	[simem:s7], [sflag:s8] =	dma.local @!p0 [hbm:s6], $0xF7A  }
0x23: {  	s9 =	sor.u32 $0xD0000000, s2;
	s6 =	simm.s32 $0x108;
	_ =	swait.ge @!p0 [sflag:s8], $0x0  }
0x24: {  	s3 =	sadd.s32 $0x88, s3;
	s6 =	simm.s32 @!p1 $0x1082;
	[sflag:s4] =	ssyncset.s32 $0xFFFFF086  }
0x25: {  	[simem:s6], [sflag:s4] =	dma.local [hbm:s3], $0xF7A  }
0x26: {  	[smem:$0x3F98] =	sst s1;
	(tag) =	ssettag s2;
	_ =	strace s9  }
0x27: {  	s1 =	sld [smem:$0x3FA8]  }
0x28: {  	s2 =	sld [smem:$0x3FA9]  }
0x29: {  	s4 =	sld [smem:$0x3FAB]  }
0x2a: {  	p0 =	seq.s32 s5, $0x0;
	s5 =	sld [smem:$0x3FAC]  }
0x2b: {  	s6 =	sld [smem:$0x3FAD]  }
0x2c: {  	s7 =	sld [smem:$0x3FAE]  }
0x2d: {  	s3 =	simm.s32 $0x108;
	s8 =	sld [smem:$0x3FAF]  }
0x2e: {  	s3 =	simm.s32 @!p0 $0x1082;
	s9 =	sld [smem:$0x3FB0]  }
0x2f: {  	lr =	sadd.s32 s0, s3;
	s0 =	sld [smem:$0x3FA7]  }
0x30: {  	s3 =	sld [smem:$0x3FAA]  }
0x31: {  	[smem:$0x3FB3] =	sst s10  }
0x32: {  	s10 =	sld [smem:$0x3FB1];
	_ =	sdelay $0x3  }
0x33: {  	p0 =	seq.s32 s10, $0x1;
	s10 =	sld [smem:$0x3FB3];
	_ =	sdelay $0x3  }
0x34: {  	[smem:$0x3FB3] =	sst s10  }
0x35: {  	s10 =	sld [smem:$0x3FB2];
	_ =	sdelay $0x3  }
0x36: {  	p1 =	seq.s32 s10, $0x1;
	s10 =	sld [smem:$0x3FB3];
	_ =	sdelay $0x3  }
0x37: {  	[smem:$0x3FB3] =	sst s10  }
0x38: {  	s10 =	sld [smem:$0x3FB4]  }
0x39: {  	_ = 	snop;
	(pc) =	sbr.ind lr, $3  }
0x3a: {  	_ = 	snop  }
0x3b: {  	_ = 	snop  }
0x3c: {  	p2 =	seq.s32 s10, $0x1;
	s10 =	sld [smem:$0x3FB3]  }
0x3d: {  	_ =	shalt  }
0x3e: {  	_ =	shalt  }
0x3f: {  	_ =	shalt  }
0x40: {  	_ =	shalt  }
0x41: {  	_ =	shalt  }
0x42: {  	_ =	shalt  }
0x43: {  	_ =	shalt  }
0x44: {  	_ =	shalt  }
0x45: {  	_ =	shalt  }
0x46: {  	_ =	shalt  }
0x47: {  	_ =	shalt  }
0x48: {  	_ =	shalt  }
0x49: {  	_ =	shalt  }
0x4a: {  	_ =	shalt  }
0x4b: {  	_ =	shalt  }
0x4c: {  	_ =	shalt  }
0x4d: {  	_ =	shalt  }
0x4e: {  	_ =	shalt  }
0x4f: {  	_ =	shalt  }
0x50: {  	_ =	shalt  }
0x51: {  	_ =	shalt  }
0x52: {  	_ =	shalt  }
0x53: {  	_ =	shalt  }
0x54: {  	_ =	shalt  }
0x55: {  	_ =	shalt  }
0x56: {  	_ =	shalt  }
0x57: {  	_ =	shalt  }
0x58: {  	_ =	shalt  }
0x59: {  	_ =	shalt  }
0x5a: {  	_ =	shalt  }
0x5b: {  	_ =	shalt  }
0x5c: {  	_ =	shalt  }
0x5d: {  	_ =	shalt  }
0x5e: {  	_ =	shalt  }
0x5f: {  	_ =	shalt  }
0x60: {  	_ =	shalt  }
0x61: {  	_ =	shalt  }
0x62: {  	_ =	shalt  }
0x63: {  	_ =	shalt  }
0x64: {  	_ =	shalt  }
0x65: {  	_ =	shalt  }
0x66: {  	_ =	shalt  }
0x67: {  	_ =	shalt  }
0x68: {  	_ =	shalt  }
0x69: {  	_ =	shalt  }
0x6a: {  	_ =	shalt  }
0x6b: {  	_ =	shalt  }
0x6c: {  	_ =	shalt  }
0x6d: {  	_ =	shalt  }
0x6e: {  	_ =	shalt  }
0x6f: {  	_ =	shalt  }
0x70: {  	_ =	shalt  }
0x71: {  	_ =	shalt  }
0x72: {  	_ =	shalt  }
0x73: {  	_ =	shalt  }
0x74: {  	_ =	shalt  }
0x75: {  	_ =	shalt  }
0x76: {  	_ =	shalt  }
0x77: {  	_ =	shalt  }
0x78: {  	_ =	shalt  }
0x79: {  	_ =	shalt  }
0x7a: {  	_ =	shalt  }
0x7b: {  	_ =	shalt  }
0x7c: {  	_ =	shalt  }
0x7d: {  	_ =	shalt  }
0x7e: {  	_ =	shalt  }
0x7f: {  	_ =	shalt  }
0x80: {  	_ =	shalt  }
0x81: {  	_ =	shalt  }
0x82: {  	_ =	shalt  }
0x83: {  	_ =	shalt  }
0x84: {  	_ =	shalt  }
0x85: {  	_ =	shalt  }
0x86: {  	_ =	shalt  }
0x87: {  	_ =	shalt  }
.Lfunc_end0:
.L_simem_size_0:
called_computation.1_lowered:
.L_overlay_start_0:
0x88: {  	s2 =	sld [smem:$0x3FD9]  }
0x89: {  	s3 =	sld [smem:$0x3FFE];
	_ =	sdelay $0x1  }
0x8a: {  	s1 =	srdreg.scid  }
0x8b: {  	s0 =	sand.u32 $0x1, s1  }
0x8c: {  	s14 =	sshll.u32 s0, $0xA;
	s2 =	sadd.s32 s3, s2  }
0x8d: {  	s2 =	sadd.s32 s2, s14  }
0x8e: {  	[smem:$0x3FBF] =	sst s2  }
0x8f: {  	_ = 	snop  }
0x90: {  	s2 =	sld [smem:$0x3FD0];
	_ =	sdelay $0x2  }
0x91: {  	s4 =	simm.s32 $0xA;
	s5 =	simm.s32 $0x10;
	s15 =	sld [smem:$0x3FC9]  }
0x92: {  	[smem:s5], [sflag:s4] =	dma.local [hbm:s2], $0x1  }
0x93: {  	_ =	swait.eq [sflag:s4], $0x1  }
0x94: {  	[sflag:s4] =	ssyncset.done $0x0  }
0x95: {  	[sflag:s4] =	ssyncadd.s32 $0xFFFFFFFF  }
0x96: {  	s16 =	sld [smem:$0x10];
	(tm) =	ssettm $0x1  }
0x97: {  	s17 =	sld [smem:$0x3FFB];
	_ =	sdelay $0x3  }
0x98: {  	_ =	strace s17  }
0x99: {  	s4 =	sld [smem:$0x3FFC];
	_ =	sdelay $0x3  }
0x9a: {  	_ =	strace s4  }
0x9b: {  	s4 =	sld [smem:$0x3FFD];
	_ =	sdelay $0x3  }
0x9c: {  	_ =	strace s4  }
0x9d: {  	_ =	strace $0x8FFFFFFF  }
0x9e: {  	s18 =	sld [smem:$0x3FDB];
	_ =	sdelay $0x1  }
0x9f: {  	s19 =	simm.s32 $_scs_section_size  }
0xa0: {  	s6 =	simm.s32 $_size__tile_overlayer_lowered;
	s7 =	simm.s32 $_tile_overlayer_lowered  }
0xa1: {  	s22 =	simm.s32 $0x1BFF;
	s21 =	sshll.u32 s7, $0x1;
	s4 =	sadd.s32 s19, s18  }
0xa2: {  	s8 =	simm.s32 $0x0;
	s20 =	sshll.u32 s6, $0x1;
	s6 =	sadd.s32 s21, s4  }
0xa3: {  	[timem:s8], [sflag:s22] =	dma.local [hbm:s6], s20  }
0xa4: {  	_ =	swait.ge [sflag:s22], s20  }
0xa5: {  	s5 =	ssub.s32 $0x0, s20;
	[sflag:s22] =	ssyncset.done $0x0  }
0xa6: {  	[sflag:s22] =	ssyncadd.s32 s5;
	_ =	sdelay $0x1  }
0xa7: {  	s23 =	simm.s32 $0x1B8B  }
0xa8: {  	_ =	swait.ge [sflag:s23], $0x1  }
0xa9: {  	[sflag:s23] =	ssyncset.done $0x0  }
0xaa: {  	s25 =	simm.s32 $0x1B8E;
	s24 =	sld [smem:$0x3FFE];
	[sflag:s23] =	ssyncadd.s32 $0xFFFFFFFF  }
0xab: {  	s26 =	simm.s32 $execute0_lowered;
	[smem:$0x3FD2] =	sst s25  }
0xac: {  	s6 =	sshll.u32 s26, $0x1;
	_ =	strace $0x80000049;
	[dreg:$0x1] =	wrdreg $0xFFFFFFFF  }
0xad: {  	s28 =	simm.s32 $_size_execute0_lowered;
	s4 =	sadd.s32 s4, s6;
	[dreg:$0x0] =	wrdreg $0x0  }
0xae: {  	s6 =	sshll.u32 s28, $0x1;
	[dreg:$0x2] =	wrdreg s4  }
0xaf: {  	[dreg:$0x3] =	wrdreg s6  }
0xb0: {  	[dreg:$0x4] =	wrdreg $0xC0  }
0xb1: {  	_ =	task [dreg:s8], $0x5FFFF  }
0xb2: {  	[dreg:$0x1] =	wrdreg $0xFFFFFFFF  }
0xb3: {  	[dreg:$0x0] =	wrdreg $0x60  }
0xb4: {  	[dreg:$0x2] =	wrdreg s15  }
0xb5: {  	[dreg:$0x3] =	wrdreg s24  }
0xb6: {  	[dreg:$0x4] =	wrdreg s16  }
0xb7: {  	[dreg:$0x5] =	wrdreg $0x9  }
0xb8: {  	_ =	task.clear_ibuf [dreg:s8], $0x6FFFF;
	_ =	strace $0x90000049  }
0xb9: {  	s29 =	simm.s32 $0x9;
	_ =	strace $0x8000004B  }
0xba: {  	_ =	swait.ge [sflag:s29], $0x1  }
0xbb: {  	[sflag:s29] =	ssyncadd.s32 $0xFFFFFFFF  }
0xbc: {  	_ =	strace $0x9000004B  }
0xbd: {  	_ =	sfence  }
0xbe: {  	s30 =	sld [smem:$0x0];
	_ =	sdelay $0x2  }
0xbf: {  	s31 =	sshll.u32 s1, $0xD;
	s1 =	sshrl.u32 s1, $0x2  }
0xc0: {  	s3 =	sand.u32 $0x4000, s31;
	s1 =	sadd.s32 s1, s30  }
0xc1: {  	s0 =	sor.u32 s3, s0;
	s1 =	sshll.u32 s1, $0x11  }
0xc2: {  	s0 =	sor.u32 s1, s0  }
0xc3: {  	s0 =	sadd.s32 $0x8F2B, s0  }
0xc4: {  	[sflag:s0] =	ssyncadd.remote.s32 $0x1  }
0xc5: {  	_ =	sfence.sel $0xFFFF  }
0xc6: {  	[dreg:$0x0] =	wrdreg $0xFFFFFFFF;
	(pc) =	sbr.abs _section_cstart, $3  }
0xc7: {  	[dreg:$0x1] =	wrdreg $0xFFFFFFFF  }
0xc8: {  	_ =	task.clear_ibuf [dreg:s8], $0x2FFFF;
	_ =	strace $0x9FFFFFFF  }
0xc9: {  	(tm) =	ssettm $0x7FFFFFFF  }
tec
execute0_lowered:
.L_overlay_start_1:
0x0: {  	(tag) =	ssettag $0x1  }
0x1: {  	s1 =	rddreg [dreg:$0x0];
	s0 =	srdreg.scid  }
0x2: {  	s2 =	rddreg [dreg:$0x1];
	s4 =	stileid.u32  }
0x3: {  	s3 =	rddreg [dreg:$0x2];
	s10 =	simm.s32 $0x2;
	s17 =	simm.s32 $0x1  }
0x4: {  	s19 =	simm.s32 $0x880;
	s20 =	simm.s32 $0x1080;
	s21 =	simm.s32 $0x1880  }
0x5: {  	s22 =	simm.s32 $0x2080;
	s23 =	simm.s32 $0x2880;
	s28 =	simm.s32 $0x4880  }
0x6: {  	s29 =	simm.s32 $0x5080;
	s30 =	simm.s32 $0x5880;
	s31 =	simm.s32 $0x6080  }
0x7: {  	s12 =	simm.s32 $0x7880;
	s13 =	simm.s32 $0x8080;
	s14 =	simm.s32 $0x8880  }
0x8: {  	s15 =	simm.s32 $0x9080;
	s16 =	simm.s32 $0x9880;
	s0 =	sand.u32 $0x1, s0  }
0x9: {  	s5 =	sshll.u32 s4, $0x5;
	s4 =	simm.s32 $0x0;
	s8 =	sadd.s32 $0x200, s3  }
0xa: {  	s6 =	sshll.u32 s0, $0x4;
	[smem:$0x7FF] =	sst s4;
	s0 =	ssub.s32 $0x2, s0  }
0xb: {  	s5 =	sor.u32 s6, s5;
	_ =	strace $0x8000004A;
	s24 =	sshrl.u32 s0, $0x1  }
0xc: {  	s6 =	smul.u32 $0x300, s5;
	s7 =	sadd.s32 s5, s2;
	s0 =	ssub.s32 s0, s24  }
0xd: {  	s5 =	sadd.s32 $0x100, s1;
	s24 =	simm.s32 $0x3080;
	s25 =	sadd.s32 $0x2E00, s7  }
0xe: {  	s26 =	sadd.s32 $0x2C00, s7;
	s7 =	sadd.s32 $0x100, s3;
	s9 =	smax.u32 s0, $0x1  }
0xf: {  	v2 =	vlaneseq.u32;
	s2 =	sadd.s32 s6, s2;
	[dreg:$0x4] =	wrdreg s25;
	s6 =	sadd.s32 $0x200, s1  }
0x10: {  	vm0 =	vmmov $0xffff;
	v1 =	vshrl.u32 v2, $0x3;
	[dreg:$0x6] =	wrdreg s26;
	s25 =	simm.s32 $0x3880;
	s2 =	sadd.s32 $0x3000, s2  }
0x11: {  	v0 =	vand.u32 $0x7, v2;
	v2 =	vor.u32 $0x8, v2;
	v1 =	vmul.u32 $0x8, v1;
	s26 =	simm.s32 $0x4080;
	[dreg:$0x5] =	wrdreg s2;
	s2 =	simm.s32 $0x6880  }
.LBB2_1:
0x12: {  	s18 =	rddreg [dreg:$0x4]  }
0x13: {  	[tilespmem:s4], [sflag:$0x2] =	stream.linear.gather [hbm4b:s18+s4], $0x80, $0x38;
	[tilespmem:$0x18080] =	vst v63  }
0x14: {  	_ =	swait.ge [sflag:s10], $0x80  }
0x15: {  	[sflag:s10] =	ssyncset.done $0x0  }
0x16: {  	[sflag:s10] =	ssyncadd.s32 $0xFFFFFF80  }
0x17: {  	v3 =	vld [tilespmem:$0x0];
	_ =	sdelay $0x4  }
0x18: {  	v4 =	vshrl.u32 v3, $0x3  }
0x19: {  	v4 =	vmul.u32 $0x30, v4  }
0x1a: {  	v3 =	vand.u32 $0x7, v3  }
0x1b: {  	v3 =	vor.u32 v3, v4  }
0x1c: {  	v4 =	vperm.xlane v3, v0;
	_ =	sdelay $0x1  }
0x1d: {  	v4 =	vadd.s32 v1, v4;
	_ =	sdelay $0x3  }
0x1e: {  	s0 =	simm.s32 $0x80;
	v3 =	vperm.xlane v3, v2  }
0x1f: {  	[tilespmem:s0], [sflag:$0x1] =	stream.indirect_vreg.gather [hbm4b:s1+s4], $0x80, v4, vm0, $0xb8;
	[tilespmem:$0x18080] =	vst v63  }
0x20: {  	v3 =	vadd.s32 v1, v3  }
0x21: {  	[tilespmem:s19], [sflag:$0x1] =	stream.indirect_vreg.gather [hbm4b:s5+s4], $0x80, v4, vm0, $0xb8;
	[tilespmem:$0x18080] =	vst v63  }
0x22: {  	_ = 	snop  }
0x23: {  	[tilespmem:s20], [sflag:$0x1] =	stream.indirect_vreg.gather [hbm4b:s6+s4], $0x80, v4, vm0, $0xb8;
	[tilespmem:$0x18080] =	vst v63  }
0x24: {  	_ = 	snop  }
0x25: {  	[tilespmem:s21], [sflag:$0x1] =	stream.indirect_vreg.gather [hbm4b:s1+s4], $0x80, v3, vm0, $0xb8;
	[tilespmem:$0x18080] =	vst v63  }
0x26: {  	_ = 	snop  }
0x27: {  	[tilespmem:s22], [sflag:$0x1] =	stream.indirect_vreg.gather [hbm4b:s5+s4], $0x80, v3, vm0, $0xb8;
	[tilespmem:$0x18080] =	vst v63  }
0x28: {  	_ = 	snop  }
0x29: {  	[tilespmem:s23], [sflag:$0x1] =	stream.indirect_vreg.gather [hbm4b:s6+s4], $0x80, v3, vm0, $0xb8;
	[tilespmem:$0x18080] =	vst v63  }
0x2a: {  	v3 =	vld [tilespmem:$0x10];
	_ =	sdelay $0x4  }
0x2b: {  	v41 =	vshrl.u32 v3, $0x3  }
0x2c: {  	v4 =	vmul.u32 $0x30, v41  }
0x2d: {  	v3 =	vand.u32 $0x7, v3  }
0x2e: {  	v3 =	vor.u32 v3, v4  }
0x2f: {  	v4 =	vperm.xlane v3, v0;
	_ =	sdelay $0x1  }
0x30: {  	v4 =	vadd.s32 v1, v4;
	_ =	sdelay $0x3  }
0x31: {  	v3 =	vperm.xlane v3, v2  }
0x32: {  	[tilespmem:s24], [sflag:$0x1] =	stream.indirect_vreg.gather [hbm4b:s1+s4], $0x80, v4, vm0, $0xb8;
	[tilespmem:$0x18080] =	vst v63  }
0x33: {  	v3 =	vadd.s32 v1, v3  }
0x34: {  	[tilespmem:s25], [sflag:$0x1] =	stream.indirect_vreg.gather [hbm4b:s5+s4], $0x80, v4, vm0, $0xb8;
	[tilespmem:$0x18080] =	vst v63  }
0x35: {  	_ = 	snop  }
0x36: {  	[tilespmem:s26], [sflag:$0x1] =	stream.indirect_vreg.gather [hbm4b:s6+s4], $0x80, v4, vm0, $0xb8;
	[tilespmem:$0x18080] =	vst v63  }
0x37: {  	_ = 	snop  }
0x38: {  	[tilespmem:s28], [sflag:$0x1] =	stream.indirect_vreg.gather [hbm4b:s1+s4], $0x80, v3, vm0, $0xb8;
	[tilespmem:$0x18080] =	vst v63  }
0x39: {  	_ = 	snop  }
0x3a: {  	[tilespmem:s29], [sflag:$0x1] =	stream.indirect_vreg.gather [hbm4b:s5+s4], $0x80, v3, vm0, $0xb8;
	[tilespmem:$0x18080] =	vst v63  }
0x3b: {  	_ = 	snop  }
0x3c: {  	[tilespmem:s30], [sflag:$0x1] =	stream.indirect_vreg.gather [hbm4b:s6+s4], $0x80, v3, vm0, $0xb8;
	[tilespmem:$0x18080] =	vst v63  }
0x3d: {  	v3 =	vld [tilespmem:$0x20];
	_ =	sdelay $0x4  }
0x3e: {  	v42 =	vshrl.u32 v3, $0x3  }
0x3f: {  	v4 =	vmul.u32 $0x30, v42  }
0x40: {  	v3 =	vand.u32 $0x7, v3  }
0x41: {  	v3 =	vor.u32 v3, v4  }
0x42: {  	v4 =	vperm.xlane v3, v0;
	_ =	sdelay $0x1  }
0x43: {  	v4 =	vadd.s32 v1, v4;
	_ =	sdelay $0x3  }
0x44: {  	v3 =	vperm.xlane v3, v2  }
0x45: {  	[tilespmem:s31], [sflag:$0x1] =	stream.indirect_vreg.gather [hbm4b:s1+s4], $0x80, v4, vm0, $0xb8;
	[tilespmem:$0x18080] =	vst v63  }
0x46: {  	v3 =	vadd.s32 v1, v3  }
0x47: {  	[tilespmem:s2], [sflag:$0x1] =	stream.indirect_vreg.gather [hbm4b:s5+s4], $0x80, v4, vm0, $0xb8;
	[tilespmem:$0x18080] =	vst v63  }
0x48: {  	s11 =	simm.s32 $0x7080  }
0x49: {  	[tilespmem:s11], [sflag:$0x1] =	stream.indirect_vreg.gather [hbm4b:s6+s4], $0x80, v4, vm0, $0xb8;
	[tilespmem:$0x18080] =	vst v63  }
0x4a: {  	_ = 	snop  }
0x4b: {  	[tilespmem:s12], [sflag:$0x1] =	stream.indirect_vreg.gather [hbm4b:s1+s4], $0x80, v3, vm0, $0xb8;
	[tilespmem:$0x18080] =	vst v63  }
0x4c: {  	_ = 	snop  }
0x4d: {  	[tilespmem:s13], [sflag:$0x1] =	stream.indirect_vreg.gather [hbm4b:s5+s4], $0x80, v3, vm0, $0xb8;
	[tilespmem:$0x18080] =	vst v63  }
0x4e: {  	_ = 	snop  }
0x4f: {  	[tilespmem:s14], [sflag:$0x1] =	stream.indirect_vreg.gather [hbm4b:s6+s4], $0x80, v3, vm0, $0xb8;
	[tilespmem:$0x18080] =	vst v63  }
0x50: {  	v3 =	vld [tilespmem:$0x30];
	_ =	sdelay $0x4  }
0x51: {  	v43 =	vshrl.u32 v3, $0x3  }
0x52: {  	v4 =	vmul.u32 $0x30, v43  }
0x53: {  	v3 =	vand.u32 $0x7, v3  }
0x54: {  	v3 =	vor.u32 v3, v4  }
0x55: {  	v4 =	vperm.xlane v3, v0;
	_ =	sdelay $0x1  }
0x56: {  	v4 =	vadd.s32 v1, v4;
	_ =	sdelay $0x3  }
0x57: {  	v3 =	vperm.xlane v3, v2  }
0x58: {  	[tilespmem:s15], [sflag:$0x1] =	stream.indirect_vreg.gather [hbm4b:s1+s4], $0x80, v4, vm0, $0xb8;
	[tilespmem:$0x18080] =	vst v63  }
0x59: {  	v3 =	vadd.s32 v1, v3  }
0x5a: {  	[tilespmem:s16], [sflag:$0x1] =	stream.indirect_vreg.gather [hbm4b:s5+s4], $0x80, v4, vm0, $0xb8;
	[tilespmem:$0x18080] =	vst v63  }
0x5b: {  	s11 =	simm.s32 $0xA080  }
0x5c: {  	[tilespmem:s11], [sflag:$0x1] =	stream.indirect_vreg.gather [hbm4b:s6+s4], $0x80, v4, vm0, $0xb8;
	[tilespmem:$0x18080] =	vst v63  }
0x5d: {  	s18 =	simm.s32 $0xA880  }
0x5e: {  	[tilespmem:s18], [sflag:$0x1] =	stream.indirect_vreg.gather [hbm4b:s1+s4], $0x80, v3, vm0, $0xb8;
	[tilespmem:$0x18080] =	vst v63  }
0x5f: {  	s18 =	simm.s32 $0xB080  }
0x60: {  	[tilespmem:s18], [sflag:$0x1] =	stream.indirect_vreg.gather [hbm4b:s5+s4], $0x80, v3, vm0, $0xb8;
	[tilespmem:$0x18080] =	vst v63  }
0x61: {  	s18 =	simm.s32 $0xB880  }
0x62: {  	[tilespmem:s18], [sflag:$0x1] =	stream.indirect_vreg.gather [hbm4b:s6+s4], $0x80, v3, vm0, $0xb8;
	[tilespmem:$0x18080] =	vst v63  }
0x63: {  	v3 =	vld [tilespmem:$0x40];
	_ =	sdelay $0x4  }
0x64: {  	v44 =	vshrl.u32 v3, $0x3  }
0x65: {  	v4 =	vmul.u32 $0x30, v44  }
0x66: {  	v3 =	vand.u32 $0x7, v3  }
0x67: {  	v3 =	vor.u32 v3, v4  }
0x68: {  	v4 =	vperm.xlane v3, v0;
	_ =	sdelay $0x1  }
0x69: {  	v4 =	vadd.s32 v1, v4;
	_ =	sdelay $0x3  }
0x6a: {  	s18 =	simm.s32 $0xC080;
	v3 =	vperm.xlane v3, v2  }
0x6b: {  	[tilespmem:s18], [sflag:$0x1] =	stream.indirect_vreg.gather [hbm4b:s1+s4], $0x80, v4, vm0, $0xb8;
	[tilespmem:$0x18080] =	vst v63  }
0x6c: {  	v3 =	vadd.s32 v1, v3;
	s18 =	simm.s32 $0xC880  }
0x6d: {  	[tilespmem:s18], [sflag:$0x1] =	stream.indirect_vreg.gather [hbm4b:s5+s4], $0x80, v4, vm0, $0xb8;
	[tilespmem:$0x18080] =	vst v63  }
0x6e: {  	s18 =	simm.s32 $0xD080  }
0x6f: {  	[tilespmem:s18], [sflag:$0x1] =	stream.indirect_vreg.gather [hbm4b:s6+s4], $0x80, v4, vm0, $0xb8;
	[tilespmem:$0x18080] =	vst v63  }
0x70: {  	s18 =	simm.s32 $0xD880  }
0x71: {  	[tilespmem:s18], [sflag:$0x1] =	stream.indirect_vreg.gather [hbm4b:s1+s4], $0x80, v3, vm0, $0xb8;
	[tilespmem:$0x18080] =	vst v63  }
0x72: {  	s18 =	simm.s32 $0xE080  }
0x73: {  	[tilespmem:s18], [sflag:$0x1] =	stream.indirect_vreg.gather [hbm4b:s5+s4], $0x80, v3, vm0, $0xb8;
	[tilespmem:$0x18080] =	vst v63  }
0x74: {  	s18 =	simm.s32 $0xE880  }
0x75: {  	[tilespmem:s18], [sflag:$0x1] =	stream.indirect_vreg.gather [hbm4b:s6+s4], $0x80, v3, vm0, $0xb8;
	[tilespmem:$0x18080] =	vst v63  }
0x76: {  	v3 =	vld [tilespmem:$0x50];
	_ =	sdelay $0x4  }
0x77: {  	v45 =	vshrl.u32 v3, $0x3  }
0x78: {  	v4 =	vmul.u32 $0x30, v45  }
0x79: {  	v3 =	vand.u32 $0x7, v3  }
0x7a: {  	v3 =	vor.u32 v3, v4  }
0x7b: {  	v4 =	vperm.xlane v3, v0;
	_ =	sdelay $0x1  }
0x7c: {  	v4 =	vadd.s32 v1, v4;
	_ =	sdelay $0x3  }
0x7d: {  	s18 =	simm.s32 $0xF080;
	v3 =	vperm.xlane v3, v2  }
0x7e: {  	[tilespmem:s18], [sflag:$0x1] =	stream.indirect_vreg.gather [hbm4b:s1+s4], $0x80, v4, vm0, $0xb8;
	[tilespmem:$0x18080] =	vst v63  }
0x7f: {  	v3 =	vadd.s32 v1, v3;
	s18 =	simm.s32 $0xF880  }
0x80: {  	[tilespmem:s18], [sflag:$0x1] =	stream.indirect_vreg.gather [hbm4b:s5+s4], $0x80, v4, vm0, $0xb8;
	[tilespmem:$0x18080] =	vst v63  }
0x81: {  	s18 =	simm.s32 $0x10080  }
0x82: {  	[tilespmem:s18], [sflag:$0x1] =	stream.indirect_vreg.gather [hbm4b:s6+s4], $0x80, v4, vm0, $0xb8;
	[tilespmem:$0x18080] =	vst v63  }
0x83: {  	s18 =	simm.s32 $0x10880  }
0x84: {  	[tilespmem:s18], [sflag:$0x1] =	stream.indirect_vreg.gather [hbm4b:s1+s4], $0x80, v3, vm0, $0xb8;
	[tilespmem:$0x18080] =	vst v63  }
0x85: {  	s18 =	simm.s32 $0x11080  }
0x86: {  	[tilespmem:s18], [sflag:$0x1] =	stream.indirect_vreg.gather [hbm4b:s5+s4], $0x80, v3, vm0, $0xb8;
	[tilespmem:$0x18080] =	vst v63  }
0x87: {  	s18 =	simm.s32 $0x11880  }
0x88: {  	[tilespmem:s18], [sflag:$0x1] =	stream.indirect_vreg.gather [hbm4b:s6+s4], $0x80, v3, vm0, $0xb8;
	[tilespmem:$0x18080] =	vst v63  }
0x89: {  	v3 =	vld [tilespmem:$0x60];
	_ =	sdelay $0x4  }
0x8a: {  	v46 =	vshrl.u32 v3, $0x3  }
0x8b: {  	v4 =	vmul.u32 $0x30, v46  }
0x8c: {  	v3 =	vand.u32 $0x7, v3  }
0x8d: {  	v3 =	vor.u32 v3, v4  }
0x8e: {  	v4 =	vperm.xlane v3, v0;
	_ =	sdelay $0x1  }
0x8f: {  	v4 =	vadd.s32 v1, v4;
	_ =	sdelay $0x3  }
0x90: {  	s18 =	simm.s32 $0x12080;
	v3 =	vperm.xlane v3, v2  }
0x91: {  	[tilespmem:s18], [sflag:$0x1] =	stream.indirect_vreg.gather [hbm4b:s1+s4], $0x80, v4, vm0, $0xb8;
	[tilespmem:$0x18080] =	vst v63  }
0x92: {  	v3 =	vadd.s32 v1, v3;
	s18 =	simm.s32 $0x12880  }
0x93: {  	[tilespmem:s18], [sflag:$0x1] =	stream.indirect_vreg.gather [hbm4b:s5+s4], $0x80, v4, vm0, $0xb8;
	[tilespmem:$0x18080] =	vst v63  }
0x94: {  	s18 =	simm.s32 $0x13080  }
0x95: {  	[tilespmem:s18], [sflag:$0x1] =	stream.indirect_vreg.gather [hbm4b:s6+s4], $0x80, v4, vm0, $0xb8;
	[tilespmem:$0x18080] =	vst v63  }
0x96: {  	s18 =	simm.s32 $0x13880  }
0x97: {  	[tilespmem:s18], [sflag:$0x1] =	stream.indirect_vreg.gather [hbm4b:s1+s4], $0x80, v3, vm0, $0xb8;
	[tilespmem:$0x18080] =	vst v63  }
0x98: {  	s18 =	simm.s32 $0x14080  }
0x99: {  	[tilespmem:s18], [sflag:$0x1] =	stream.indirect_vreg.gather [hbm4b:s5+s4], $0x80, v3, vm0, $0xb8;
	[tilespmem:$0x18080] =	vst v63  }
0x9a: {  	s18 =	simm.s32 $0x14880  }
0x9b: {  	[tilespmem:s18], [sflag:$0x1] =	stream.indirect_vreg.gather [hbm4b:s6+s4], $0x80, v3, vm0, $0xb8;
	[tilespmem:$0x18080] =	vst v63  }
0x9c: {  	v3 =	vld [tilespmem:$0x70];
	_ =	sdelay $0x4  }
0x9d: {  	v47 =	vshrl.u32 v3, $0x3  }
0x9e: {  	v4 =	vmul.u32 $0x30, v47  }
0x9f: {  	v3 =	vand.u32 $0x7, v3  }
0xa0: {  	v3 =	vor.u32 v3, v4  }
0xa1: {  	v4 =	vperm.xlane v3, v0;
	_ =	sdelay $0x1  }
0xa2: {  	v4 =	vadd.s32 v1, v4;
	_ =	sdelay $0x3  }
0xa3: {  	s18 =	simm.s32 $0x15080;
	v3 =	vperm.xlane v3, v2  }
0xa4: {  	[tilespmem:s18], [sflag:$0x1] =	stream.indirect_vreg.gather [hbm4b:s1+s4], $0x80, v4, vm0, $0xb8;
	[tilespmem:$0x18080] =	vst v63  }
0xa5: {  	v3 =	vadd.s32 v1, v3;
	s18 =	simm.s32 $0x15880  }
0xa6: {  	[tilespmem:s18], [sflag:$0x1] =	stream.indirect_vreg.gather [hbm4b:s5+s4], $0x80, v4, vm0, $0xb8;
	[tilespmem:$0x18080] =	vst v63  }
0xa7: {  	s18 =	simm.s32 $0x16080  }
0xa8: {  	[tilespmem:s18], [sflag:$0x1] =	stream.indirect_vreg.gather [hbm4b:s6+s4], $0x80, v4, vm0, $0xb8;
	[tilespmem:$0x18080] =	vst v63  }
0xa9: {  	s18 =	simm.s32 $0x16880  }
0xaa: {  	[tilespmem:s18], [sflag:$0x1] =	stream.indirect_vreg.gather [hbm4b:s1+s4], $0x80, v3, vm0, $0xb8;
	[tilespmem:$0x18080] =	vst v63  }
0xab: {  	s18 =	simm.s32 $0x17080  }
0xac: {  	[tilespmem:s18], [sflag:$0x1] =	stream.indirect_vreg.gather [hbm4b:s5+s4], $0x80, v3, vm0, $0xb8;
	[tilespmem:$0x18080] =	vst v63  }
0xad: {  	s18 =	simm.s32 $0x17880  }
0xae: {  	[tilespmem:s18], [sflag:$0x1] =	stream.indirect_vreg.gather [hbm4b:s6+s4], $0x80, v3, vm0, $0xb8;
	[tilespmem:$0x18080] =	vst v63  }
0xaf: {  	_ =	swait.ge [sflag:s17], $0x18000  }
0xb0: {  	[sflag:s17] =	ssyncset.done $0x0  }
0xb1: {  	[sflag:s17] =	ssyncadd.s32 $0xFFFE8000  }
0xb2: {  	v3 =	vld [tilespmem:$0x0];
	_ =	sdelay $0x4  }
0xb3: {  	v48 =	vshrl.u32 v3, $0x3  }
0xb4: {  	v4 =	vmul.u32 $0x30, v48  }
0xb5: {  	v3 =	vand.u32 $0x7, v3  }
0xb6: {  	v3 =	vor.u32 v3, v4  }
0xb7: {  	v4 =	vperm.xlane v3, v0;
	_ =	sdelay $0x1  }
0xb8: {  	v4 =	vadd.s32 v1, v4;
	_ =	sdelay $0x3  }
0xb9: {  	v3 =	vperm.xlane v3, v2  }
0xba: {  	[hbm4b:s3+s4] =	stream.indirect_vreg.scatter [tilespmem:s0], [sflag:$0x1], $0x80, v4, vm0, $0xb8;
	[tilespmem:$0x18080] =	vst v63  }
0xbb: {  	v3 =	vadd.s32 v1, v3  }
0xbc: {  	[hbm4b:s7+s4] =	stream.indirect_vreg.scatter [tilespmem:s19], [sflag:$0x1], $0x80, v4, vm0, $0xb8;
	[tilespmem:$0x18080] =	vst v63  }
0xbd: {  	_ = 	snop  }
0xbe: {  	[hbm4b:s8+s4] =	stream.indirect_vreg.scatter [tilespmem:s20], [sflag:$0x1], $0x80, v4, vm0, $0xb8;
	[tilespmem:$0x18080] =	vst v63  }
0xbf: {  	_ = 	snop  }
0xc0: {  	[hbm4b:s3+s4] =	stream.indirect_vreg.scatter [tilespmem:s21], [sflag:$0x1], $0x80, v3, vm0, $0xb8;
	[tilespmem:$0x18080] =	vst v63  }
0xc1: {  	_ = 	snop  }
0xc2: {  	[hbm4b:s7+s4] =	stream.indirect_vreg.scatter [tilespmem:s22], [sflag:$0x1], $0x80, v3, vm0, $0xb8;
	[tilespmem:$0x18080] =	vst v63  }
0xc3: {  	_ = 	snop  }
0xc4: {  	[hbm4b:s8+s4] =	stream.indirect_vreg.scatter [tilespmem:s23], [sflag:$0x1], $0x80, v3, vm0, $0xb8;
	[tilespmem:$0x18080] =	vst v63  }
0xc5: {  	v3 =	vld [tilespmem:$0x10];
	_ =	sdelay $0x4  }
0xc6: {  	v49 =	vshrl.u32 v3, $0x3  }
0xc7: {  	v4 =	vmul.u32 $0x30, v49  }
0xc8: {  	v3 =	vand.u32 $0x7, v3  }
0xc9: {  	v3 =	vor.u32 v3, v4  }
0xca: {  	v4 =	vperm.xlane v3, v0;
	_ =	sdelay $0x1  }
0xcb: {  	v4 =	vadd.s32 v1, v4;
	_ =	sdelay $0x3  }
0xcc: {  	v3 =	vperm.xlane v3, v2  }
0xcd: {  	[hbm4b:s3+s4] =	stream.indirect_vreg.scatter [tilespmem:s24], [sflag:$0x1], $0x80, v4, vm0, $0xb8;
	[tilespmem:$0x18080] =	vst v63  }
0xce: {  	v3 =	vadd.s32 v1, v3  }
0xcf: {  	[hbm4b:s7+s4] =	stream.indirect_vreg.scatter [tilespmem:s25], [sflag:$0x1], $0x80, v4, vm0, $0xb8;
	[tilespmem:$0x18080] =	vst v63  }
0xd0: {  	_ = 	snop  }
0xd1: {  	[hbm4b:s8+s4] =	stream.indirect_vreg.scatter [tilespmem:s26], [sflag:$0x1], $0x80, v4, vm0, $0xb8;
	[tilespmem:$0x18080] =	vst v63  }
0xd2: {  	_ = 	snop  }
0xd3: {  	[hbm4b:s3+s4] =	stream.indirect_vreg.scatter [tilespmem:s28], [sflag:$0x1], $0x80, v3, vm0, $0xb8;
	[tilespmem:$0x18080] =	vst v63  }
0xd4: {  	_ = 	snop  }
0xd5: {  	[hbm4b:s7+s4] =	stream.indirect_vreg.scatter [tilespmem:s29], [sflag:$0x1], $0x80, v3, vm0, $0xb8;
	[tilespmem:$0x18080] =	vst v63  }
0xd6: {  	_ = 	snop  }
0xd7: {  	[hbm4b:s8+s4] =	stream.indirect_vreg.scatter [tilespmem:s30], [sflag:$0x1], $0x80, v3, vm0, $0xb8;
	[tilespmem:$0x18080] =	vst v63  }
0xd8: {  	v3 =	vld [tilespmem:$0x20];
	_ =	sdelay $0x4  }
0xd9: {  	v50 =	vshrl.u32 v3, $0x3  }
0xda: {  	v4 =	vmul.u32 $0x30, v50  }
0xdb: {  	v3 =	vand.u32 $0x7, v3  }
0xdc: {  	v3 =	vor.u32 v3, v4  }
0xdd: {  	v4 =	vperm.xlane v3, v0;
	_ =	sdelay $0x1  }
0xde: {  	v4 =	vadd.s32 v1, v4;
	_ =	sdelay $0x3  }
0xdf: {  	v3 =	vperm.xlane v3, v2  }
0xe0: {  	[hbm4b:s3+s4] =	stream.indirect_vreg.scatter [tilespmem:s31], [sflag:$0x1], $0x80, v4, vm0, $0xb8;
	[tilespmem:$0x18080] =	vst v63  }
0xe1: {  	v3 =	vadd.s32 v1, v3  }
0xe2: {  	[hbm4b:s7+s4] =	stream.indirect_vreg.scatter [tilespmem:s2], [sflag:$0x1], $0x80, v4, vm0, $0xb8;
	[tilespmem:$0x18080] =	vst v63  }
0xe3: {  	s18 =	simm.s32 $0x7080  }
0xe4: {  	[hbm4b:s8+s4] =	stream.indirect_vreg.scatter [tilespmem:s18], [sflag:$0x1], $0x80, v4, vm0, $0xb8;
	[tilespmem:$0x18080] =	vst v63  }
0xe5: {  	_ = 	snop  }
0xe6: {  	[hbm4b:s3+s4] =	stream.indirect_vreg.scatter [tilespmem:s12], [sflag:$0x1], $0x80, v3, vm0, $0xb8;
	[tilespmem:$0x18080] =	vst v63  }
0xe7: {  	_ = 	snop  }
0xe8: {  	[hbm4b:s7+s4] =	stream.indirect_vreg.scatter [tilespmem:s13], [sflag:$0x1], $0x80, v3, vm0, $0xb8;
	[tilespmem:$0x18080] =	vst v63  }
0xe9: {  	_ = 	snop  }
0xea: {  	[hbm4b:s8+s4] =	stream.indirect_vreg.scatter [tilespmem:s14], [sflag:$0x1], $0x80, v3, vm0, $0xb8;
	[tilespmem:$0x18080] =	vst v63  }
0xeb: {  	v3 =	vld [tilespmem:$0x30];
	_ =	sdelay $0x4  }
0xec: {  	v51 =	vshrl.u32 v3, $0x3  }
0xed: {  	v4 =	vmul.u32 $0x30, v51  }
0xee: {  	v3 =	vand.u32 $0x7, v3  }
0xef: {  	v3 =	vor.u32 v3, v4  }
0xf0: {  	v4 =	vperm.xlane v3, v0;
	_ =	sdelay $0x1  }
0xf1: {  	v4 =	vadd.s32 v1, v4;
	_ =	sdelay $0x3  }
0xf2: {  	v3 =	vperm.xlane v3, v2  }
0xf3: {  	[hbm4b:s3+s4] =	stream.indirect_vreg.scatter [tilespmem:s15], [sflag:$0x1], $0x80, v4, vm0, $0xb8;
	[tilespmem:$0x18080] =	vst v63  }
0xf4: {  	v3 =	vadd.s32 v1, v3  }
0xf5: {  	[hbm4b:s7+s4] =	stream.indirect_vreg.scatter [tilespmem:s16], [sflag:$0x1], $0x80, v4, vm0, $0xb8;
	[tilespmem:$0x18080] =	vst v63  }
0xf6: {  	_ = 	snop  }
0xf7: {  	[hbm4b:s8+s4] =	stream.indirect_vreg.scatter [tilespmem:s11], [sflag:$0x1], $0x80, v4, vm0, $0xb8;
	[tilespmem:$0x18080] =	vst v63  }
0xf8: {  	s18 =	simm.s32 $0xA880  }
0xf9: {  	[hbm4b:s3+s4] =	stream.indirect_vreg.scatter [tilespmem:s18], [sflag:$0x1], $0x80, v3, vm0, $0xb8;
	[tilespmem:$0x18080] =	vst v63  }
0xfa: {  	s18 =	simm.s32 $0xB080  }
0xfb: {  	[hbm4b:s7+s4] =	stream.indirect_vreg.scatter [tilespmem:s18], [sflag:$0x1], $0x80, v3, vm0, $0xb8;
	[tilespmem:$0x18080] =	vst v63  }
0xfc: {  	s18 =	simm.s32 $0xB880  }
0xfd: {  	[hbm4b:s8+s4] =	stream.indirect_vreg.scatter [tilespmem:s18], [sflag:$0x1], $0x80, v3, vm0, $0xb8;
	[tilespmem:$0x18080] =	vst v63  }
0xfe: {  	v3 =	vld [tilespmem:$0x40];
	_ =	sdelay $0x4  }
0xff: {  	v52 =	vshrl.u32 v3, $0x3  }
0x100: {  	v4 =	vmul.u32 $0x30, v52  }
0x101: {  	v3 =	vand.u32 $0x7, v3  }
0x102: {  	v3 =	vor.u32 v3, v4  }
0x103: {  	v4 =	vperm.xlane v3, v0;
	_ =	sdelay $0x1  }
0x104: {  	v4 =	vadd.s32 v1, v4;
	_ =	sdelay $0x3  }
0x105: {  	s18 =	simm.s32 $0xC080;
	v3 =	vperm.xlane v3, v2  }
0x106: {  	[hbm4b:s3+s4] =	stream.indirect_vreg.scatter [tilespmem:s18], [sflag:$0x1], $0x80, v4, vm0, $0xb8;
	[tilespmem:$0x18080] =	vst v63  }
0x107: {  	v3 =	vadd.s32 v1, v3;
	s18 =	simm.s32 $0xC880  }
0x108: {  	[hbm4b:s7+s4] =	stream.indirect_vreg.scatter [tilespmem:s18], [sflag:$0x1], $0x80, v4, vm0, $0xb8;
	[tilespmem:$0x18080] =	vst v63  }
0x109: {  	s18 =	simm.s32 $0xD080  }
0x10a: {  	[hbm4b:s8+s4] =	stream.indirect_vreg.scatter [tilespmem:s18], [sflag:$0x1], $0x80, v4, vm0, $0xb8;
	[tilespmem:$0x18080] =	vst v63  }
0x10b: {  	s18 =	simm.s32 $0xD880  }
0x10c: {  	[hbm4b:s3+s4] =	stream.indirect_vreg.scatter [tilespmem:s18], [sflag:$0x1], $0x80, v3, vm0, $0xb8;
	[tilespmem:$0x18080] =	vst v63  }
0x10d: {  	s18 =	simm.s32 $0xE080  }
0x10e: {  	[hbm4b:s7+s4] =	stream.indirect_vreg.scatter [tilespmem:s18], [sflag:$0x1], $0x80, v3, vm0, $0xb8;
	[tilespmem:$0x18080] =	vst v63  }
0x10f: {  	s18 =	simm.s32 $0xE880  }
0x110: {  	[hbm4b:s8+s4] =	stream.indirect_vreg.scatter [tilespmem:s18], [sflag:$0x1], $0x80, v3, vm0, $0xb8;
	[tilespmem:$0x18080] =	vst v63  }
0x111: {  	v3 =	vld [tilespmem:$0x50];
	_ =	sdelay $0x4  }
0x112: {  	v53 =	vshrl.u32 v3, $0x3  }
0x113: {  	v4 =	vmul.u32 $0x30, v53  }
0x114: {  	v3 =	vand.u32 $0x7, v3  }
0x115: {  	v3 =	vor.u32 v3, v4  }
0x116: {  	v4 =	vperm.xlane v3, v0;
	_ =	sdelay $0x1  }
0x117: {  	v4 =	vadd.s32 v1, v4;
	_ =	sdelay $0x3  }
0x118: {  	s18 =	simm.s32 $0xF080;
	v3 =	vperm.xlane v3, v2  }
0x119: {  	[hbm4b:s3+s4] =	stream.indirect_vreg.scatter [tilespmem:s18], [sflag:$0x1], $0x80, v4, vm0, $0xb8;
	[tilespmem:$0x18080] =	vst v63  }
0x11a: {  	v3 =	vadd.s32 v1, v3;
	s18 =	simm.s32 $0xF880  }
0x11b: {  	[hbm4b:s7+s4] =	stream.indirect_vreg.scatter [tilespmem:s18], [sflag:$0x1], $0x80, v4, vm0, $0xb8;
	[tilespmem:$0x18080] =	vst v63  }
0x11c: {  	s18 =	simm.s32 $0x10080  }
0x11d: {  	[hbm4b:s8+s4] =	stream.indirect_vreg.scatter [tilespmem:s18], [sflag:$0x1], $0x80, v4, vm0, $0xb8;
	[tilespmem:$0x18080] =	vst v63  }
0x11e: {  	s18 =	simm.s32 $0x10880  }
0x11f: {  	[hbm4b:s3+s4] =	stream.indirect_vreg.scatter [tilespmem:s18], [sflag:$0x1], $0x80, v3, vm0, $0xb8;
	[tilespmem:$0x18080] =	vst v63  }
0x120: {  	s18 =	simm.s32 $0x11080  }
0x121: {  	[hbm4b:s7+s4] =	stream.indirect_vreg.scatter [tilespmem:s18], [sflag:$0x1], $0x80, v3, vm0, $0xb8;
	[tilespmem:$0x18080] =	vst v63  }
0x122: {  	s18 =	simm.s32 $0x11880  }
0x123: {  	[hbm4b:s8+s4] =	stream.indirect_vreg.scatter [tilespmem:s18], [sflag:$0x1], $0x80, v3, vm0, $0xb8;
	[tilespmem:$0x18080] =	vst v63  }
0x124: {  	v3 =	vld [tilespmem:$0x60];
	_ =	sdelay $0x4  }
0x125: {  	v54 =	vshrl.u32 v3, $0x3  }
0x126: {  	v4 =	vmul.u32 $0x30, v54  }
0x127: {  	v3 =	vand.u32 $0x7, v3  }
0x128: {  	v3 =	vor.u32 v3, v4  }
0x129: {  	v4 =	vperm.xlane v3, v0;
	_ =	sdelay $0x1  }
0x12a: {  	v4 =	vadd.s32 v1, v4;
	_ =	sdelay $0x3  }
0x12b: {  	s18 =	simm.s32 $0x12080;
	v3 =	vperm.xlane v3, v2  }
0x12c: {  	[hbm4b:s3+s4] =	stream.indirect_vreg.scatter [tilespmem:s18], [sflag:$0x1], $0x80, v4, vm0, $0xb8;
	[tilespmem:$0x18080] =	vst v63  }
0x12d: {  	v3 =	vadd.s32 v1, v3;
	s18 =	simm.s32 $0x12880  }
0x12e: {  	[hbm4b:s7+s4] =	stream.indirect_vreg.scatter [tilespmem:s18], [sflag:$0x1], $0x80, v4, vm0, $0xb8;
	[tilespmem:$0x18080] =	vst v63  }
0x12f: {  	s18 =	simm.s32 $0x13080  }
0x130: {  	[hbm4b:s8+s4] =	stream.indirect_vreg.scatter [tilespmem:s18], [sflag:$0x1], $0x80, v4, vm0, $0xb8;
	[tilespmem:$0x18080] =	vst v63  }
0x131: {  	s18 =	simm.s32 $0x13880  }
0x132: {  	[hbm4b:s3+s4] =	stream.indirect_vreg.scatter [tilespmem:s18], [sflag:$0x1], $0x80, v3, vm0, $0xb8;
	[tilespmem:$0x18080] =	vst v63  }
0x133: {  	s18 =	simm.s32 $0x14080  }
0x134: {  	[hbm4b:s7+s4] =	stream.indirect_vreg.scatter [tilespmem:s18], [sflag:$0x1], $0x80, v3, vm0, $0xb8;
	[tilespmem:$0x18080] =	vst v63  }
0x135: {  	s18 =	simm.s32 $0x14880  }
0x136: {  	[hbm4b:s8+s4] =	stream.indirect_vreg.scatter [tilespmem:s18], [sflag:$0x1], $0x80, v3, vm0, $0xb8;
	[tilespmem:$0x18080] =	vst v63  }
0x137: {  	v3 =	vld [tilespmem:$0x70];
	_ =	sdelay $0x4  }
0x138: {  	v55 =	vshrl.u32 v3, $0x3  }
0x139: {  	v4 =	vmul.u32 $0x30, v55  }
0x13a: {  	v3 =	vand.u32 $0x7, v3  }
0x13b: {  	v3 =	vor.u32 v3, v4  }
0x13c: {  	v4 =	vperm.xlane v3, v0;
	_ =	sdelay $0x1  }
0x13d: {  	v4 =	vadd.s32 v1, v4;
	_ =	sdelay $0x3  }
0x13e: {  	s18 =	simm.s32 $0x15080;
	v3 =	vperm.xlane v3, v2  }
0x13f: {  	[hbm4b:s3+s4] =	stream.indirect_vreg.scatter [tilespmem:s18], [sflag:$0x1], $0x80, v4, vm0, $0xb8;
	[tilespmem:$0x18080] =	vst v63  }
0x140: {  	v3 =	vadd.s32 v1, v3;
	s18 =	simm.s32 $0x15880  }
0x141: {  	[hbm4b:s7+s4] =	stream.indirect_vreg.scatter [tilespmem:s18], [sflag:$0x1], $0x80, v4, vm0, $0xb8;
	[tilespmem:$0x18080] =	vst v63  }
0x142: {  	s18 =	simm.s32 $0x16080  }
0x143: {  	[hbm4b:s8+s4] =	stream.indirect_vreg.scatter [tilespmem:s18], [sflag:$0x1], $0x80, v4, vm0, $0xb8;
	[tilespmem:$0x18080] =	vst v63  }
0x144: {  	s18 =	simm.s32 $0x16880  }
0x145: {  	[hbm4b:s3+s4] =	stream.indirect_vreg.scatter [tilespmem:s18], [sflag:$0x1], $0x80, v3, vm0, $0xb8;
	[tilespmem:$0x18080] =	vst v63  }
0x146: {  	s18 =	simm.s32 $0x17080  }
0x147: {  	[hbm4b:s7+s4] =	stream.indirect_vreg.scatter [tilespmem:s18], [sflag:$0x1], $0x80, v3, vm0, $0xb8;
	[tilespmem:$0x18080] =	vst v63  }
0x148: {  	s18 =	simm.s32 $0x17880  }
0x149: {  	[hbm4b:s8+s4] =	stream.indirect_vreg.scatter [tilespmem:s18], [sflag:$0x1], $0x80, v3, vm0, $0xb8;
	[tilespmem:$0x18080] =	vst v63  }
0x14a: {  	_ =	swait.ge [sflag:s17], $0x18000  }
0x14b: {  	[sflag:s17] =	ssyncset.done $0x0  }
0x14c: {  	s18 =	rddreg [dreg:$0x5];
	[sflag:s17] =	ssyncadd.s32 $0xFFFE8000  }
0x14d: {  	[tilespmem:s0], [sflag:$0x2] =	stream.linear.gather [hbm4b:s18+s4], $0x18000, $0x38;
	[tilespmem:$0x18080] =	vst v63  }
0x14e: {  	_ =	swait.ge [sflag:s10], $0x18000  }
0x14f: {  	[sflag:s10] =	ssyncset.done $0x0  }
0x150: {  	s18 =	rddreg [dreg:$0x6];
	[sflag:s10] =	ssyncadd.s32 $0xFFFE8000  }
0x151: {  	[tilespmem:s4], [sflag:$0x2] =	stream.linear.gather [hbm4b:s18+s4], $0x80, $0x38;
	[tilespmem:$0x18080] =	vst v63  }
0x152: {  	_ =	swait.ge [sflag:s10], $0x80  }
0x153: {  	[sflag:s10] =	ssyncset.done $0x0  }
0x154: {  	[sflag:s10] =	ssyncadd.s32 $0xFFFFFF80  }
0x155: {  	v3 =	vld [tilespmem:$0x0];
	_ =	sdelay $0x4  }
0x156: {  	v56 =	vshrl.u32 v3, $0x3  }
0x157: {  	v4 =	vmul.u32 $0x30, v56  }
0x158: {  	v3 =	vand.u32 $0x7, v3  }
0x159: {  	v3 =	vor.u32 v3, v4  }
0x15a: {  	v4 =	vperm.xlane v3, v0;
	_ =	sdelay $0x1  }
0x15b: {  	v4 =	vadd.s32 v1, v4;
	_ =	sdelay $0x3  }
0x15c: {  	v3 =	vperm.xlane v3, v2  }
0x15d: {  	[hbm4b:s3+s4] =	stream.indirect_vreg.scatter [tilespmem:s0], [sflag:$0x1], $0x80, v4, vm0, $0xb8;
	[tilespmem:$0x18080] =	vst v63  }
0x15e: {  	v3 =	vadd.s32 v1, v3  }
0x15f: {  	[hbm4b:s7+s4] =	stream.indirect_vreg.scatter [tilespmem:s19], [sflag:$0x1], $0x80, v4, vm0, $0xb8;
	[tilespmem:$0x18080] =	vst v63  }
0x160: {  	_ = 	snop  }
0x161: {  	[hbm4b:s8+s4] =	stream.indirect_vreg.scatter [tilespmem:s20], [sflag:$0x1], $0x80, v4, vm0, $0xb8;
	[tilespmem:$0x18080] =	vst v63  }
0x162: {  	_ = 	snop  }
0x163: {  	[hbm4b:s3+s4] =	stream.indirect_vreg.scatter [tilespmem:s21], [sflag:$0x1], $0x80, v3, vm0, $0xb8;
	[tilespmem:$0x18080] =	vst v63  }
0x164: {  	_ = 	snop  }
0x165: {  	[hbm4b:s7+s4] =	stream.indirect_vreg.scatter [tilespmem:s22], [sflag:$0x1], $0x80, v3, vm0, $0xb8;
	[tilespmem:$0x18080] =	vst v63  }
0x166: {  	_ = 	snop  }
0x167: {  	[hbm4b:s8+s4] =	stream.indirect_vreg.scatter [tilespmem:s23], [sflag:$0x1], $0x80, v3, vm0, $0xb8;
	[tilespmem:$0x18080] =	vst v63  }
0x168: {  	v3 =	vld [tilespmem:$0x10];
	_ =	sdelay $0x4  }
0x169: {  	v57 =	vshrl.u32 v3, $0x3  }
0x16a: {  	v4 =	vmul.u32 $0x30, v57  }
0x16b: {  	v3 =	vand.u32 $0x7, v3  }
0x16c: {  	v3 =	vor.u32 v3, v4  }
0x16d: {  	v4 =	vperm.xlane v3, v0;
	_ =	sdelay $0x1  }
0x16e: {  	v4 =	vadd.s32 v1, v4;
	_ =	sdelay $0x3  }
0x16f: {  	v3 =	vperm.xlane v3, v2  }
0x170: {  	[hbm4b:s3+s4] =	stream.indirect_vreg.scatter [tilespmem:s24], [sflag:$0x1], $0x80, v4, vm0, $0xb8;
	[tilespmem:$0x18080] =	vst v63  }
0x171: {  	v3 =	vadd.s32 v1, v3  }
0x172: {  	[hbm4b:s7+s4] =	stream.indirect_vreg.scatter [tilespmem:s25], [sflag:$0x1], $0x80, v4, vm0, $0xb8;
	[tilespmem:$0x18080] =	vst v63  }
0x173: {  	_ = 	snop  }
0x174: {  	[hbm4b:s8+s4] =	stream.indirect_vreg.scatter [tilespmem:s26], [sflag:$0x1], $0x80, v4, vm0, $0xb8;
	[tilespmem:$0x18080] =	vst v63  }
0x175: {  	_ = 	snop  }
0x176: {  	[hbm4b:s3+s4] =	stream.indirect_vreg.scatter [tilespmem:s28], [sflag:$0x1], $0x80, v3, vm0, $0xb8;
	[tilespmem:$0x18080] =	vst v63  }
0x177: {  	_ = 	snop  }
0x178: {  	[hbm4b:s7+s4] =	stream.indirect_vreg.scatter [tilespmem:s29], [sflag:$0x1], $0x80, v3, vm0, $0xb8;
	[tilespmem:$0x18080] =	vst v63  }
0x179: {  	_ = 	snop  }
0x17a: {  	[hbm4b:s8+s4] =	stream.indirect_vreg.scatter [tilespmem:s30], [sflag:$0x1], $0x80, v3, vm0, $0xb8;
	[tilespmem:$0x18080] =	vst v63  }
0x17b: {  	v3 =	vld [tilespmem:$0x20];
	_ =	sdelay $0x4  }
0x17c: {  	v58 =	vshrl.u32 v3, $0x3  }
0x17d: {  	v4 =	vmul.u32 $0x30, v58  }
0x17e: {  	v3 =	vand.u32 $0x7, v3  }
0x17f: {  	v3 =	vor.u32 v3, v4  }
0x180: {  	v4 =	vperm.xlane v3, v0;
	_ =	sdelay $0x1  }
0x181: {  	v4 =	vadd.s32 v1, v4;
	_ =	sdelay $0x3  }
0x182: {  	v3 =	vperm.xlane v3, v2  }
0x183: {  	[hbm4b:s3+s4] =	stream.indirect_vreg.scatter [tilespmem:s31], [sflag:$0x1], $0x80, v4, vm0, $0xb8;
	[tilespmem:$0x18080] =	vst v63  }
0x184: {  	v3 =	vadd.s32 v1, v3  }
0x185: {  	[hbm4b:s7+s4] =	stream.indirect_vreg.scatter [tilespmem:s2], [sflag:$0x1], $0x80, v4, vm0, $0xb8;
	[tilespmem:$0x18080] =	vst v63  }
0x186: {  	s18 =	simm.s32 $0x7080  }
0x187: {  	[hbm4b:s8+s4] =	stream.indirect_vreg.scatter [tilespmem:s18], [sflag:$0x1], $0x80, v4, vm0, $0xb8;
	[tilespmem:$0x18080] =	vst v63  }
0x188: {  	_ = 	snop  }
0x189: {  	[hbm4b:s3+s4] =	stream.indirect_vreg.scatter [tilespmem:s12], [sflag:$0x1], $0x80, v3, vm0, $0xb8;
	[tilespmem:$0x18080] =	vst v63  }
0x18a: {  	_ = 	snop  }
0x18b: {  	[hbm4b:s7+s4] =	stream.indirect_vreg.scatter [tilespmem:s13], [sflag:$0x1], $0x80, v3, vm0, $0xb8;
	[tilespmem:$0x18080] =	vst v63  }
0x18c: {  	_ = 	snop  }
0x18d: {  	[hbm4b:s8+s4] =	stream.indirect_vreg.scatter [tilespmem:s14], [sflag:$0x1], $0x80, v3, vm0, $0xb8;
	[tilespmem:$0x18080] =	vst v63  }
0x18e: {  	v3 =	vld [tilespmem:$0x30];
	_ =	sdelay $0x4  }
0x18f: {  	v59 =	vshrl.u32 v3, $0x3  }
0x190: {  	v4 =	vmul.u32 $0x30, v59  }
0x191: {  	v3 =	vand.u32 $0x7, v3  }
0x192: {  	v3 =	vor.u32 v3, v4  }
0x193: {  	v4 =	vperm.xlane v3, v0;
	_ =	sdelay $0x1  }
0x194: {  	v4 =	vadd.s32 v1, v4;
	_ =	sdelay $0x3  }
0x195: {  	v3 =	vperm.xlane v3, v2  }
0x196: {  	[hbm4b:s3+s4] =	stream.indirect_vreg.scatter [tilespmem:s15], [sflag:$0x1], $0x80, v4, vm0, $0xb8;
	[tilespmem:$0x18080] =	vst v63  }
0x197: {  	v3 =	vadd.s32 v1, v3  }
0x198: {  	[hbm4b:s7+s4] =	stream.indirect_vreg.scatter [tilespmem:s16], [sflag:$0x1], $0x80, v4, vm0, $0xb8;
	[tilespmem:$0x18080] =	vst v63  }
0x199: {  	_ = 	snop  }
0x19a: {  	[hbm4b:s8+s4] =	stream.indirect_vreg.scatter [tilespmem:s11], [sflag:$0x1], $0x80, v4, vm0, $0xb8;
	[tilespmem:$0x18080] =	vst v63  }
0x19b: {  	s18 =	simm.s32 $0xA880  }
0x19c: {  	[hbm4b:s3+s4] =	stream.indirect_vreg.scatter [tilespmem:s18], [sflag:$0x1], $0x80, v3, vm0, $0xb8;
	[tilespmem:$0x18080] =	vst v63  }
0x19d: {  	s11 =	simm.s32 $0xB080  }
0x19e: {  	[hbm4b:s7+s4] =	stream.indirect_vreg.scatter [tilespmem:s11], [sflag:$0x1], $0x80, v3, vm0, $0xb8;
	[tilespmem:$0x18080] =	vst v63  }
0x19f: {  	s18 =	simm.s32 $0xB880  }
0x1a0: {  	[hbm4b:s8+s4] =	stream.indirect_vreg.scatter [tilespmem:s18], [sflag:$0x1], $0x80, v3, vm0, $0xb8;
	[tilespmem:$0x18080] =	vst v63  }
0x1a1: {  	v3 =	vld [tilespmem:$0x40];
	_ =	sdelay $0x4  }
0x1a2: {  	v60 =	vshrl.u32 v3, $0x3  }
0x1a3: {  	v4 =	vmul.u32 $0x30, v60  }
0x1a4: {  	v3 =	vand.u32 $0x7, v3  }
0x1a5: {  	v3 =	vor.u32 v3, v4  }
0x1a6: {  	v4 =	vperm.xlane v3, v0;
	_ =	sdelay $0x1  }
0x1a7: {  	v4 =	vadd.s32 v1, v4;
	_ =	sdelay $0x3  }
0x1a8: {  	s11 =	simm.s32 $0xC080;
	v3 =	vperm.xlane v3, v2  }
0x1a9: {  	[hbm4b:s3+s4] =	stream.indirect_vreg.scatter [tilespmem:s11], [sflag:$0x1], $0x80, v4, vm0, $0xb8;
	[tilespmem:$0x18080] =	vst v63  }
0x1aa: {  	s18 =	simm.s32 $0xC880;
	v3 =	vadd.s32 v1, v3  }
0x1ab: {  	[hbm4b:s7+s4] =	stream.indirect_vreg.scatter [tilespmem:s18], [sflag:$0x1], $0x80, v4, vm0, $0xb8;
	[tilespmem:$0x18080] =	vst v63  }
0x1ac: {  	s11 =	simm.s32 $0xD080  }
0x1ad: {  	[hbm4b:s8+s4] =	stream.indirect_vreg.scatter [tilespmem:s11], [sflag:$0x1], $0x80, v4, vm0, $0xb8;
	[tilespmem:$0x18080] =	vst v63  }
0x1ae: {  	s18 =	simm.s32 $0xD880  }
0x1af: {  	[hbm4b:s3+s4] =	stream.indirect_vreg.scatter [tilespmem:s18], [sflag:$0x1], $0x80, v3, vm0, $0xb8;
	[tilespmem:$0x18080] =	vst v63  }
0x1b0: {  	s11 =	simm.s32 $0xE080  }
0x1b1: {  	[hbm4b:s7+s4] =	stream.indirect_vreg.scatter [tilespmem:s11], [sflag:$0x1], $0x80, v3, vm0, $0xb8;
	[tilespmem:$0x18080] =	vst v63  }
0x1b2: {  	s18 =	simm.s32 $0xE880  }
0x1b3: {  	[hbm4b:s8+s4] =	stream.indirect_vreg.scatter [tilespmem:s18], [sflag:$0x1], $0x80, v3, vm0, $0xb8;
	[tilespmem:$0x18080] =	vst v63  }
0x1b4: {  	v3 =	vld [tilespmem:$0x50];
	_ =	sdelay $0x4  }
0x1b5: {  	v61 =	vshrl.u32 v3, $0x3  }
0x1b6: {  	v4 =	vmul.u32 $0x30, v61  }
0x1b7: {  	v3 =	vand.u32 $0x7, v3  }
0x1b8: {  	v3 =	vor.u32 v3, v4  }
0x1b9: {  	v4 =	vperm.xlane v3, v0;
	_ =	sdelay $0x1  }
0x1ba: {  	v4 =	vadd.s32 v1, v4;
	_ =	sdelay $0x3  }
0x1bb: {  	s11 =	simm.s32 $0xF080;
	v3 =	vperm.xlane v3, v2  }
0x1bc: {  	[hbm4b:s3+s4] =	stream.indirect_vreg.scatter [tilespmem:s11], [sflag:$0x1], $0x80, v4, vm0, $0xb8;
	[tilespmem:$0x18080] =	vst v63  }
0x1bd: {  	s18 =	simm.s32 $0xF880;
	v3 =	vadd.s32 v1, v3  }
0x1be: {  	[hbm4b:s7+s4] =	stream.indirect_vreg.scatter [tilespmem:s18], [sflag:$0x1], $0x80, v4, vm0, $0xb8;
	[tilespmem:$0x18080] =	vst v63  }
0x1bf: {  	s11 =	simm.s32 $0x10080  }
0x1c0: {  	[hbm4b:s8+s4] =	stream.indirect_vreg.scatter [tilespmem:s11], [sflag:$0x1], $0x80, v4, vm0, $0xb8;
	[tilespmem:$0x18080] =	vst v63  }
0x1c1: {  	s18 =	simm.s32 $0x10880  }
0x1c2: {  	[hbm4b:s3+s4] =	stream.indirect_vreg.scatter [tilespmem:s18], [sflag:$0x1], $0x80, v3, vm0, $0xb8;
	[tilespmem:$0x18080] =	vst v63  }
0x1c3: {  	s11 =	simm.s32 $0x11080  }
0x1c4: {  	[hbm4b:s7+s4] =	stream.indirect_vreg.scatter [tilespmem:s11], [sflag:$0x1], $0x80, v3, vm0, $0xb8;
	[tilespmem:$0x18080] =	vst v63  }
0x1c5: {  	s18 =	simm.s32 $0x11880  }
0x1c6: {  	[hbm4b:s8+s4] =	stream.indirect_vreg.scatter [tilespmem:s18], [sflag:$0x1], $0x80, v3, vm0, $0xb8;
	[tilespmem:$0x18080] =	vst v63  }
0x1c7: {  	v3 =	vld [tilespmem:$0x60];
	_ =	sdelay $0x4  }
0x1c8: {  	v62 =	vshrl.u32 v3, $0x3  }
0x1c9: {  	v4 =	vmul.u32 $0x30, v62  }
0x1ca: {  	v3 =	vand.u32 $0x7, v3  }
0x1cb: {  	v3 =	vor.u32 v3, v4  }
0x1cc: {  	v4 =	vperm.xlane v3, v0;
	_ =	sdelay $0x1  }
0x1cd: {  	v4 =	vadd.s32 v1, v4;
	_ =	sdelay $0x3  }
0x1ce: {  	s11 =	simm.s32 $0x12080;
	v3 =	vperm.xlane v3, v2  }
0x1cf: {  	[hbm4b:s3+s4] =	stream.indirect_vreg.scatter [tilespmem:s11], [sflag:$0x1], $0x80, v4, vm0, $0xb8;
	[tilespmem:$0x18080] =	vst v63  }
0x1d0: {  	s18 =	simm.s32 $0x12880;
	v3 =	vadd.s32 v1, v3  }
0x1d1: {  	[hbm4b:s7+s4] =	stream.indirect_vreg.scatter [tilespmem:s18], [sflag:$0x1], $0x80, v4, vm0, $0xb8;
	[tilespmem:$0x18080] =	vst v63  }
0x1d2: {  	s11 =	simm.s32 $0x13080  }
0x1d3: {  	[hbm4b:s8+s4] =	stream.indirect_vreg.scatter [tilespmem:s11], [sflag:$0x1], $0x80, v4, vm0, $0xb8;
	[tilespmem:$0x18080] =	vst v63  }
0x1d4: {  	s18 =	simm.s32 $0x13880  }
0x1d5: {  	[hbm4b:s3+s4] =	stream.indirect_vreg.scatter [tilespmem:s18], [sflag:$0x1], $0x80, v3, vm0, $0xb8;
	[tilespmem:$0x18080] =	vst v63  }
0x1d6: {  	s11 =	simm.s32 $0x14080  }
0x1d7: {  	[hbm4b:s7+s4] =	stream.indirect_vreg.scatter [tilespmem:s11], [sflag:$0x1], $0x80, v3, vm0, $0xb8;
	[tilespmem:$0x18080] =	vst v63  }
0x1d8: {  	s18 =	simm.s32 $0x14880  }
0x1d9: {  	[hbm4b:s8+s4] =	stream.indirect_vreg.scatter [tilespmem:s18], [sflag:$0x1], $0x80, v3, vm0, $0xb8;
	[tilespmem:$0x18080] =	vst v63  }
0x1da: {  	v3 =	vld [tilespmem:$0x70];
	_ =	sdelay $0x4  }
0x1db: {  	v63 =	vshrl.u32 v3, $0x3  }
0x1dc: {  	v4 =	vmul.u32 $0x30, v63  }
0x1dd: {  	v3 =	vand.u32 $0x7, v3  }
0x1de: {  	v3 =	vor.u32 v3, v4  }
0x1df: {  	v4 =	vperm.xlane v3, v0;
	_ =	sdelay $0x1  }
0x1e0: {  	v4 =	vadd.s32 v1, v4;
	_ =	sdelay $0x3  }
0x1e1: {  	s11 =	simm.s32 $0x15080;
	v3 =	vperm.xlane v3, v2  }
0x1e2: {  	[hbm4b:s3+s4] =	stream.indirect_vreg.scatter [tilespmem:s11], [sflag:$0x1], $0x80, v4, vm0, $0xb8;
	[tilespmem:$0x18080] =	vst v63  }
0x1e3: {  	s18 =	simm.s32 $0x15880;
	v3 =	vadd.s32 v1, v3  }
0x1e4: {  	[hbm4b:s7+s4] =	stream.indirect_vreg.scatter [tilespmem:s18], [sflag:$0x1], $0x80, v4, vm0, $0xb8;
	[tilespmem:$0x18080] =	vst v63  }
0x1e5: {  	s11 =	simm.s32 $0x16080  }
0x1e6: {  	[hbm4b:s8+s4] =	stream.indirect_vreg.scatter [tilespmem:s11], [sflag:$0x1], $0x80, v4, vm0, $0xb8;
	[tilespmem:$0x18080] =	vst v63  }
0x1e7: {  	s18 =	simm.s32 $0x16880  }
0x1e8: {  	[hbm4b:s3+s4] =	stream.indirect_vreg.scatter [tilespmem:s18], [sflag:$0x1], $0x80, v3, vm0, $0xb8;
	[tilespmem:$0x18080] =	vst v63  }
0x1e9: {  	p0 =	sne.s32 s9, $0x1;
	s11 =	simm.s32 $0x17080  }
0x1ea: {  	[hbm4b:s7+s4] =	stream.indirect_vreg.scatter [tilespmem:s11], [sflag:$0x1], $0x80, v3, vm0, $0xb8;
	[tilespmem:$0x18080] =	vst v63  }
.Ltmp0:
0x1eb: {  	s18 =	simm.s32 $0x17880;
	(pc) =	sbr.rel @p0 .LBB2_1-.Ltmp0, $4  }
0x1ec: {  	[hbm4b:s8+s4] =	stream.indirect_vreg.scatter [tilespmem:s18], [sflag:$0x1], $0x80, v3, vm0, $0xb8;
	[tilespmem:$0x18080] =	vst v63  }
0x1ed: {  	_ =	swait.ge [sflag:s17], $0x18000  }
0x1ee: {  	[sflag:s17] =	ssyncset.done $0x0  }
0x1ef: {  	s9 =	sadd.s32 $0xFFFFFFFF, s9;
	[sflag:s17] =	ssyncadd.s32 $0xFFFE8000  }
0x1f0: {  	_ =	sfence.sel $0x180000  }
0x1f1: {  	[bflag:$0x0] =	sbarrier.arrive $0xFFFF  }
0x1f2: {  	_ =	strace $0x9000004A  }
0x1f3: {  	s0 =	stileid.u32;
	[bflag:$0x2] =	sbarrier.arrive $0xFFFF  }
0x1f4: {  	p0 =	sne.s32 s0, $0x0;
	s0 =	rddreg [dreg:$0x3]  }
0x1f5: {  	s0 =	sadd.s32 @!p0 $0x100000, s0  }
0x1f6: {  	[sflag:s0] =	ssyncadd.tile.s32 @!p0 $0x1;
	_ =	shalt  }
.Lfunc_end2:
_tile_overlayer_lowered:
.L_overlay_start_2:
0x1f7: {  	(tag) =	ssettag $0x2  }
0x1f8: {  	s0 =	rddreg [dreg:$0x0];
	s2 =	stileid.u32  }
0x1f9: {  	s1 =	rddreg [dreg:$0x1];
	p0 =	sne.s32 s2, $0x0  }
0x1fa: {  	s3 =	rddreg [dreg:$0x2];
	[bflag:$0x3] =	sbarrier.arrive $0xFFFF;
	s2 =	simm.s32 @!p0 $0x1C02  }
0x1fb: {  	[timem:s3], [sflag:s2] =	dma.local @!p0 [hbm:s0], s1  }
0x1fc: {  	s0 =	simm.s32 @!p0 $0x2  }
0x1fd: {  	_ =	swait.ge @!p0 [sflag:s0], s1  }
0x1fe: {  	s1 =	ssub.s32 @!p0 $0x0, s1;
	[sflag:s0] =	ssyncset.done @!p0 $0x0  }
0x1ff: {  	[sflag:s0] =	ssyncadd.s32 @!p0 s1  }
0x200: {  	[bflag:$0x3] =	sbarrier.arrive $0xFFFF  }
0x201: {  	_ =	shalt  }

// kernel: kernel.7.cloned.1.call-start
scs
__scs_entry_jumppad:
0x0: {  	(pc) =	sbr.rel $0x88, $3  }
0x1: {  	(tag) =	ssettag $0x0;
	lr =	simm.s32 $0x1  }
0x2: {  	[smem:$0x3F98] =	sst lr;
	_ =	strace $0xD0000000  }
0x3: {  	_ = 	snop  }
0x4: {  	_ = 	snop  }
0x5: {  	_ = 	snop  }
0x6: {  	_ = 	snop  }
0x7: {  	_ = 	snop  }
__scs_overlays_trampoline_lowered:
0x8: {  	[smem:$0x3FA7] =	sst s0  }
0x9: {  	[smem:$0x3FA8] =	sst s1  }
0xa: {  	[smem:$0x3FA9] =	sst s2  }
0xb: {  	[smem:$0x3FAA] =	sst s3  }
0xc: {  	[smem:$0x3FAB] =	sst s4  }
0xd: {  	[smem:$0x3FAC] =	sst s5  }
0xe: {  	[smem:$0x3FAD] =	sst s6  }
0xf: {  	[smem:$0x3FAE] =	sst s7  }
0x10: {  	[smem:$0x3FAF] =	sst s8  }
0x11: {  	[smem:$0x3FB0] =	sst s9;
	s0 =	simm.s32 @!p0 $0x0  }
0x12: {  	s1 =	sld [smem:$0x3F96];
	s0 =	simm.s32 @p0 $0x1  }
0x13: {  	[smem:$0x3FB1] =	sst s0;
	s0 =	simm.s32 @!p1 $0x0  }
0x14: {  	s2 =	sld [smem:$0x3F95];
	s0 =	simm.s32 @p1 $0x1  }
0x15: {  	[smem:$0x3FB2] =	sst s0;
	s0 =	simm.s32 @!p2 $0x0  }
0x16: {  	s3 =	sld [smem:$0x3FDB];
	s0 =	simm.s32 @p2 $0x1  }
0x17: {  	s4 =	simm.s32 $0x1BF5;
	[smem:$0x3FB4] =	sst s0  }
0x18: {  	s0 =	sld [smem:$0x3F97];
	_ =	swait.ge [sflag:s4], $0x0  }
0x19: {  	s7 =	sld [smem:$0x3F98]  }
0x1a: {  	s8 =	sadd.s32 $0xFFFFE003, lr  }
0x1b: {  	s9 =	sadd.s32 $0xFFFFFEF7, lr;
	s5 =	simm.s32 $0xFFFFFFFF;
	p2 =	slt.u32 s8, $0xFFFFF086  }
0x1c: {  	p1 =	slt.u32 s9, $0xF7A;
	s5 =	simm.s32 @!p2 $0x0  }
0x1d: {  	s5 =	simm.s32 @p1 $0x1;
	p0 =	seq.s32 s7, s2  }
0x1e: {  	s7 =	smul.u32 @!p0 $0xF7A, s2;
	p2 =	seq.s32 @!p0 s5, $0x0  }
0x1f: {  	s9 =	smul.u32 $0xF7A, s1;
	s8 =	simm.s32 @!p0 $0x1BF5;
	p2 =	por !p2, p0  }
0x20: {  	[sflag:s8] =	ssyncset.s32 @!p0 $0xFFFFF086;
	s6 =	sadd.s32 @!p0 s3, s7;
	s7 =	simm.s32 @!p0 $0x108  }
0x21: {  	s3 =	sadd.s32 s3, s9;
	s6 =	sadd.s32 @!p0 $0x88, s6;
	s7 =	simm.s32 @p2 $0x1082  }
0x22: {  	[simem:s7], [sflag:s8] =	dma.local @!p0 [hbm:s6], $0xF7A  }
0x23: {  	s9 =	sor.u32 $0xD0000000, s2;
	s6 =	simm.s32 $0x108;
	_ =	swait.ge @!p0 [sflag:s8], $0x0  }
0x24: {  	s3 =	sadd.s32 $0x88, s3;
	s6 =	simm.s32 @!p1 $0x1082;
	[sflag:s4] =	ssyncset.s32 $0xFFFFF086  }
0x25: {  	[simem:s6], [sflag:s4] =	dma.local [hbm:s3], $0xF7A  }
0x26: {  	[smem:$0x3F98] =	sst s1;
	(tag) =	ssettag s2;
	_ =	strace s9  }
0x27: {  	s1 =	sld [smem:$0x3FA8]  }
0x28: {  	s2 =	sld [smem:$0x3FA9]  }
0x29: {  	s4 =	sld [smem:$0x3FAB]  }
0x2a: {  	p0 =	seq.s32 s5, $0x0;
	s5 =	sld [smem:$0x3FAC]  }
0x2b: {  	s6 =	sld [smem:$0x3FAD]  }
0x2c: {  	s7 =	sld [smem:$0x3FAE]  }
0x2d: {  	s3 =	simm.s32 $0x108;
	s8 =	sld [smem:$0x3FAF]  }
0x2e: {  	s3 =	simm.s32 @!p0 $0x1082;
	s9 =	sld [smem:$0x3FB0]  }
0x2f: {  	lr =	sadd.s32 s0, s3;
	s0 =	sld [smem:$0x3FA7]  }
0x30: {  	s3 =	sld [smem:$0x3FAA]  }
0x31: {  	[smem:$0x3FB3] =	sst s10  }
0x32: {  	s10 =	sld [smem:$0x3FB1];
	_ =	sdelay $0x3  }
0x33: {  	p0 =	seq.s32 s10, $0x1;
	s10 =	sld [smem:$0x3FB3];
	_ =	sdelay $0x3  }
0x34: {  	[smem:$0x3FB3] =	sst s10  }
0x35: {  	s10 =	sld [smem:$0x3FB2];
	_ =	sdelay $0x3  }
0x36: {  	p1 =	seq.s32 s10, $0x1;
	s10 =	sld [smem:$0x3FB3];
	_ =	sdelay $0x3  }
0x37: {  	[smem:$0x3FB3] =	sst s10  }
0x38: {  	s10 =	sld [smem:$0x3FB4]  }
0x39: {  	_ = 	snop;
	(pc) =	sbr.ind lr, $3  }
0x3a: {  	_ = 	snop  }
0x3b: {  	_ = 	snop  }
0x3c: {  	p2 =	seq.s32 s10, $0x1;
	s10 =	sld [smem:$0x3FB3]  }
0x3d: {  	_ =	shalt  }
0x3e: {  	_ =	shalt  }
0x3f: {  	_ =	shalt  }
0x40: {  	_ =	shalt  }
0x41: {  	_ =	shalt  }
0x42: {  	_ =	shalt  }
0x43: {  	_ =	shalt  }
0x44: {  	_ =	shalt  }
0x45: {  	_ =	shalt  }
0x46: {  	_ =	shalt  }
0x47: {  	_ =	shalt  }
0x48: {  	_ =	shalt  }
0x49: {  	_ =	shalt  }
0x4a: {  	_ =	shalt  }
0x4b: {  	_ =	shalt  }
0x4c: {  	_ =	shalt  }
0x4d: {  	_ =	shalt  }
0x4e: {  	_ =	shalt  }
0x4f: {  	_ =	shalt  }
0x50: {  	_ =	shalt  }
0x51: {  	_ =	shalt  }
0x52: {  	_ =	shalt  }
0x53: {  	_ =	shalt  }
0x54: {  	_ =	shalt  }
0x55: {  	_ =	shalt  }
0x56: {  	_ =	shalt  }
0x57: {  	_ =	shalt  }
0x58: {  	_ =	shalt  }
0x59: {  	_ =	shalt  }
0x5a: {  	_ =	shalt  }
0x5b: {  	_ =	shalt  }
0x5c: {  	_ =	shalt  }
0x5d: {  	_ =	shalt  }
0x5e: {  	_ =	shalt  }
0x5f: {  	_ =	shalt  }
0x60: {  	_ =	shalt  }
0x61: {  	_ =	shalt  }
0x62: {  	_ =	shalt  }
0x63: {  	_ =	shalt  }
0x64: {  	_ =	shalt  }
0x65: {  	_ =	shalt  }
0x66: {  	_ =	shalt  }
0x67: {  	_ =	shalt  }
0x68: {  	_ =	shalt  }
0x69: {  	_ =	shalt  }
0x6a: {  	_ =	shalt  }
0x6b: {  	_ =	shalt  }
0x6c: {  	_ =	shalt  }
0x6d: {  	_ =	shalt  }
0x6e: {  	_ =	shalt  }
0x6f: {  	_ =	shalt  }
0x70: {  	_ =	shalt  }
0x71: {  	_ =	shalt  }
0x72: {  	_ =	shalt  }
0x73: {  	_ =	shalt  }
0x74: {  	_ =	shalt  }
0x75: {  	_ =	shalt  }
0x76: {  	_ =	shalt  }
0x77: {  	_ =	shalt  }
0x78: {  	_ =	shalt  }
0x79: {  	_ =	shalt  }
0x7a: {  	_ =	shalt  }
0x7b: {  	_ =	shalt  }
0x7c: {  	_ =	shalt  }
0x7d: {  	_ =	shalt  }
0x7e: {  	_ =	shalt  }
0x7f: {  	_ =	shalt  }
0x80: {  	_ =	shalt  }
0x81: {  	_ =	shalt  }
0x82: {  	_ =	shalt  }
0x83: {  	_ =	shalt  }
0x84: {  	_ =	shalt  }
0x85: {  	_ =	shalt  }
0x86: {  	_ =	shalt  }
0x87: {  	_ =	shalt  }
.Lfunc_end0:
.L_simem_size_0:
called_computation_lowered:
.L_overlay_start_0:
0x88: {  	s2 =	sld [smem:$0x3FD9]  }
0x89: {  	s3 =	sld [smem:$0x3FFE];
	_ =	sdelay $0x1  }
0x8a: {  	s1 =	srdreg.scid  }
0x8b: {  	s0 =	sand.u32 $0x1, s1  }
0x8c: {  	s14 =	sshll.u32 s0, $0xA;
	s2 =	sadd.s32 s3, s2  }
0x8d: {  	s2 =	sadd.s32 s2, s14  }
0x8e: {  	[smem:$0x3FBF] =	sst s2  }
0x8f: {  	_ = 	snop  }
0x90: {  	s2 =	sld [smem:$0x3FD0];
	_ =	sdelay $0x2  }
0x91: {  	s4 =	simm.s32 $0xA;
	s5 =	simm.s32 $0x10;
	s15 =	sld [smem:$0x3FC9]  }
0x92: {  	[smem:s5], [sflag:s4] =	dma.local [hbm:s2], $0x1  }
0x93: {  	_ =	swait.eq [sflag:s4], $0x1  }
0x94: {  	[sflag:s4] =	ssyncset.done $0x0  }
0x95: {  	[sflag:s4] =	ssyncadd.s32 $0xFFFFFFFF  }
0x96: {  	s16 =	sld [smem:$0x10];
	(tm) =	ssettm $0x1  }
0x97: {  	s17 =	sld [smem:$0x3FFB];
	_ =	sdelay $0x3  }
0x98: {  	_ =	strace s17  }
0x99: {  	s4 =	sld [smem:$0x3FFC];
	_ =	sdelay $0x3  }
0x9a: {  	_ =	strace s4  }
0x9b: {  	s4 =	sld [smem:$0x3FFD];
	_ =	sdelay $0x3  }
0x9c: {  	_ =	strace s4  }
0x9d: {  	_ =	strace $0x8FFFFFFF  }
0x9e: {  	s18 =	sld [smem:$0x3FDB];
	_ =	sdelay $0x1  }
0x9f: {  	s19 =	simm.s32 $_scs_section_size  }
0xa0: {  	s6 =	simm.s32 $_size__tile_overlayer_lowered;
	s7 =	simm.s32 $_tile_overlayer_lowered  }
0xa1: {  	s22 =	simm.s32 $0x1BFF;
	s21 =	sshll.u32 s7, $0x1;
	s4 =	sadd.s32 s19, s18  }
0xa2: {  	s8 =	simm.s32 $0x0;
	s20 =	sshll.u32 s6, $0x1;
	s6 =	sadd.s32 s21, s4  }
0xa3: {  	[timem:s8], [sflag:s22] =	dma.local [hbm:s6], s20  }
0xa4: {  	_ =	swait.ge [sflag:s22], s20  }
0xa5: {  	s5 =	ssub.s32 $0x0, s20;
	[sflag:s22] =	ssyncset.done $0x0  }
0xa6: {  	[sflag:s22] =	ssyncadd.s32 s5;
	_ =	sdelay $0x1  }
0xa7: {  	s23 =	simm.s32 $0x1B8B  }
0xa8: {  	_ =	swait.ge [sflag:s23], $0x1  }
0xa9: {  	[sflag:s23] =	ssyncset.done $0x0  }
0xaa: {  	s25 =	simm.s32 $0x1B8E;
	s24 =	sld [smem:$0x3FFE];
	[sflag:s23] =	ssyncadd.s32 $0xFFFFFFFF  }
0xab: {  	s26 =	simm.s32 $execute0_lowered;
	[smem:$0x3FD2] =	sst s25  }
0xac: {  	s6 =	sshll.u32 s26, $0x1;
	_ =	strace $0x80000046;
	[dreg:$0x1] =	wrdreg $0xFFFFFFFF  }
0xad: {  	s28 =	simm.s32 $_size_execute0_lowered;
	s4 =	sadd.s32 s4, s6;
	[dreg:$0x0] =	wrdreg $0x0  }
0xae: {  	s6 =	sshll.u32 s28, $0x1;
	[dreg:$0x2] =	wrdreg s4  }
0xaf: {  	[dreg:$0x3] =	wrdreg s6  }
0xb0: {  	[dreg:$0x4] =	wrdreg $0xC0  }
0xb1: {  	_ =	task [dreg:s8], $0x5FFFF  }
0xb2: {  	[dreg:$0x1] =	wrdreg $0xFFFFFFFF  }
0xb3: {  	[dreg:$0x0] =	wrdreg $0x60  }
0xb4: {  	[dreg:$0x2] =	wrdreg s15  }
0xb5: {  	[dreg:$0x3] =	wrdreg s24  }
0xb6: {  	[dreg:$0x4] =	wrdreg s16  }
0xb7: {  	[dreg:$0x5] =	wrdreg $0x9  }
0xb8: {  	_ =	task.clear_ibuf [dreg:s8], $0x6FFFF;
	_ =	strace $0x90000046  }
0xb9: {  	s29 =	simm.s32 $0x9;
	_ =	strace $0x80000048  }
0xba: {  	_ =	swait.ge [sflag:s29], $0x1  }
0xbb: {  	[sflag:s29] =	ssyncadd.s32 $0xFFFFFFFF  }
0xbc: {  	_ =	strace $0x90000048  }
0xbd: {  	_ =	sfence  }
0xbe: {  	s30 =	sld [smem:$0x0];
	_ =	sdelay $0x2  }
0xbf: {  	s31 =	sshll.u32 s1, $0xD;
	s1 =	sshrl.u32 s1, $0x2  }
0xc0: {  	s3 =	sand.u32 $0x4000, s31;
	s1 =	sadd.s32 s1, s30  }
0xc1: {  	s0 =	sor.u32 s3, s0;
	s1 =	sshll.u32 s1, $0x11  }
0xc2: {  	s0 =	sor.u32 s1, s0  }
0xc3: {  	s0 =	sadd.s32 $0x8F2B, s0  }
0xc4: {  	[sflag:s0] =	ssyncadd.remote.s32 $0x1  }
0xc5: {  	_ =	sfence.sel $0xFFFF  }
0xc6: {  	[dreg:$0x0] =	wrdreg $0xFFFFFFFF;
	(pc) =	sbr.abs _section_cstart, $3  }
0xc7: {  	[dreg:$0x1] =	wrdreg $0xFFFFFFFF  }
0xc8: {  	_ =	task.clear_ibuf [dreg:s8], $0x2FFFF;
	_ =	strace $0x9FFFFFFF  }
0xc9: {  	(tm) =	ssettm $0x7FFFFFFF  }
tec
execute0_lowered:
.L_overlay_start_1:
0x0: {  	(tag) =	ssettag $0x1  }
0x1: {  	s1 =	rddreg [dreg:$0x0]  }
0x2: {  	s4 =	rddreg [dreg:$0x1]  }
0x3: {  	s5 =	rddreg [dreg:$0x2];
	s3 =	simm.s32 $0x0  }
0x4: {  	s24 =	simm.s32 $0x880;
	[smem:$0x7FF] =	sst s3  }
0x5: {  	s25 =	simm.s32 $0x1080;
	_ =	strace $0x80000047;
	[dreg:$0x6] =	wrdreg s24  }
0x6: {  	s0 =	stileid.u32;
	s26 =	simm.s32 $0x1880;
	[dreg:$0x7] =	wrdreg s25  }
0x7: {  	s6 =	sshll.u32 s0, $0x5;
	s0 =	simm.s32 $0x2080;
	[dreg:$0x8] =	wrdreg s26  }
0x8: {  	s8 =	simm.s32 $0x4080;
	[dreg:$0x9] =	wrdreg s0  }
0x9: {  	s9 =	simm.s32 $0x4880;
	[dreg:$0xd] =	wrdreg s8  }
0xa: {  	s10 =	simm.s32 $0x5080;
	[dreg:$0xe] =	wrdreg s9  }
0xb: {  	s11 =	simm.s32 $0x5880;
	[dreg:$0xf] =	wrdreg s10  }
0xc: {  	s12 =	simm.s32 $0x6080;
	[dreg:$0x10] =	wrdreg s11  }
0xd: {  	s13 =	simm.s32 $0x6880;
	[dreg:$0x11] =	wrdreg s12  }
0xe: {  	s14 =	simm.s32 $0x7080;
	[dreg:$0x12] =	wrdreg s13  }
0xf: {  	s2 =	srdreg.scid;
	s15 =	simm.s32 $0x7880;
	[dreg:$0x13] =	wrdreg s14  }
0x10: {  	s16 =	simm.s32 $0x8080;
	s17 =	simm.s32 $0x8880;
	[dreg:$0x14] =	wrdreg s15  }
0x11: {  	s18 =	simm.s32 $0x9080;
	s20 =	simm.s32 $0x9880;
	[dreg:$0x15] =	wrdreg s16  }
0x12: {  	s21 =	simm.s32 $0xA080;
	s22 =	simm.s32 $0xA880;
	[dreg:$0x16] =	wrdreg s17  }
0x13: {  	s28 =	simm.s32 $0x16080;
	s29 =	simm.s32 $0x16880;
	[dreg:$0x17] =	wrdreg s18  }
0x14: {  	s30 =	simm.s32 $0x17080;
	s2 =	sand.u32 $0x1, s2;
	[dreg:$0x18] =	wrdreg s20  }
0x15: {  	s31 =	simm.s32 $0x17880;
	s7 =	sshll.u32 s2, $0x4;
	[dreg:$0x19] =	wrdreg s21  }
0x16: {  	s2 =	ssub.s32 $0x2, s2;
	[dreg:$0x1a] =	wrdreg s22;
	s24 =	simm.s32 $0xB880  }
0x17: {  	s25 =	simm.s32 $0xC080;
	s8 =	simm.s32 $0x80;
	s26 =	simm.s32 $0xC880  }
0x18: {  	s10 =	simm.s32 $0xD880;
	s11 =	simm.s32 $0xE080;
	s12 =	simm.s32 $0xE880  }
0x19: {  	s13 =	simm.s32 $0xF080;
	s14 =	simm.s32 $0xF880;
	s15 =	simm.s32 $0x10080  }
0x1a: {  	s16 =	simm.s32 $0x10880;
	s17 =	simm.s32 $0x11080;
	s18 =	simm.s32 $0x11880  }
0x1b: {  	s20 =	simm.s32 $0x12880;
	s21 =	simm.s32 $0x13080;
	[dreg:$0x1c] =	wrdreg s24  }
0x1c: {  	s22 =	simm.s32 $0x13880;
	s6 =	sor.u32 s7, s6;
	[dreg:$0x1d] =	wrdreg s25  }
0x1d: {  	s7 =	simm.s32 $0x3880;
	s19 =	sshrl.u32 s2, $0x1;
	[dreg:$0x1e] =	wrdreg s26  }
0x1e: {  	s24 =	simm.s32 $0x14880;
	s4 =	sadd.s32 s6, s4;
	s6 =	smul.u32 $0x300, s6  }
0x1f: {  	s25 =	simm.s32 $0x15080;
	[dreg:$0xc] =	wrdreg s7;
	s4 =	sadd.s32 $0x2C00, s4  }
0x20: {  	s26 =	simm.s32 $0x15880;
	[dreg:$0x4] =	wrdreg s4;
	s23 =	sadd.s32 s5, s6  }
0x21: {  	s2 =	ssub.s32 s2, s19;
	s5 =	simm.s32 $0x2880;
	[dreg:$0x5] =	wrdreg s23  }
0x22: {  	s7 =	simm.s32 $0x2;
	s6 =	simm.s32 $0x3080;
	[dreg:$0xa] =	wrdreg s5  }
0x23: {  	v2 =	vlaneseq.u32;
	s19 =	simm.s32 $0x12080;
	s4 =	sadd.s32 $0x100, s1;
	[dreg:$0xb] =	wrdreg s6  }
0x24: {  	vm0 =	vmmov $0xffff;
	v1 =	vshrl.u32 v2, $0x3;
	s5 =	sadd.s32 $0x200, s1;
	s23 =	simm.s32 $0xB080;
	s6 =	smax.u32 s2, $0x1  }
0x25: {  	v0 =	vand.u32 $0x7, v2;
	v2 =	vor.u32 $0x8, v2;
	v1 =	vmul.u32 $0x8, v1;
	s2 =	simm.s32 $0x1;
	[dreg:$0x1b] =	wrdreg s23;
	s23 =	simm.s32 $0x14080  }
.LBB2_1:
0x26: {  	s0 =	rddreg [dreg:$0x4]  }
0x27: {  	[tilespmem:s3], [sflag:$0x2] =	stream.linear.gather [hbm4b:s0+s3], $0x80, $0x38;
	[tilespmem:$0x18080] =	vst v63  }
0x28: {  	_ =	swait.ge [sflag:s7], $0x80  }
0x29: {  	[sflag:s7] =	ssyncset.done $0x0  }
0x2a: {  	[sflag:s7] =	ssyncadd.s32 $0xFFFFFF80  }
0x2b: {  	v3 =	vld [tilespmem:$0x0];
	_ =	sdelay $0x4  }
0x2c: {  	v4 =	vshrl.u32 v3, $0x3  }
0x2d: {  	v4 =	vmul.u32 $0x30, v4  }
0x2e: {  	v3 =	vand.u32 $0x7, v3  }
0x2f: {  	v3 =	vor.u32 v3, v4  }
0x30: {  	v4 =	vperm.xlane v3, v0;
	_ =	sdelay $0x1  }
0x31: {  	v4 =	vadd.s32 v1, v4;
	_ =	sdelay $0x3  }
0x32: {  	v3 =	vperm.xlane v3, v2  }
0x33: {  	[tilespmem:s8], [sflag:$0x1] =	stream.indirect_vreg.gather [hbm4b:s1+s3], $0x80, v4, vm0, $0xb8;
	[tilespmem:$0x18080] =	vst v63  }
0x34: {  	s0 =	rddreg [dreg:$0x6];
	v3 =	vadd.s32 v1, v3  }
0x35: {  	[tilespmem:s0], [sflag:$0x1] =	stream.indirect_vreg.gather [hbm4b:s4+s3], $0x80, v4, vm0, $0xb8;
	[tilespmem:$0x18080] =	vst v63  }
0x36: {  	s9 =	rddreg [dreg:$0x7]  }
0x37: {  	[tilespmem:s9], [sflag:$0x1] =	stream.indirect_vreg.gather [hbm4b:s5+s3], $0x80, v4, vm0, $0xb8;
	[tilespmem:$0x18080] =	vst v63  }
0x38: {  	s0 =	rddreg [dreg:$0x8]  }
0x39: {  	[tilespmem:s0], [sflag:$0x1] =	stream.indirect_vreg.gather [hbm4b:s1+s3], $0x80, v3, vm0, $0xb8;
	[tilespmem:$0x18080] =	vst v63  }
0x3a: {  	s9 =	rddreg [dreg:$0x9]  }
0x3b: {  	[tilespmem:s9], [sflag:$0x1] =	stream.indirect_vreg.gather [hbm4b:s4+s3], $0x80, v3, vm0, $0xb8;
	[tilespmem:$0x18080] =	vst v63  }
0x3c: {  	s0 =	rddreg [dreg:$0xa]  }
0x3d: {  	[tilespmem:s0], [sflag:$0x1] =	stream.indirect_vreg.gather [hbm4b:s5+s3], $0x80, v3, vm0, $0xb8;
	[tilespmem:$0x18080] =	vst v63  }
0x3e: {  	v3 =	vld [tilespmem:$0x10];
	_ =	sdelay $0x4  }
0x3f: {  	v57 =	vshrl.u32 v3, $0x3  }
0x40: {  	v4 =	vmul.u32 $0x30, v57  }
0x41: {  	v3 =	vand.u32 $0x7, v3  }
0x42: {  	v3 =	vor.u32 v3, v4  }
0x43: {  	v4 =	vperm.xlane v3, v0;
	_ =	sdelay $0x1  }
0x44: {  	v4 =	vadd.s32 v1, v4;
	_ =	sdelay $0x3  }
0x45: {  	s0 =	rddreg [dreg:$0xb];
	v3 =	vperm.xlane v3, v2  }
0x46: {  	[tilespmem:s0], [sflag:$0x1] =	stream.indirect_vreg.gather [hbm4b:s1+s3], $0x80, v4, vm0, $0xb8;
	[tilespmem:$0x18080] =	vst v63  }
0x47: {  	s9 =	rddreg [dreg:$0xc];
	v3 =	vadd.s32 v1, v3  }
0x48: {  	[tilespmem:s9], [sflag:$0x1] =	stream.indirect_vreg.gather [hbm4b:s4+s3], $0x80, v4, vm0, $0xb8;
	[tilespmem:$0x18080] =	vst v63  }
0x49: {  	s0 =	rddreg [dreg:$0xd]  }
0x4a: {  	[tilespmem:s0], [sflag:$0x1] =	stream.indirect_vreg.gather [hbm4b:s5+s3], $0x80, v4, vm0, $0xb8;
	[tilespmem:$0x18080] =	vst v63  }
0x4b: {  	s9 =	rddreg [dreg:$0xe]  }
0x4c: {  	[tilespmem:s9], [sflag:$0x1] =	stream.indirect_vreg.gather [hbm4b:s1+s3], $0x80, v3, vm0, $0xb8;
	[tilespmem:$0x18080] =	vst v63  }
0x4d: {  	s0 =	rddreg [dreg:$0xf]  }
0x4e: {  	[tilespmem:s0], [sflag:$0x1] =	stream.indirect_vreg.gather [hbm4b:s4+s3], $0x80, v3, vm0, $0xb8;
	[tilespmem:$0x18080] =	vst v63  }
0x4f: {  	s9 =	rddreg [dreg:$0x10]  }
0x50: {  	[tilespmem:s9], [sflag:$0x1] =	stream.indirect_vreg.gather [hbm4b:s5+s3], $0x80, v3, vm0, $0xb8;
	[tilespmem:$0x18080] =	vst v63  }
0x51: {  	v3 =	vld [tilespmem:$0x20];
	_ =	sdelay $0x4  }
0x52: {  	v58 =	vshrl.u32 v3, $0x3  }
0x53: {  	v4 =	vmul.u32 $0x30, v58  }
0x54: {  	v3 =	vand.u32 $0x7, v3  }
0x55: {  	v3 =	vor.u32 v3, v4  }
0x56: {  	v4 =	vperm.xlane v3, v0;
	_ =	sdelay $0x1  }
0x57: {  	v4 =	vadd.s32 v1, v4;
	_ =	sdelay $0x3  }
0x58: {  	s0 =	rddreg [dreg:$0x11];
	v3 =	vperm.xlane v3, v2  }
0x59: {  	[tilespmem:s0], [sflag:$0x1] =	stream.indirect_vreg.gather [hbm4b:s1+s3], $0x80, v4, vm0, $0xb8;
	[tilespmem:$0x18080] =	vst v63  }
0x5a: {  	s9 =	rddreg [dreg:$0x12];
	v3 =	vadd.s32 v1, v3  }
0x5b: {  	[tilespmem:s9], [sflag:$0x1] =	stream.indirect_vreg.gather [hbm4b:s4+s3], $0x80, v4, vm0, $0xb8;
	[tilespmem:$0x18080] =	vst v63  }
0x5c: {  	s0 =	rddreg [dreg:$0x13]  }
0x5d: {  	[tilespmem:s0], [sflag:$0x1] =	stream.indirect_vreg.gather [hbm4b:s5+s3], $0x80, v4, vm0, $0xb8;
	[tilespmem:$0x18080] =	vst v63  }
0x5e: {  	s9 =	rddreg [dreg:$0x14]  }
0x5f: {  	[tilespmem:s9], [sflag:$0x1] =	stream.indirect_vreg.gather [hbm4b:s1+s3], $0x80, v3, vm0, $0xb8;
	[tilespmem:$0x18080] =	vst v63  }
0x60: {  	s0 =	rddreg [dreg:$0x15]  }
0x61: {  	[tilespmem:s0], [sflag:$0x1] =	stream.indirect_vreg.gather [hbm4b:s4+s3], $0x80, v3, vm0, $0xb8;
	[tilespmem:$0x18080] =	vst v63  }
0x62: {  	s9 =	rddreg [dreg:$0x16]  }
0x63: {  	[tilespmem:s9], [sflag:$0x1] =	stream.indirect_vreg.gather [hbm4b:s5+s3], $0x80, v3, vm0, $0xb8;
	[tilespmem:$0x18080] =	vst v63  }
0x64: {  	v3 =	vld [tilespmem:$0x30];
	_ =	sdelay $0x4  }
0x65: {  	v59 =	vshrl.u32 v3, $0x3  }
0x66: {  	v4 =	vmul.u32 $0x30, v59  }
0x67: {  	v3 =	vand.u32 $0x7, v3  }
0x68: {  	v3 =	vor.u32 v3, v4  }
0x69: {  	v4 =	vperm.xlane v3, v0;
	_ =	sdelay $0x1  }
0x6a: {  	v4 =	vadd.s32 v1, v4;
	_ =	sdelay $0x3  }
0x6b: {  	s0 =	rddreg [dreg:$0x17];
	v3 =	vperm.xlane v3, v2  }
0x6c: {  	[tilespmem:s0], [sflag:$0x1] =	stream.indirect_vreg.gather [hbm4b:s1+s3], $0x80, v4, vm0, $0xb8;
	[tilespmem:$0x18080] =	vst v63  }
0x6d: {  	s9 =	rddreg [dreg:$0x18];
	v3 =	vadd.s32 v1, v3  }
0x6e: {  	[tilespmem:s9], [sflag:$0x1] =	stream.indirect_vreg.gather [hbm4b:s4+s3], $0x80, v4, vm0, $0xb8;
	[tilespmem:$0x18080] =	vst v63  }
0x6f: {  	s0 =	rddreg [dreg:$0x19]  }
0x70: {  	[tilespmem:s0], [sflag:$0x1] =	stream.indirect_vreg.gather [hbm4b:s5+s3], $0x80, v4, vm0, $0xb8;
	[tilespmem:$0x18080] =	vst v63  }
0x71: {  	s9 =	rddreg [dreg:$0x1a]  }
0x72: {  	[tilespmem:s9], [sflag:$0x1] =	stream.indirect_vreg.gather [hbm4b:s1+s3], $0x80, v3, vm0, $0xb8;
	[tilespmem:$0x18080] =	vst v63  }
0x73: {  	s0 =	rddreg [dreg:$0x1b]  }
0x74: {  	[tilespmem:s0], [sflag:$0x1] =	stream.indirect_vreg.gather [hbm4b:s4+s3], $0x80, v3, vm0, $0xb8;
	[tilespmem:$0x18080] =	vst v63  }
0x75: {  	s9 =	rddreg [dreg:$0x1c]  }
0x76: {  	[tilespmem:s9], [sflag:$0x1] =	stream.indirect_vreg.gather [hbm4b:s5+s3], $0x80, v3, vm0, $0xb8;
	[tilespmem:$0x18080] =	vst v63  }
0x77: {  	v3 =	vld [tilespmem:$0x40];
	_ =	sdelay $0x4  }
0x78: {  	v60 =	vshrl.u32 v3, $0x3  }
0x79: {  	v4 =	vmul.u32 $0x30, v60  }
0x7a: {  	v3 =	vand.u32 $0x7, v3  }
0x7b: {  	v3 =	vor.u32 v3, v4  }
0x7c: {  	v4 =	vperm.xlane v3, v0;
	_ =	sdelay $0x1  }
0x7d: {  	v4 =	vadd.s32 v1, v4;
	_ =	sdelay $0x3  }
0x7e: {  	s0 =	rddreg [dreg:$0x1d];
	v3 =	vperm.xlane v3, v2  }
0x7f: {  	[tilespmem:s0], [sflag:$0x1] =	stream.indirect_vreg.gather [hbm4b:s1+s3], $0x80, v4, vm0, $0xb8;
	[tilespmem:$0x18080] =	vst v63  }
0x80: {  	s9 =	rddreg [dreg:$0x1e];
	v3 =	vadd.s32 v1, v3  }
0x81: {  	[tilespmem:s9], [sflag:$0x1] =	stream.indirect_vreg.gather [hbm4b:s4+s3], $0x80, v4, vm0, $0xb8;
	[tilespmem:$0x18080] =	vst v63  }
0x82: {  	s9 =	simm.s32 $0xD080  }
0x83: {  	[tilespmem:s9], [sflag:$0x1] =	stream.indirect_vreg.gather [hbm4b:s5+s3], $0x80, v4, vm0, $0xb8;
	[tilespmem:$0x18080] =	vst v63  }
0x84: {  	_ = 	snop  }
0x85: {  	[tilespmem:s10], [sflag:$0x1] =	stream.indirect_vreg.gather [hbm4b:s1+s3], $0x80, v3, vm0, $0xb8;
	[tilespmem:$0x18080] =	vst v63  }
0x86: {  	_ = 	snop  }
0x87: {  	[tilespmem:s11], [sflag:$0x1] =	stream.indirect_vreg.gather [hbm4b:s4+s3], $0x80, v3, vm0, $0xb8;
	[tilespmem:$0x18080] =	vst v63  }
0x88: {  	_ = 	snop  }
0x89: {  	[tilespmem:s12], [sflag:$0x1] =	stream.indirect_vreg.gather [hbm4b:s5+s3], $0x80, v3, vm0, $0xb8;
	[tilespmem:$0x18080] =	vst v63  }
0x8a: {  	v3 =	vld [tilespmem:$0x50];
	_ =	sdelay $0x4  }
0x8b: {  	v61 =	vshrl.u32 v3, $0x3  }
0x8c: {  	v4 =	vmul.u32 $0x30, v61  }
0x8d: {  	v3 =	vand.u32 $0x7, v3  }
0x8e: {  	v3 =	vor.u32 v3, v4  }
0x8f: {  	v4 =	vperm.xlane v3, v0;
	_ =	sdelay $0x1  }
0x90: {  	v4 =	vadd.s32 v1, v4;
	_ =	sdelay $0x3  }
0x91: {  	v3 =	vperm.xlane v3, v2  }
0x92: {  	[tilespmem:s13], [sflag:$0x1] =	stream.indirect_vreg.gather [hbm4b:s1+s3], $0x80, v4, vm0, $0xb8;
	[tilespmem:$0x18080] =	vst v63  }
0x93: {  	v3 =	vadd.s32 v1, v3  }
0x94: {  	[tilespmem:s14], [sflag:$0x1] =	stream.indirect_vreg.gather [hbm4b:s4+s3], $0x80, v4, vm0, $0xb8;
	[tilespmem:$0x18080] =	vst v63  }
0x95: {  	_ = 	snop  }
0x96: {  	[tilespmem:s15], [sflag:$0x1] =	stream.indirect_vreg.gather [hbm4b:s5+s3], $0x80, v4, vm0, $0xb8;
	[tilespmem:$0x18080] =	vst v63  }
0x97: {  	_ = 	snop  }
0x98: {  	[tilespmem:s16], [sflag:$0x1] =	stream.indirect_vreg.gather [hbm4b:s1+s3], $0x80, v3, vm0, $0xb8;
	[tilespmem:$0x18080] =	vst v63  }
0x99: {  	_ = 	snop  }
0x9a: {  	[tilespmem:s17], [sflag:$0x1] =	stream.indirect_vreg.gather [hbm4b:s4+s3], $0x80, v3, vm0, $0xb8;
	[tilespmem:$0x18080] =	vst v63  }
0x9b: {  	_ = 	snop  }
0x9c: {  	[tilespmem:s18], [sflag:$0x1] =	stream.indirect_vreg.gather [hbm4b:s5+s3], $0x80, v3, vm0, $0xb8;
	[tilespmem:$0x18080] =	vst v63  }
0x9d: {  	v3 =	vld [tilespmem:$0x60];
	_ =	sdelay $0x4  }
0x9e: {  	v62 =	vshrl.u32 v3, $0x3  }
0x9f: {  	v4 =	vmul.u32 $0x30, v62  }
0xa0: {  	v3 =	vand.u32 $0x7, v3  }
0xa1: {  	v3 =	vor.u32 v3, v4  }
0xa2: {  	v4 =	vperm.xlane v3, v0;
	_ =	sdelay $0x1  }
0xa3: {  	v4 =	vadd.s32 v1, v4;
	_ =	sdelay $0x3  }
0xa4: {  	v3 =	vperm.xlane v3, v2  }
0xa5: {  	[tilespmem:s19], [sflag:$0x1] =	stream.indirect_vreg.gather [hbm4b:s1+s3], $0x80, v4, vm0, $0xb8;
	[tilespmem:$0x18080] =	vst v63  }
0xa6: {  	v3 =	vadd.s32 v1, v3  }
0xa7: {  	[tilespmem:s20], [sflag:$0x1] =	stream.indirect_vreg.gather [hbm4b:s4+s3], $0x80, v4, vm0, $0xb8;
	[tilespmem:$0x18080] =	vst v63  }
0xa8: {  	_ = 	snop  }
0xa9: {  	[tilespmem:s21], [sflag:$0x1] =	stream.indirect_vreg.gather [hbm4b:s5+s3], $0x80, v4, vm0, $0xb8;
	[tilespmem:$0x18080] =	vst v63  }
0xaa: {  	_ = 	snop  }
0xab: {  	[tilespmem:s22], [sflag:$0x1] =	stream.indirect_vreg.gather [hbm4b:s1+s3], $0x80, v3, vm0, $0xb8;
	[tilespmem:$0x18080] =	vst v63  }
0xac: {  	_ = 	snop  }
0xad: {  	[tilespmem:s23], [sflag:$0x1] =	stream.indirect_vreg.gather [hbm4b:s4+s3], $0x80, v3, vm0, $0xb8;
	[tilespmem:$0x18080] =	vst v63  }
0xae: {  	_ = 	snop  }
0xaf: {  	[tilespmem:s24], [sflag:$0x1] =	stream.indirect_vreg.gather [hbm4b:s5+s3], $0x80, v3, vm0, $0xb8;
	[tilespmem:$0x18080] =	vst v63  }
0xb0: {  	v3 =	vld [tilespmem:$0x70];
	_ =	sdelay $0x4  }
0xb1: {  	v63 =	vshrl.u32 v3, $0x3  }
0xb2: {  	v4 =	vmul.u32 $0x30, v63  }
0xb3: {  	v3 =	vand.u32 $0x7, v3  }
0xb4: {  	v3 =	vor.u32 v3, v4  }
0xb5: {  	v4 =	vperm.xlane v3, v0;
	_ =	sdelay $0x1  }
0xb6: {  	v4 =	vadd.s32 v1, v4;
	_ =	sdelay $0x3  }
0xb7: {  	v3 =	vperm.xlane v3, v2  }
0xb8: {  	[tilespmem:s25], [sflag:$0x1] =	stream.indirect_vreg.gather [hbm4b:s1+s3], $0x80, v4, vm0, $0xb8;
	[tilespmem:$0x18080] =	vst v63  }
0xb9: {  	v3 =	vadd.s32 v1, v3  }
0xba: {  	[tilespmem:s26], [sflag:$0x1] =	stream.indirect_vreg.gather [hbm4b:s4+s3], $0x80, v4, vm0, $0xb8;
	[tilespmem:$0x18080] =	vst v63  }
0xbb: {  	_ = 	snop  }
0xbc: {  	[tilespmem:s28], [sflag:$0x1] =	stream.indirect_vreg.gather [hbm4b:s5+s3], $0x80, v4, vm0, $0xb8;
	[tilespmem:$0x18080] =	vst v63  }
0xbd: {  	_ = 	snop  }
0xbe: {  	[tilespmem:s29], [sflag:$0x1] =	stream.indirect_vreg.gather [hbm4b:s1+s3], $0x80, v3, vm0, $0xb8;
	[tilespmem:$0x18080] =	vst v63  }
0xbf: {  	_ = 	snop  }
0xc0: {  	[tilespmem:s30], [sflag:$0x1] =	stream.indirect_vreg.gather [hbm4b:s4+s3], $0x80, v3, vm0, $0xb8;
	[tilespmem:$0x18080] =	vst v63  }
0xc1: {  	_ = 	snop  }
0xc2: {  	[tilespmem:s31], [sflag:$0x1] =	stream.indirect_vreg.gather [hbm4b:s5+s3], $0x80, v3, vm0, $0xb8;
	[tilespmem:$0x18080] =	vst v63  }
0xc3: {  	_ =	swait.ge [sflag:s2], $0x18000  }
0xc4: {  	p0 =	sne.s32 s6, $0x1;
	[sflag:s2] =	ssyncset.done $0x0  }
.Ltmp0:
0xc5: {  	s9 =	rddreg [dreg:$0x5];
	[sflag:s2] =	ssyncadd.s32 $0xFFFE8000;
	(pc) =	sbr.rel @p0 .LBB2_1-.Ltmp0, $4  }
0xc6: {  	[hbm4b:s9+s3] =	stream.linear.scatter [tilespmem:s8], [sflag:$0x2], $0x18000, $0x38;
	[tilespmem:$0x18080] =	vst v63  }
0xc7: {  	_ =	swait.ge [sflag:s7], $0x18000  }
0xc8: {  	[sflag:s7] =	ssyncset.done $0x0  }
0xc9: {  	s6 =	sadd.s32 $0xFFFFFFFF, s6;
	[sflag:s7] =	ssyncadd.s32 $0xFFFE8000  }
0xca: {  	_ =	sfence.sel $0x180000  }
0xcb: {  	[bflag:$0x0] =	sbarrier.arrive $0xFFFF  }
0xcc: {  	_ =	strace $0x90000047  }
0xcd: {  	s0 =	stileid.u32;
	[bflag:$0x2] =	sbarrier.arrive $0xFFFF  }
0xce: {  	p0 =	sne.s32 s0, $0x0;
	s0 =	rddreg [dreg:$0x3]  }
0xcf: {  	s0 =	sadd.s32 @!p0 $0x100000, s0  }
0xd0: {  	[sflag:s0] =	ssyncadd.tile.s32 @!p0 $0x1;
	_ =	shalt  }
.Lfunc_end2:
_tile_overlayer_lowered:
.L_overlay_start_2:
0xd1: {  	(tag) =	ssettag $0x2  }
0xd2: {  	s0 =	rddreg [dreg:$0x0];
	s2 =	stileid.u32  }
0xd3: {  	s1 =	rddreg [dreg:$0x1];
	p0 =	sne.s32 s2, $0x0  }
0xd4: {  	s3 =	rddreg [dreg:$0x2];
	[bflag:$0x3] =	sbarrier.arrive $0xFFFF;
	s2 =	simm.s32 @!p0 $0x1C02  }
0xd5: {  	[timem:s3], [sflag:s2] =	dma.local @!p0 [hbm:s0], s1  }
0xd6: {  	s0 =	simm.s32 @!p0 $0x2  }
0xd7: {  	_ =	swait.ge @!p0 [sflag:s0], s1  }
0xd8: {  	s1 =	ssub.s32 @!p0 $0x0, s1;
	[sflag:s0] =	ssyncset.done @!p0 $0x0  }
0xd9: {  	[sflag:s0] =	ssyncadd.s32 @!p0 s1  }
0xda: {  	[bflag:$0x3] =	sbarrier.arrive $0xFFFF  }
0xdb: {  	_ =	shalt  }

</sc_bundles>
